<compile_context>
chip_gen: v7x
topology: tpu7x:2x2x1
jax: 0.10.2.dev20260603
libtpu: 0.0.44.dev20260713+nightly
codegen_flags: <defaults>
</compile_context>

<pallas_src>
import functools

import jax
import jax.numpy as jnp
from jax import lax
from jax.experimental import pallas as pl
from jax.experimental.pallas import tpu as pltpu
from jax.experimental.pallas import tpu_sc as plsc

VOCAB = 100000
EMB = 128
NLAB = 1000
B = 4096
L = 200

NC, NS, LANES = 2, 16, 16
NW = NC * NS
BPW = B // NW
IDS_PW = BPW * L
NV = EMB // LANES
GSEG = 40
NSEG = L // GSEG
UNROLL = 8
NBUF = 4
NRING = 4


def _sc_sum_body(ids_hbm, emb_hbm, out_hbm, idx_v, rows_v, ring_v,
                 sem0, sem1, sem2, sem3, semo):
    c = lax.axis_index("c")
    s = lax.axis_index("s")
    wid = s * NC + c
    base = wid * BPW
    pltpu.sync_copy(ids_hbm.at[pl.ds(base * L, IDS_PW)], idx_v)
    sems = (sem0, sem1, sem2, sem3)

    def fire(r, buf):
        off = r * L
        for q in range(NSEG):
            pltpu.make_async_copy(
                emb_hbm.at[idx_v.at[pl.ds(off + q * GSEG, GSEG)]],
                rows_v.at[buf, pl.ds(q * GSEG, GSEG)], sems[buf]).start()

    def wait(buf):
        for q in range(NSEG):
            pltpu.make_async_copy(
                emb_hbm.at[idx_v.at[pl.ds(0, GSEG)]],
                rows_v.at[buf, pl.ds(q * GSEG, GSEG)], sems[buf]).wait()

    zeros = tuple(jnp.zeros((LANES,), jnp.float32) for _ in range(NV))

    def accum(buf, m):
        def acc_body(t, acc):
            j = t * UNROLL
            for u in range(UNROLL):
                acc = tuple(
                    acc[k] + rows_v[buf, j + u, pl.ds(k * LANES, LANES)]
                    for k in range(NV))
            return acc

        acc = lax.fori_loop(0, L // UNROLL, acc_body, zeros)
        for k in range(NV):
            ring_v[m, pl.ds(k * LANES, LANES)] = acc[k]

    def out_fire(r, m):
        pltpu.make_async_copy(
            ring_v.at[pl.ds(m, 1)], out_hbm.at[pl.ds(base + r, 1)],
            semo).start()

    def out_drain(m):
        pltpu.make_async_copy(
            ring_v.at[pl.ds(m, 1)], out_hbm.at[pl.ds(base, 1)], semo).wait()

    for buf in range(NBUF):
        fire(buf, buf)

    def quad_body(g, carry):
        r0 = NBUF * g
        for buf in range(NBUF):
            r = r0 + buf
            m = r % NRING

            @pl.when(r >= NRING)
            def _(m=m):
                out_drain(m)

            wait(buf)
            accum(buf, m)
            out_fire(r, m)

            @pl.when(r + NBUF < BPW)
            def _(buf=buf, r=r):
                fire(r + NBUF, buf)
        return carry

    lax.fori_loop(0, BPW // NBUF, quad_body, 0)
    for _ in range(NRING):
        out_drain(0)


_sc_sum = functools.partial(
    pl.kernel,
    out_type=jax.ShapeDtypeStruct((B, EMB), jnp.float32),
    mesh=plsc.VectorSubcoreMesh(core_axis_name="c", subcore_axis_name="s"),
    scratch_types=[
        pltpu.VMEM((IDS_PW,), jnp.int32),
        pltpu.VMEM((NBUF, L, EMB), jnp.float32),
        pltpu.VMEM((NRING, EMB), jnp.float32),
        pltpu.SemaphoreType.DMA,
        pltpu.SemaphoreType.DMA,
        pltpu.SemaphoreType.DMA,
        pltpu.SemaphoreType.DMA,
        pltpu.SemaphoreType.DMA,
    ],
)(_sc_sum_body)


def _tc_fc_body(sum_ref, len_ref, w_ref, b_ref, out_ref):
    inv = 1.0 / jnp.maximum(len_ref[...], 1.0)
    mean = sum_ref[...] * inv
    out_ref[...] = (
        jnp.dot(mean, w_ref[...], preferred_element_type=jnp.float32)
        + b_ref[...])


def kernel(ids, lengths, emb, W, b):
    ids_flat = ids.reshape(-1).astype(jnp.int32)
    summed = _sc_sum(ids_flat, emb)

    lenf = lengths.astype(jnp.float32).reshape(B, 1)
    bp = b.reshape(1, NLAB)

    BT = 2048
    out = pl.pallas_call(
        _tc_fc_body,
        grid=(B // BT,),
        in_specs=[
            pl.BlockSpec((BT, EMB), lambda i: (i, 0)),
            pl.BlockSpec((BT, 1), lambda i: (i, 0)),
            pl.BlockSpec((EMB, NLAB), lambda i: (0, 0)),
            pl.BlockSpec((1, NLAB), lambda i: (0, 0)),
        ],
        out_specs=pl.BlockSpec((BT, NLAB), lambda i: (i, 0)),
        out_shape=jax.ShapeDtypeStruct((B, NLAB), jnp.float32),
    )(summed, lenf, W, bp)
    return out

# --- scband reference (transcript-rebuilt; emitter-appended) ---
"""Pipeline reference for scband-mean-embed-classifier-88648124990116 (READ-ONLY COPY).

The authoritative reference and input builder live on the scoring server;
editing this copy changes nothing except your own understanding.
"""

import jax, jax.numpy as jnp
import numpy as np

VOCAB = 100000
EMB = 128
NLAB = 1000
B = 4096
L = 200

def setup_inputs(seed: int = 0) -> dict:
    key = jax.random.key(seed)
    k1, k2, k3, k4, k5 = jax.random.split(key, 5)
    ids = jax.random.randint(k1, (B, L), 0, VOCAB, dtype=jnp.int64 if jax.config.jax_enable_x64 else jnp.int32)
    lengths = jax.random.randint(k2, (B,), 0, L, dtype=jnp.int64 if jax.config.jax_enable_x64 else jnp.int32)
    emb = jax.random.normal(k3, (VOCAB, EMB), dtype=jnp.float32)
    emb = emb.at[0].set(0.0)  # padding_idx=0 row initialized to zero, like nn.Embedding(padding_idx=0)
    W = jax.random.normal(k4, (EMB, NLAB), dtype=jnp.float32) * (1.0 / np.sqrt(EMB))
    b = jax.random.normal(k5, (NLAB,), dtype=jnp.float32) * 0.01
    return {"ids": ids, "lengths": lengths, "emb": emb, "W": W, "b": b}

def reference(ids, lengths, emb, W, b):
    # x = self.emb(ids)
    x = jnp.take(emb, ids, axis=0)                       # [B, L, EMB] gather
    # mask = (ids != 0).unsqueeze(-1)
    mask = (ids != 0)[..., None].astype(x.dtype)         # [B, L, 1]
    # summed = (x * mask).sum(1)
    summed = (x * mask).sum(axis=1)                      # [B, EMB]
    # mean = summed / lengths.clamp(min=1)
    denom = jnp.clip(lengths.astype(summed.dtype), 1.0, None)[:, None]
    mean = summed / denom                                # [B, EMB]
    # return self.fc(mean)
    return mean @ W + b                                  # [B, NLAB]

if __name__ == "__main__":
    import jax
    _d = setup_inputs()
    print(jax.jit(kernel)(*tuple(_d.values())))

</pallas_src>

<mosaic_0001>
#map = affine_map<(d0, d1) -> (0)>
#map1 = affine_map<(d0, d1) -> (0, 0)>
module attributes {stable_mosaic.version = 14 : i64} {
  func.func @_sc_sum_body(%arg0: i32, %arg1: i32, %arg2: memref<819200xi32, #tpu.memory_space<hbm>>, %arg3: memref<100000x128xf32, #tpu.memory_space<hbm>>, %arg4: memref<4096x128xf32, #tpu.memory_space<hbm>>, %arg5: memref<25600xi32, #tpu.memory_space<vmem>>, %arg6: memref<4x200x128xf32, #tpu.memory_space<vmem>>, %arg7: memref<4x128xf32, #tpu.memory_space<vmem>>, %arg8: memref<!tpu.dma_semaphore, #tpu.memory_space<semaphore_mem>>, %arg9: memref<!tpu.dma_semaphore, #tpu.memory_space<semaphore_mem>>, %arg10: memref<!tpu.dma_semaphore, #tpu.memory_space<semaphore_mem>>, %arg11: memref<!tpu.dma_semaphore, #tpu.memory_space<semaphore_mem>>, %arg12: memref<!tpu.dma_semaphore, #tpu.memory_space<semaphore_mem>>) attributes {dimension_semantics = [#tpu.dimension_semantics<core_parallel>, #tpu.dimension_semantics<subcore_parallel>], iteration_bounds = array<i64: 2, 16>, scalar_prefetch = 0 : i64, scratch_operands = 8 : i64, tpu.core_type = #tpu.core_type<sc_vector_subcore>, window_params = [{transform_indices = #map}, {transform_indices = #map1}, {transform_indices = #map1}]} {
    %mul3A = arith.constant 2 : i32
    %mul3A_0 = arith.muli %arg1, %mul3A : i32
    %add3A = arith.addi %mul3A_0, %arg0 : i32
    %mul3A_1 = arith.constant 128 : i32
    %mul3A_2 = arith.muli %add3A, %mul3A_1 : i32
    %mul3A_3 = arith.constant 200 : i32
    %mul3A_4 = arith.muli %mul3A_2, %mul3A_3 : i32
    "tpu.region"() ({
      %run_scoped3A = tpu.sem_alloc : memref<!tpu.dma_semaphore, #tpu.memory_space<semaphore_mem>>
      %dma_start3A_263 = tpu.memref_slice %arg2[%mul3A_4] : memref<819200xi32, #tpu.memory_space<hbm>> -> memref<25600xi32, #tpu.memory_space<hbm>>
      %dma_start3A_264 = tpu.memref_slice %arg2[%mul3A_4] : memref<819200xi32, #tpu.memory_space<hbm>> -> memref<25600xi32, #tpu.memory_space<hbm>>
      tpu.enqueue_dma source(%dma_start3A_264 : memref<25600xi32, #tpu.memory_space<hbm>>) target(%arg5 : memref<25600xi32, #tpu.memory_space<vmem>>) target_semaphore(%run_scoped3A : memref<!tpu.dma_semaphore, #tpu.memory_space<semaphore_mem>>)
      %dma_wait3A_265 = tpu.memref_slice %arg2[%mul3A_4] : memref<819200xi32, #tpu.memory_space<hbm>> -> memref<25600xi32, #tpu.memory_space<hbm>>
      %dma_wait3A_266 = tpu.memref_slice %arg2[%mul3A_4] : memref<819200xi32, #tpu.memory_space<hbm>> -> memref<25600xi32, #tpu.memory_space<hbm>>
      tpu.wait_dma2 semaphore(%run_scoped3A : memref<!tpu.dma_semaphore, #tpu.memory_space<semaphore_mem>>) src(%dma_wait3A_266 : memref<25600xi32, #tpu.memory_space<hbm>>) dst(%arg5 : memref<25600xi32, #tpu.memory_space<vmem>>)
      tpu.yield
    }) : () -> ()
    %broadcast_in_dim3A = arith.constant 0.000000e+00 : f32
    %broadcast_in_dim3A_5 = vector.broadcast %broadcast_in_dim3A : f32 to vector<16xf32>
    %broadcast_in_dim3A_6 = arith.constant 0.000000e+00 : f32
    %broadcast_in_dim3A_7 = vector.broadcast %broadcast_in_dim3A_6 : f32 to vector<16xf32>
    %broadcast_in_dim3A_8 = arith.constant 0.000000e+00 : f32
    %broadcast_in_dim3A_9 = vector.broadcast %broadcast_in_dim3A_8 : f32 to vector<16xf32>
    %broadcast_in_dim3A_10 = arith.constant 0.000000e+00 : f32
    %broadcast_in_dim3A_11 = vector.broadcast %broadcast_in_dim3A_10 : f32 to vector<16xf32>
    %broadcast_in_dim3A_12 = arith.constant 0.000000e+00 : f32
    %broadcast_in_dim3A_13 = vector.broadcast %broadcast_in_dim3A_12 : f32 to vector<16xf32>
    %broadcast_in_dim3A_14 = arith.constant 0.000000e+00 : f32
    %broadcast_in_dim3A_15 = vector.broadcast %broadcast_in_dim3A_14 : f32 to vector<16xf32>
    %broadcast_in_dim3A_16 = arith.constant 0.000000e+00 : f32
    %broadcast_in_dim3A_17 = vector.broadcast %broadcast_in_dim3A_16 : f32 to vector<16xf32>
    %broadcast_in_dim3A_18 = arith.constant 0.000000e+00 : f32
    %broadcast_in_dim3A_19 = vector.broadcast %broadcast_in_dim3A_18 : f32 to vector<16xf32>
    %dma_start3A = arith.constant 0 : i32
    %dma_start3A_20 = arith.constant 0 : i32
    %dma_start3A_21 = arith.constant 0 : i32
    %dma_start3A_22 = tpu.memref_slice %arg6[%dma_start3A, %dma_start3A_20, %dma_start3A_21] : memref<4x200x128xf32, #tpu.memory_space<vmem>> -> memref<1x40x128xf32, #tpu.memory_space<vmem>>
    %dma_start3A_23 = tpu.memref_squeeze %dma_start3A_22 : memref<1x40x128xf32, #tpu.memory_space<vmem>> -> memref<40x128xf32, #tpu.memory_space<vmem>>
    %dma_start3A_24 = arith.constant 0 : i32
    %dma_start3A_25 = tpu.memref_slice %arg5[%dma_start3A_24] : memref<25600xi32, #tpu.memory_space<vmem>> -> memref<40xi32, #tpu.memory_space<vmem>>
    %dma_start3A_26 = arith.constant 0 : i32
    %dma_start3A_27 = arith.constant 0 : i32
    %dma_start3A_28 = tpu.memref_slice %arg3[%dma_start3A_26, %dma_start3A_27] : memref<100000x128xf32, #tpu.memory_space<hbm>> -> memref<100000x128xf32, #tpu.memory_space<hbm>>
    tpu.enqueue_indirect_dma source(%dma_start3A_28 : memref<100000x128xf32, #tpu.memory_space<hbm>>) target(%dma_start3A_23 : memref<40x128xf32, #tpu.memory_space<vmem>>) offsets(%dma_start3A_25 : memref<40xi32, #tpu.memory_space<vmem>>) semaphore(%arg8 : memref<!tpu.dma_semaphore, #tpu.memory_space<semaphore_mem>>)
    %dma_start3A_29 = arith.constant 0 : i32
    %dma_start3A_30 = arith.constant 40 : i32
    %dma_start3A_31 = arith.constant 0 : i32
    %dma_start3A_32 = tpu.memref_slice %arg6[%dma_start3A_29, %dma_start3A_30, %dma_start3A_31] : memref<4x200x128xf32, #tpu.memory_space<vmem>> -> memref<1x40x128xf32, #tpu.memory_space<vmem>>
    %dma_start3A_33 = tpu.memref_squeeze %dma_start3A_32 : memref<1x40x128xf32, #tpu.memory_space<vmem>> -> memref<40x128xf32, #tpu.memory_space<vmem>>
    %dma_start3A_34 = arith.constant 40 : i32
    %dma_start3A_35 = tpu.memref_slice %arg5[%dma_start3A_34] : memref<25600xi32, #tpu.memory_space<vmem>> -> memref<40xi32, #tpu.memory_space<vmem>>
    %dma_start3A_36 = arith.constant 0 : i32
    %dma_start3A_37 = arith.constant 0 : i32
    %dma_start3A_38 = tpu.memref_slice %arg3[%dma_start3A_36, %dma_start3A_37] : memref<100000x128xf32, #tpu.memory_space<hbm>> -> memref<100000x128xf32, #tpu.memory_space<hbm>>
    tpu.enqueue_indirect_dma source(%dma_start3A_38 : memref<100000x128xf32, #tpu.memory_space<hbm>>) target(%dma_start3A_33 : memref<40x128xf32, #tpu.memory_space<vmem>>) offsets(%dma_start3A_35 : memref<40xi32, #tpu.memory_space<vmem>>) semaphore(%arg8 : memref<!tpu.dma_semaphore, #tpu.memory_space<semaphore_mem>>)
    %dma_start3A_39 = arith.constant 0 : i32
    %dma_start3A_40 = arith.constant 80 : i32
    %dma_start3A_41 = arith.constant 0 : i32
    %dma_start3A_42 = tpu.memref_slice %arg6[%dma_start3A_39, %dma_start3A_40, %dma_start3A_41] : memref<4x200x128xf32, #tpu.memory_space<vmem>> -> memref<1x40x128xf32, #tpu.memory_space<vmem>>
    %dma_start3A_43 = tpu.memref_squeeze %dma_start3A_42 : memref<1x40x128xf32, #tpu.memory_space<vmem>> -> memref<40x128xf32, #tpu.memory_space<vmem>>
    %dma_start3A_44 = arith.constant 80 : i32
    %dma_start3A_45 = tpu.memref_slice %arg5[%dma_start3A_44] : memref<25600xi32, #tpu.memory_space<vmem>> -> memref<40xi32, #tpu.memory_space<vmem>>
    %dma_start3A_46 = arith.constant 0 : i32
    %dma_start3A_47 = arith.constant 0 : i32
    %dma_start3A_48 = tpu.memref_slice %arg3[%dma_start3A_46, %dma_start3A_47] : memref<100000x128xf32, #tpu.memory_space<hbm>> -> memref<100000x128xf32, #tpu.memory_space<hbm>>
    tpu.enqueue_indirect_dma source(%dma_start3A_48 : memref<100000x128xf32, #tpu.memory_space<hbm>>) target(%dma_start3A_43 : memref<40x128xf32, #tpu.memory_space<vmem>>) offsets(%dma_start3A_45 : memref<40xi32, #tpu.memory_space<vmem>>) semaphore(%arg8 : memref<!tpu.dma_semaphore, #tpu.memory_space<semaphore_mem>>)
    %dma_start3A_49 = arith.constant 0 : i32
    %dma_start3A_50 = arith.constant 120 : i32
    %dma_start3A_51 = arith.constant 0 : i32
    %dma_start3A_52 = tpu.memref_slice %arg6[%dma_start3A_49, %dma_start3A_50, %dma_start3A_51] : memref<4x200x128xf32, #tpu.memory_space<vmem>> -> memref<1x40x128xf32, #tpu.memory_space<vmem>>
    %dma_start3A_53 = tpu.memref_squeeze %dma_start3A_52 : memref<1x40x128xf32, #tpu.memory_space<vmem>> -> memref<40x128xf32, #tpu.memory_space<vmem>>
    %dma_start3A_54 = arith.constant 120 : i32
    %dma_start3A_55 = tpu.memref_slice %arg5[%dma_start3A_54] : memref<25600xi32, #tpu.memory_space<vmem>> -> memref<40xi32, #tpu.memory_space<vmem>>
    %dma_start3A_56 = arith.constant 0 : i32
    %dma_start3A_57 = arith.constant 0 : i32
    %dma_start3A_58 = tpu.memref_slice %arg3[%dma_start3A_56, %dma_start3A_57] : memref<100000x128xf32, #tpu.memory_space<hbm>> -> memref<100000x128xf32, #tpu.memory_space<hbm>>
    tpu.enqueue_indirect_dma source(%dma_start3A_58 : memref<100000x128xf32, #tpu.memory_space<hbm>>) target(%dma_start3A_53 : memref<40x128xf32, #tpu.memory_space<vmem>>) offsets(%dma_start3A_55 : memref<40xi32, #tpu.memory_space<vmem>>) semaphore(%arg8 : memref<!tpu.dma_semaphore, #tpu.memory_space<semaphore_mem>>)
    %dma_start3A_59 = arith.constant 0 : i32
    %dma_start3A_60 = arith.constant 160 : i32
    %dma_start3A_61 = arith.constant 0 : i32
    %dma_start3A_62 = tpu.memref_slice %arg6[%dma_start3A_59, %dma_start3A_60, %dma_start3A_61] : memref<4x200x128xf32, #tpu.memory_space<vmem>> -> memref<1x40x128xf32, #tpu.memory_space<vmem>>
    %dma_start3A_63 = tpu.memref_squeeze %dma_start3A_62 : memref<1x40x128xf32, #tpu.memory_space<vmem>> -> memref<40x128xf32, #tpu.memory_space<vmem>>
    %dma_start3A_64 = arith.constant 160 : i32
    %dma_start3A_65 = tpu.memref_slice %arg5[%dma_start3A_64] : memref<25600xi32, #tpu.memory_space<vmem>> -> memref<40xi32, #tpu.memory_space<vmem>>
    %dma_start3A_66 = arith.constant 0 : i32
    %dma_start3A_67 = arith.constant 0 : i32
    %dma_start3A_68 = tpu.memref_slice %arg3[%dma_start3A_66, %dma_start3A_67] : memref<100000x128xf32, #tpu.memory_space<hbm>> -> memref<100000x128xf32, #tpu.memory_space<hbm>>
    tpu.enqueue_indirect_dma source(%dma_start3A_68 : memref<100000x128xf32, #tpu.memory_space<hbm>>) target(%dma_start3A_63 : memref<40x128xf32, #tpu.memory_space<vmem>>) offsets(%dma_start3A_65 : memref<40xi32, #tpu.memory_space<vmem>>) semaphore(%arg8 : memref<!tpu.dma_semaphore, #tpu.memory_space<semaphore_mem>>)
    %dma_start3A_69 = arith.constant 1 : i32
    %dma_start3A_70 = arith.constant 0 : i32
    %dma_start3A_71 = arith.constant 0 : i32
    %dma_start3A_72 = tpu.memref_slice %arg6[%dma_start3A_69, %dma_start3A_70, %dma_start3A_71] : memref<4x200x128xf32, #tpu.memory_space<vmem>> -> memref<1x40x128xf32, #tpu.memory_space<vmem>>
    %dma_start3A_73 = tpu.memref_squeeze %dma_start3A_72 : memref<1x40x128xf32, #tpu.memory_space<vmem>> -> memref<40x128xf32, #tpu.memory_space<vmem>>
    %dma_start3A_74 = arith.constant 200 : i32
    %dma_start3A_75 = tpu.memref_slice %arg5[%dma_start3A_74] : memref<25600xi32, #tpu.memory_space<vmem>> -> memref<40xi32, #tpu.memory_space<vmem>>
    %dma_start3A_76 = arith.constant 0 : i32
    %dma_start3A_77 = arith.constant 0 : i32
    %dma_start3A_78 = tpu.memref_slice %arg3[%dma_start3A_76, %dma_start3A_77] : memref<100000x128xf32, #tpu.memory_space<hbm>> -> memref<100000x128xf32, #tpu.memory_space<hbm>>
    tpu.enqueue_indirect_dma source(%dma_start3A_78 : memref<100000x128xf32, #tpu.memory_space<hbm>>) target(%dma_start3A_73 : memref<40x128xf32, #tpu.memory_space<vmem>>) offsets(%dma_start3A_75 : memref<40xi32, #tpu.memory_space<vmem>>) semaphore(%arg9 : memref<!tpu.dma_semaphore, #tpu.memory_space<semaphore_mem>>)
    %dma_start3A_79 = arith.constant 1 : i32
    %dma_start3A_80 = arith.constant 40 : i32
    %dma_start3A_81 = arith.constant 0 : i32
    %dma_start3A_82 = tpu.memref_slice %arg6[%dma_start3A_79, %dma_start3A_80, %dma_start3A_81] : memref<4x200x128xf32, #tpu.memory_space<vmem>> -> memref<1x40x128xf32, #tpu.memory_space<vmem>>
    %dma_start3A_83 = tpu.memref_squeeze %dma_start3A_82 : memref<1x40x128xf32, #tpu.memory_space<vmem>> -> memref<40x128xf32, #tpu.memory_space<vmem>>
    %dma_start3A_84 = arith.constant 240 : i32
    %dma_start3A_85 = tpu.memref_slice %arg5[%dma_start3A_84] : memref<25600xi32, #tpu.memory_space<vmem>> -> memref<40xi32, #tpu.memory_space<vmem>>
    %dma_start3A_86 = arith.constant 0 : i32
    %dma_start3A_87 = arith.constant 0 : i32
    %dma_start3A_88 = tpu.memref_slice %arg3[%dma_start3A_86, %dma_start3A_87] : memref<100000x128xf32, #tpu.memory_space<hbm>> -> memref<100000x128xf32, #tpu.memory_space<hbm>>
    tpu.enqueue_indirect_dma source(%dma_start3A_88 : memref<100000x128xf32, #tpu.memory_space<hbm>>) target(%dma_start3A_83 : memref<40x128xf32, #tpu.memory_space<vmem>>) offsets(%dma_start3A_85 : memref<40xi32, #tpu.memory_space<vmem>>) semaphore(%arg9 : memref<!tpu.dma_semaphore, #tpu.memory_space<semaphore_mem>>)
    %dma_start3A_89 = arith.constant 1 : i32
    %dma_start3A_90 = arith.constant 80 : i32
    %dma_start3A_91 = arith.constant 0 : i32
    %dma_start3A_92 = tpu.memref_slice %arg6[%dma_start3A_89, %dma_start3A_90, %dma_start3A_91] : memref<4x200x128xf32, #tpu.memory_space<vmem>> -> memref<1x40x128xf32, #tpu.memory_space<vmem>>
    %dma_start3A_93 = tpu.memref_squeeze %dma_start3A_92 : memref<1x40x128xf32, #tpu.memory_space<vmem>> -> memref<40x128xf32, #tpu.memory_space<vmem>>
    %dma_start3A_94 = arith.constant 280 : i32
    %dma_start3A_95 = tpu.memref_slice %arg5[%dma_start3A_94] : memref<25600xi32, #tpu.memory_space<vmem>> -> memref<40xi32, #tpu.memory_space<vmem>>
    %dma_start3A_96 = arith.constant 0 : i32
    %dma_start3A_97 = arith.constant 0 : i32
    %dma_start3A_98 = tpu.memref_slice %arg3[%dma_start3A_96, %dma_start3A_97] : memref<100000x128xf32, #tpu.memory_space<hbm>> -> memref<100000x128xf32, #tpu.memory_space<hbm>>
    tpu.enqueue_indirect_dma source(%dma_start3A_98 : memref<100000x128xf32, #tpu.memory_space<hbm>>) target(%dma_start3A_93 : memref<40x128xf32, #tpu.memory_space<vmem>>) offsets(%dma_start3A_95 : memref<40xi32, #tpu.memory_space<vmem>>) semaphore(%arg9 : memref<!tpu.dma_semaphore, #tpu.memory_space<semaphore_mem>>)
    %dma_start3A_99 = arith.constant 1 : i32
    %dma_start3A_100 = arith.constant 120 : i32
    %dma_start3A_101 = arith.constant 0 : i32
    %dma_start3A_102 = tpu.memref_slice %arg6[%dma_start3A_99, %dma_start3A_100, %dma_start3A_101] : memref<4x200x128xf32, #tpu.memory_space<vmem>> -> memref<1x40x128xf32, #tpu.memory_space<vmem>>
    %dma_start3A_103 = tpu.memref_squeeze %dma_start3A_102 : memref<1x40x128xf32, #tpu.memory_space<vmem>> -> memref<40x128xf32, #tpu.memory_space<vmem>>
    %dma_start3A_104 = arith.constant 320 : i32
    %dma_start3A_105 = tpu.memref_slice %arg5[%dma_start3A_104] : memref<25600xi32, #tpu.memory_space<vmem>> -> memref<40xi32, #tpu.memory_space<vmem>>
    %dma_start3A_106 = arith.constant 0 : i32
    %dma_start3A_107 = arith.constant 0 : i32
    %dma_start3A_108 = tpu.memref_slice %arg3[%dma_start3A_106, %dma_start3A_107] : memref<100000x128xf32, #tpu.memory_space<hbm>> -> memref<100000x128xf32, #tpu.memory_space<hbm>>
    tpu.enqueue_indirect_dma source(%dma_start3A_108 : memref<100000x128xf32, #tpu.memory_space<hbm>>) target(%dma_start3A_103 : memref<40x128xf32, #tpu.memory_space<vmem>>) offsets(%dma_start3A_105 : memref<40xi32, #tpu.memory_space<vmem>>) semaphore(%arg9 : memref<!tpu.dma_semaphore, #tpu.memory_space<semaphore_mem>>)
    %dma_start3A_109 = arith.constant 1 : i32
    %dma_start3A_110 = arith.constant 160 : i32
    %dma_start3A_111 = arith.constant 0 : i32
    %dma_start3A_112 = tpu.memref_slice %arg6[%dma_start3A_109, %dma_start3A_110, %dma_start3A_111] : memref<4x200x128xf32, #tpu.memory_space<vmem>> -> memref<1x40x128xf32, #tpu.memory_space<vmem>>
    %dma_start3A_113 = tpu.memref_squeeze %dma_start3A_112 : memref<1x40x128xf32, #tpu.memory_space<vmem>> -> memref<40x128xf32, #tpu.memory_space<vmem>>
    %dma_start3A_114 = arith.constant 360 : i32
    %dma_start3A_115 = tpu.memref_slice %arg5[%dma_start3A_114] : memref<25600xi32, #tpu.memory_space<vmem>> -> memref<40xi32, #tpu.memory_space<vmem>>
    %dma_start3A_116 = arith.constant 0 : i32
    %dma_start3A_117 = arith.constant 0 : i32
    %dma_start3A_118 = tpu.memref_slice %arg3[%dma_start3A_116, %dma_start3A_117] : memref<100000x128xf32, #tpu.memory_space<hbm>> -> memref<100000x128xf32, #tpu.memory_space<hbm>>
    tpu.enqueue_indirect_dma source(%dma_start3A_118 : memref<100000x128xf32, #tpu.memory_space<hbm>>) target(%dma_start3A_113 : memref<40x128xf32, #tpu.memory_space<vmem>>) offsets(%dma_start3A_115 : memref<40xi32, #tpu.memory_space<vmem>>) semaphore(%arg9 : memref<!tpu.dma_semaphore, #tpu.memory_space<semaphore_mem>>)
    %dma_start3A_119 = arith.constant 2 : i32
    %dma_start3A_120 = arith.constant 0 : i32
    %dma_start3A_121 = arith.constant 0 : i32
    %dma_start3A_122 = tpu.memref_slice %arg6[%dma_start3A_119, %dma_start3A_120, %dma_start3A_121] : memref<4x200x128xf32, #tpu.memory_space<vmem>> -> memref<1x40x128xf32, #tpu.memory_space<vmem>>
    %dma_start3A_123 = tpu.memref_squeeze %dma_start3A_122 : memref<1x40x128xf32, #tpu.memory_space<vmem>> -> memref<40x128xf32, #tpu.memory_space<vmem>>
    %dma_start3A_124 = arith.constant 400 : i32
    %dma_start3A_125 = tpu.memref_slice %arg5[%dma_start3A_124] : memref<25600xi32, #tpu.memory_space<vmem>> -> memref<40xi32, #tpu.memory_space<vmem>>
    %dma_start3A_126 = arith.constant 0 : i32
    %dma_start3A_127 = arith.constant 0 : i32
    %dma_start3A_128 = tpu.memref_slice %arg3[%dma_start3A_126, %dma_start3A_127] : memref<100000x128xf32, #tpu.memory_space<hbm>> -> memref<100000x128xf32, #tpu.memory_space<hbm>>
    tpu.enqueue_indirect_dma source(%dma_start3A_128 : memref<100000x128xf32, #tpu.memory_space<hbm>>) target(%dma_start3A_123 : memref<40x128xf32, #tpu.memory_space<vmem>>) offsets(%dma_start3A_125 : memref<40xi32, #tpu.memory_space<vmem>>) semaphore(%arg10 : memref<!tpu.dma_semaphore, #tpu.memory_space<semaphore_mem>>)
    %dma_start3A_129 = arith.constant 2 : i32
    %dma_start3A_130 = arith.constant 40 : i32
    %dma_start3A_131 = arith.constant 0 : i32
    %dma_start3A_132 = tpu.memref_slice %arg6[%dma_start3A_129, %dma_start3A_130, %dma_start3A_131] : memref<4x200x128xf32, #tpu.memory_space<vmem>> -> memref<1x40x128xf32, #tpu.memory_space<vmem>>
    %dma_start3A_133 = tpu.memref_squeeze %dma_start3A_132 : memref<1x40x128xf32, #tpu.memory_space<vmem>> -> memref<40x128xf32, #tpu.memory_space<vmem>>
    %dma_start3A_134 = arith.constant 440 : i32
    %dma_start3A_135 = tpu.memref_slice %arg5[%dma_start3A_134] : memref<25600xi32, #tpu.memory_space<vmem>> -> memref<40xi32, #tpu.memory_space<vmem>>
    %dma_start3A_136 = arith.constant 0 : i32
    %dma_start3A_137 = arith.constant 0 : i32
    %dma_start3A_138 = tpu.memref_slice %arg3[%dma_start3A_136, %dma_start3A_137] : memref<100000x128xf32, #tpu.memory_space<hbm>> -> memref<100000x128xf32, #tpu.memory_space<hbm>>
    tpu.enqueue_indirect_dma source(%dma_start3A_138 : memref<100000x128xf32, #tpu.memory_space<hbm>>) target(%dma_start3A_133 : memref<40x128xf32, #tpu.memory_space<vmem>>) offsets(%dma_start3A_135 : memref<40xi32, #tpu.memory_space<vmem>>) semaphore(%arg10 : memref<!tpu.dma_semaphore, #tpu.memory_space<semaphore_mem>>)
    %dma_start3A_139 = arith.constant 2 : i32
    %dma_start3A_140 = arith.constant 80 : i32
    %dma_start3A_141 = arith.constant 0 : i32
    %dma_start3A_142 = tpu.memref_slice %arg6[%dma_start3A_139, %dma_start3A_140, %dma_start3A_141] : memref<4x200x128xf32, #tpu.memory_space<vmem>> -> memref<1x40x128xf32, #tpu.memory_space<vmem>>
    %dma_start3A_143 = tpu.memref_squeeze %dma_start3A_142 : memref<1x40x128xf32, #tpu.memory_space<vmem>> -> memref<40x128xf32, #tpu.memory_space<vmem>>
    %dma_start3A_144 = arith.constant 480 : i32
    %dma_start3A_145 = tpu.memref_slice %arg5[%dma_start3A_144] : memref<25600xi32, #tpu.memory_space<vmem>> -> memref<40xi32, #tpu.memory_space<vmem>>
    %dma_start3A_146 = arith.constant 0 : i32
    %dma_start3A_147 = arith.constant 0 : i32
    %dma_start3A_148 = tpu.memref_slice %arg3[%dma_start3A_146, %dma_start3A_147] : memref<100000x128xf32, #tpu.memory_space<hbm>> -> memref<100000x128xf32, #tpu.memory_space<hbm>>
    tpu.enqueue_indirect_dma source(%dma_start3A_148 : memref<100000x128xf32, #tpu.memory_space<hbm>>) target(%dma_start3A_143 : memref<40x128xf32, #tpu.memory_space<vmem>>) offsets(%dma_start3A_145 : memref<40xi32, #tpu.memory_space<vmem>>) semaphore(%arg10 : memref<!tpu.dma_semaphore, #tpu.memory_space<semaphore_mem>>)
    %dma_start3A_149 = arith.constant 2 : i32
    %dma_start3A_150 = arith.constant 120 : i32
    %dma_start3A_151 = arith.constant 0 : i32
    %dma_start3A_152 = tpu.memref_slice %arg6[%dma_start3A_149, %dma_start3A_150, %dma_start3A_151] : memref<4x200x128xf32, #tpu.memory_space<vmem>> -> memref<1x40x128xf32, #tpu.memory_space<vmem>>
    %dma_start3A_153 = tpu.memref_squeeze %dma_start3A_152 : memref<1x40x128xf32, #tpu.memory_space<vmem>> -> memref<40x128xf32, #tpu.memory_space<vmem>>
    %dma_start3A_154 = arith.constant 520 : i32
    %dma_start3A_155 = tpu.memref_slice %arg5[%dma_start3A_154] : memref<25600xi32, #tpu.memory_space<vmem>> -> memref<40xi32, #tpu.memory_space<vmem>>
    %dma_start3A_156 = arith.constant 0 : i32
    %dma_start3A_157 = arith.constant 0 : i32
    %dma_start3A_158 = tpu.memref_slice %arg3[%dma_start3A_156, %dma_start3A_157] : memref<100000x128xf32, #tpu.memory_space<hbm>> -> memref<100000x128xf32, #tpu.memory_space<hbm>>
    tpu.enqueue_indirect_dma source(%dma_start3A_158 : memref<100000x128xf32, #tpu.memory_space<hbm>>) target(%dma_start3A_153 : memref<40x128xf32, #tpu.memory_space<vmem>>) offsets(%dma_start3A_155 : memref<40xi32, #tpu.memory_space<vmem>>) semaphore(%arg10 : memref<!tpu.dma_semaphore, #tpu.memory_space<semaphore_mem>>)
    %dma_start3A_159 = arith.constant 2 : i32
    %dma_start3A_160 = arith.constant 160 : i32
    %dma_start3A_161 = arith.constant 0 : i32
    %dma_start3A_162 = tpu.memref_slice %arg6[%dma_start3A_159, %dma_start3A_160, %dma_start3A_161] : memref<4x200x128xf32, #tpu.memory_space<vmem>> -> memref<1x40x128xf32, #tpu.memory_space<vmem>>
    %dma_start3A_163 = tpu.memref_squeeze %dma_start3A_162 : memref<1x40x128xf32, #tpu.memory_space<vmem>> -> memref<40x128xf32, #tpu.memory_space<vmem>>
    %dma_start3A_164 = arith.constant 560 : i32
    %dma_start3A_165 = tpu.memref_slice %arg5[%dma_start3A_164] : memref<25600xi32, #tpu.memory_space<vmem>> -> memref<40xi32, #tpu.memory_space<vmem>>
    %dma_start3A_166 = arith.constant 0 : i32
    %dma_start3A_167 = arith.constant 0 : i32
    %dma_start3A_168 = tpu.memref_slice %arg3[%dma_start3A_166, %dma_start3A_167] : memref<100000x128xf32, #tpu.memory_space<hbm>> -> memref<100000x128xf32, #tpu.memory_space<hbm>>
    tpu.enqueue_indirect_dma source(%dma_start3A_168 : memref<100000x128xf32, #tpu.memory_space<hbm>>) target(%dma_start3A_163 : memref<40x128xf32, #tpu.memory_space<vmem>>) offsets(%dma_start3A_165 : memref<40xi32, #tpu.memory_space<vmem>>) semaphore(%arg10 : memref<!tpu.dma_semaphore, #tpu.memory_space<semaphore_mem>>)
    %dma_start3A_169 = arith.constant 3 : i32
    %dma_start3A_170 = arith.constant 0 : i32
    %dma_start3A_171 = arith.constant 0 : i32
    %dma_start3A_172 = tpu.memref_slice %arg6[%dma_start3A_169, %dma_start3A_170, %dma_start3A_171] : memref<4x200x128xf32, #tpu.memory_space<vmem>> -> memref<1x40x128xf32, #tpu.memory_space<vmem>>
    %dma_start3A_173 = tpu.memref_squeeze %dma_start3A_172 : memref<1x40x128xf32, #tpu.memory_space<vmem>> -> memref<40x128xf32, #tpu.memory_space<vmem>>
    %dma_start3A_174 = arith.constant 600 : i32
    %dma_start3A_175 = tpu.memref_slice %arg5[%dma_start3A_174] : memref<25600xi32, #tpu.memory_space<vmem>> -> memref<40xi32, #tpu.memory_space<vmem>>
    %dma_start3A_176 = arith.constant 0 : i32
    %dma_start3A_177 = arith.constant 0 : i32
    %dma_start3A_178 = tpu.memref_slice %arg3[%dma_start3A_176, %dma_start3A_177] : memref<100000x128xf32, #tpu.memory_space<hbm>> -> memref<100000x128xf32, #tpu.memory_space<hbm>>
    tpu.enqueue_indirect_dma source(%dma_start3A_178 : memref<100000x128xf32, #tpu.memory_space<hbm>>) target(%dma_start3A_173 : memref<40x128xf32, #tpu.memory_space<vmem>>) offsets(%dma_start3A_175 : memref<40xi32, #tpu.memory_space<vmem>>) semaphore(%arg11 : memref<!tpu.dma_semaphore, #tpu.memory_space<semaphore_mem>>)
    %dma_start3A_179 = arith.constant 3 : i32
    %dma_start3A_180 = arith.constant 40 : i32
    %dma_start3A_181 = arith.constant 0 : i32
    %dma_start3A_182 = tpu.memref_slice %arg6[%dma_start3A_179, %dma_start3A_180, %dma_start3A_181] : memref<4x200x128xf32, #tpu.memory_space<vmem>> -> memref<1x40x128xf32, #tpu.memory_space<vmem>>
    %dma_start3A_183 = tpu.memref_squeeze %dma_start3A_182 : memref<1x40x128xf32, #tpu.memory_space<vmem>> -> memref<40x128xf32, #tpu.memory_space<vmem>>
    %dma_start3A_184 = arith.constant 640 : i32
    %dma_start3A_185 = tpu.memref_slice %arg5[%dma_start3A_184] : memref<25600xi32, #tpu.memory_space<vmem>> -> memref<40xi32, #tpu.memory_space<vmem>>
    %dma_start3A_186 = arith.constant 0 : i32
    %dma_start3A_187 = arith.constant 0 : i32
    %dma_start3A_188 = tpu.memref_slice %arg3[%dma_start3A_186, %dma_start3A_187] : memref<100000x128xf32, #tpu.memory_space<hbm>> -> memref<100000x128xf32, #tpu.memory_space<hbm>>
    tpu.enqueue_indirect_dma source(%dma_start3A_188 : memref<100000x128xf32, #tpu.memory_space<hbm>>) target(%dma_start3A_183 : memref<40x128xf32, #tpu.memory_space<vmem>>) offsets(%dma_start3A_185 : memref<40xi32, #tpu.memory_space<vmem>>) semaphore(%arg11 : memref<!tpu.dma_semaphore, #tpu.memory_space<semaphore_mem>>)
    %dma_start3A_189 = arith.constant 3 : i32
    %dma_start3A_190 = arith.constant 80 : i32
    %dma_start3A_191 = arith.constant 0 : i32
    %dma_start3A_192 = tpu.memref_slice %arg6[%dma_start3A_189, %dma_start3A_190, %dma_start3A_191] : memref<4x200x128xf32, #tpu.memory_space<vmem>> -> memref<1x40x128xf32, #tpu.memory_space<vmem>>
    %dma_start3A_193 = tpu.memref_squeeze %dma_start3A_192 : memref<1x40x128xf32, #tpu.memory_space<vmem>> -> memref<40x128xf32, #tpu.memory_space<vmem>>
    %dma_start3A_194 = arith.constant 680 : i32
    %dma_start3A_195 = tpu.memref_slice %arg5[%dma_start3A_194] : memref<25600xi32, #tpu.memory_space<vmem>> -> memref<40xi32, #tpu.memory_space<vmem>>
    %dma_start3A_196 = arith.constant 0 : i32
    %dma_start3A_197 = arith.constant 0 : i32
    %dma_start3A_198 = tpu.memref_slice %arg3[%dma_start3A_196, %dma_start3A_197] : memref<100000x128xf32, #tpu.memory_space<hbm>> -> memref<100000x128xf32, #tpu.memory_space<hbm>>
    tpu.enqueue_indirect_dma source(%dma_start3A_198 : memref<100000x128xf32, #tpu.memory_space<hbm>>) target(%dma_start3A_193 : memref<40x128xf32, #tpu.memory_space<vmem>>) offsets(%dma_start3A_195 : memref<40xi32, #tpu.memory_space<vmem>>) semaphore(%arg11 : memref<!tpu.dma_semaphore, #tpu.memory_space<semaphore_mem>>)
    %dma_start3A_199 = arith.constant 3 : i32
    %dma_start3A_200 = arith.constant 120 : i32
    %dma_start3A_201 = arith.constant 0 : i32
    %dma_start3A_202 = tpu.memref_slice %arg6[%dma_start3A_199, %dma_start3A_200, %dma_start3A_201] : memref<4x200x128xf32, #tpu.memory_space<vmem>> -> memref<1x40x128xf32, #tpu.memory_space<vmem>>
    %dma_start3A_203 = tpu.memref_squeeze %dma_start3A_202 : memref<1x40x128xf32, #tpu.memory_space<vmem>> -> memref<40x128xf32, #tpu.memory_space<vmem>>
    %dma_start3A_204 = arith.constant 720 : i32
    %dma_start3A_205 = tpu.memref_slice %arg5[%dma_start3A_204] : memref<25600xi32, #tpu.memory_space<vmem>> -> memref<40xi32, #tpu.memory_space<vmem>>
    %dma_start3A_206 = arith.constant 0 : i32
    %dma_start3A_207 = arith.constant 0 : i32
    %dma_start3A_208 = tpu.memref_slice %arg3[%dma_start3A_206, %dma_start3A_207] : memref<100000x128xf32, #tpu.memory_space<hbm>> -> memref<100000x128xf32, #tpu.memory_space<hbm>>
    tpu.enqueue_indirect_dma source(%dma_start3A_208 : memref<100000x128xf32, #tpu.memory_space<hbm>>) target(%dma_start3A_203 : memref<40x128xf32, #tpu.memory_space<vmem>>) offsets(%dma_start3A_205 : memref<40xi32, #tpu.memory_space<vmem>>) semaphore(%arg11 : memref<!tpu.dma_semaphore, #tpu.memory_space<semaphore_mem>>)
    %dma_start3A_209 = arith.constant 3 : i32
    %dma_start3A_210 = arith.constant 160 : i32
    %dma_start3A_211 = arith.constant 0 : i32
    %dma_start3A_212 = tpu.memref_slice %arg6[%dma_start3A_209, %dma_start3A_210, %dma_start3A_211] : memref<4x200x128xf32, #tpu.memory_space<vmem>> -> memref<1x40x128xf32, #tpu.memory_space<vmem>>
    %dma_start3A_213 = tpu.memref_squeeze %dma_start3A_212 : memref<1x40x128xf32, #tpu.memory_space<vmem>> -> memref<40x128xf32, #tpu.memory_space<vmem>>
    %dma_start3A_214 = arith.constant 760 : i32
    %dma_start3A_215 = tpu.memref_slice %arg5[%dma_start3A_214] : memref<25600xi32, #tpu.memory_space<vmem>> -> memref<40xi32, #tpu.memory_space<vmem>>
    %dma_start3A_216 = arith.constant 0 : i32
    %dma_start3A_217 = arith.constant 0 : i32
    %dma_start3A_218 = tpu.memref_slice %arg3[%dma_start3A_216, %dma_start3A_217] : memref<100000x128xf32, #tpu.memory_space<hbm>> -> memref<100000x128xf32, #tpu.memory_space<hbm>>
    tpu.enqueue_indirect_dma source(%dma_start3A_218 : memref<100000x128xf32, #tpu.memory_space<hbm>>) target(%dma_start3A_213 : memref<40x128xf32, #tpu.memory_space<vmem>>) offsets(%dma_start3A_215 : memref<40xi32, #tpu.memory_space<vmem>>) semaphore(%arg11 : memref<!tpu.dma_semaphore, #tpu.memory_space<semaphore_mem>>)
    %scan3A = arith.constant 0 : i32
    %scan3A_219 = arith.constant 0 : i32
    %scan3A_220 = arith.constant 32 : i32
    %scan3A_221 = arith.addi %scan3A_219, %scan3A_220 : i32
    %scan3A_222 = arith.constant 1 : i32
    scf.for %scan3A_263 = %scan3A_219 to %scan3A_221 step %scan3A_222  : i32 {
      %mul3A_264 = arith.constant 4 : i32
      %mul3A_265 = arith.muli %mul3A_264, %scan3A_263 : i32
      %add3A_266 = arith.constant 0 : i32
      %add3A_267 = arith.addi %mul3A_265, %add3A_266 : i32
      %jit3A = arith.constant 4 : i32
      %eq3A = arith.constant 0 : i32
      %eq3A_268 = arith.cmpi eq, %jit3A, %eq3A : i32
      %jit3A_269 = arith.constant 1 : i32
      %select_n3A = arith.select %eq3A_268, %jit3A_269, %jit3A : i32
      %rem3A = arith.remsi %add3A_267, %select_n3A : i32
      %ne3A = arith.constant 0 : i32
      %ne3A_270 = arith.cmpi ne, %rem3A, %ne3A : i32
      %lt3A = arith.constant 0 : i32
      %lt3A_271 = arith.cmpi slt, %rem3A, %lt3A : i32
      %lt3A_272 = arith.constant 0 : i32
      %lt3A_273 = arith.cmpi slt, %select_n3A, %lt3A_272 : i32
      %ne3A_274 = arith.xori %lt3A_271, %lt3A_273 : i1
      %and3A = arith.andi %ne3A_274, %ne3A_270 : i1
      %add3A_275 = arith.addi %rem3A, %select_n3A : i32
      %select_n3A_276 = arith.select %and3A, %add3A_275, %rem3A : i32
      %ge3A = arith.constant 4 : i32
      %ge3A_277 = arith.cmpi sge, %add3A_267, %ge3A : i32
      %convert_element_type3A = arith.extui %ge3A_277 : i1 to i32
      %cond3A = arith.constant 0 : i32
      %cond3A_278 = arith.cmpi ne, %convert_element_type3A, %cond3A : i32
      scf.if %cond3A_278 {
        %dma_wait3A_795 = arith.constant 0 : i32
        %dma_wait3A_796 = tpu.memref_slice %arg7[%select_n3A_276, %dma_wait3A_795] : memref<4x128xf32, #tpu.memory_space<vmem>> -> memref<1x128xf32, #tpu.memory_space<vmem>>
        %dma_wait3A_797 = arith.constant 0 : i32
        %dma_wait3A_798 = tpu.memref_slice %arg4[%mul3A_2, %dma_wait3A_797] : memref<4096x128xf32, #tpu.memory_space<hbm>> -> memref<1x128xf32, #tpu.memory_space<hbm>>
        %dma_wait3A_799 = arith.constant 0 : i32
        %dma_wait3A_800 = tpu.memref_slice %arg4[%mul3A_2, %dma_wait3A_799] : memref<4096x128xf32, #tpu.memory_space<hbm>> -> memref<1x128xf32, #tpu.memory_space<hbm>>
        %dma_wait3A_801 = arith.constant 0 : i32
        %dma_wait3A_802 = tpu.memref_slice %arg7[%select_n3A_276, %dma_wait3A_801] : memref<4x128xf32, #tpu.memory_space<vmem>> -> memref<1x128xf32, #tpu.memory_space<vmem>>
        tpu.wait_dma2 semaphore(%arg12 : memref<!tpu.dma_semaphore, #tpu.memory_space<semaphore_mem>>) src(%dma_wait3A_802 : memref<1x128xf32, #tpu.memory_space<vmem>>) dst(%dma_wait3A_800 : memref<1x128xf32, #tpu.memory_space<hbm>>)
      } else {
      }
      %dma_wait3A_279 = arith.constant 0 : i32
      %dma_wait3A_280 = arith.constant 0 : i32
      %dma_wait3A_281 = arith.constant 0 : i32
      %dma_wait3A_282 = tpu.memref_slice %arg6[%dma_wait3A_279, %dma_wait3A_280, %dma_wait3A_281] : memref<4x200x128xf32, #tpu.memory_space<vmem>> -> memref<1x40x128xf32, #tpu.memory_space<vmem>>
      %dma_wait3A_283 = tpu.memref_squeeze %dma_wait3A_282 : memref<1x40x128xf32, #tpu.memory_space<vmem>> -> memref<40x128xf32, #tpu.memory_space<vmem>>
      %dma_wait3A_284 = arith.constant 0 : i32
      %dma_wait3A_285 = tpu.memref_slice %arg5[%dma_wait3A_284] : memref<25600xi32, #tpu.memory_space<vmem>> -> memref<40xi32, #tpu.memory_space<vmem>>
      %dma_wait3A_286 = arith.constant 0 : i32
      %dma_wait3A_287 = arith.constant 0 : i32
      %dma_wait3A_288 = tpu.memref_slice %arg3[%dma_wait3A_286, %dma_wait3A_287] : memref<100000x128xf32, #tpu.memory_space<hbm>> -> memref<100000x128xf32, #tpu.memory_space<hbm>>
      tpu.wait_indirect_dma semaphore(%arg8 : memref<!tpu.dma_semaphore, #tpu.memory_space<semaphore_mem>>) src(%dma_wait3A_288 : memref<100000x128xf32, #tpu.memory_space<hbm>>) dst(%dma_wait3A_283 : memref<40x128xf32, #tpu.memory_space<vmem>>)
      %dma_wait3A_289 = arith.constant 0 : i32
      %dma_wait3A_290 = arith.constant 40 : i32
      %dma_wait3A_291 = arith.constant 0 : i32
      %dma_wait3A_292 = tpu.memref_slice %arg6[%dma_wait3A_289, %dma_wait3A_290, %dma_wait3A_291] : memref<4x200x128xf32, #tpu.memory_space<vmem>> -> memref<1x40x128xf32, #tpu.memory_space<vmem>>
      %dma_wait3A_293 = tpu.memref_squeeze %dma_wait3A_292 : memref<1x40x128xf32, #tpu.memory_space<vmem>> -> memref<40x128xf32, #tpu.memory_space<vmem>>
      %dma_wait3A_294 = arith.constant 0 : i32
      %dma_wait3A_295 = tpu.memref_slice %arg5[%dma_wait3A_294] : memref<25600xi32, #tpu.memory_space<vmem>> -> memref<40xi32, #tpu.memory_space<vmem>>
      %dma_wait3A_296 = arith.constant 0 : i32
      %dma_wait3A_297 = arith.constant 0 : i32
      %dma_wait3A_298 = tpu.memref_slice %arg3[%dma_wait3A_296, %dma_wait3A_297] : memref<100000x128xf32, #tpu.memory_space<hbm>> -> memref<100000x128xf32, #tpu.memory_space<hbm>>
      tpu.wait_indirect_dma semaphore(%arg8 : memref<!tpu.dma_semaphore, #tpu.memory_space<semaphore_mem>>) src(%dma_wait3A_298 : memref<100000x128xf32, #tpu.memory_space<hbm>>) dst(%dma_wait3A_293 : memref<40x128xf32, #tpu.memory_space<vmem>>)
      %dma_wait3A_299 = arith.constant 0 : i32
      %dma_wait3A_300 = arith.constant 80 : i32
      %dma_wait3A_301 = arith.constant 0 : i32
      %dma_wait3A_302 = tpu.memref_slice %arg6[%dma_wait3A_299, %dma_wait3A_300, %dma_wait3A_301] : memref<4x200x128xf32, #tpu.memory_space<vmem>> -> memref<1x40x128xf32, #tpu.memory_space<vmem>>
      %dma_wait3A_303 = tpu.memref_squeeze %dma_wait3A_302 : memref<1x40x128xf32, #tpu.memory_space<vmem>> -> memref<40x128xf32, #tpu.memory_space<vmem>>
      %dma_wait3A_304 = arith.constant 0 : i32
      %dma_wait3A_305 = tpu.memref_slice %arg5[%dma_wait3A_304] : memref<25600xi32, #tpu.memory_space<vmem>> -> memref<40xi32, #tpu.memory_space<vmem>>
      %dma_wait3A_306 = arith.constant 0 : i32
      %dma_wait3A_307 = arith.constant 0 : i32
      %dma_wait3A_308 = tpu.memref_slice %arg3[%dma_wait3A_306, %dma_wait3A_307] : memref<100000x128xf32, #tpu.memory_space<hbm>> -> memref<100000x128xf32, #tpu.memory_space<hbm>>
      tpu.wait_indirect_dma semaphore(%arg8 : memref<!tpu.dma_semaphore, #tpu.memory_space<semaphore_mem>>) src(%dma_wait3A_308 : memref<100000x128xf32, #tpu.memory_space<hbm>>) dst(%dma_wait3A_303 : memref<40x128xf32, #tpu.memory_space<vmem>>)
      %dma_wait3A_309 = arith.constant 0 : i32
      %dma_wait3A_310 = arith.constant 120 : i32
      %dma_wait3A_311 = arith.constant 0 : i32
      %dma_wait3A_312 = tpu.memref_slice %arg6[%dma_wait3A_309, %dma_wait3A_310, %dma_wait3A_311] : memref<4x200x128xf32, #tpu.memory_space<vmem>> -> memref<1x40x128xf32, #tpu.memory_space<vmem>>
      %dma_wait3A_313 = tpu.memref_squeeze %dma_wait3A_312 : memref<1x40x128xf32, #tpu.memory_space<vmem>> -> memref<40x128xf32, #tpu.memory_space<vmem>>
      %dma_wait3A_314 = arith.constant 0 : i32
      %dma_wait3A_315 = tpu.memref_slice %arg5[%dma_wait3A_314] : memref<25600xi32, #tpu.memory_space<vmem>> -> memref<40xi32, #tpu.memory_space<vmem>>
      %dma_wait3A_316 = arith.constant 0 : i32
      %dma_wait3A_317 = arith.constant 0 : i32
      %dma_wait3A_318 = tpu.memref_slice %arg3[%dma_wait3A_316, %dma_wait3A_317] : memref<100000x128xf32, #tpu.memory_space<hbm>> -> memref<100000x128xf32, #tpu.memory_space<hbm>>
      tpu.wait_indirect_dma semaphore(%arg8 : memref<!tpu.dma_semaphore, #tpu.memory_space<semaphore_mem>>) src(%dma_wait3A_318 : memref<100000x128xf32, #tpu.memory_space<hbm>>) dst(%dma_wait3A_313 : memref<40x128xf32, #tpu.memory_space<vmem>>)
      %dma_wait3A_319 = arith.constant 0 : i32
      %dma_wait3A_320 = arith.constant 160 : i32
      %dma_wait3A_321 = arith.constant 0 : i32
      %dma_wait3A_322 = tpu.memref_slice %arg6[%dma_wait3A_319, %dma_wait3A_320, %dma_wait3A_321] : memref<4x200x128xf32, #tpu.memory_space<vmem>> -> memref<1x40x128xf32, #tpu.memory_space<vmem>>
      %dma_wait3A_323 = tpu.memref_squeeze %dma_wait3A_322 : memref<1x40x128xf32, #tpu.memory_space<vmem>> -> memref<40x128xf32, #tpu.memory_space<vmem>>
      %dma_wait3A_324 = arith.constant 0 : i32
      %dma_wait3A_325 = tpu.memref_slice %arg5[%dma_wait3A_324] : memref<25600xi32, #tpu.memory_space<vmem>> -> memref<40xi32, #tpu.memory_space<vmem>>
      %dma_wait3A_326 = arith.constant 0 : i32
      %dma_wait3A_327 = arith.constant 0 : i32
      %dma_wait3A_328 = tpu.memref_slice %arg3[%dma_wait3A_326, %dma_wait3A_327] : memref<100000x128xf32, #tpu.memory_space<hbm>> -> memref<100000x128xf32, #tpu.memory_space<hbm>>
      tpu.wait_indirect_dma semaphore(%arg8 : memref<!tpu.dma_semaphore, #tpu.memory_space<semaphore_mem>>) src(%dma_wait3A_328 : memref<100000x128xf32, #tpu.memory_space<hbm>>) dst(%dma_wait3A_323 : memref<40x128xf32, #tpu.memory_space<vmem>>)
      %scan3A_329 = arith.constant 0 : i32
      %scan3A_330 = arith.constant 25 : i32
      %scan3A_331 = arith.addi %scan3A_329, %scan3A_330 : i32
      %scan3A_332 = arith.constant 1 : i32
      %scan3A_333:8 = scf.for %scan3A_795 = %scan3A_329 to %scan3A_331 step %scan3A_332 iter_args(%scan3A_796 = %broadcast_in_dim3A_5, %scan3A_797 = %broadcast_in_dim3A_7, %scan3A_798 = %broadcast_in_dim3A_9, %scan3A_799 = %broadcast_in_dim3A_11, %scan3A_800 = %broadcast_in_dim3A_13, %scan3A_801 = %broadcast_in_dim3A_15, %scan3A_802 = %broadcast_in_dim3A_17, %scan3A_803 = %broadcast_in_dim3A_19) -> (vector<16xf32>, vector<16xf32>, vector<16xf32>, vector<16xf32>, vector<16xf32>, vector<16xf32>, vector<16xf32>, vector<16xf32>)  : i32 {
        %mul3A_804 = arith.constant 8 : i32
        %mul3A_805 = arith.muli %scan3A_795, %mul3A_804 : i32
        %add3A_806 = arith.constant 0 : i32
        %add3A_807 = arith.addi %mul3A_805, %add3A_806 : i32
        %get3A = arith.constant 0 : i32
        %get3A_808 = arith.index_cast %get3A : i32 to index
        %get3A_809 = arith.index_cast %add3A_807 : i32 to index
        %get3A_810 = arith.constant 0 : index
        %get3A_811 = tpu.vector_load %arg6[%get3A_808, %get3A_809, %get3A_810] {strides = array<i32>} : memref<4x200x128xf32, #tpu.memory_space<vmem>>, vector<1x1x16xf32>,
        %get3A_812 = vector.shape_cast %get3A_811 : vector<1x1x16xf32> to vector<16xf32>
        %add3A_813 = arith.addf %scan3A_796, %get3A_812 : vector<16xf32>
        %add3A_814 = arith.constant 0 : i32
        %add3A_815 = arith.addi %mul3A_805, %add3A_814 : i32
        %get3A_816 = arith.constant 0 : i32
        %get3A_817 = arith.index_cast %get3A_816 : i32 to index
        %get3A_818 = arith.index_cast %add3A_815 : i32 to index
        %get3A_819 = arith.constant 16 : index
        %get3A_820 = tpu.vector_load %arg6[%get3A_817, %get3A_818, %get3A_819] {strides = array<i32>} : memref<4x200x128xf32, #tpu.memory_space<vmem>>, vector<1x1x16xf32>,
        %get3A_821 = vector.shape_cast %get3A_820 : vector<1x1x16xf32> to vector<16xf32>
        %add3A_822 = arith.addf %scan3A_797, %get3A_821 : vector<16xf32>
        %add3A_823 = arith.constant 0 : i32
        %add3A_824 = arith.addi %mul3A_805, %add3A_823 : i32
        %get3A_825 = arith.constant 0 : i32
        %get3A_826 = arith.index_cast %get3A_825 : i32 to index
        %get3A_827 = arith.index_cast %add3A_824 : i32 to index
        %get3A_828 = arith.constant 32 : index
        %get3A_829 = tpu.vector_load %arg6[%get3A_826, %get3A_827, %get3A_828] {strides = array<i32>} : memref<4x200x128xf32, #tpu.memory_space<vmem>>, vector<1x1x16xf32>,
        %get3A_830 = vector.shape_cast %get3A_829 : vector<1x1x16xf32> to vector<16xf32>
        %add3A_831 = arith.addf %scan3A_798, %get3A_830 : vector<16xf32>
        %add3A_832 = arith.constant 0 : i32
        %add3A_833 = arith.addi %mul3A_805, %add3A_832 : i32
        %get3A_834 = arith.constant 0 : i32
        %get3A_835 = arith.index_cast %get3A_834 : i32 to index
        %get3A_836 = arith.index_cast %add3A_833 : i32 to index
        %get3A_837 = arith.constant 48 : index
        %get3A_838 = tpu.vector_load %arg6[%get3A_835, %get3A_836, %get3A_837] {strides = array<i32>} : memref<4x200x128xf32, #tpu.memory_space<vmem>>, vector<1x1x16xf32>,
        %get3A_839 = vector.shape_cast %get3A_838 : vector<1x1x16xf32> to vector<16xf32>
        %add3A_840 = arith.addf %scan3A_799, %get3A_839 : vector<16xf32>
        %add3A_841 = arith.constant 0 : i32
        %add3A_842 = arith.addi %mul3A_805, %add3A_841 : i32
        %get3A_843 = arith.constant 0 : i32
        %get3A_844 = arith.index_cast %get3A_843 : i32 to index
        %get3A_845 = arith.index_cast %add3A_842 : i32 to index
        %get3A_846 = arith.constant 64 : index
        %get3A_847 = tpu.vector_load %arg6[%get3A_844, %get3A_845, %get3A_846] {strides = array<i32>} : memref<4x200x128xf32, #tpu.memory_space<vmem>>, vector<1x1x16xf32>,
        %get3A_848 = vector.shape_cast %get3A_847 : vector<1x1x16xf32> to vector<16xf32>
        %add3A_849 = arith.addf %scan3A_800, %get3A_848 : vector<16xf32>
        %add3A_850 = arith.constant 0 : i32
        %add3A_851 = arith.addi %mul3A_805, %add3A_850 : i32
        %get3A_852 = arith.constant 0 : i32
        %get3A_853 = arith.index_cast %get3A_852 : i32 to index
        %get3A_854 = arith.index_cast %add3A_851 : i32 to index
        %get3A_855 = arith.constant 80 : index
        %get3A_856 = tpu.vector_load %arg6[%get3A_853, %get3A_854, %get3A_855] {strides = array<i32>} : memref<4x200x128xf32, #tpu.memory_space<vmem>>, vector<1x1x16xf32>,
        %get3A_857 = vector.shape_cast %get3A_856 : vector<1x1x16xf32> to vector<16xf32>
        %add3A_858 = arith.addf %scan3A_801, %get3A_857 : vector<16xf32>
        %add3A_859 = arith.constant 0 : i32
        %add3A_860 = arith.addi %mul3A_805, %add3A_859 : i32
        %get3A_861 = arith.constant 0 : i32
        %get3A_862 = arith.index_cast %get3A_861 : i32 to index
        %get3A_863 = arith.index_cast %add3A_860 : i32 to index
        %get3A_864 = arith.constant 96 : index
        %get3A_865 = tpu.vector_load %arg6[%get3A_862, %get3A_863, %get3A_864] {strides = array<i32>} : memref<4x200x128xf32, #tpu.memory_space<vmem>>, vector<1x1x16xf32>,
        %get3A_866 = vector.shape_cast %get3A_865 : vector<1x1x16xf32> to vector<16xf32>
        %add3A_867 = arith.addf %scan3A_802, %get3A_866 : vector<16xf32>
        %add3A_868 = arith.constant 0 : i32
        %add3A_869 = arith.addi %mul3A_805, %add3A_868 : i32
        %get3A_870 = arith.constant 0 : i32
        %get3A_871 = arith.index_cast %get3A_870 : i32 to index
        %get3A_872 = arith.index_cast %add3A_869 : i32 to index
        %get3A_873 = arith.constant 112 : index
        %get3A_874 = tpu.vector_load %arg6[%get3A_871, %get3A_872, %get3A_873] {strides = array<i32>} : memref<4x200x128xf32, #tpu.memory_space<vmem>>, vector<1x1x16xf32>,
        %get3A_875 = vector.shape_cast %get3A_874 : vector<1x1x16xf32> to vector<16xf32>
        %add3A_876 = arith.addf %scan3A_803, %get3A_875 : vector<16xf32>
        %add3A_877 = arith.constant 1 : i32
        %add3A_878 = arith.addi %mul3A_805, %add3A_877 : i32
        %get3A_879 = arith.constant 0 : i32
        %get3A_880 = arith.index_cast %get3A_879 : i32 to index
        %get3A_881 = arith.index_cast %add3A_878 : i32 to index
        %get3A_882 = arith.constant 0 : index
        %get3A_883 = tpu.vector_load %arg6[%get3A_880, %get3A_881, %get3A_882] {strides = array<i32>} : memref<4x200x128xf32, #tpu.memory_space<vmem>>, vector<1x1x16xf32>,
        %get3A_884 = vector.shape_cast %get3A_883 : vector<1x1x16xf32> to vector<16xf32>
        %add3A_885 = arith.addf %add3A_813, %get3A_884 : vector<16xf32>
        %add3A_886 = arith.constant 1 : i32
        %add3A_887 = arith.addi %mul3A_805, %add3A_886 : i32
        %get3A_888 = arith.constant 0 : i32
        %get3A_889 = arith.index_cast %get3A_888 : i32 to index
        %get3A_890 = arith.index_cast %add3A_887 : i32 to index
        %get3A_891 = arith.constant 16 : index
        %get3A_892 = tpu.vector_load %arg6[%get3A_889, %get3A_890, %get3A_891] {strides = array<i32>} : memref<4x200x128xf32, #tpu.memory_space<vmem>>, vector<1x1x16xf32>,
        %get3A_893 = vector.shape_cast %get3A_892 : vector<1x1x16xf32> to vector<16xf32>
        %add3A_894 = arith.addf %add3A_822, %get3A_893 : vector<16xf32>
        %add3A_895 = arith.constant 1 : i32
        %add3A_896 = arith.addi %mul3A_805, %add3A_895 : i32
        %get3A_897 = arith.constant 0 : i32
        %get3A_898 = arith.index_cast %get3A_897 : i32 to index
        %get3A_899 = arith.index_cast %add3A_896 : i32 to index
        %get3A_900 = arith.constant 32 : index
        %get3A_901 = tpu.vector_load %arg6[%get3A_898, %get3A_899, %get3A_900] {strides = array<i32>} : memref<4x200x128xf32, #tpu.memory_space<vmem>>, vector<1x1x16xf32>,
        %get3A_902 = vector.shape_cast %get3A_901 : vector<1x1x16xf32> to vector<16xf32>
        %add3A_903 = arith.addf %add3A_831, %get3A_902 : vector<16xf32>
        %add3A_904 = arith.constant 1 : i32
        %add3A_905 = arith.addi %mul3A_805, %add3A_904 : i32
        %get3A_906 = arith.constant 0 : i32
        %get3A_907 = arith.index_cast %get3A_906 : i32 to index
        %get3A_908 = arith.index_cast %add3A_905 : i32 to index
        %get3A_909 = arith.constant 48 : index
        %get3A_910 = tpu.vector_load %arg6[%get3A_907, %get3A_908, %get3A_909] {strides = array<i32>} : memref<4x200x128xf32, #tpu.memory_space<vmem>>, vector<1x1x16xf32>,
        %get3A_911 = vector.shape_cast %get3A_910 : vector<1x1x16xf32> to vector<16xf32>
        %add3A_912 = arith.addf %add3A_840, %get3A_911 : vector<16xf32>
        %add3A_913 = arith.constant 1 : i32
        %add3A_914 = arith.addi %mul3A_805, %add3A_913 : i32
        %get3A_915 = arith.constant 0 : i32
        %get3A_916 = arith.index_cast %get3A_915 : i32 to index
        %get3A_917 = arith.index_cast %add3A_914 : i32 to index
        %get3A_918 = arith.constant 64 : index
        %get3A_919 = tpu.vector_load %arg6[%get3A_916, %get3A_917, %get3A_918] {strides = array<i32>} : memref<4x200x128xf32, #tpu.memory_space<vmem>>, vector<1x1x16xf32>,
        %get3A_920 = vector.shape_cast %get3A_919 : vector<1x1x16xf32> to vector<16xf32>
        %add3A_921 = arith.addf %add3A_849, %get3A_920 : vector<16xf32>
        %add3A_922 = arith.constant 1 : i32
        %add3A_923 = arith.addi %mul3A_805, %add3A_922 : i32
        %get3A_924 = arith.constant 0 : i32
        %get3A_925 = arith.index_cast %get3A_924 : i32 to index
        %get3A_926 = arith.index_cast %add3A_923 : i32 to index
        %get3A_927 = arith.constant 80 : index
        %get3A_928 = tpu.vector_load %arg6[%get3A_925, %get3A_926, %get3A_927] {strides = array<i32>} : memref<4x200x128xf32, #tpu.memory_space<vmem>>, vector<1x1x16xf32>,
        %get3A_929 = vector.shape_cast %get3A_928 : vector<1x1x16xf32> to vector<16xf32>
        %add3A_930 = arith.addf %add3A_858, %get3A_929 : vector<16xf32>
        %add3A_931 = arith.constant 1 : i32
        %add3A_932 = arith.addi %mul3A_805, %add3A_931 : i32
        %get3A_933 = arith.constant 0 : i32
        %get3A_934 = arith.index_cast %get3A_933 : i32 to index
        %get3A_935 = arith.index_cast %add3A_932 : i32 to index
        %get3A_936 = arith.constant 96 : index
        %get3A_937 = tpu.vector_load %arg6[%get3A_934, %get3A_935, %get3A_936] {strides = array<i32>} : memref<4x200x128xf32, #tpu.memory_space<vmem>>, vector<1x1x16xf32>,
        %get3A_938 = vector.shape_cast %get3A_937 : vector<1x1x16xf32> to vector<16xf32>
        %add3A_939 = arith.addf %add3A_867, %get3A_938 : vector<16xf32>
        %add3A_940 = arith.constant 1 : i32
        %add3A_941 = arith.addi %mul3A_805, %add3A_940 : i32
        %get3A_942 = arith.constant 0 : i32
        %get3A_943 = arith.index_cast %get3A_942 : i32 to index
        %get3A_944 = arith.index_cast %add3A_941 : i32 to index
        %get3A_945 = arith.constant 112 : index
        %get3A_946 = tpu.vector_load %arg6[%get3A_943, %get3A_944, %get3A_945] {strides = array<i32>} : memref<4x200x128xf32, #tpu.memory_space<vmem>>, vector<1x1x16xf32>,
        %get3A_947 = vector.shape_cast %get3A_946 : vector<1x1x16xf32> to vector<16xf32>
        %add3A_948 = arith.addf %add3A_876, %get3A_947 : vector<16xf32>
        %add3A_949 = arith.constant 2 : i32
        %add3A_950 = arith.addi %mul3A_805, %add3A_949 : i32
        %get3A_951 = arith.constant 0 : i32
        %get3A_952 = arith.index_cast %get3A_951 : i32 to index
        %get3A_953 = arith.index_cast %add3A_950 : i32 to index
        %get3A_954 = arith.constant 0 : index
        %get3A_955 = tpu.vector_load %arg6[%get3A_952, %get3A_953, %get3A_954] {strides = array<i32>} : memref<4x200x128xf32, #tpu.memory_space<vmem>>, vector<1x1x16xf32>,
        %get3A_956 = vector.shape_cast %get3A_955 : vector<1x1x16xf32> to vector<16xf32>
        %add3A_957 = arith.addf %add3A_885, %get3A_956 : vector<16xf32>
        %add3A_958 = arith.constant 2 : i32
        %add3A_959 = arith.addi %mul3A_805, %add3A_958 : i32
        %get3A_960 = arith.constant 0 : i32
        %get3A_961 = arith.index_cast %get3A_960 : i32 to index
        %get3A_962 = arith.index_cast %add3A_959 : i32 to index
        %get3A_963 = arith.constant 16 : index
        %get3A_964 = tpu.vector_load %arg6[%get3A_961, %get3A_962, %get3A_963] {strides = array<i32>} : memref<4x200x128xf32, #tpu.memory_space<vmem>>, vector<1x1x16xf32>,
        %get3A_965 = vector.shape_cast %get3A_964 : vector<1x1x16xf32> to vector<16xf32>
        %add3A_966 = arith.addf %add3A_894, %get3A_965 : vector<16xf32>
        %add3A_967 = arith.constant 2 : i32
        %add3A_968 = arith.addi %mul3A_805, %add3A_967 : i32
        %get3A_969 = arith.constant 0 : i32
        %get3A_970 = arith.index_cast %get3A_969 : i32 to index
        %get3A_971 = arith.index_cast %add3A_968 : i32 to index
        %get3A_972 = arith.constant 32 : index
        %get3A_973 = tpu.vector_load %arg6[%get3A_970, %get3A_971, %get3A_972] {strides = array<i32>} : memref<4x200x128xf32, #tpu.memory_space<vmem>>, vector<1x1x16xf32>,
        %get3A_974 = vector.shape_cast %get3A_973 : vector<1x1x16xf32> to vector<16xf32>
        %add3A_975 = arith.addf %add3A_903, %get3A_974 : vector<16xf32>
        %add3A_976 = arith.constant 2 : i32
        %add3A_977 = arith.addi %mul3A_805, %add3A_976 : i32
        %get3A_978 = arith.constant 0 : i32
        %get3A_979 = arith.index_cast %get3A_978 : i32 to index
        %get3A_980 = arith.index_cast %add3A_977 : i32 to index
        %get3A_981 = arith.constant 48 : index
        %get3A_982 = tpu.vector_load %arg6[%get3A_979, %get3A_980, %get3A_981] {strides = array<i32>} : memref<4x200x128xf32, #tpu.memory_space<vmem>>, vector<1x1x16xf32>,
        %get3A_983 = vector.shape_cast %get3A_982 : vector<1x1x16xf32> to vector<16xf32>
        %add3A_984 = arith.addf %add3A_912, %get3A_983 : vector<16xf32>
        %add3A_985 = arith.constant 2 : i32
        %add3A_986 = arith.addi %mul3A_805, %add3A_985 : i32
        %get3A_987 = arith.constant 0 : i32
        %get3A_988 = arith.index_cast %get3A_987 : i32 to index
        %get3A_989 = arith.index_cast %add3A_986 : i32 to index
        %get3A_990 = arith.constant 64 : index
        %get3A_991 = tpu.vector_load %arg6[%get3A_988, %get3A_989, %get3A_990] {strides = array<i32>} : memref<4x200x128xf32, #tpu.memory_space<vmem>>, vector<1x1x16xf32>,
        %get3A_992 = vector.shape_cast %get3A_991 : vector<1x1x16xf32> to vector<16xf32>
        %add3A_993 = arith.addf %add3A_921, %get3A_992 : vector<16xf32>
        %add3A_994 = arith.constant 2 : i32
        %add3A_995 = arith.addi %mul3A_805, %add3A_994 : i32
        %get3A_996 = arith.constant 0 : i32
        %get3A_997 = arith.index_cast %get3A_996 : i32 to index
        %get3A_998 = arith.index_cast %add3A_995 : i32 to index
        %get3A_999 = arith.constant 80 : index
        %get3A_1000 = tpu.vector_load %arg6[%get3A_997, %get3A_998, %get3A_999] {strides = array<i32>} : memref<4x200x128xf32, #tpu.memory_space<vmem>>, vector<1x1x16xf32>,
        %get3A_1001 = vector.shape_cast %get3A_1000 : vector<1x1x16xf32> to vector<16xf32>
        %add3A_1002 = arith.addf %add3A_930, %get3A_1001 : vector<16xf32>
        %add3A_1003 = arith.constant 2 : i32
        %add3A_1004 = arith.addi %mul3A_805, %add3A_1003 : i32
        %get3A_1005 = arith.constant 0 : i32
        %get3A_1006 = arith.index_cast %get3A_1005 : i32 to index
        %get3A_1007 = arith.index_cast %add3A_1004 : i32 to index
        %get3A_1008 = arith.constant 96 : index
        %get3A_1009 = tpu.vector_load %arg6[%get3A_1006, %get3A_1007, %get3A_1008] {strides = array<i32>} : memref<4x200x128xf32, #tpu.memory_space<vmem>>, vector<1x1x16xf32>,
        %get3A_1010 = vector.shape_cast %get3A_1009 : vector<1x1x16xf32> to vector<16xf32>
        %add3A_1011 = arith.addf %add3A_939, %get3A_1010 : vector<16xf32>
        %add3A_1012 = arith.constant 2 : i32
        %add3A_1013 = arith.addi %mul3A_805, %add3A_1012 : i32
        %get3A_1014 = arith.constant 0 : i32
        %get3A_1015 = arith.index_cast %get3A_1014 : i32 to index
        %get3A_1016 = arith.index_cast %add3A_1013 : i32 to index
        %get3A_1017 = arith.constant 112 : index
        %get3A_1018 = tpu.vector_load %arg6[%get3A_1015, %get3A_1016, %get3A_1017] {strides = array<i32>} : memref<4x200x128xf32, #tpu.memory_space<vmem>>, vector<1x1x16xf32>,
        %get3A_1019 = vector.shape_cast %get3A_1018 : vector<1x1x16xf32> to vector<16xf32>
        %add3A_1020 = arith.addf %add3A_948, %get3A_1019 : vector<16xf32>
        %add3A_1021 = arith.constant 3 : i32
        %add3A_1022 = arith.addi %mul3A_805, %add3A_1021 : i32
        %get3A_1023 = arith.constant 0 : i32
        %get3A_1024 = arith.index_cast %get3A_1023 : i32 to index
        %get3A_1025 = arith.index_cast %add3A_1022 : i32 to index
        %get3A_1026 = arith.constant 0 : index
        %get3A_1027 = tpu.vector_load %arg6[%get3A_1024, %get3A_1025, %get3A_1026] {strides = array<i32>} : memref<4x200x128xf32, #tpu.memory_space<vmem>>, vector<1x1x16xf32>,
        %get3A_1028 = vector.shape_cast %get3A_1027 : vector<1x1x16xf32> to vector<16xf32>
        %add3A_1029 = arith.addf %add3A_957, %get3A_1028 : vector<16xf32>
        %add3A_1030 = arith.constant 3 : i32
        %add3A_1031 = arith.addi %mul3A_805, %add3A_1030 : i32
        %get3A_1032 = arith.constant 0 : i32
        %get3A_1033 = arith.index_cast %get3A_1032 : i32 to index
        %get3A_1034 = arith.index_cast %add3A_1031 : i32 to index
        %get3A_1035 = arith.constant 16 : index
        %get3A_1036 = tpu.vector_load %arg6[%get3A_1033, %get3A_1034, %get3A_1035] {strides = array<i32>} : memref<4x200x128xf32, #tpu.memory_space<vmem>>, vector<1x1x16xf32>,
        %get3A_1037 = vector.shape_cast %get3A_1036 : vector<1x1x16xf32> to vector<16xf32>
        %add3A_1038 = arith.addf %add3A_966, %get3A_1037 : vector<16xf32>
        %add3A_1039 = arith.constant 3 : i32
        %add3A_1040 = arith.addi %mul3A_805, %add3A_1039 : i32
        %get3A_1041 = arith.constant 0 : i32
        %get3A_1042 = arith.index_cast %get3A_1041 : i32 to index
        %get3A_1043 = arith.index_cast %add3A_1040 : i32 to index
        %get3A_1044 = arith.constant 32 : index
        %get3A_1045 = tpu.vector_load %arg6[%get3A_1042, %get3A_1043, %get3A_1044] {strides = array<i32>} : memref<4x200x128xf32, #tpu.memory_space<vmem>>, vector<1x1x16xf32>,
        %get3A_1046 = vector.shape_cast %get3A_1045 : vector<1x1x16xf32> to vector<16xf32>
        %add3A_1047 = arith.addf %add3A_975, %get3A_1046 : vector<16xf32>
        %add3A_1048 = arith.constant 3 : i32
        %add3A_1049 = arith.addi %mul3A_805, %add3A_1048 : i32
        %get3A_1050 = arith.constant 0 : i32
        %get3A_1051 = arith.index_cast %get3A_1050 : i32 to index
        %get3A_1052 = arith.index_cast %add3A_1049 : i32 to index
        %get3A_1053 = arith.constant 48 : index
        %get3A_1054 = tpu.vector_load %arg6[%get3A_1051, %get3A_1052, %get3A_1053] {strides = array<i32>} : memref<4x200x128xf32, #tpu.memory_space<vmem>>, vector<1x1x16xf32>,
        %get3A_1055 = vector.shape_cast %get3A_1054 : vector<1x1x16xf32> to vector<16xf32>
        %add3A_1056 = arith.addf %add3A_984, %get3A_1055 : vector<16xf32>
        %add3A_1057 = arith.constant 3 : i32
        %add3A_1058 = arith.addi %mul3A_805, %add3A_1057 : i32
        %get3A_1059 = arith.constant 0 : i32
        %get3A_1060 = arith.index_cast %get3A_1059 : i32 to index
        %get3A_1061 = arith.index_cast %add3A_1058 : i32 to index
        %get3A_1062 = arith.constant 64 : index
        %get3A_1063 = tpu.vector_load %arg6[%get3A_1060, %get3A_1061, %get3A_1062] {strides = array<i32>} : memref<4x200x128xf32, #tpu.memory_space<vmem>>, vector<1x1x16xf32>,
        %get3A_1064 = vector.shape_cast %get3A_1063 : vector<1x1x16xf32> to vector<16xf32>
        %add3A_1065 = arith.addf %add3A_993, %get3A_1064 : vector<16xf32>
        %add3A_1066 = arith.constant 3 : i32
        %add3A_1067 = arith.addi %mul3A_805, %add3A_1066 : i32
        %get3A_1068 = arith.constant 0 : i32
        %get3A_1069 = arith.index_cast %get3A_1068 : i32 to index
        %get3A_1070 = arith.index_cast %add3A_1067 : i32 to index
        %get3A_1071 = arith.constant 80 : index
        %get3A_1072 = tpu.vector_load %arg6[%get3A_1069, %get3A_1070, %get3A_1071] {strides = array<i32>} : memref<4x200x128xf32, #tpu.memory_space<vmem>>, vector<1x1x16xf32>,
        %get3A_1073 = vector.shape_cast %get3A_1072 : vector<1x1x16xf32> to vector<16xf32>
        %add3A_1074 = arith.addf %add3A_1002, %get3A_1073 : vector<16xf32>
        %add3A_1075 = arith.constant 3 : i32
        %add3A_1076 = arith.addi %mul3A_805, %add3A_1075 : i32
        %get3A_1077 = arith.constant 0 : i32
        %get3A_1078 = arith.index_cast %get3A_1077 : i32 to index
        %get3A_1079 = arith.index_cast %add3A_1076 : i32 to index
        %get3A_1080 = arith.constant 96 : index
        %get3A_1081 = tpu.vector_load %arg6[%get3A_1078, %get3A_1079, %get3A_1080] {strides = array<i32>} : memref<4x200x128xf32, #tpu.memory_space<vmem>>, vector<1x1x16xf32>,
        %get3A_1082 = vector.shape_cast %get3A_1081 : vector<1x1x16xf32> to vector<16xf32>
        %add3A_1083 = arith.addf %add3A_1011, %get3A_1082 : vector<16xf32>
        %add3A_1084 = arith.constant 3 : i32
        %add3A_1085 = arith.addi %mul3A_805, %add3A_1084 : i32
        %get3A_1086 = arith.constant 0 : i32
        %get3A_1087 = arith.index_cast %get3A_1086 : i32 to index
        %get3A_1088 = arith.index_cast %add3A_1085 : i32 to index
        %get3A_1089 = arith.constant 112 : index
        %get3A_1090 = tpu.vector_load %arg6[%get3A_1087, %get3A_1088, %get3A_1089] {strides = array<i32>} : memref<4x200x128xf32, #tpu.memory_space<vmem>>, vector<1x1x16xf32>,
        %get3A_1091 = vector.shape_cast %get3A_1090 : vector<1x1x16xf32> to vector<16xf32>
        %add3A_1092 = arith.addf %add3A_1020, %get3A_1091 : vector<16xf32>
        %add3A_1093 = arith.constant 4 : i32
        %add3A_1094 = arith.addi %mul3A_805, %add3A_1093 : i32
        %get3A_1095 = arith.constant 0 : i32
        %get3A_1096 = arith.index_cast %get3A_1095 : i32 to index
        %get3A_1097 = arith.index_cast %add3A_1094 : i32 to index
        %get3A_1098 = arith.constant 0 : index
        %get3A_1099 = tpu.vector_load %arg6[%get3A_1096, %get3A_1097, %get3A_1098] {strides = array<i32>} : memref<4x200x128xf32, #tpu.memory_space<vmem>>, vector<1x1x16xf32>,
        %get3A_1100 = vector.shape_cast %get3A_1099 : vector<1x1x16xf32> to vector<16xf32>
        %add3A_1101 = arith.addf %add3A_1029, %get3A_1100 : vector<16xf32>
        %add3A_1102 = arith.constant 4 : i32
        %add3A_1103 = arith.addi %mul3A_805, %add3A_1102 : i32
        %get3A_1104 = arith.constant 0 : i32
        %get3A_1105 = arith.index_cast %get3A_1104 : i32 to index
        %get3A_1106 = arith.index_cast %add3A_1103 : i32 to index
        %get3A_1107 = arith.constant 16 : index
        %get3A_1108 = tpu.vector_load %arg6[%get3A_1105, %get3A_1106, %get3A_1107] {strides = array<i32>} : memref<4x200x128xf32, #tpu.memory_space<vmem>>, vector<1x1x16xf32>,
        %get3A_1109 = vector.shape_cast %get3A_1108 : vector<1x1x16xf32> to vector<16xf32>
        %add3A_1110 = arith.addf %add3A_1038, %get3A_1109 : vector<16xf32>
        %add3A_1111 = arith.constant 4 : i32
        %add3A_1112 = arith.addi %mul3A_805, %add3A_1111 : i32
        %get3A_1113 = arith.constant 0 : i32
        %get3A_1114 = arith.index_cast %get3A_1113 : i32 to index
        %get3A_1115 = arith.index_cast %add3A_1112 : i32 to index
        %get3A_1116 = arith.constant 32 : index
        %get3A_1117 = tpu.vector_load %arg6[%get3A_1114, %get3A_1115, %get3A_1116] {strides = array<i32>} : memref<4x200x128xf32, #tpu.memory_space<vmem>>, vector<1x1x16xf32>,
        %get3A_1118 = vector.shape_cast %get3A_1117 : vector<1x1x16xf32> to vector<16xf32>
        %add3A_1119 = arith.addf %add3A_1047, %get3A_1118 : vector<16xf32>
        %add3A_1120 = arith.constant 4 : i32
        %add3A_1121 = arith.addi %mul3A_805, %add3A_1120 : i32
        %get3A_1122 = arith.constant 0 : i32
        %get3A_1123 = arith.index_cast %get3A_1122 : i32 to index
        %get3A_1124 = arith.index_cast %add3A_1121 : i32 to index
        %get3A_1125 = arith.constant 48 : index
        %get3A_1126 = tpu.vector_load %arg6[%get3A_1123, %get3A_1124, %get3A_1125] {strides = array<i32>} : memref<4x200x128xf32, #tpu.memory_space<vmem>>, vector<1x1x16xf32>,
        %get3A_1127 = vector.shape_cast %get3A_1126 : vector<1x1x16xf32> to vector<16xf32>
        %add3A_1128 = arith.addf %add3A_1056, %get3A_1127 : vector<16xf32>
        %add3A_1129 = arith.constant 4 : i32
        %add3A_1130 = arith.addi %mul3A_805, %add3A_1129 : i32
        %get3A_1131 = arith.constant 0 : i32
        %get3A_1132 = arith.index_cast %get3A_1131 : i32 to index
        %get3A_1133 = arith.index_cast %add3A_1130 : i32 to index
        %get3A_1134 = arith.constant 64 : index
        %get3A_1135 = tpu.vector_load %arg6[%get3A_1132, %get3A_1133, %get3A_1134] {strides = array<i32>} : memref<4x200x128xf32, #tpu.memory_space<vmem>>, vector<1x1x16xf32>,
        %get3A_1136 = vector.shape_cast %get3A_1135 : vector<1x1x16xf32> to vector<16xf32>
        %add3A_1137 = arith.addf %add3A_1065, %get3A_1136 : vector<16xf32>
        %add3A_1138 = arith.constant 4 : i32
        %add3A_1139 = arith.addi %mul3A_805, %add3A_1138 : i32
        %get3A_1140 = arith.constant 0 : i32
        %get3A_1141 = arith.index_cast %get3A_1140 : i32 to index
        %get3A_1142 = arith.index_cast %add3A_1139 : i32 to index
        %get3A_1143 = arith.constant 80 : index
        %get3A_1144 = tpu.vector_load %arg6[%get3A_1141, %get3A_1142, %get3A_1143] {strides = array<i32>} : memref<4x200x128xf32, #tpu.memory_space<vmem>>, vector<1x1x16xf32>,
        %get3A_1145 = vector.shape_cast %get3A_1144 : vector<1x1x16xf32> to vector<16xf32>
        %add3A_1146 = arith.addf %add3A_1074, %get3A_1145 : vector<16xf32>
        %add3A_1147 = arith.constant 4 : i32
        %add3A_1148 = arith.addi %mul3A_805, %add3A_1147 : i32
        %get3A_1149 = arith.constant 0 : i32
        %get3A_1150 = arith.index_cast %get3A_1149 : i32 to index
        %get3A_1151 = arith.index_cast %add3A_1148 : i32 to index
        %get3A_1152 = arith.constant 96 : index
        %get3A_1153 = tpu.vector_load %arg6[%get3A_1150, %get3A_1151, %get3A_1152] {strides = array<i32>} : memref<4x200x128xf32, #tpu.memory_space<vmem>>, vector<1x1x16xf32>,
        %get3A_1154 = vector.shape_cast %get3A_1153 : vector<1x1x16xf32> to vector<16xf32>
        %add3A_1155 = arith.addf %add3A_1083, %get3A_1154 : vector<16xf32>
        %add3A_1156 = arith.constant 4 : i32
        %add3A_1157 = arith.addi %mul3A_805, %add3A_1156 : i32
        %get3A_1158 = arith.constant 0 : i32
        %get3A_1159 = arith.index_cast %get3A_1158 : i32 to index
        %get3A_1160 = arith.index_cast %add3A_1157 : i32 to index
        %get3A_1161 = arith.constant 112 : index
        %get3A_1162 = tpu.vector_load %arg6[%get3A_1159, %get3A_1160, %get3A_1161] {strides = array<i32>} : memref<4x200x128xf32, #tpu.memory_space<vmem>>, vector<1x1x16xf32>,
        %get3A_1163 = vector.shape_cast %get3A_1162 : vector<1x1x16xf32> to vector<16xf32>
        %add3A_1164 = arith.addf %add3A_1092, %get3A_1163 : vector<16xf32>
        %add3A_1165 = arith.constant 5 : i32
        %add3A_1166 = arith.addi %mul3A_805, %add3A_1165 : i32
        %get3A_1167 = arith.constant 0 : i32
        %get3A_1168 = arith.index_cast %get3A_1167 : i32 to index
        %get3A_1169 = arith.index_cast %add3A_1166 : i32 to index
        %get3A_1170 = arith.constant 0 : index
        %get3A_1171 = tpu.vector_load %arg6[%get3A_1168, %get3A_1169, %get3A_1170] {strides = array<i32>} : memref<4x200x128xf32, #tpu.memory_space<vmem>>, vector<1x1x16xf32>,
        %get3A_1172 = vector.shape_cast %get3A_1171 : vector<1x1x16xf32> to vector<16xf32>
        %add3A_1173 = arith.addf %add3A_1101, %get3A_1172 : vector<16xf32>
        %add3A_1174 = arith.constant 5 : i32
        %add3A_1175 = arith.addi %mul3A_805, %add3A_1174 : i32
        %get3A_1176 = arith.constant 0 : i32
        %get3A_1177 = arith.index_cast %get3A_1176 : i32 to index
        %get3A_1178 = arith.index_cast %add3A_1175 : i32 to index
        %get3A_1179 = arith.constant 16 : index
        %get3A_1180 = tpu.vector_load %arg6[%get3A_1177, %get3A_1178, %get3A_1179] {strides = array<i32>} : memref<4x200x128xf32, #tpu.memory_space<vmem>>, vector<1x1x16xf32>,
        %get3A_1181 = vector.shape_cast %get3A_1180 : vector<1x1x16xf32> to vector<16xf32>
        %add3A_1182 = arith.addf %add3A_1110, %get3A_1181 : vector<16xf32>
        %add3A_1183 = arith.constant 5 : i32
        %add3A_1184 = arith.addi %mul3A_805, %add3A_1183 : i32
        %get3A_1185 = arith.constant 0 : i32
        %get3A_1186 = arith.index_cast %get3A_1185 : i32 to index
        %get3A_1187 = arith.index_cast %add3A_1184 : i32 to index
        %get3A_1188 = arith.constant 32 : index
        %get3A_1189 = tpu.vector_load %arg6[%get3A_1186, %get3A_1187, %get3A_1188] {strides = array<i32>} : memref<4x200x128xf32, #tpu.memory_space<vmem>>, vector<1x1x16xf32>,
        %get3A_1190 = vector.shape_cast %get3A_1189 : vector<1x1x16xf32> to vector<16xf32>
        %add3A_1191 = arith.addf %add3A_1119, %get3A_1190 : vector<16xf32>
        %add3A_1192 = arith.constant 5 : i32
        %add3A_1193 = arith.addi %mul3A_805, %add3A_1192 : i32
        %get3A_1194 = arith.constant 0 : i32
        %get3A_1195 = arith.index_cast %get3A_1194 : i32 to index
        %get3A_1196 = arith.index_cast %add3A_1193 : i32 to index
        %get3A_1197 = arith.constant 48 : index
        %get3A_1198 = tpu.vector_load %arg6[%get3A_1195, %get3A_1196, %get3A_1197] {strides = array<i32>} : memref<4x200x128xf32, #tpu.memory_space<vmem>>, vector<1x1x16xf32>,
        %get3A_1199 = vector.shape_cast %get3A_1198 : vector<1x1x16xf32> to vector<16xf32>
        %add3A_1200 = arith.addf %add3A_1128, %get3A_1199 : vector<16xf32>
        %add3A_1201 = arith.constant 5 : i32
        %add3A_1202 = arith.addi %mul3A_805, %add3A_1201 : i32
        %get3A_1203 = arith.constant 0 : i32
        %get3A_1204 = arith.index_cast %get3A_1203 : i32 to index
        %get3A_1205 = arith.index_cast %add3A_1202 : i32 to index
        %get3A_1206 = arith.constant 64 : index
        %get3A_1207 = tpu.vector_load %arg6[%get3A_1204, %get3A_1205, %get3A_1206] {strides = array<i32>} : memref<4x200x128xf32, #tpu.memory_space<vmem>>, vector<1x1x16xf32>,
        %get3A_1208 = vector.shape_cast %get3A_1207 : vector<1x1x16xf32> to vector<16xf32>
        %add3A_1209 = arith.addf %add3A_1137, %get3A_1208 : vector<16xf32>
        %add3A_1210 = arith.constant 5 : i32
        %add3A_1211 = arith.addi %mul3A_805, %add3A_1210 : i32
        %get3A_1212 = arith.constant 0 : i32
        %get3A_1213 = arith.index_cast %get3A_1212 : i32 to index
        %get3A_1214 = arith.index_cast %add3A_1211 : i32 to index
        %get3A_1215 = arith.constant 80 : index
        %get3A_1216 = tpu.vector_load %arg6[%get3A_1213, %get3A_1214, %get3A_1215] {strides = array<i32>} : memref<4x200x128xf32, #tpu.memory_space<vmem>>, vector<1x1x16xf32>,
        %get3A_1217 = vector.shape_cast %get3A_1216 : vector<1x1x16xf32> to vector<16xf32>
        %add3A_1218 = arith.addf %add3A_1146, %get3A_1217 : vector<16xf32>
        %add3A_1219 = arith.constant 5 : i32
        %add3A_1220 = arith.addi %mul3A_805, %add3A_1219 : i32
        %get3A_1221 = arith.constant 0 : i32
        %get3A_1222 = arith.index_cast %get3A_1221 : i32 to index
        %get3A_1223 = arith.index_cast %add3A_1220 : i32 to index
        %get3A_1224 = arith.constant 96 : index
        %get3A_1225 = tpu.vector_load %arg6[%get3A_1222, %get3A_1223, %get3A_1224] {strides = array<i32>} : memref<4x200x128xf32, #tpu.memory_space<vmem>>, vector<1x1x16xf32>,
        %get3A_1226 = vector.shape_cast %get3A_1225 : vector<1x1x16xf32> to vector<16xf32>
        %add3A_1227 = arith.addf %add3A_1155, %get3A_1226 : vector<16xf32>
        %add3A_1228 = arith.constant 5 : i32
        %add3A_1229 = arith.addi %mul3A_805, %add3A_1228 : i32
        %get3A_1230 = arith.constant 0 : i32
        %get3A_1231 = arith.index_cast %get3A_1230 : i32 to index
        %get3A_1232 = arith.index_cast %add3A_1229 : i32 to index
        %get3A_1233 = arith.constant 112 : index
        %get3A_1234 = tpu.vector_load %arg6[%get3A_1231, %get3A_1232, %get3A_1233] {strides = array<i32>} : memref<4x200x128xf32, #tpu.memory_space<vmem>>, vector<1x1x16xf32>,
        %get3A_1235 = vector.shape_cast %get3A_1234 : vector<1x1x16xf32> to vector<16xf32>
        %add3A_1236 = arith.addf %add3A_1164, %get3A_1235 : vector<16xf32>
        %add3A_1237 = arith.constant 6 : i32
        %add3A_1238 = arith.addi %mul3A_805, %add3A_1237 : i32
        %get3A_1239 = arith.constant 0 : i32
        %get3A_1240 = arith.index_cast %get3A_1239 : i32 to index
        %get3A_1241 = arith.index_cast %add3A_1238 : i32 to index
        %get3A_1242 = arith.constant 0 : index
        %get3A_1243 = tpu.vector_load %arg6[%get3A_1240, %get3A_1241, %get3A_1242] {strides = array<i32>} : memref<4x200x128xf32, #tpu.memory_space<vmem>>, vector<1x1x16xf32>,
        %get3A_1244 = vector.shape_cast %get3A_1243 : vector<1x1x16xf32> to vector<16xf32>
        %add3A_1245 = arith.addf %add3A_1173, %get3A_1244 : vector<16xf32>
        %add3A_1246 = arith.constant 6 : i32
        %add3A_1247 = arith.addi %mul3A_805, %add3A_1246 : i32
        %get3A_1248 = arith.constant 0 : i32
        %get3A_1249 = arith.index_cast %get3A_1248 : i32 to index
        %get3A_1250 = arith.index_cast %add3A_1247 : i32 to index
        %get3A_1251 = arith.constant 16 : index
        %get3A_1252 = tpu.vector_load %arg6[%get3A_1249, %get3A_1250, %get3A_1251] {strides = array<i32>} : memref<4x200x128xf32, #tpu.memory_space<vmem>>, vector<1x1x16xf32>,
        %get3A_1253 = vector.shape_cast %get3A_1252 : vector<1x1x16xf32> to vector<16xf32>
        %add3A_1254 = arith.addf %add3A_1182, %get3A_1253 : vector<16xf32>
        %add3A_1255 = arith.constant 6 : i32
        %add3A_1256 = arith.addi %mul3A_805, %add3A_1255 : i32
        %get3A_1257 = arith.constant 0 : i32
        %get3A_1258 = arith.index_cast %get3A_1257 : i32 to index
        %get3A_1259 = arith.index_cast %add3A_1256 : i32 to index
        %get3A_1260 = arith.constant 32 : index
        %get3A_1261 = tpu.vector_load %arg6[%get3A_1258, %get3A_1259, %get3A_1260] {strides = array<i32>} : memref<4x200x128xf32, #tpu.memory_space<vmem>>, vector<1x1x16xf32>,
        %get3A_1262 = vector.shape_cast %get3A_1261 : vector<1x1x16xf32> to vector<16xf32>
        %add3A_1263 = arith.addf %add3A_1191, %get3A_1262 : vector<16xf32>
        %add3A_1264 = arith.constant 6 : i32
        %add3A_1265 = arith.addi %mul3A_805, %add3A_1264 : i32
        %get3A_1266 = arith.constant 0 : i32
        %get3A_1267 = arith.index_cast %get3A_1266 : i32 to index
        %get3A_1268 = arith.index_cast %add3A_1265 : i32 to index
        %get3A_1269 = arith.constant 48 : index
        %get3A_1270 = tpu.vector_load %arg6[%get3A_1267, %get3A_1268, %get3A_1269] {strides = array<i32>} : memref<4x200x128xf32, #tpu.memory_space<vmem>>, vector<1x1x16xf32>,
        %get3A_1271 = vector.shape_cast %get3A_1270 : vector<1x1x16xf32> to vector<16xf32>
        %add3A_1272 = arith.addf %add3A_1200, %get3A_1271 : vector<16xf32>
        %add3A_1273 = arith.constant 6 : i32
        %add3A_1274 = arith.addi %mul3A_805, %add3A_1273 : i32
        %get3A_1275 = arith.constant 0 : i32
        %get3A_1276 = arith.index_cast %get3A_1275 : i32 to index
        %get3A_1277 = arith.index_cast %add3A_1274 : i32 to index
        %get3A_1278 = arith.constant 64 : index
        %get3A_1279 = tpu.vector_load %arg6[%get3A_1276, %get3A_1277, %get3A_1278] {strides = array<i32>} : memref<4x200x128xf32, #tpu.memory_space<vmem>>, vector<1x1x16xf32>,
        %get3A_1280 = vector.shape_cast %get3A_1279 : vector<1x1x16xf32> to vector<16xf32>
        %add3A_1281 = arith.addf %add3A_1209, %get3A_1280 : vector<16xf32>
        %add3A_1282 = arith.constant 6 : i32
        %add3A_1283 = arith.addi %mul3A_805, %add3A_1282 : i32
        %get3A_1284 = arith.constant 0 : i32
        %get3A_1285 = arith.index_cast %get3A_1284 : i32 to index
        %get3A_1286 = arith.index_cast %add3A_1283 : i32 to index
        %get3A_1287 = arith.constant 80 : index
        %get3A_1288 = tpu.vector_load %arg6[%get3A_1285, %get3A_1286, %get3A_1287] {strides = array<i32>} : memref<4x200x128xf32, #tpu.memory_space<vmem>>, vector<1x1x16xf32>,
        %get3A_1289 = vector.shape_cast %get3A_1288 : vector<1x1x16xf32> to vector<16xf32>
        %add3A_1290 = arith.addf %add3A_1218, %get3A_1289 : vector<16xf32>
        %add3A_1291 = arith.constant 6 : i32
        %add3A_1292 = arith.addi %mul3A_805, %add3A_1291 : i32
        %get3A_1293 = arith.constant 0 : i32
        %get3A_1294 = arith.index_cast %get3A_1293 : i32 to index
        %get3A_1295 = arith.index_cast %add3A_1292 : i32 to index
        %get3A_1296 = arith.constant 96 : index
        %get3A_1297 = tpu.vector_load %arg6[%get3A_1294, %get3A_1295, %get3A_1296] {strides = array<i32>} : memref<4x200x128xf32, #tpu.memory_space<vmem>>, vector<1x1x16xf32>,
        %get3A_1298 = vector.shape_cast %get3A_1297 : vector<1x1x16xf32> to vector<16xf32>
        %add3A_1299 = arith.addf %add3A_1227, %get3A_1298 : vector<16xf32>
        %add3A_1300 = arith.constant 6 : i32
        %add3A_1301 = arith.addi %mul3A_805, %add3A_1300 : i32
        %get3A_1302 = arith.constant 0 : i32
        %get3A_1303 = arith.index_cast %get3A_1302 : i32 to index
        %get3A_1304 = arith.index_cast %add3A_1301 : i32 to index
        %get3A_1305 = arith.constant 112 : index
        %get3A_1306 = tpu.vector_load %arg6[%get3A_1303, %get3A_1304, %get3A_1305] {strides = array<i32>} : memref<4x200x128xf32, #tpu.memory_space<vmem>>, vector<1x1x16xf32>,
        %get3A_1307 = vector.shape_cast %get3A_1306 : vector<1x1x16xf32> to vector<16xf32>
        %add3A_1308 = arith.addf %add3A_1236, %get3A_1307 : vector<16xf32>
        %add3A_1309 = arith.constant 7 : i32
        %add3A_1310 = arith.addi %mul3A_805, %add3A_1309 : i32
        %get3A_1311 = arith.constant 0 : i32
        %get3A_1312 = arith.index_cast %get3A_1311 : i32 to index
        %get3A_1313 = arith.index_cast %add3A_1310 : i32 to index
        %get3A_1314 = arith.constant 0 : index
        %get3A_1315 = tpu.vector_load %arg6[%get3A_1312, %get3A_1313, %get3A_1314] {strides = array<i32>} : memref<4x200x128xf32, #tpu.memory_space<vmem>>, vector<1x1x16xf32>,
        %get3A_1316 = vector.shape_cast %get3A_1315 : vector<1x1x16xf32> to vector<16xf32>
        %add3A_1317 = arith.addf %add3A_1245, %get3A_1316 : vector<16xf32>
        %add3A_1318 = arith.constant 7 : i32
        %add3A_1319 = arith.addi %mul3A_805, %add3A_1318 : i32
        %get3A_1320 = arith.constant 0 : i32
        %get3A_1321 = arith.index_cast %get3A_1320 : i32 to index
        %get3A_1322 = arith.index_cast %add3A_1319 : i32 to index
        %get3A_1323 = arith.constant 16 : index
        %get3A_1324 = tpu.vector_load %arg6[%get3A_1321, %get3A_1322, %get3A_1323] {strides = array<i32>} : memref<4x200x128xf32, #tpu.memory_space<vmem>>, vector<1x1x16xf32>,
        %get3A_1325 = vector.shape_cast %get3A_1324 : vector<1x1x16xf32> to vector<16xf32>
        %add3A_1326 = arith.addf %add3A_1254, %get3A_1325 : vector<16xf32>
        %add3A_1327 = arith.constant 7 : i32
        %add3A_1328 = arith.addi %mul3A_805, %add3A_1327 : i32
        %get3A_1329 = arith.constant 0 : i32
        %get3A_1330 = arith.index_cast %get3A_1329 : i32 to index
        %get3A_1331 = arith.index_cast %add3A_1328 : i32 to index
        %get3A_1332 = arith.constant 32 : index
        %get3A_1333 = tpu.vector_load %arg6[%get3A_1330, %get3A_1331, %get3A_1332] {strides = array<i32>} : memref<4x200x128xf32, #tpu.memory_space<vmem>>, vector<1x1x16xf32>,
        %get3A_1334 = vector.shape_cast %get3A_1333 : vector<1x1x16xf32> to vector<16xf32>
        %add3A_1335 = arith.addf %add3A_1263, %get3A_1334 : vector<16xf32>
        %add3A_1336 = arith.constant 7 : i32
        %add3A_1337 = arith.addi %mul3A_805, %add3A_1336 : i32
        %get3A_1338 = arith.constant 0 : i32
        %get3A_1339 = arith.index_cast %get3A_1338 : i32 to index
        %get3A_1340 = arith.index_cast %add3A_1337 : i32 to index
        %get3A_1341 = arith.constant 48 : index
        %get3A_1342 = tpu.vector_load %arg6[%get3A_1339, %get3A_1340, %get3A_1341] {strides = array<i32>} : memref<4x200x128xf32, #tpu.memory_space<vmem>>, vector<1x1x16xf32>,
        %get3A_1343 = vector.shape_cast %get3A_1342 : vector<1x1x16xf32> to vector<16xf32>
        %add3A_1344 = arith.addf %add3A_1272, %get3A_1343 : vector<16xf32>
        %add3A_1345 = arith.constant 7 : i32
        %add3A_1346 = arith.addi %mul3A_805, %add3A_1345 : i32
        %get3A_1347 = arith.constant 0 : i32
        %get3A_1348 = arith.index_cast %get3A_1347 : i32 to index
        %get3A_1349 = arith.index_cast %add3A_1346 : i32 to index
        %get3A_1350 = arith.constant 64 : index
        %get3A_1351 = tpu.vector_load %arg6[%get3A_1348, %get3A_1349, %get3A_1350] {strides = array<i32>} : memref<4x200x128xf32, #tpu.memory_space<vmem>>, vector<1x1x16xf32>,
        %get3A_1352 = vector.shape_cast %get3A_1351 : vector<1x1x16xf32> to vector<16xf32>
        %add3A_1353 = arith.addf %add3A_1281, %get3A_1352 : vector<16xf32>
        %add3A_1354 = arith.constant 7 : i32
        %add3A_1355 = arith.addi %mul3A_805, %add3A_1354 : i32
        %get3A_1356 = arith.constant 0 : i32
        %get3A_1357 = arith.index_cast %get3A_1356 : i32 to index
        %get3A_1358 = arith.index_cast %add3A_1355 : i32 to index
        %get3A_1359 = arith.constant 80 : index
        %get3A_1360 = tpu.vector_load %arg6[%get3A_1357, %get3A_1358, %get3A_1359] {strides = array<i32>} : memref<4x200x128xf32, #tpu.memory_space<vmem>>, vector<1x1x16xf32>,
        %get3A_1361 = vector.shape_cast %get3A_1360 : vector<1x1x16xf32> to vector<16xf32>
        %add3A_1362 = arith.addf %add3A_1290, %get3A_1361 : vector<16xf32>
        %add3A_1363 = arith.constant 7 : i32
        %add3A_1364 = arith.addi %mul3A_805, %add3A_1363 : i32
        %get3A_1365 = arith.constant 0 : i32
        %get3A_1366 = arith.index_cast %get3A_1365 : i32 to index
        %get3A_1367 = arith.index_cast %add3A_1364 : i32 to index
        %get3A_1368 = arith.constant 96 : index
        %get3A_1369 = tpu.vector_load %arg6[%get3A_1366, %get3A_1367, %get3A_1368] {strides = array<i32>} : memref<4x200x128xf32, #tpu.memory_space<vmem>>, vector<1x1x16xf32>,
        %get3A_1370 = vector.shape_cast %get3A_1369 : vector<1x1x16xf32> to vector<16xf32>
        %add3A_1371 = arith.addf %add3A_1299, %get3A_1370 : vector<16xf32>
        %add3A_1372 = arith.constant 7 : i32
        %add3A_1373 = arith.addi %mul3A_805, %add3A_1372 : i32
        %get3A_1374 = arith.constant 0 : i32
        %get3A_1375 = arith.index_cast %get3A_1374 : i32 to index
        %get3A_1376 = arith.index_cast %add3A_1373 : i32 to index
        %get3A_1377 = arith.constant 112 : index
        %get3A_1378 = tpu.vector_load %arg6[%get3A_1375, %get3A_1376, %get3A_1377] {strides = array<i32>} : memref<4x200x128xf32, #tpu.memory_space<vmem>>, vector<1x1x16xf32>,
        %get3A_1379 = vector.shape_cast %get3A_1378 : vector<1x1x16xf32> to vector<16xf32>
        %add3A_1380 = arith.addf %add3A_1308, %get3A_1379 : vector<16xf32>
        scf.yield %add3A_1317, %add3A_1326, %add3A_1335, %add3A_1344, %add3A_1353, %add3A_1362, %add3A_1371, %add3A_1380 : vector<16xf32>, vector<16xf32>, vector<16xf32>, vector<16xf32>, vector<16xf32>, vector<16xf32>, vector<16xf32>, vector<16xf32>
      }
      %scan3A_334 = arith.constant 25 : i32
      %swap3A = arith.index_cast %select_n3A_276 : i32 to index
      %swap3A_335 = arith.constant 0 : index
      %swap3A_336 = tpu.vector_load %arg7[%swap3A, %swap3A_335] {strides = array<i32>} : memref<4x128xf32, #tpu.memory_space<vmem>>, vector<1x16xf32>,
      %swap3A_337 = vector.shape_cast %swap3A_336 : vector<1x16xf32> to vector<16xf32>
      %swap3A_338 = vector.shape_cast %scan3A_333#0 : vector<16xf32> to vector<1x16xf32>
      tpu.vector_store %arg7[%swap3A, %swap3A_335], %swap3A_338 {strides = array<i32>} : memref<4x128xf32, #tpu.memory_space<vmem>>, vector<1x16xf32>,
      %swap3A_339 = arith.index_cast %select_n3A_276 : i32 to index
      %swap3A_340 = arith.constant 16 : index
      %swap3A_341 = tpu.vector_load %arg7[%swap3A_339, %swap3A_340] {strides = array<i32>} : memref<4x128xf32, #tpu.memory_space<vmem>>, vector<1x16xf32>,
      %swap3A_342 = vector.shape_cast %swap3A_341 : vector<1x16xf32> to vector<16xf32>
      %swap3A_343 = vector.shape_cast %scan3A_333#1 : vector<16xf32> to vector<1x16xf32>
      tpu.vector_store %arg7[%swap3A_339, %swap3A_340], %swap3A_343 {strides = array<i32>} : memref<4x128xf32, #tpu.memory_space<vmem>>, vector<1x16xf32>,
      %swap3A_344 = arith.index_cast %select_n3A_276 : i32 to index
      %swap3A_345 = arith.constant 32 : index
      %swap3A_346 = tpu.vector_load %arg7[%swap3A_344, %swap3A_345] {strides = array<i32>} : memref<4x128xf32, #tpu.memory_space<vmem>>, vector<1x16xf32>,
      %swap3A_347 = vector.shape_cast %swap3A_346 : vector<1x16xf32> to vector<16xf32>
      %swap3A_348 = vector.shape_cast %scan3A_333#2 : vector<16xf32> to vector<1x16xf32>
      tpu.vector_store %arg7[%swap3A_344, %swap3A_345], %swap3A_348 {strides = array<i32>} : memref<4x128xf32, #tpu.memory_space<vmem>>, vector<1x16xf32>,
      %swap3A_349 = arith.index_cast %select_n3A_276 : i32 to index
      %swap3A_350 = arith.constant 48 : index
      %swap3A_351 = tpu.vector_load %arg7[%swap3A_349, %swap3A_350] {strides = array<i32>} : memref<4x128xf32, #tpu.memory_space<vmem>>, vector<1x16xf32>,
      %swap3A_352 = vector.shape_cast %swap3A_351 : vector<1x16xf32> to vector<16xf32>
      %swap3A_353 = vector.shape_cast %scan3A_333#3 : vector<16xf32> to vector<1x16xf32>
      tpu.vector_store %arg7[%swap3A_349, %swap3A_350], %swap3A_353 {strides = array<i32>} : memref<4x128xf32, #tpu.memory_space<vmem>>, vector<1x16xf32>,
      %swap3A_354 = arith.index_cast %select_n3A_276 : i32 to index
      %swap3A_355 = arith.constant 64 : index
      %swap3A_356 = tpu.vector_load %arg7[%swap3A_354, %swap3A_355] {strides = array<i32>} : memref<4x128xf32, #tpu.memory_space<vmem>>, vector<1x16xf32>,
      %swap3A_357 = vector.shape_cast %swap3A_356 : vector<1x16xf32> to vector<16xf32>
      %swap3A_358 = vector.shape_cast %scan3A_333#4 : vector<16xf32> to vector<1x16xf32>
      tpu.vector_store %arg7[%swap3A_354, %swap3A_355], %swap3A_358 {strides = array<i32>} : memref<4x128xf32, #tpu.memory_space<vmem>>, vector<1x16xf32>,
      %swap3A_359 = arith.index_cast %select_n3A_276 : i32 to index
      %swap3A_360 = arith.constant 80 : index
      %swap3A_361 = tpu.vector_load %arg7[%swap3A_359, %swap3A_360] {strides = array<i32>} : memref<4x128xf32, #tpu.memory_space<vmem>>, vector<1x16xf32>,
      %swap3A_362 = vector.shape_cast %swap3A_361 : vector<1x16xf32> to vector<16xf32>
      %swap3A_363 = vector.shape_cast %scan3A_333#5 : vector<16xf32> to vector<1x16xf32>
      tpu.vector_store %arg7[%swap3A_359, %swap3A_360], %swap3A_363 {strides = array<i32>} : memref<4x128xf32, #tpu.memory_space<vmem>>, vector<1x16xf32>,
      %swap3A_364 = arith.index_cast %select_n3A_276 : i32 to index
      %swap3A_365 = arith.constant 96 : index
      %swap3A_366 = tpu.vector_load %arg7[%swap3A_364, %swap3A_365] {strides = array<i32>} : memref<4x128xf32, #tpu.memory_space<vmem>>, vector<1x16xf32>,
      %swap3A_367 = vector.shape_cast %swap3A_366 : vector<1x16xf32> to vector<16xf32>
      %swap3A_368 = vector.shape_cast %scan3A_333#6 : vector<16xf32> to vector<1x16xf32>
      tpu.vector_store %arg7[%swap3A_364, %swap3A_365], %swap3A_368 {strides = array<i32>} : memref<4x128xf32, #tpu.memory_space<vmem>>, vector<1x16xf32>,
      %swap3A_369 = arith.index_cast %select_n3A_276 : i32 to index
      %swap3A_370 = arith.constant 112 : index
      %swap3A_371 = tpu.vector_load %arg7[%swap3A_369, %swap3A_370] {strides = array<i32>} : memref<4x128xf32, #tpu.memory_space<vmem>>, vector<1x16xf32>,
      %swap3A_372 = vector.shape_cast %swap3A_371 : vector<1x16xf32> to vector<16xf32>
      %swap3A_373 = vector.shape_cast %scan3A_333#7 : vector<16xf32> to vector<1x16xf32>
      tpu.vector_store %arg7[%swap3A_369, %swap3A_370], %swap3A_373 {strides = array<i32>} : memref<4x128xf32, #tpu.memory_space<vmem>>, vector<1x16xf32>,
      %add3A_374 = arith.addi %mul3A_2, %add3A_267 : i32
      %dma_start3A_375 = arith.constant 0 : i32
      %dma_start3A_376 = tpu.memref_slice %arg7[%select_n3A_276, %dma_start3A_375] : memref<4x128xf32, #tpu.memory_space<vmem>> -> memref<1x128xf32, #tpu.memory_space<vmem>>
      %dma_start3A_377 = arith.constant 0 : i32
      %dma_start3A_378 = tpu.memref_slice %arg4[%add3A_374, %dma_start3A_377] : memref<4096x128xf32, #tpu.memory_space<hbm>> -> memref<1x128xf32, #tpu.memory_space<hbm>>
      %dma_start3A_379 = arith.constant 0 : i32
      %dma_start3A_380 = tpu.memref_slice %arg4[%add3A_374, %dma_start3A_379] : memref<4096x128xf32, #tpu.memory_space<hbm>> -> memref<1x128xf32, #tpu.memory_space<hbm>>
      %dma_start3A_381 = arith.constant 0 : i32
      %dma_start3A_382 = tpu.memref_slice %arg7[%select_n3A_276, %dma_start3A_381] : memref<4x128xf32, #tpu.memory_space<vmem>> -> memref<1x128xf32, #tpu.memory_space<vmem>>
      tpu.enqueue_dma source(%dma_start3A_382 : memref<1x128xf32, #tpu.memory_space<vmem>>) target(%dma_start3A_380 : memref<1x128xf32, #tpu.memory_space<hbm>>) target_semaphore(%arg12 : memref<!tpu.dma_semaphore, #tpu.memory_space<semaphore_mem>>)
      %add3A_383 = arith.constant 4 : i32
      %add3A_384 = arith.addi %add3A_267, %add3A_383 : i32
      %lt3A_385 = arith.constant 128 : i32
      %lt3A_386 = arith.cmpi slt, %add3A_384, %lt3A_385 : i32
      %convert_element_type3A_387 = arith.extui %lt3A_386 : i1 to i32
      %cond3A_388 = arith.constant 0 : i32
      %cond3A_389 = arith.cmpi ne, %convert_element_type3A_387, %cond3A_388 : i32
      scf.if %cond3A_389 {
        %add3A_795 = arith.constant 4 : i32
        %add3A_796 = arith.addi %add3A_267, %add3A_795 : i32
        %mul3A_797 = arith.constant 200 : i32
        %mul3A_798 = arith.muli %add3A_796, %mul3A_797 : i32
        %add3A_799 = arith.constant 0 : i32
        %add3A_800 = arith.addi %mul3A_798, %add3A_799 : i32
        %dma_start3A_801 = arith.constant 0 : i32
        %dma_start3A_802 = arith.constant 0 : i32
        %dma_start3A_803 = arith.constant 0 : i32
        %dma_start3A_804 = tpu.memref_slice %arg6[%dma_start3A_801, %dma_start3A_802, %dma_start3A_803] : memref<4x200x128xf32, #tpu.memory_space<vmem>> -> memref<1x40x128xf32, #tpu.memory_space<vmem>>
        %dma_start3A_805 = tpu.memref_squeeze %dma_start3A_804 : memref<1x40x128xf32, #tpu.memory_space<vmem>> -> memref<40x128xf32, #tpu.memory_space<vmem>>
        %dma_start3A_806 = tpu.memref_slice %arg5[%add3A_800] : memref<25600xi32, #tpu.memory_space<vmem>> -> memref<40xi32, #tpu.memory_space<vmem>>
        %dma_start3A_807 = arith.constant 0 : i32
        %dma_start3A_808 = arith.constant 0 : i32
        %dma_start3A_809 = tpu.memref_slice %arg3[%dma_start3A_807, %dma_start3A_808] : memref<100000x128xf32, #tpu.memory_space<hbm>> -> memref<100000x128xf32, #tpu.memory_space<hbm>>
        tpu.enqueue_indirect_dma source(%dma_start3A_809 : memref<100000x128xf32, #tpu.memory_space<hbm>>) target(%dma_start3A_805 : memref<40x128xf32, #tpu.memory_space<vmem>>) offsets(%dma_start3A_806 : memref<40xi32, #tpu.memory_space<vmem>>) semaphore(%arg8 : memref<!tpu.dma_semaphore, #tpu.memory_space<semaphore_mem>>)
        %add3A_810 = arith.constant 40 : i32
        %add3A_811 = arith.addi %mul3A_798, %add3A_810 : i32
        %dma_start3A_812 = arith.constant 0 : i32
        %dma_start3A_813 = arith.constant 40 : i32
        %dma_start3A_814 = arith.constant 0 : i32
        %dma_start3A_815 = tpu.memref_slice %arg6[%dma_start3A_812, %dma_start3A_813, %dma_start3A_814] : memref<4x200x128xf32, #tpu.memory_space<vmem>> -> memref<1x40x128xf32, #tpu.memory_space<vmem>>
        %dma_start3A_816 = tpu.memref_squeeze %dma_start3A_815 : memref<1x40x128xf32, #tpu.memory_space<vmem>> -> memref<40x128xf32, #tpu.memory_space<vmem>>
        %dma_start3A_817 = tpu.memref_slice %arg5[%add3A_811] : memref<25600xi32, #tpu.memory_space<vmem>> -> memref<40xi32, #tpu.memory_space<vmem>>
        %dma_start3A_818 = arith.constant 0 : i32
        %dma_start3A_819 = arith.constant 0 : i32
        %dma_start3A_820 = tpu.memref_slice %arg3[%dma_start3A_818, %dma_start3A_819] : memref<100000x128xf32, #tpu.memory_space<hbm>> -> memref<100000x128xf32, #tpu.memory_space<hbm>>
        tpu.enqueue_indirect_dma source(%dma_start3A_820 : memref<100000x128xf32, #tpu.memory_space<hbm>>) target(%dma_start3A_816 : memref<40x128xf32, #tpu.memory_space<vmem>>) offsets(%dma_start3A_817 : memref<40xi32, #tpu.memory_space<vmem>>) semaphore(%arg8 : memref<!tpu.dma_semaphore, #tpu.memory_space<semaphore_mem>>)
        %add3A_821 = arith.constant 80 : i32
        %add3A_822 = arith.addi %mul3A_798, %add3A_821 : i32
        %dma_start3A_823 = arith.constant 0 : i32
        %dma_start3A_824 = arith.constant 80 : i32
        %dma_start3A_825 = arith.constant 0 : i32
        %dma_start3A_826 = tpu.memref_slice %arg6[%dma_start3A_823, %dma_start3A_824, %dma_start3A_825] : memref<4x200x128xf32, #tpu.memory_space<vmem>> -> memref<1x40x128xf32, #tpu.memory_space<vmem>>
        %dma_start3A_827 = tpu.memref_squeeze %dma_start3A_826 : memref<1x40x128xf32, #tpu.memory_space<vmem>> -> memref<40x128xf32, #tpu.memory_space<vmem>>
        %dma_start3A_828 = tpu.memref_slice %arg5[%add3A_822] : memref<25600xi32, #tpu.memory_space<vmem>> -> memref<40xi32, #tpu.memory_space<vmem>>
        %dma_start3A_829 = arith.constant 0 : i32
        %dma_start3A_830 = arith.constant 0 : i32
        %dma_start3A_831 = tpu.memref_slice %arg3[%dma_start3A_829, %dma_start3A_830] : memref<100000x128xf32, #tpu.memory_space<hbm>> -> memref<100000x128xf32, #tpu.memory_space<hbm>>
        tpu.enqueue_indirect_dma source(%dma_start3A_831 : memref<100000x128xf32, #tpu.memory_space<hbm>>) target(%dma_start3A_827 : memref<40x128xf32, #tpu.memory_space<vmem>>) offsets(%dma_start3A_828 : memref<40xi32, #tpu.memory_space<vmem>>) semaphore(%arg8 : memref<!tpu.dma_semaphore, #tpu.memory_space<semaphore_mem>>)
        %add3A_832 = arith.constant 120 : i32
        %add3A_833 = arith.addi %mul3A_798, %add3A_832 : i32
        %dma_start3A_834 = arith.constant 0 : i32
        %dma_start3A_835 = arith.constant 120 : i32
        %dma_start3A_836 = arith.constant 0 : i32
        %dma_start3A_837 = tpu.memref_slice %arg6[%dma_start3A_834, %dma_start3A_835, %dma_start3A_836] : memref<4x200x128xf32, #tpu.memory_space<vmem>> -> memref<1x40x128xf32, #tpu.memory_space<vmem>>
        %dma_start3A_838 = tpu.memref_squeeze %dma_start3A_837 : memref<1x40x128xf32, #tpu.memory_space<vmem>> -> memref<40x128xf32, #tpu.memory_space<vmem>>
        %dma_start3A_839 = tpu.memref_slice %arg5[%add3A_833] : memref<25600xi32, #tpu.memory_space<vmem>> -> memref<40xi32, #tpu.memory_space<vmem>>
        %dma_start3A_840 = arith.constant 0 : i32
        %dma_start3A_841 = arith.constant 0 : i32
        %dma_start3A_842 = tpu.memref_slice %arg3[%dma_start3A_840, %dma_start3A_841] : memref<100000x128xf32, #tpu.memory_space<hbm>> -> memref<100000x128xf32, #tpu.memory_space<hbm>>
        tpu.enqueue_indirect_dma source(%dma_start3A_842 : memref<100000x128xf32, #tpu.memory_space<hbm>>) target(%dma_start3A_838 : memref<40x128xf32, #tpu.memory_space<vmem>>) offsets(%dma_start3A_839 : memref<40xi32, #tpu.memory_space<vmem>>) semaphore(%arg8 : memref<!tpu.dma_semaphore, #tpu.memory_space<semaphore_mem>>)
        %add3A_843 = arith.constant 160 : i32
        %add3A_844 = arith.addi %mul3A_798, %add3A_843 : i32
        %dma_start3A_845 = arith.constant 0 : i32
        %dma_start3A_846 = arith.constant 160 : i32
        %dma_start3A_847 = arith.constant 0 : i32
        %dma_start3A_848 = tpu.memref_slice %arg6[%dma_start3A_845, %dma_start3A_846, %dma_start3A_847] : memref<4x200x128xf32, #tpu.memory_space<vmem>> -> memref<1x40x128xf32, #tpu.memory_space<vmem>>
        %dma_start3A_849 = tpu.memref_squeeze %dma_start3A_848 : memref<1x40x128xf32, #tpu.memory_space<vmem>> -> memref<40x128xf32, #tpu.memory_space<vmem>>
        %dma_start3A_850 = tpu.memref_slice %arg5[%add3A_844] : memref<25600xi32, #tpu.memory_space<vmem>> -> memref<40xi32, #tpu.memory_space<vmem>>
        %dma_start3A_851 = arith.constant 0 : i32
        %dma_start3A_852 = arith.constant 0 : i32
        %dma_start3A_853 = tpu.memref_slice %arg3[%dma_start3A_851, %dma_start3A_852] : memref<100000x128xf32, #tpu.memory_space<hbm>> -> memref<100000x128xf32, #tpu.memory_space<hbm>>
        tpu.enqueue_indirect_dma source(%dma_start3A_853 : memref<100000x128xf32, #tpu.memory_space<hbm>>) target(%dma_start3A_849 : memref<40x128xf32, #tpu.memory_space<vmem>>) offsets(%dma_start3A_850 : memref<40xi32, #tpu.memory_space<vmem>>) semaphore(%arg8 : memref<!tpu.dma_semaphore, #tpu.memory_space<semaphore_mem>>)
      } else {
      }
      %add3A_390 = arith.constant 1 : i32
      %add3A_391 = arith.addi %mul3A_265, %add3A_390 : i32
      %jit3A_392 = arith.constant 4 : i32
      %eq3A_393 = arith.constant 0 : i32
      %eq3A_394 = arith.cmpi eq, %jit3A_392, %eq3A_393 : i32
      %jit3A_395 = arith.constant 1 : i32
      %select_n3A_396 = arith.select %eq3A_394, %jit3A_395, %jit3A_392 : i32
      %rem3A_397 = arith.remsi %add3A_391, %select_n3A_396 : i32
      %ne3A_398 = arith.constant 0 : i32
      %ne3A_399 = arith.cmpi ne, %rem3A_397, %ne3A_398 : i32
      %lt3A_400 = arith.constant 0 : i32
      %lt3A_401 = arith.cmpi slt, %rem3A_397, %lt3A_400 : i32
      %lt3A_402 = arith.constant 0 : i32
      %lt3A_403 = arith.cmpi slt, %select_n3A_396, %lt3A_402 : i32
      %ne3A_404 = arith.xori %lt3A_401, %lt3A_403 : i1
      %and3A_405 = arith.andi %ne3A_404, %ne3A_399 : i1
      %add3A_406 = arith.addi %rem3A_397, %select_n3A_396 : i32
      %select_n3A_407 = arith.select %and3A_405, %add3A_406, %rem3A_397 : i32
      %ge3A_408 = arith.constant 4 : i32
      %ge3A_409 = arith.cmpi sge, %add3A_391, %ge3A_408 : i32
      %convert_element_type3A_410 = arith.extui %ge3A_409 : i1 to i32
      %cond3A_411 = arith.constant 0 : i32
      %cond3A_412 = arith.cmpi ne, %convert_element_type3A_410, %cond3A_411 : i32
      scf.if %cond3A_412 {
        %dma_wait3A_795 = arith.constant 0 : i32
        %dma_wait3A_796 = tpu.memref_slice %arg7[%select_n3A_407, %dma_wait3A_795] : memref<4x128xf32, #tpu.memory_space<vmem>> -> memref<1x128xf32, #tpu.memory_space<vmem>>
        %dma_wait3A_797 = arith.constant 0 : i32
        %dma_wait3A_798 = tpu.memref_slice %arg4[%mul3A_2, %dma_wait3A_797] : memref<4096x128xf32, #tpu.memory_space<hbm>> -> memref<1x128xf32, #tpu.memory_space<hbm>>
        %dma_wait3A_799 = arith.constant 0 : i32
        %dma_wait3A_800 = tpu.memref_slice %arg4[%mul3A_2, %dma_wait3A_799] : memref<4096x128xf32, #tpu.memory_space<hbm>> -> memref<1x128xf32, #tpu.memory_space<hbm>>
        %dma_wait3A_801 = arith.constant 0 : i32
        %dma_wait3A_802 = tpu.memref_slice %arg7[%select_n3A_407, %dma_wait3A_801] : memref<4x128xf32, #tpu.memory_space<vmem>> -> memref<1x128xf32, #tpu.memory_space<vmem>>
        tpu.wait_dma2 semaphore(%arg12 : memref<!tpu.dma_semaphore, #tpu.memory_space<semaphore_mem>>) src(%dma_wait3A_802 : memref<1x128xf32, #tpu.memory_space<vmem>>) dst(%dma_wait3A_800 : memref<1x128xf32, #tpu.memory_space<hbm>>)
      } else {
      }
      %dma_wait3A_413 = arith.constant 1 : i32
      %dma_wait3A_414 = arith.constant 0 : i32
      %dma_wait3A_415 = arith.constant 0 : i32
      %dma_wait3A_416 = tpu.memref_slice %arg6[%dma_wait3A_413, %dma_wait3A_414, %dma_wait3A_415] : memref<4x200x128xf32, #tpu.memory_space<vmem>> -> memref<1x40x128xf32, #tpu.memory_space<vmem>>
      %dma_wait3A_417 = tpu.memref_squeeze %dma_wait3A_416 : memref<1x40x128xf32, #tpu.memory_space<vmem>> -> memref<40x128xf32, #tpu.memory_space<vmem>>
      %dma_wait3A_418 = arith.constant 0 : i32
      %dma_wait3A_419 = tpu.memref_slice %arg5[%dma_wait3A_418] : memref<25600xi32, #tpu.memory_space<vmem>> -> memref<40xi32, #tpu.memory_space<vmem>>
      %dma_wait3A_420 = arith.constant 0 : i32
      %dma_wait3A_421 = arith.constant 0 : i32
      %dma_wait3A_422 = tpu.memref_slice %arg3[%dma_wait3A_420, %dma_wait3A_421] : memref<100000x128xf32, #tpu.memory_space<hbm>> -> memref<100000x128xf32, #tpu.memory_space<hbm>>
      tpu.wait_indirect_dma semaphore(%arg9 : memref<!tpu.dma_semaphore, #tpu.memory_space<semaphore_mem>>) src(%dma_wait3A_422 : memref<100000x128xf32, #tpu.memory_space<hbm>>) dst(%dma_wait3A_417 : memref<40x128xf32, #tpu.memory_space<vmem>>)
      %dma_wait3A_423 = arith.constant 1 : i32
      %dma_wait3A_424 = arith.constant 40 : i32
      %dma_wait3A_425 = arith.constant 0 : i32
      %dma_wait3A_426 = tpu.memref_slice %arg6[%dma_wait3A_423, %dma_wait3A_424, %dma_wait3A_425] : memref<4x200x128xf32, #tpu.memory_space<vmem>> -> memref<1x40x128xf32, #tpu.memory_space<vmem>>
      %dma_wait3A_427 = tpu.memref_squeeze %dma_wait3A_426 : memref<1x40x128xf32, #tpu.memory_space<vmem>> -> memref<40x128xf32, #tpu.memory_space<vmem>>
      %dma_wait3A_428 = arith.constant 0 : i32
      %dma_wait3A_429 = tpu.memref_slice %arg5[%dma_wait3A_428] : memref<25600xi32, #tpu.memory_space<vmem>> -> memref<40xi32, #tpu.memory_space<vmem>>
      %dma_wait3A_430 = arith.constant 0 : i32
      %dma_wait3A_431 = arith.constant 0 : i32
      %dma_wait3A_432 = tpu.memref_slice %arg3[%dma_wait3A_430, %dma_wait3A_431] : memref<100000x128xf32, #tpu.memory_space<hbm>> -> memref<100000x128xf32, #tpu.memory_space<hbm>>
      tpu.wait_indirect_dma semaphore(%arg9 : memref<!tpu.dma_semaphore, #tpu.memory_space<semaphore_mem>>) src(%dma_wait3A_432 : memref<100000x128xf32, #tpu.memory_space<hbm>>) dst(%dma_wait3A_427 : memref<40x128xf32, #tpu.memory_space<vmem>>)
      %dma_wait3A_433 = arith.constant 1 : i32
      %dma_wait3A_434 = arith.constant 80 : i32
      %dma_wait3A_435 = arith.constant 0 : i32
      %dma_wait3A_436 = tpu.memref_slice %arg6[%dma_wait3A_433, %dma_wait3A_434, %dma_wait3A_435] : memref<4x200x128xf32, #tpu.memory_space<vmem>> -> memref<1x40x128xf32, #tpu.memory_space<vmem>>
      %dma_wait3A_437 = tpu.memref_squeeze %dma_wait3A_436 : memref<1x40x128xf32, #tpu.memory_space<vmem>> -> memref<40x128xf32, #tpu.memory_space<vmem>>
      %dma_wait3A_438 = arith.constant 0 : i32
      %dma_wait3A_439 = tpu.memref_slice %arg5[%dma_wait3A_438] : memref<25600xi32, #tpu.memory_space<vmem>> -> memref<40xi32, #tpu.memory_space<vmem>>
      %dma_wait3A_440 = arith.constant 0 : i32
      %dma_wait3A_441 = arith.constant 0 : i32
      %dma_wait3A_442 = tpu.memref_slice %arg3[%dma_wait3A_440, %dma_wait3A_441] : memref<100000x128xf32, #tpu.memory_space<hbm>> -> memref<100000x128xf32, #tpu.memory_space<hbm>>
      tpu.wait_indirect_dma semaphore(%arg9 : memref<!tpu.dma_semaphore, #tpu.memory_space<semaphore_mem>>) src(%dma_wait3A_442 : memref<100000x128xf32, #tpu.memory_space<hbm>>) dst(%dma_wait3A_437 : memref<40x128xf32, #tpu.memory_space<vmem>>)
      %dma_wait3A_443 = arith.constant 1 : i32
      %dma_wait3A_444 = arith.constant 120 : i32
      %dma_wait3A_445 = arith.constant 0 : i32
      %dma_wait3A_446 = tpu.memref_slice %arg6[%dma_wait3A_443, %dma_wait3A_444, %dma_wait3A_445] : memref<4x200x128xf32, #tpu.memory_space<vmem>> -> memref<1x40x128xf32, #tpu.memory_space<vmem>>
      %dma_wait3A_447 = tpu.memref_squeeze %dma_wait3A_446 : memref<1x40x128xf32, #tpu.memory_space<vmem>> -> memref<40x128xf32, #tpu.memory_space<vmem>>
      %dma_wait3A_448 = arith.constant 0 : i32
      %dma_wait3A_449 = tpu.memref_slice %arg5[%dma_wait3A_448] : memref<25600xi32, #tpu.memory_space<vmem>> -> memref<40xi32, #tpu.memory_space<vmem>>
      %dma_wait3A_450 = arith.constant 0 : i32
      %dma_wait3A_451 = arith.constant 0 : i32
      %dma_wait3A_452 = tpu.memref_slice %arg3[%dma_wait3A_450, %dma_wait3A_451] : memref<100000x128xf32, #tpu.memory_space<hbm>> -> memref<100000x128xf32, #tpu.memory_space<hbm>>
      tpu.wait_indirect_dma semaphore(%arg9 : memref<!tpu.dma_semaphore, #tpu.memory_space<semaphore_mem>>) src(%dma_wait3A_452 : memref<100000x128xf32, #tpu.memory_space<hbm>>) dst(%dma_wait3A_447 : memref<40x128xf32, #tpu.memory_space<vmem>>)
      %dma_wait3A_453 = arith.constant 1 : i32
      %dma_wait3A_454 = arith.constant 160 : i32
      %dma_wait3A_455 = arith.constant 0 : i32
      %dma_wait3A_456 = tpu.memref_slice %arg6[%dma_wait3A_453, %dma_wait3A_454, %dma_wait3A_455] : memref<4x200x128xf32, #tpu.memory_space<vmem>> -> memref<1x40x128xf32, #tpu.memory_space<vmem>>
      %dma_wait3A_457 = tpu.memref_squeeze %dma_wait3A_456 : memref<1x40x128xf32, #tpu.memory_space<vmem>> -> memref<40x128xf32, #tpu.memory_space<vmem>>
      %dma_wait3A_458 = arith.constant 0 : i32
      %dma_wait3A_459 = tpu.memref_slice %arg5[%dma_wait3A_458] : memref<25600xi32, #tpu.memory_space<vmem>> -> memref<40xi32, #tpu.memory_space<vmem>>
      %dma_wait3A_460 = arith.constant 0 : i32
      %dma_wait3A_461 = arith.constant 0 : i32
      %dma_wait3A_462 = tpu.memref_slice %arg3[%dma_wait3A_460, %dma_wait3A_461] : memref<100000x128xf32, #tpu.memory_space<hbm>> -> memref<100000x128xf32, #tpu.memory_space<hbm>>
      tpu.wait_indirect_dma semaphore(%arg9 : memref<!tpu.dma_semaphore, #tpu.memory_space<semaphore_mem>>) src(%dma_wait3A_462 : memref<100000x128xf32, #tpu.memory_space<hbm>>) dst(%dma_wait3A_457 : memref<40x128xf32, #tpu.memory_space<vmem>>)
      %scan3A_463 = arith.constant 0 : i32
      %scan3A_464 = arith.constant 25 : i32
      %scan3A_465 = arith.addi %scan3A_463, %scan3A_464 : i32
      %scan3A_466 = arith.constant 1 : i32
      %scan3A_467:8 = scf.for %scan3A_795 = %scan3A_463 to %scan3A_465 step %scan3A_466 iter_args(%scan3A_796 = %broadcast_in_dim3A_5, %scan3A_797 = %broadcast_in_dim3A_7, %scan3A_798 = %broadcast_in_dim3A_9, %scan3A_799 = %broadcast_in_dim3A_11, %scan3A_800 = %broadcast_in_dim3A_13, %scan3A_801 = %broadcast_in_dim3A_15, %scan3A_802 = %broadcast_in_dim3A_17, %scan3A_803 = %broadcast_in_dim3A_19) -> (vector<16xf32>, vector<16xf32>, vector<16xf32>, vector<16xf32>, vector<16xf32>, vector<16xf32>, vector<16xf32>, vector<16xf32>)  : i32 {
        %mul3A_804 = arith.constant 8 : i32
        %mul3A_805 = arith.muli %scan3A_795, %mul3A_804 : i32
        %add3A_806 = arith.constant 0 : i32
        %add3A_807 = arith.addi %mul3A_805, %add3A_806 : i32
        %get3A = arith.constant 1 : i32
        %get3A_808 = arith.index_cast %get3A : i32 to index
        %get3A_809 = arith.index_cast %add3A_807 : i32 to index
        %get3A_810 = arith.constant 0 : index
        %get3A_811 = tpu.vector_load %arg6[%get3A_808, %get3A_809, %get3A_810] {strides = array<i32>} : memref<4x200x128xf32, #tpu.memory_space<vmem>>, vector<1x1x16xf32>,
        %get3A_812 = vector.shape_cast %get3A_811 : vector<1x1x16xf32> to vector<16xf32>
        %add3A_813 = arith.addf %scan3A_796, %get3A_812 : vector<16xf32>
        %add3A_814 = arith.constant 0 : i32
        %add3A_815 = arith.addi %mul3A_805, %add3A_814 : i32
        %get3A_816 = arith.constant 1 : i32
        %get3A_817 = arith.index_cast %get3A_816 : i32 to index
        %get3A_818 = arith.index_cast %add3A_815 : i32 to index
        %get3A_819 = arith.constant 16 : index
        %get3A_820 = tpu.vector_load %arg6[%get3A_817, %get3A_818, %get3A_819] {strides = array<i32>} : memref<4x200x128xf32, #tpu.memory_space<vmem>>, vector<1x1x16xf32>,
        %get3A_821 = vector.shape_cast %get3A_820 : vector<1x1x16xf32> to vector<16xf32>
        %add3A_822 = arith.addf %scan3A_797, %get3A_821 : vector<16xf32>
        %add3A_823 = arith.constant 0 : i32
        %add3A_824 = arith.addi %mul3A_805, %add3A_823 : i32
        %get3A_825 = arith.constant 1 : i32
        %get3A_826 = arith.index_cast %get3A_825 : i32 to index
        %get3A_827 = arith.index_cast %add3A_824 : i32 to index
        %get3A_828 = arith.constant 32 : index
        %get3A_829 = tpu.vector_load %arg6[%get3A_826, %get3A_827, %get3A_828] {strides = array<i32>} : memref<4x200x128xf32, #tpu.memory_space<vmem>>, vector<1x1x16xf32>,
        %get3A_830 = vector.shape_cast %get3A_829 : vector<1x1x16xf32> to vector<16xf32>
        %add3A_831 = arith.addf %scan3A_798, %get3A_830 : vector<16xf32>
        %add3A_832 = arith.constant 0 : i32
        %add3A_833 = arith.addi %mul3A_805, %add3A_832 : i32
        %get3A_834 = arith.constant 1 : i32
        %get3A_835 = arith.index_cast %get3A_834 : i32 to index
        %get3A_836 = arith.index_cast %add3A_833 : i32 to index
        %get3A_837 = arith.constant 48 : index
        %get3A_838 = tpu.vector_load %arg6[%get3A_835, %get3A_836, %get3A_837] {strides = array<i32>} : memref<4x200x128xf32, #tpu.memory_space<vmem>>, vector<1x1x16xf32>,
        %get3A_839 = vector.shape_cast %get3A_838 : vector<1x1x16xf32> to vector<16xf32>
        %add3A_840 = arith.addf %scan3A_799, %get3A_839 : vector<16xf32>
        %add3A_841 = arith.constant 0 : i32
        %add3A_842 = arith.addi %mul3A_805, %add3A_841 : i32
        %get3A_843 = arith.constant 1 : i32
        %get3A_844 = arith.index_cast %get3A_843 : i32 to index
        %get3A_845 = arith.index_cast %add3A_842 : i32 to index
        %get3A_846 = arith.constant 64 : index
        %get3A_847 = tpu.vector_load %arg6[%get3A_844, %get3A_845, %get3A_846] {strides = array<i32>} : memref<4x200x128xf32, #tpu.memory_space<vmem>>, vector<1x1x16xf32>,
        %get3A_848 = vector.shape_cast %get3A_847 : vector<1x1x16xf32> to vector<16xf32>
        %add3A_849 = arith.addf %scan3A_800, %get3A_848 : vector<16xf32>
        %add3A_850 = arith.constant 0 : i32
        %add3A_851 = arith.addi %mul3A_805, %add3A_850 : i32
        %get3A_852 = arith.constant 1 : i32
        %get3A_853 = arith.index_cast %get3A_852 : i32 to index
        %get3A_854 = arith.index_cast %add3A_851 : i32 to index
        %get3A_855 = arith.constant 80 : index
        %get3A_856 = tpu.vector_load %arg6[%get3A_853, %get3A_854, %get3A_855] {strides = array<i32>} : memref<4x200x128xf32, #tpu.memory_space<vmem>>, vector<1x1x16xf32>,
        %get3A_857 = vector.shape_cast %get3A_856 : vector<1x1x16xf32> to vector<16xf32>
        %add3A_858 = arith.addf %scan3A_801, %get3A_857 : vector<16xf32>
        %add3A_859 = arith.constant 0 : i32
        %add3A_860 = arith.addi %mul3A_805, %add3A_859 : i32
        %get3A_861 = arith.constant 1 : i32
        %get3A_862 = arith.index_cast %get3A_861 : i32 to index
        %get3A_863 = arith.index_cast %add3A_860 : i32 to index
        %get3A_864 = arith.constant 96 : index
        %get3A_865 = tpu.vector_load %arg6[%get3A_862, %get3A_863, %get3A_864] {strides = array<i32>} : memref<4x200x128xf32, #tpu.memory_space<vmem>>, vector<1x1x16xf32>,
        %get3A_866 = vector.shape_cast %get3A_865 : vector<1x1x16xf32> to vector<16xf32>
        %add3A_867 = arith.addf %scan3A_802, %get3A_866 : vector<16xf32>
        %add3A_868 = arith.constant 0 : i32
        %add3A_869 = arith.addi %mul3A_805, %add3A_868 : i32
        %get3A_870 = arith.constant 1 : i32
        %get3A_871 = arith.index_cast %get3A_870 : i32 to index
        %get3A_872 = arith.index_cast %add3A_869 : i32 to index
        %get3A_873 = arith.constant 112 : index
        %get3A_874 = tpu.vector_load %arg6[%get3A_871, %get3A_872, %get3A_873] {strides = array<i32>} : memref<4x200x128xf32, #tpu.memory_space<vmem>>, vector<1x1x16xf32>,
        %get3A_875 = vector.shape_cast %get3A_874 : vector<1x1x16xf32> to vector<16xf32>
        %add3A_876 = arith.addf %scan3A_803, %get3A_875 : vector<16xf32>
        %add3A_877 = arith.constant 1 : i32
        %add3A_878 = arith.addi %mul3A_805, %add3A_877 : i32
        %get3A_879 = arith.constant 1 : i32
        %get3A_880 = arith.index_cast %get3A_879 : i32 to index
        %get3A_881 = arith.index_cast %add3A_878 : i32 to index
        %get3A_882 = arith.constant 0 : index
        %get3A_883 = tpu.vector_load %arg6[%get3A_880, %get3A_881, %get3A_882] {strides = array<i32>} : memref<4x200x128xf32, #tpu.memory_space<vmem>>, vector<1x1x16xf32>,
        %get3A_884 = vector.shape_cast %get3A_883 : vector<1x1x16xf32> to vector<16xf32>
        %add3A_885 = arith.addf %add3A_813, %get3A_884 : vector<16xf32>
        %add3A_886 = arith.constant 1 : i32
        %add3A_887 = arith.addi %mul3A_805, %add3A_886 : i32
        %get3A_888 = arith.constant 1 : i32
        %get3A_889 = arith.index_cast %get3A_888 : i32 to index
        %get3A_890 = arith.index_cast %add3A_887 : i32 to index
        %get3A_891 = arith.constant 16 : index
        %get3A_892 = tpu.vector_load %arg6[%get3A_889, %get3A_890, %get3A_891] {strides = array<i32>} : memref<4x200x128xf32, #tpu.memory_space<vmem>>, vector<1x1x16xf32>,
        %get3A_893 = vector.shape_cast %get3A_892 : vector<1x1x16xf32> to vector<16xf32>
        %add3A_894 = arith.addf %add3A_822, %get3A_893 : vector<16xf32>
        %add3A_895 = arith.constant 1 : i32
        %add3A_896 = arith.addi %mul3A_805, %add3A_895 : i32
        %get3A_897 = arith.constant 1 : i32
        %get3A_898 = arith.index_cast %get3A_897 : i32 to index
        %get3A_899 = arith.index_cast %add3A_896 : i32 to index
        %get3A_900 = arith.constant 32 : index
        %get3A_901 = tpu.vector_load %arg6[%get3A_898, %get3A_899, %get3A_900] {strides = array<i32>} : memref<4x200x128xf32, #tpu.memory_space<vmem>>, vector<1x1x16xf32>,
        %get3A_902 = vector.shape_cast %get3A_901 : vector<1x1x16xf32> to vector<16xf32>
        %add3A_903 = arith.addf %add3A_831, %get3A_902 : vector<16xf32>
        %add3A_904 = arith.constant 1 : i32
        %add3A_905 = arith.addi %mul3A_805, %add3A_904 : i32
        %get3A_906 = arith.constant 1 : i32
        %get3A_907 = arith.index_cast %get3A_906 : i32 to index
        %get3A_908 = arith.index_cast %add3A_905 : i32 to index
        %get3A_909 = arith.constant 48 : index
        %get3A_910 = tpu.vector_load %arg6[%get3A_907, %get3A_908, %get3A_909] {strides = array<i32>} : memref<4x200x128xf32, #tpu.memory_space<vmem>>, vector<1x1x16xf32>,
        %get3A_911 = vector.shape_cast %get3A_910 : vector<1x1x16xf32> to vector<16xf32>
        %add3A_912 = arith.addf %add3A_840, %get3A_911 : vector<16xf32>
        %add3A_913 = arith.constant 1 : i32
        %add3A_914 = arith.addi %mul3A_805, %add3A_913 : i32
        %get3A_915 = arith.constant 1 : i32
        %get3A_916 = arith.index_cast %get3A_915 : i32 to index
        %get3A_917 = arith.index_cast %add3A_914 : i32 to index
        %get3A_918 = arith.constant 64 : index
        %get3A_919 = tpu.vector_load %arg6[%get3A_916, %get3A_917, %get3A_918] {strides = array<i32>} : memref<4x200x128xf32, #tpu.memory_space<vmem>>, vector<1x1x16xf32>,
        %get3A_920 = vector.shape_cast %get3A_919 : vector<1x1x16xf32> to vector<16xf32>
        %add3A_921 = arith.addf %add3A_849, %get3A_920 : vector<16xf32>
        %add3A_922 = arith.constant 1 : i32
        %add3A_923 = arith.addi %mul3A_805, %add3A_922 : i32
        %get3A_924 = arith.constant 1 : i32
        %get3A_925 = arith.index_cast %get3A_924 : i32 to index
        %get3A_926 = arith.index_cast %add3A_923 : i32 to index
        %get3A_927 = arith.constant 80 : index
        %get3A_928 = tpu.vector_load %arg6[%get3A_925, %get3A_926, %get3A_927] {strides = array<i32>} : memref<4x200x128xf32, #tpu.memory_space<vmem>>, vector<1x1x16xf32>,
        %get3A_929 = vector.shape_cast %get3A_928 : vector<1x1x16xf32> to vector<16xf32>
        %add3A_930 = arith.addf %add3A_858, %get3A_929 : vector<16xf32>
        %add3A_931 = arith.constant 1 : i32
        %add3A_932 = arith.addi %mul3A_805, %add3A_931 : i32
        %get3A_933 = arith.constant 1 : i32
        %get3A_934 = arith.index_cast %get3A_933 : i32 to index
        %get3A_935 = arith.index_cast %add3A_932 : i32 to index
        %get3A_936 = arith.constant 96 : index
        %get3A_937 = tpu.vector_load %arg6[%get3A_934, %get3A_935, %get3A_936] {strides = array<i32>} : memref<4x200x128xf32, #tpu.memory_space<vmem>>, vector<1x1x16xf32>,
        %get3A_938 = vector.shape_cast %get3A_937 : vector<1x1x16xf32> to vector<16xf32>
        %add3A_939 = arith.addf %add3A_867, %get3A_938 : vector<16xf32>
        %add3A_940 = arith.constant 1 : i32
        %add3A_941 = arith.addi %mul3A_805, %add3A_940 : i32
        %get3A_942 = arith.constant 1 : i32
        %get3A_943 = arith.index_cast %get3A_942 : i32 to index
        %get3A_944 = arith.index_cast %add3A_941 : i32 to index
        %get3A_945 = arith.constant 112 : index
        %get3A_946 = tpu.vector_load %arg6[%get3A_943, %get3A_944, %get3A_945] {strides = array<i32>} : memref<4x200x128xf32, #tpu.memory_space<vmem>>, vector<1x1x16xf32>,
        %get3A_947 = vector.shape_cast %get3A_946 : vector<1x1x16xf32> to vector<16xf32>
        %add3A_948 = arith.addf %add3A_876, %get3A_947 : vector<16xf32>
        %add3A_949 = arith.constant 2 : i32
        %add3A_950 = arith.addi %mul3A_805, %add3A_949 : i32
        %get3A_951 = arith.constant 1 : i32
        %get3A_952 = arith.index_cast %get3A_951 : i32 to index
        %get3A_953 = arith.index_cast %add3A_950 : i32 to index
        %get3A_954 = arith.constant 0 : index
        %get3A_955 = tpu.vector_load %arg6[%get3A_952, %get3A_953, %get3A_954] {strides = array<i32>} : memref<4x200x128xf32, #tpu.memory_space<vmem>>, vector<1x1x16xf32>,
        %get3A_956 = vector.shape_cast %get3A_955 : vector<1x1x16xf32> to vector<16xf32>
        %add3A_957 = arith.addf %add3A_885, %get3A_956 : vector<16xf32>
        %add3A_958 = arith.constant 2 : i32
        %add3A_959 = arith.addi %mul3A_805, %add3A_958 : i32
        %get3A_960 = arith.constant 1 : i32
        %get3A_961 = arith.index_cast %get3A_960 : i32 to index
        %get3A_962 = arith.index_cast %add3A_959 : i32 to index
        %get3A_963 = arith.constant 16 : index
        %get3A_964 = tpu.vector_load %arg6[%get3A_961, %get3A_962, %get3A_963] {strides = array<i32>} : memref<4x200x128xf32, #tpu.memory_space<vmem>>, vector<1x1x16xf32>,
        %get3A_965 = vector.shape_cast %get3A_964 : vector<1x1x16xf32> to vector<16xf32>
        %add3A_966 = arith.addf %add3A_894, %get3A_965 : vector<16xf32>
        %add3A_967 = arith.constant 2 : i32
        %add3A_968 = arith.addi %mul3A_805, %add3A_967 : i32
        %get3A_969 = arith.constant 1 : i32
        %get3A_970 = arith.index_cast %get3A_969 : i32 to index
        %get3A_971 = arith.index_cast %add3A_968 : i32 to index
        %get3A_972 = arith.constant 32 : index
        %get3A_973 = tpu.vector_load %arg6[%get3A_970, %get3A_971, %get3A_972] {strides = array<i32>} : memref<4x200x128xf32, #tpu.memory_space<vmem>>, vector<1x1x16xf32>,
        %get3A_974 = vector.shape_cast %get3A_973 : vector<1x1x16xf32> to vector<16xf32>
        %add3A_975 = arith.addf %add3A_903, %get3A_974 : vector<16xf32>
        %add3A_976 = arith.constant 2 : i32
        %add3A_977 = arith.addi %mul3A_805, %add3A_976 : i32
        %get3A_978 = arith.constant 1 : i32
        %get3A_979 = arith.index_cast %get3A_978 : i32 to index
        %get3A_980 = arith.index_cast %add3A_977 : i32 to index
        %get3A_981 = arith.constant 48 : index
        %get3A_982 = tpu.vector_load %arg6[%get3A_979, %get3A_980, %get3A_981] {strides = array<i32>} : memref<4x200x128xf32, #tpu.memory_space<vmem>>, vector<1x1x16xf32>,
        %get3A_983 = vector.shape_cast %get3A_982 : vector<1x1x16xf32> to vector<16xf32>
        %add3A_984 = arith.addf %add3A_912, %get3A_983 : vector<16xf32>
        %add3A_985 = arith.constant 2 : i32
        %add3A_986 = arith.addi %mul3A_805, %add3A_985 : i32
        %get3A_987 = arith.constant 1 : i32
        %get3A_988 = arith.index_cast %get3A_987 : i32 to index
        %get3A_989 = arith.index_cast %add3A_986 : i32 to index
        %get3A_990 = arith.constant 64 : index
        %get3A_991 = tpu.vector_load %arg6[%get3A_988, %get3A_989, %get3A_990] {strides = array<i32>} : memref<4x200x128xf32, #tpu.memory_space<vmem>>, vector<1x1x16xf32>,
        %get3A_992 = vector.shape_cast %get3A_991 : vector<1x1x16xf32> to vector<16xf32>
        %add3A_993 = arith.addf %add3A_921, %get3A_992 : vector<16xf32>
        %add3A_994 = arith.constant 2 : i32
        %add3A_995 = arith.addi %mul3A_805, %add3A_994 : i32
        %get3A_996 = arith.constant 1 : i32
        %get3A_997 = arith.index_cast %get3A_996 : i32 to index
        %get3A_998 = arith.index_cast %add3A_995 : i32 to index
        %get3A_999 = arith.constant 80 : index
        %get3A_1000 = tpu.vector_load %arg6[%get3A_997, %get3A_998, %get3A_999] {strides = array<i32>} : memref<4x200x128xf32, #tpu.memory_space<vmem>>, vector<1x1x16xf32>,
        %get3A_1001 = vector.shape_cast %get3A_1000 : vector<1x1x16xf32> to vector<16xf32>
        %add3A_1002 = arith.addf %add3A_930, %get3A_1001 : vector<16xf32>
        %add3A_1003 = arith.constant 2 : i32
        %add3A_1004 = arith.addi %mul3A_805, %add3A_1003 : i32
        %get3A_1005 = arith.constant 1 : i32
        %get3A_1006 = arith.index_cast %get3A_1005 : i32 to index
        %get3A_1007 = arith.index_cast %add3A_1004 : i32 to index
        %get3A_1008 = arith.constant 96 : index
        %get3A_1009 = tpu.vector_load %arg6[%get3A_1006, %get3A_1007, %get3A_1008] {strides = array<i32>} : memref<4x200x128xf32, #tpu.memory_space<vmem>>, vector<1x1x16xf32>,
        %get3A_1010 = vector.shape_cast %get3A_1009 : vector<1x1x16xf32> to vector<16xf32>
        %add3A_1011 = arith.addf %add3A_939, %get3A_1010 : vector<16xf32>
        %add3A_1012 = arith.constant 2 : i32
        %add3A_1013 = arith.addi %mul3A_805, %add3A_1012 : i32
        %get3A_1014 = arith.constant 1 : i32
        %get3A_1015 = arith.index_cast %get3A_1014 : i32 to index
        %get3A_1016 = arith.index_cast %add3A_1013 : i32 to index
        %get3A_1017 = arith.constant 112 : index
        %get3A_1018 = tpu.vector_load %arg6[%get3A_1015, %get3A_1016, %get3A_1017] {strides = array<i32>} : memref<4x200x128xf32, #tpu.memory_space<vmem>>, vector<1x1x16xf32>,
        %get3A_1019 = vector.shape_cast %get3A_1018 : vector<1x1x16xf32> to vector<16xf32>
        %add3A_1020 = arith.addf %add3A_948, %get3A_1019 : vector<16xf32>
        %add3A_1021 = arith.constant 3 : i32
        %add3A_1022 = arith.addi %mul3A_805, %add3A_1021 : i32
        %get3A_1023 = arith.constant 1 : i32
        %get3A_1024 = arith.index_cast %get3A_1023 : i32 to index
        %get3A_1025 = arith.index_cast %add3A_1022 : i32 to index
        %get3A_1026 = arith.constant 0 : index
        %get3A_1027 = tpu.vector_load %arg6[%get3A_1024, %get3A_1025, %get3A_1026] {strides = array<i32>} : memref<4x200x128xf32, #tpu.memory_space<vmem>>, vector<1x1x16xf32>,
        %get3A_1028 = vector.shape_cast %get3A_1027 : vector<1x1x16xf32> to vector<16xf32>
        %add3A_1029 = arith.addf %add3A_957, %get3A_1028 : vector<16xf32>
        %add3A_1030 = arith.constant 3 : i32
        %add3A_1031 = arith.addi %mul3A_805, %add3A_1030 : i32
        %get3A_1032 = arith.constant 1 : i32
        %get3A_1033 = arith.index_cast %get3A_1032 : i32 to index
        %get3A_1034 = arith.index_cast %add3A_1031 : i32 to index
        %get3A_1035 = arith.constant 16 : index
        %get3A_1036 = tpu.vector_load %arg6[%get3A_1033, %get3A_1034, %get3A_1035] {strides = array<i32>} : memref<4x200x128xf32, #tpu.memory_space<vmem>>, vector<1x1x16xf32>,
        %get3A_1037 = vector.shape_cast %get3A_1036 : vector<1x1x16xf32> to vector<16xf32>
        %add3A_1038 = arith.addf %add3A_966, %get3A_1037 : vector<16xf32>
        %add3A_1039 = arith.constant 3 : i32
        %add3A_1040 = arith.addi %mul3A_805, %add3A_1039 : i32
        %get3A_1041 = arith.constant 1 : i32
        %get3A_1042 = arith.index_cast %get3A_1041 : i32 to index
        %get3A_1043 = arith.index_cast %add3A_1040 : i32 to index
        %get3A_1044 = arith.constant 32 : index
        %get3A_1045 = tpu.vector_load %arg6[%get3A_1042, %get3A_1043, %get3A_1044] {strides = array<i32>} : memref<4x200x128xf32, #tpu.memory_space<vmem>>, vector<1x1x16xf32>,
        %get3A_1046 = vector.shape_cast %get3A_1045 : vector<1x1x16xf32> to vector<16xf32>
        %add3A_1047 = arith.addf %add3A_975, %get3A_1046 : vector<16xf32>
        %add3A_1048 = arith.constant 3 : i32
        %add3A_1049 = arith.addi %mul3A_805, %add3A_1048 : i32
        %get3A_1050 = arith.constant 1 : i32
        %get3A_1051 = arith.index_cast %get3A_1050 : i32 to index
        %get3A_1052 = arith.index_cast %add3A_1049 : i32 to index
        %get3A_1053 = arith.constant 48 : index
        %get3A_1054 = tpu.vector_load %arg6[%get3A_1051, %get3A_1052, %get3A_1053] {strides = array<i32>} : memref<4x200x128xf32, #tpu.memory_space<vmem>>, vector<1x1x16xf32>,
        %get3A_1055 = vector.shape_cast %get3A_1054 : vector<1x1x16xf32> to vector<16xf32>
        %add3A_1056 = arith.addf %add3A_984, %get3A_1055 : vector<16xf32>
        %add3A_1057 = arith.constant 3 : i32
        %add3A_1058 = arith.addi %mul3A_805, %add3A_1057 : i32
        %get3A_1059 = arith.constant 1 : i32
        %get3A_1060 = arith.index_cast %get3A_1059 : i32 to index
        %get3A_1061 = arith.index_cast %add3A_1058 : i32 to index
        %get3A_1062 = arith.constant 64 : index
        %get3A_1063 = tpu.vector_load %arg6[%get3A_1060, %get3A_1061, %get3A_1062] {strides = array<i32>} : memref<4x200x128xf32, #tpu.memory_space<vmem>>, vector<1x1x16xf32>,
        %get3A_1064 = vector.shape_cast %get3A_1063 : vector<1x1x16xf32> to vector<16xf32>
        %add3A_1065 = arith.addf %add3A_993, %get3A_1064 : vector<16xf32>
        %add3A_1066 = arith.constant 3 : i32
        %add3A_1067 = arith.addi %mul3A_805, %add3A_1066 : i32
        %get3A_1068 = arith.constant 1 : i32
        %get3A_1069 = arith.index_cast %get3A_1068 : i32 to index
        %get3A_1070 = arith.index_cast %add3A_1067 : i32 to index
        %get3A_1071 = arith.constant 80 : index
        %get3A_1072 = tpu.vector_load %arg6[%get3A_1069, %get3A_1070, %get3A_1071] {strides = array<i32>} : memref<4x200x128xf32, #tpu.memory_space<vmem>>, vector<1x1x16xf32>,
        %get3A_1073 = vector.shape_cast %get3A_1072 : vector<1x1x16xf32> to vector<16xf32>
        %add3A_1074 = arith.addf %add3A_1002, %get3A_1073 : vector<16xf32>
        %add3A_1075 = arith.constant 3 : i32
        %add3A_1076 = arith.addi %mul3A_805, %add3A_1075 : i32
        %get3A_1077 = arith.constant 1 : i32
        %get3A_1078 = arith.index_cast %get3A_1077 : i32 to index
        %get3A_1079 = arith.index_cast %add3A_1076 : i32 to index
        %get3A_1080 = arith.constant 96 : index
        %get3A_1081 = tpu.vector_load %arg6[%get3A_1078, %get3A_1079, %get3A_1080] {strides = array<i32>} : memref<4x200x128xf32, #tpu.memory_space<vmem>>, vector<1x1x16xf32>,
        %get3A_1082 = vector.shape_cast %get3A_1081 : vector<1x1x16xf32> to vector<16xf32>
        %add3A_1083 = arith.addf %add3A_1011, %get3A_1082 : vector<16xf32>
        %add3A_1084 = arith.constant 3 : i32
        %add3A_1085 = arith.addi %mul3A_805, %add3A_1084 : i32
        %get3A_1086 = arith.constant 1 : i32
        %get3A_1087 = arith.index_cast %get3A_1086 : i32 to index
        %get3A_1088 = arith.index_cast %add3A_1085 : i32 to index
        %get3A_1089 = arith.constant 112 : index
        %get3A_1090 = tpu.vector_load %arg6[%get3A_1087, %get3A_1088, %get3A_1089] {strides = array<i32>} : memref<4x200x128xf32, #tpu.memory_space<vmem>>, vector<1x1x16xf32>,
        %get3A_1091 = vector.shape_cast %get3A_1090 : vector<1x1x16xf32> to vector<16xf32>
        %add3A_1092 = arith.addf %add3A_1020, %get3A_1091 : vector<16xf32>
        %add3A_1093 = arith.constant 4 : i32
        %add3A_1094 = arith.addi %mul3A_805, %add3A_1093 : i32
        %get3A_1095 = arith.constant 1 : i32
        %get3A_1096 = arith.index_cast %get3A_1095 : i32 to index
        %get3A_1097 = arith.index_cast %add3A_1094 : i32 to index
        %get3A_1098 = arith.constant 0 : index
        %get3A_1099 = tpu.vector_load %arg6[%get3A_1096, %get3A_1097, %get3A_1098] {strides = array<i32>} : memref<4x200x128xf32, #tpu.memory_space<vmem>>, vector<1x1x16xf32>,
        %get3A_1100 = vector.shape_cast %get3A_1099 : vector<1x1x16xf32> to vector<16xf32>
        %add3A_1101 = arith.addf %add3A_1029, %get3A_1100 : vector<16xf32>
        %add3A_1102 = arith.constant 4 : i32
        %add3A_1103 = arith.addi %mul3A_805, %add3A_1102 : i32
        %get3A_1104 = arith.constant 1 : i32
        %get3A_1105 = arith.index_cast %get3A_1104 : i32 to index
        %get3A_1106 = arith.index_cast %add3A_1103 : i32 to index
        %get3A_1107 = arith.constant 16 : index
        %get3A_1108 = tpu.vector_load %arg6[%get3A_1105, %get3A_1106, %get3A_1107] {strides = array<i32>} : memref<4x200x128xf32, #tpu.memory_space<vmem>>, vector<1x1x16xf32>,
        %get3A_1109 = vector.shape_cast %get3A_1108 : vector<1x1x16xf32> to vector<16xf32>
        %add3A_1110 = arith.addf %add3A_1038, %get3A_1109 : vector<16xf32>
        %add3A_1111 = arith.constant 4 : i32
        %add3A_1112 = arith.addi %mul3A_805, %add3A_1111 : i32
        %get3A_1113 = arith.constant 1 : i32
        %get3A_1114 = arith.index_cast %get3A_1113 : i32 to index
        %get3A_1115 = arith.index_cast %add3A_1112 : i32 to index
        %get3A_1116 = arith.constant 32 : index
        %get3A_1117 = tpu.vector_load %arg6[%get3A_1114, %get3A_1115, %get3A_1116] {strides = array<i32>} : memref<4x200x128xf32, #tpu.memory_space<vmem>>, vector<1x1x16xf32>,
        %get3A_1118 = vector.shape_cast %get3A_1117 : vector<1x1x16xf32> to vector<16xf32>
        %add3A_1119 = arith.addf %add3A_1047, %get3A_1118 : vector<16xf32>
        %add3A_1120 = arith.constant 4 : i32
        %add3A_1121 = arith.addi %mul3A_805, %add3A_1120 : i32
        %get3A_1122 = arith.constant 1 : i32
        %get3A_1123 = arith.index_cast %get3A_1122 : i32 to index
        %get3A_1124 = arith.index_cast %add3A_1121 : i32 to index
        %get3A_1125 = arith.constant 48 : index
        %get3A_1126 = tpu.vector_load %arg6[%get3A_1123, %get3A_1124, %get3A_1125] {strides = array<i32>} : memref<4x200x128xf32, #tpu.memory_space<vmem>>, vector<1x1x16xf32>,
        %get3A_1127 = vector.shape_cast %get3A_1126 : vector<1x1x16xf32> to vector<16xf32>
        %add3A_1128 = arith.addf %add3A_1056, %get3A_1127 : vector<16xf32>
        %add3A_1129 = arith.constant 4 : i32
        %add3A_1130 = arith.addi %mul3A_805, %add3A_1129 : i32
        %get3A_1131 = arith.constant 1 : i32
        %get3A_1132 = arith.index_cast %get3A_1131 : i32 to index
        %get3A_1133 = arith.index_cast %add3A_1130 : i32 to index
        %get3A_1134 = arith.constant 64 : index
        %get3A_1135 = tpu.vector_load %arg6[%get3A_1132, %get3A_1133, %get3A_1134] {strides = array<i32>} : memref<4x200x128xf32, #tpu.memory_space<vmem>>, vector<1x1x16xf32>,
        %get3A_1136 = vector.shape_cast %get3A_1135 : vector<1x1x16xf32> to vector<16xf32>
        %add3A_1137 = arith.addf %add3A_1065, %get3A_1136 : vector<16xf32>
        %add3A_1138 = arith.constant 4 : i32
        %add3A_1139 = arith.addi %mul3A_805, %add3A_1138 : i32
        %get3A_1140 = arith.constant 1 : i32
        %get3A_1141 = arith.index_cast %get3A_1140 : i32 to index
        %get3A_1142 = arith.index_cast %add3A_1139 : i32 to index
        %get3A_1143 = arith.constant 80 : index
        %get3A_1144 = tpu.vector_load %arg6[%get3A_1141, %get3A_1142, %get3A_1143] {strides = array<i32>} : memref<4x200x128xf32, #tpu.memory_space<vmem>>, vector<1x1x16xf32>,
        %get3A_1145 = vector.shape_cast %get3A_1144 : vector<1x1x16xf32> to vector<16xf32>
        %add3A_1146 = arith.addf %add3A_1074, %get3A_1145 : vector<16xf32>
        %add3A_1147 = arith.constant 4 : i32
        %add3A_1148 = arith.addi %mul3A_805, %add3A_1147 : i32
        %get3A_1149 = arith.constant 1 : i32
        %get3A_1150 = arith.index_cast %get3A_1149 : i32 to index
        %get3A_1151 = arith.index_cast %add3A_1148 : i32 to index
        %get3A_1152 = arith.constant 96 : index
        %get3A_1153 = tpu.vector_load %arg6[%get3A_1150, %get3A_1151, %get3A_1152] {strides = array<i32>} : memref<4x200x128xf32, #tpu.memory_space<vmem>>, vector<1x1x16xf32>,
        %get3A_1154 = vector.shape_cast %get3A_1153 : vector<1x1x16xf32> to vector<16xf32>
        %add3A_1155 = arith.addf %add3A_1083, %get3A_1154 : vector<16xf32>
        %add3A_1156 = arith.constant 4 : i32
        %add3A_1157 = arith.addi %mul3A_805, %add3A_1156 : i32
        %get3A_1158 = arith.constant 1 : i32
        %get3A_1159 = arith.index_cast %get3A_1158 : i32 to index
        %get3A_1160 = arith.index_cast %add3A_1157 : i32 to index
        %get3A_1161 = arith.constant 112 : index
        %get3A_1162 = tpu.vector_load %arg6[%get3A_1159, %get3A_1160, %get3A_1161] {strides = array<i32>} : memref<4x200x128xf32, #tpu.memory_space<vmem>>, vector<1x1x16xf32>,
        %get3A_1163 = vector.shape_cast %get3A_1162 : vector<1x1x16xf32> to vector<16xf32>
        %add3A_1164 = arith.addf %add3A_1092, %get3A_1163 : vector<16xf32>
        %add3A_1165 = arith.constant 5 : i32
        %add3A_1166 = arith.addi %mul3A_805, %add3A_1165 : i32
        %get3A_1167 = arith.constant 1 : i32
        %get3A_1168 = arith.index_cast %get3A_1167 : i32 to index
        %get3A_1169 = arith.index_cast %add3A_1166 : i32 to index
        %get3A_1170 = arith.constant 0 : index
        %get3A_1171 = tpu.vector_load %arg6[%get3A_1168, %get3A_1169, %get3A_1170] {strides = array<i32>} : memref<4x200x128xf32, #tpu.memory_space<vmem>>, vector<1x1x16xf32>,
        %get3A_1172 = vector.shape_cast %get3A_1171 : vector<1x1x16xf32> to vector<16xf32>
        %add3A_1173 = arith.addf %add3A_1101, %get3A_1172 : vector<16xf32>
        %add3A_1174 = arith.constant 5 : i32
        %add3A_1175 = arith.addi %mul3A_805, %add3A_1174 : i32
        %get3A_1176 = arith.constant 1 : i32
        %get3A_1177 = arith.index_cast %get3A_1176 : i32 to index
        %get3A_1178 = arith.index_cast %add3A_1175 : i32 to index
        %get3A_1179 = arith.constant 16 : index
        %get3A_1180 = tpu.vector_load %arg6[%get3A_1177, %get3A_1178, %get3A_1179] {strides = array<i32>} : memref<4x200x128xf32, #tpu.memory_space<vmem>>, vector<1x1x16xf32>,
        %get3A_1181 = vector.shape_cast %get3A_1180 : vector<1x1x16xf32> to vector<16xf32>
        %add3A_1182 = arith.addf %add3A_1110, %get3A_1181 : vector<16xf32>
        %add3A_1183 = arith.constant 5 : i32
        %add3A_1184 = arith.addi %mul3A_805, %add3A_1183 : i32
        %get3A_1185 = arith.constant 1 : i32
        %get3A_1186 = arith.index_cast %get3A_1185 : i32 to index
        %get3A_1187 = arith.index_cast %add3A_1184 : i32 to index
        %get3A_1188 = arith.constant 32 : index
        %get3A_1189 = tpu.vector_load %arg6[%get3A_1186, %get3A_1187, %get3A_1188] {strides = array<i32>} : memref<4x200x128xf32, #tpu.memory_space<vmem>>, vector<1x1x16xf32>,
        %get3A_1190 = vector.shape_cast %get3A_1189 : vector<1x1x16xf32> to vector<16xf32>
        %add3A_1191 = arith.addf %add3A_1119, %get3A_1190 : vector<16xf32>
        %add3A_1192 = arith.constant 5 : i32
        %add3A_1193 = arith.addi %mul3A_805, %add3A_1192 : i32
        %get3A_1194 = arith.constant 1 : i32
        %get3A_1195 = arith.index_cast %get3A_1194 : i32 to index
        %get3A_1196 = arith.index_cast %add3A_1193 : i32 to index
        %get3A_1197 = arith.constant 48 : index
        %get3A_1198 = tpu.vector_load %arg6[%get3A_1195, %get3A_1196, %get3A_1197] {strides = array<i32>} : memref<4x200x128xf32, #tpu.memory_space<vmem>>, vector<1x1x16xf32>,
        %get3A_1199 = vector.shape_cast %get3A_1198 : vector<1x1x16xf32> to vector<16xf32>
        %add3A_1200 = arith.addf %add3A_1128, %get3A_1199 : vector<16xf32>
        %add3A_1201 = arith.constant 5 : i32
        %add3A_1202 = arith.addi %mul3A_805, %add3A_1201 : i32
        %get3A_1203 = arith.constant 1 : i32
        %get3A_1204 = arith.index_cast %get3A_1203 : i32 to index
        %get3A_1205 = arith.index_cast %add3A_1202 : i32 to index
        %get3A_1206 = arith.constant 64 : index
        %get3A_1207 = tpu.vector_load %arg6[%get3A_1204, %get3A_1205, %get3A_1206] {strides = array<i32>} : memref<4x200x128xf32, #tpu.memory_space<vmem>>, vector<1x1x16xf32>,
        %get3A_1208 = vector.shape_cast %get3A_1207 : vector<1x1x16xf32> to vector<16xf32>
        %add3A_1209 = arith.addf %add3A_1137, %get3A_1208 : vector<16xf32>
        %add3A_1210 = arith.constant 5 : i32
        %add3A_1211 = arith.addi %mul3A_805, %add3A_1210 : i32
        %get3A_1212 = arith.constant 1 : i32
        %get3A_1213 = arith.index_cast %get3A_1212 : i32 to index
        %get3A_1214 = arith.index_cast %add3A_1211 : i32 to index
        %get3A_1215 = arith.constant 80 : index
        %get3A_1216 = tpu.vector_load %arg6[%get3A_1213, %get3A_1214, %get3A_1215] {strides = array<i32>} : memref<4x200x128xf32, #tpu.memory_space<vmem>>, vector<1x1x16xf32>,
        %get3A_1217 = vector.shape_cast %get3A_1216 : vector<1x1x16xf32> to vector<16xf32>
        %add3A_1218 = arith.addf %add3A_1146, %get3A_1217 : vector<16xf32>
        %add3A_1219 = arith.constant 5 : i32
        %add3A_1220 = arith.addi %mul3A_805, %add3A_1219 : i32
        %get3A_1221 = arith.constant 1 : i32
        %get3A_1222 = arith.index_cast %get3A_1221 : i32 to index
        %get3A_1223 = arith.index_cast %add3A_1220 : i32 to index
        %get3A_1224 = arith.constant 96 : index
        %get3A_1225 = tpu.vector_load %arg6[%get3A_1222, %get3A_1223, %get3A_1224] {strides = array<i32>} : memref<4x200x128xf32, #tpu.memory_space<vmem>>, vector<1x1x16xf32>,
        %get3A_1226 = vector.shape_cast %get3A_1225 : vector<1x1x16xf32> to vector<16xf32>
        %add3A_1227 = arith.addf %add3A_1155, %get3A_1226 : vector<16xf32>
        %add3A_1228 = arith.constant 5 : i32
        %add3A_1229 = arith.addi %mul3A_805, %add3A_1228 : i32
        %get3A_1230 = arith.constant 1 : i32
        %get3A_1231 = arith.index_cast %get3A_1230 : i32 to index
        %get3A_1232 = arith.index_cast %add3A_1229 : i32 to index
        %get3A_1233 = arith.constant 112 : index
        %get3A_1234 = tpu.vector_load %arg6[%get3A_1231, %get3A_1232, %get3A_1233] {strides = array<i32>} : memref<4x200x128xf32, #tpu.memory_space<vmem>>, vector<1x1x16xf32>,
        %get3A_1235 = vector.shape_cast %get3A_1234 : vector<1x1x16xf32> to vector<16xf32>
        %add3A_1236 = arith.addf %add3A_1164, %get3A_1235 : vector<16xf32>
        %add3A_1237 = arith.constant 6 : i32
        %add3A_1238 = arith.addi %mul3A_805, %add3A_1237 : i32
        %get3A_1239 = arith.constant 1 : i32
        %get3A_1240 = arith.index_cast %get3A_1239 : i32 to index
        %get3A_1241 = arith.index_cast %add3A_1238 : i32 to index
        %get3A_1242 = arith.constant 0 : index
        %get3A_1243 = tpu.vector_load %arg6[%get3A_1240, %get3A_1241, %get3A_1242] {strides = array<i32>} : memref<4x200x128xf32, #tpu.memory_space<vmem>>, vector<1x1x16xf32>,
        %get3A_1244 = vector.shape_cast %get3A_1243 : vector<1x1x16xf32> to vector<16xf32>
        %add3A_1245 = arith.addf %add3A_1173, %get3A_1244 : vector<16xf32>
        %add3A_1246 = arith.constant 6 : i32
        %add3A_1247 = arith.addi %mul3A_805, %add3A_1246 : i32
        %get3A_1248 = arith.constant 1 : i32
        %get3A_1249 = arith.index_cast %get3A_1248 : i32 to index
        %get3A_1250 = arith.index_cast %add3A_1247 : i32 to index
        %get3A_1251 = arith.constant 16 : index
        %get3A_1252 = tpu.vector_load %arg6[%get3A_1249, %get3A_1250, %get3A_1251] {strides = array<i32>} : memref<4x200x128xf32, #tpu.memory_space<vmem>>, vector<1x1x16xf32>,
        %get3A_1253 = vector.shape_cast %get3A_1252 : vector<1x1x16xf32> to vector<16xf32>
        %add3A_1254 = arith.addf %add3A_1182, %get3A_1253 : vector<16xf32>
        %add3A_1255 = arith.constant 6 : i32
        %add3A_1256 = arith.addi %mul3A_805, %add3A_1255 : i32
        %get3A_1257 = arith.constant 1 : i32
        %get3A_1258 = arith.index_cast %get3A_1257 : i32 to index
        %get3A_1259 = arith.index_cast %add3A_1256 : i32 to index
        %get3A_1260 = arith.constant 32 : index
        %get3A_1261 = tpu.vector_load %arg6[%get3A_1258, %get3A_1259, %get3A_1260] {strides = array<i32>} : memref<4x200x128xf32, #tpu.memory_space<vmem>>, vector<1x1x16xf32>,
        %get3A_1262 = vector.shape_cast %get3A_1261 : vector<1x1x16xf32> to vector<16xf32>
        %add3A_1263 = arith.addf %add3A_1191, %get3A_1262 : vector<16xf32>
        %add3A_1264 = arith.constant 6 : i32
        %add3A_1265 = arith.addi %mul3A_805, %add3A_1264 : i32
        %get3A_1266 = arith.constant 1 : i32
        %get3A_1267 = arith.index_cast %get3A_1266 : i32 to index
        %get3A_1268 = arith.index_cast %add3A_1265 : i32 to index
        %get3A_1269 = arith.constant 48 : index
        %get3A_1270 = tpu.vector_load %arg6[%get3A_1267, %get3A_1268, %get3A_1269] {strides = array<i32>} : memref<4x200x128xf32, #tpu.memory_space<vmem>>, vector<1x1x16xf32>,
        %get3A_1271 = vector.shape_cast %get3A_1270 : vector<1x1x16xf32> to vector<16xf32>
        %add3A_1272 = arith.addf %add3A_1200, %get3A_1271 : vector<16xf32>
        %add3A_1273 = arith.constant 6 : i32
        %add3A_1274 = arith.addi %mul3A_805, %add3A_1273 : i32
        %get3A_1275 = arith.constant 1 : i32
        %get3A_1276 = arith.index_cast %get3A_1275 : i32 to index
        %get3A_1277 = arith.index_cast %add3A_1274 : i32 to index
        %get3A_1278 = arith.constant 64 : index
        %get3A_1279 = tpu.vector_load %arg6[%get3A_1276, %get3A_1277, %get3A_1278] {strides = array<i32>} : memref<4x200x128xf32, #tpu.memory_space<vmem>>, vector<1x1x16xf32>,
        %get3A_1280 = vector.shape_cast %get3A_1279 : vector<1x1x16xf32> to vector<16xf32>
        %add3A_1281 = arith.addf %add3A_1209, %get3A_1280 : vector<16xf32>
        %add3A_1282 = arith.constant 6 : i32
        %add3A_1283 = arith.addi %mul3A_805, %add3A_1282 : i32
        %get3A_1284 = arith.constant 1 : i32
        %get3A_1285 = arith.index_cast %get3A_1284 : i32 to index
        %get3A_1286 = arith.index_cast %add3A_1283 : i32 to index
        %get3A_1287 = arith.constant 80 : index
        %get3A_1288 = tpu.vector_load %arg6[%get3A_1285, %get3A_1286, %get3A_1287] {strides = array<i32>} : memref<4x200x128xf32, #tpu.memory_space<vmem>>, vector<1x1x16xf32>,
        %get3A_1289 = vector.shape_cast %get3A_1288 : vector<1x1x16xf32> to vector<16xf32>
        %add3A_1290 = arith.addf %add3A_1218, %get3A_1289 : vector<16xf32>
        %add3A_1291 = arith.constant 6 : i32
        %add3A_1292 = arith.addi %mul3A_805, %add3A_1291 : i32
        %get3A_1293 = arith.constant 1 : i32
        %get3A_1294 = arith.index_cast %get3A_1293 : i32 to index
        %get3A_1295 = arith.index_cast %add3A_1292 : i32 to index
        %get3A_1296 = arith.constant 96 : index
        %get3A_1297 = tpu.vector_load %arg6[%get3A_1294, %get3A_1295, %get3A_1296] {strides = array<i32>} : memref<4x200x128xf32, #tpu.memory_space<vmem>>, vector<1x1x16xf32>,
        %get3A_1298 = vector.shape_cast %get3A_1297 : vector<1x1x16xf32> to vector<16xf32>
        %add3A_1299 = arith.addf %add3A_1227, %get3A_1298 : vector<16xf32>
        %add3A_1300 = arith.constant 6 : i32
        %add3A_1301 = arith.addi %mul3A_805, %add3A_1300 : i32
        %get3A_1302 = arith.constant 1 : i32
        %get3A_1303 = arith.index_cast %get3A_1302 : i32 to index
        %get3A_1304 = arith.index_cast %add3A_1301 : i32 to index
        %get3A_1305 = arith.constant 112 : index
        %get3A_1306 = tpu.vector_load %arg6[%get3A_1303, %get3A_1304, %get3A_1305] {strides = array<i32>} : memref<4x200x128xf32, #tpu.memory_space<vmem>>, vector<1x1x16xf32>,
        %get3A_1307 = vector.shape_cast %get3A_1306 : vector<1x1x16xf32> to vector<16xf32>
        %add3A_1308 = arith.addf %add3A_1236, %get3A_1307 : vector<16xf32>
        %add3A_1309 = arith.constant 7 : i32
        %add3A_1310 = arith.addi %mul3A_805, %add3A_1309 : i32
        %get3A_1311 = arith.constant 1 : i32
        %get3A_1312 = arith.index_cast %get3A_1311 : i32 to index
        %get3A_1313 = arith.index_cast %add3A_1310 : i32 to index
        %get3A_1314 = arith.constant 0 : index
        %get3A_1315 = tpu.vector_load %arg6[%get3A_1312, %get3A_1313, %get3A_1314] {strides = array<i32>} : memref<4x200x128xf32, #tpu.memory_space<vmem>>, vector<1x1x16xf32>,
        %get3A_1316 = vector.shape_cast %get3A_1315 : vector<1x1x16xf32> to vector<16xf32>
        %add3A_1317 = arith.addf %add3A_1245, %get3A_1316 : vector<16xf32>
        %add3A_1318 = arith.constant 7 : i32
        %add3A_1319 = arith.addi %mul3A_805, %add3A_1318 : i32
        %get3A_1320 = arith.constant 1 : i32
        %get3A_1321 = arith.index_cast %get3A_1320 : i32 to index
        %get3A_1322 = arith.index_cast %add3A_1319 : i32 to index
        %get3A_1323 = arith.constant 16 : index
        %get3A_1324 = tpu.vector_load %arg6[%get3A_1321, %get3A_1322, %get3A_1323] {strides = array<i32>} : memref<4x200x128xf32, #tpu.memory_space<vmem>>, vector<1x1x16xf32>,
        %get3A_1325 = vector.shape_cast %get3A_1324 : vector<1x1x16xf32> to vector<16xf32>
        %add3A_1326 = arith.addf %add3A_1254, %get3A_1325 : vector<16xf32>
        %add3A_1327 = arith.constant 7 : i32
        %add3A_1328 = arith.addi %mul3A_805, %add3A_1327 : i32
        %get3A_1329 = arith.constant 1 : i32
        %get3A_1330 = arith.index_cast %get3A_1329 : i32 to index
        %get3A_1331 = arith.index_cast %add3A_1328 : i32 to index
        %get3A_1332 = arith.constant 32 : index
        %get3A_1333 = tpu.vector_load %arg6[%get3A_1330, %get3A_1331, %get3A_1332] {strides = array<i32>} : memref<4x200x128xf32, #tpu.memory_space<vmem>>, vector<1x1x16xf32>,
        %get3A_1334 = vector.shape_cast %get3A_1333 : vector<1x1x16xf32> to vector<16xf32>
        %add3A_1335 = arith.addf %add3A_1263, %get3A_1334 : vector<16xf32>
        %add3A_1336 = arith.constant 7 : i32
        %add3A_1337 = arith.addi %mul3A_805, %add3A_1336 : i32
        %get3A_1338 = arith.constant 1 : i32
        %get3A_1339 = arith.index_cast %get3A_1338 : i32 to index
        %get3A_1340 = arith.index_cast %add3A_1337 : i32 to index
        %get3A_1341 = arith.constant 48 : index
        %get3A_1342 = tpu.vector_load %arg6[%get3A_1339, %get3A_1340, %get3A_1341] {strides = array<i32>} : memref<4x200x128xf32, #tpu.memory_space<vmem>>, vector<1x1x16xf32>,
        %get3A_1343 = vector.shape_cast %get3A_1342 : vector<1x1x16xf32> to vector<16xf32>
        %add3A_1344 = arith.addf %add3A_1272, %get3A_1343 : vector<16xf32>
        %add3A_1345 = arith.constant 7 : i32
        %add3A_1346 = arith.addi %mul3A_805, %add3A_1345 : i32
        %get3A_1347 = arith.constant 1 : i32
        %get3A_1348 = arith.index_cast %get3A_1347 : i32 to index
        %get3A_1349 = arith.index_cast %add3A_1346 : i32 to index
        %get3A_1350 = arith.constant 64 : index
        %get3A_1351 = tpu.vector_load %arg6[%get3A_1348, %get3A_1349, %get3A_1350] {strides = array<i32>} : memref<4x200x128xf32, #tpu.memory_space<vmem>>, vector<1x1x16xf32>,
        %get3A_1352 = vector.shape_cast %get3A_1351 : vector<1x1x16xf32> to vector<16xf32>
        %add3A_1353 = arith.addf %add3A_1281, %get3A_1352 : vector<16xf32>
        %add3A_1354 = arith.constant 7 : i32
        %add3A_1355 = arith.addi %mul3A_805, %add3A_1354 : i32
        %get3A_1356 = arith.constant 1 : i32
        %get3A_1357 = arith.index_cast %get3A_1356 : i32 to index
        %get3A_1358 = arith.index_cast %add3A_1355 : i32 to index
        %get3A_1359 = arith.constant 80 : index
        %get3A_1360 = tpu.vector_load %arg6[%get3A_1357, %get3A_1358, %get3A_1359] {strides = array<i32>} : memref<4x200x128xf32, #tpu.memory_space<vmem>>, vector<1x1x16xf32>,
        %get3A_1361 = vector.shape_cast %get3A_1360 : vector<1x1x16xf32> to vector<16xf32>
        %add3A_1362 = arith.addf %add3A_1290, %get3A_1361 : vector<16xf32>
        %add3A_1363 = arith.constant 7 : i32
        %add3A_1364 = arith.addi %mul3A_805, %add3A_1363 : i32
        %get3A_1365 = arith.constant 1 : i32
        %get3A_1366 = arith.index_cast %get3A_1365 : i32 to index
        %get3A_1367 = arith.index_cast %add3A_1364 : i32 to index
        %get3A_1368 = arith.constant 96 : index
        %get3A_1369 = tpu.vector_load %arg6[%get3A_1366, %get3A_1367, %get3A_1368] {strides = array<i32>} : memref<4x200x128xf32, #tpu.memory_space<vmem>>, vector<1x1x16xf32>,
        %get3A_1370 = vector.shape_cast %get3A_1369 : vector<1x1x16xf32> to vector<16xf32>
        %add3A_1371 = arith.addf %add3A_1299, %get3A_1370 : vector<16xf32>
        %add3A_1372 = arith.constant 7 : i32
        %add3A_1373 = arith.addi %mul3A_805, %add3A_1372 : i32
        %get3A_1374 = arith.constant 1 : i32
        %get3A_1375 = arith.index_cast %get3A_1374 : i32 to index
        %get3A_1376 = arith.index_cast %add3A_1373 : i32 to index
        %get3A_1377 = arith.constant 112 : index
        %get3A_1378 = tpu.vector_load %arg6[%get3A_1375, %get3A_1376, %get3A_1377] {strides = array<i32>} : memref<4x200x128xf32, #tpu.memory_space<vmem>>, vector<1x1x16xf32>,
        %get3A_1379 = vector.shape_cast %get3A_1378 : vector<1x1x16xf32> to vector<16xf32>
        %add3A_1380 = arith.addf %add3A_1308, %get3A_1379 : vector<16xf32>
        scf.yield %add3A_1317, %add3A_1326, %add3A_1335, %add3A_1344, %add3A_1353, %add3A_1362, %add3A_1371, %add3A_1380 : vector<16xf32>, vector<16xf32>, vector<16xf32>, vector<16xf32>, vector<16xf32>, vector<16xf32>, vector<16xf32>, vector<16xf32>
      }
      %scan3A_468 = arith.constant 25 : i32
      %swap3A_469 = arith.index_cast %select_n3A_407 : i32 to index
      %swap3A_470 = arith.constant 0 : index
      %swap3A_471 = tpu.vector_load %arg7[%swap3A_469, %swap3A_470] {strides = array<i32>} : memref<4x128xf32, #tpu.memory_space<vmem>>, vector<1x16xf32>,
      %swap3A_472 = vector.shape_cast %swap3A_471 : vector<1x16xf32> to vector<16xf32>
      %swap3A_473 = vector.shape_cast %scan3A_467#0 : vector<16xf32> to vector<1x16xf32>
      tpu.vector_store %arg7[%swap3A_469, %swap3A_470], %swap3A_473 {strides = array<i32>} : memref<4x128xf32, #tpu.memory_space<vmem>>, vector<1x16xf32>,
      %swap3A_474 = arith.index_cast %select_n3A_407 : i32 to index
      %swap3A_475 = arith.constant 16 : index
      %swap3A_476 = tpu.vector_load %arg7[%swap3A_474, %swap3A_475] {strides = array<i32>} : memref<4x128xf32, #tpu.memory_space<vmem>>, vector<1x16xf32>,
      %swap3A_477 = vector.shape_cast %swap3A_476 : vector<1x16xf32> to vector<16xf32>
      %swap3A_478 = vector.shape_cast %scan3A_467#1 : vector<16xf32> to vector<1x16xf32>
      tpu.vector_store %arg7[%swap3A_474, %swap3A_475], %swap3A_478 {strides = array<i32>} : memref<4x128xf32, #tpu.memory_space<vmem>>, vector<1x16xf32>,
      %swap3A_479 = arith.index_cast %select_n3A_407 : i32 to index
      %swap3A_480 = arith.constant 32 : index
      %swap3A_481 = tpu.vector_load %arg7[%swap3A_479, %swap3A_480] {strides = array<i32>} : memref<4x128xf32, #tpu.memory_space<vmem>>, vector<1x16xf32>,
      %swap3A_482 = vector.shape_cast %swap3A_481 : vector<1x16xf32> to vector<16xf32>
      %swap3A_483 = vector.shape_cast %scan3A_467#2 : vector<16xf32> to vector<1x16xf32>
      tpu.vector_store %arg7[%swap3A_479, %swap3A_480], %swap3A_483 {strides = array<i32>} : memref<4x128xf32, #tpu.memory_space<vmem>>, vector<1x16xf32>,
      %swap3A_484 = arith.index_cast %select_n3A_407 : i32 to index
      %swap3A_485 = arith.constant 48 : index
      %swap3A_486 = tpu.vector_load %arg7[%swap3A_484, %swap3A_485] {strides = array<i32>} : memref<4x128xf32, #tpu.memory_space<vmem>>, vector<1x16xf32>,
      %swap3A_487 = vector.shape_cast %swap3A_486 : vector<1x16xf32> to vector<16xf32>
      %swap3A_488 = vector.shape_cast %scan3A_467#3 : vector<16xf32> to vector<1x16xf32>
      tpu.vector_store %arg7[%swap3A_484, %swap3A_485], %swap3A_488 {strides = array<i32>} : memref<4x128xf32, #tpu.memory_space<vmem>>, vector<1x16xf32>,
      %swap3A_489 = arith.index_cast %select_n3A_407 : i32 to index
      %swap3A_490 = arith.constant 64 : index
      %swap3A_491 = tpu.vector_load %arg7[%swap3A_489, %swap3A_490] {strides = array<i32>} : memref<4x128xf32, #tpu.memory_space<vmem>>, vector<1x16xf32>,
      %swap3A_492 = vector.shape_cast %swap3A_491 : vector<1x16xf32> to vector<16xf32>
      %swap3A_493 = vector.shape_cast %scan3A_467#4 : vector<16xf32> to vector<1x16xf32>
      tpu.vector_store %arg7[%swap3A_489, %swap3A_490], %swap3A_493 {strides = array<i32>} : memref<4x128xf32, #tpu.memory_space<vmem>>, vector<1x16xf32>,
      %swap3A_494 = arith.index_cast %select_n3A_407 : i32 to index
      %swap3A_495 = arith.constant 80 : index
      %swap3A_496 = tpu.vector_load %arg7[%swap3A_494, %swap3A_495] {strides = array<i32>} : memref<4x128xf32, #tpu.memory_space<vmem>>, vector<1x16xf32>,
      %swap3A_497 = vector.shape_cast %swap3A_496 : vector<1x16xf32> to vector<16xf32>
      %swap3A_498 = vector.shape_cast %scan3A_467#5 : vector<16xf32> to vector<1x16xf32>
      tpu.vector_store %arg7[%swap3A_494, %swap3A_495], %swap3A_498 {strides = array<i32>} : memref<4x128xf32, #tpu.memory_space<vmem>>, vector<1x16xf32>,
      %swap3A_499 = arith.index_cast %select_n3A_407 : i32 to index
      %swap3A_500 = arith.constant 96 : index
      %swap3A_501 = tpu.vector_load %arg7[%swap3A_499, %swap3A_500] {strides = array<i32>} : memref<4x128xf32, #tpu.memory_space<vmem>>, vector<1x16xf32>,
      %swap3A_502 = vector.shape_cast %swap3A_501 : vector<1x16xf32> to vector<16xf32>
      %swap3A_503 = vector.shape_cast %scan3A_467#6 : vector<16xf32> to vector<1x16xf32>
      tpu.vector_store %arg7[%swap3A_499, %swap3A_500], %swap3A_503 {strides = array<i32>} : memref<4x128xf32, #tpu.memory_space<vmem>>, vector<1x16xf32>,
      %swap3A_504 = arith.index_cast %select_n3A_407 : i32 to index
      %swap3A_505 = arith.constant 112 : index
      %swap3A_506 = tpu.vector_load %arg7[%swap3A_504, %swap3A_505] {strides = array<i32>} : memref<4x128xf32, #tpu.memory_space<vmem>>, vector<1x16xf32>,
      %swap3A_507 = vector.shape_cast %swap3A_506 : vector<1x16xf32> to vector<16xf32>
      %swap3A_508 = vector.shape_cast %scan3A_467#7 : vector<16xf32> to vector<1x16xf32>
      tpu.vector_store %arg7[%swap3A_504, %swap3A_505], %swap3A_508 {strides = array<i32>} : memref<4x128xf32, #tpu.memory_space<vmem>>, vector<1x16xf32>,
      %add3A_509 = arith.addi %mul3A_2, %add3A_391 : i32
      %dma_start3A_510 = arith.constant 0 : i32
      %dma_start3A_511 = tpu.memref_slice %arg7[%select_n3A_407, %dma_start3A_510] : memref<4x128xf32, #tpu.memory_space<vmem>> -> memref<1x128xf32, #tpu.memory_space<vmem>>
      %dma_start3A_512 = arith.constant 0 : i32
      %dma_start3A_513 = tpu.memref_slice %arg4[%add3A_509, %dma_start3A_512] : memref<4096x128xf32, #tpu.memory_space<hbm>> -> memref<1x128xf32, #tpu.memory_space<hbm>>
      %dma_start3A_514 = arith.constant 0 : i32
      %dma_start3A_515 = tpu.memref_slice %arg4[%add3A_509, %dma_start3A_514] : memref<4096x128xf32, #tpu.memory_space<hbm>> -> memref<1x128xf32, #tpu.memory_space<hbm>>
      %dma_start3A_516 = arith.constant 0 : i32
      %dma_start3A_517 = tpu.memref_slice %arg7[%select_n3A_407, %dma_start3A_516] : memref<4x128xf32, #tpu.memory_space<vmem>> -> memref<1x128xf32, #tpu.memory_space<vmem>>
      tpu.enqueue_dma source(%dma_start3A_517 : memref<1x128xf32, #tpu.memory_space<vmem>>) target(%dma_start3A_515 : memref<1x128xf32, #tpu.memory_space<hbm>>) target_semaphore(%arg12 : memref<!tpu.dma_semaphore, #tpu.memory_space<semaphore_mem>>)
      %add3A_518 = arith.constant 4 : i32
      %add3A_519 = arith.addi %add3A_391, %add3A_518 : i32
      %lt3A_520 = arith.constant 128 : i32
      %lt3A_521 = arith.cmpi slt, %add3A_519, %lt3A_520 : i32
      %convert_element_type3A_522 = arith.extui %lt3A_521 : i1 to i32
      %cond3A_523 = arith.constant 0 : i32
      %cond3A_524 = arith.cmpi ne, %convert_element_type3A_522, %cond3A_523 : i32
      scf.if %cond3A_524 {
        %add3A_795 = arith.constant 4 : i32
        %add3A_796 = arith.addi %add3A_391, %add3A_795 : i32
        %mul3A_797 = arith.constant 200 : i32
        %mul3A_798 = arith.muli %add3A_796, %mul3A_797 : i32
        %add3A_799 = arith.constant 0 : i32
        %add3A_800 = arith.addi %mul3A_798, %add3A_799 : i32
        %dma_start3A_801 = arith.constant 1 : i32
        %dma_start3A_802 = arith.constant 0 : i32
        %dma_start3A_803 = arith.constant 0 : i32
        %dma_start3A_804 = tpu.memref_slice %arg6[%dma_start3A_801, %dma_start3A_802, %dma_start3A_803] : memref<4x200x128xf32, #tpu.memory_space<vmem>> -> memref<1x40x128xf32, #tpu.memory_space<vmem>>
        %dma_start3A_805 = tpu.memref_squeeze %dma_start3A_804 : memref<1x40x128xf32, #tpu.memory_space<vmem>> -> memref<40x128xf32, #tpu.memory_space<vmem>>
        %dma_start3A_806 = tpu.memref_slice %arg5[%add3A_800] : memref<25600xi32, #tpu.memory_space<vmem>> -> memref<40xi32, #tpu.memory_space<vmem>>
        %dma_start3A_807 = arith.constant 0 : i32
        %dma_start3A_808 = arith.constant 0 : i32
        %dma_start3A_809 = tpu.memref_slice %arg3[%dma_start3A_807, %dma_start3A_808] : memref<100000x128xf32, #tpu.memory_space<hbm>> -> memref<100000x128xf32, #tpu.memory_space<hbm>>
        tpu.enqueue_indirect_dma source(%dma_start3A_809 : memref<100000x128xf32, #tpu.memory_space<hbm>>) target(%dma_start3A_805 : memref<40x128xf32, #tpu.memory_space<vmem>>) offsets(%dma_start3A_806 : memref<40xi32, #tpu.memory_space<vmem>>) semaphore(%arg9 : memref<!tpu.dma_semaphore, #tpu.memory_space<semaphore_mem>>)
        %add3A_810 = arith.constant 40 : i32
        %add3A_811 = arith.addi %mul3A_798, %add3A_810 : i32
        %dma_start3A_812 = arith.constant 1 : i32
        %dma_start3A_813 = arith.constant 40 : i32
        %dma_start3A_814 = arith.constant 0 : i32
        %dma_start3A_815 = tpu.memref_slice %arg6[%dma_start3A_812, %dma_start3A_813, %dma_start3A_814] : memref<4x200x128xf32, #tpu.memory_space<vmem>> -> memref<1x40x128xf32, #tpu.memory_space<vmem>>
        %dma_start3A_816 = tpu.memref_squeeze %dma_start3A_815 : memref<1x40x128xf32, #tpu.memory_space<vmem>> -> memref<40x128xf32, #tpu.memory_space<vmem>>
        %dma_start3A_817 = tpu.memref_slice %arg5[%add3A_811] : memref<25600xi32, #tpu.memory_space<vmem>> -> memref<40xi32, #tpu.memory_space<vmem>>
        %dma_start3A_818 = arith.constant 0 : i32
        %dma_start3A_819 = arith.constant 0 : i32
        %dma_start3A_820 = tpu.memref_slice %arg3[%dma_start3A_818, %dma_start3A_819] : memref<100000x128xf32, #tpu.memory_space<hbm>> -> memref<100000x128xf32, #tpu.memory_space<hbm>>
        tpu.enqueue_indirect_dma source(%dma_start3A_820 : memref<100000x128xf32, #tpu.memory_space<hbm>>) target(%dma_start3A_816 : memref<40x128xf32, #tpu.memory_space<vmem>>) offsets(%dma_start3A_817 : memref<40xi32, #tpu.memory_space<vmem>>) semaphore(%arg9 : memref<!tpu.dma_semaphore, #tpu.memory_space<semaphore_mem>>)
        %add3A_821 = arith.constant 80 : i32
        %add3A_822 = arith.addi %mul3A_798, %add3A_821 : i32
        %dma_start3A_823 = arith.constant 1 : i32
        %dma_start3A_824 = arith.constant 80 : i32
        %dma_start3A_825 = arith.constant 0 : i32
        %dma_start3A_826 = tpu.memref_slice %arg6[%dma_start3A_823, %dma_start3A_824, %dma_start3A_825] : memref<4x200x128xf32, #tpu.memory_space<vmem>> -> memref<1x40x128xf32, #tpu.memory_space<vmem>>
        %dma_start3A_827 = tpu.memref_squeeze %dma_start3A_826 : memref<1x40x128xf32, #tpu.memory_space<vmem>> -> memref<40x128xf32, #tpu.memory_space<vmem>>
        %dma_start3A_828 = tpu.memref_slice %arg5[%add3A_822] : memref<25600xi32, #tpu.memory_space<vmem>> -> memref<40xi32, #tpu.memory_space<vmem>>
        %dma_start3A_829 = arith.constant 0 : i32
        %dma_start3A_830 = arith.constant 0 : i32
        %dma_start3A_831 = tpu.memref_slice %arg3[%dma_start3A_829, %dma_start3A_830] : memref<100000x128xf32, #tpu.memory_space<hbm>> -> memref<100000x128xf32, #tpu.memory_space<hbm>>
        tpu.enqueue_indirect_dma source(%dma_start3A_831 : memref<100000x128xf32, #tpu.memory_space<hbm>>) target(%dma_start3A_827 : memref<40x128xf32, #tpu.memory_space<vmem>>) offsets(%dma_start3A_828 : memref<40xi32, #tpu.memory_space<vmem>>) semaphore(%arg9 : memref<!tpu.dma_semaphore, #tpu.memory_space<semaphore_mem>>)
        %add3A_832 = arith.constant 120 : i32
        %add3A_833 = arith.addi %mul3A_798, %add3A_832 : i32
        %dma_start3A_834 = arith.constant 1 : i32
        %dma_start3A_835 = arith.constant 120 : i32
        %dma_start3A_836 = arith.constant 0 : i32
        %dma_start3A_837 = tpu.memref_slice %arg6[%dma_start3A_834, %dma_start3A_835, %dma_start3A_836] : memref<4x200x128xf32, #tpu.memory_space<vmem>> -> memref<1x40x128xf32, #tpu.memory_space<vmem>>
        %dma_start3A_838 = tpu.memref_squeeze %dma_start3A_837 : memref<1x40x128xf32, #tpu.memory_space<vmem>> -> memref<40x128xf32, #tpu.memory_space<vmem>>
        %dma_start3A_839 = tpu.memref_slice %arg5[%add3A_833] : memref<25600xi32, #tpu.memory_space<vmem>> -> memref<40xi32, #tpu.memory_space<vmem>>
        %dma_start3A_840 = arith.constant 0 : i32
        %dma_start3A_841 = arith.constant 0 : i32
        %dma_start3A_842 = tpu.memref_slice %arg3[%dma_start3A_840, %dma_start3A_841] : memref<100000x128xf32, #tpu.memory_space<hbm>> -> memref<100000x128xf32, #tpu.memory_space<hbm>>
        tpu.enqueue_indirect_dma source(%dma_start3A_842 : memref<100000x128xf32, #tpu.memory_space<hbm>>) target(%dma_start3A_838 : memref<40x128xf32, #tpu.memory_space<vmem>>) offsets(%dma_start3A_839 : memref<40xi32, #tpu.memory_space<vmem>>) semaphore(%arg9 : memref<!tpu.dma_semaphore, #tpu.memory_space<semaphore_mem>>)
        %add3A_843 = arith.constant 160 : i32
        %add3A_844 = arith.addi %mul3A_798, %add3A_843 : i32
        %dma_start3A_845 = arith.constant 1 : i32
        %dma_start3A_846 = arith.constant 160 : i32
        %dma_start3A_847 = arith.constant 0 : i32
        %dma_start3A_848 = tpu.memref_slice %arg6[%dma_start3A_845, %dma_start3A_846, %dma_start3A_847] : memref<4x200x128xf32, #tpu.memory_space<vmem>> -> memref<1x40x128xf32, #tpu.memory_space<vmem>>
        %dma_start3A_849 = tpu.memref_squeeze %dma_start3A_848 : memref<1x40x128xf32, #tpu.memory_space<vmem>> -> memref<40x128xf32, #tpu.memory_space<vmem>>
        %dma_start3A_850 = tpu.memref_slice %arg5[%add3A_844] : memref<25600xi32, #tpu.memory_space<vmem>> -> memref<40xi32, #tpu.memory_space<vmem>>
        %dma_start3A_851 = arith.constant 0 : i32
        %dma_start3A_852 = arith.constant 0 : i32
        %dma_start3A_853 = tpu.memref_slice %arg3[%dma_start3A_851, %dma_start3A_852] : memref<100000x128xf32, #tpu.memory_space<hbm>> -> memref<100000x128xf32, #tpu.memory_space<hbm>>
        tpu.enqueue_indirect_dma source(%dma_start3A_853 : memref<100000x128xf32, #tpu.memory_space<hbm>>) target(%dma_start3A_849 : memref<40x128xf32, #tpu.memory_space<vmem>>) offsets(%dma_start3A_850 : memref<40xi32, #tpu.memory_space<vmem>>) semaphore(%arg9 : memref<!tpu.dma_semaphore, #tpu.memory_space<semaphore_mem>>)
      } else {
      }
      %add3A_525 = arith.constant 2 : i32
      %add3A_526 = arith.addi %mul3A_265, %add3A_525 : i32
      %jit3A_527 = arith.constant 4 : i32
      %eq3A_528 = arith.constant 0 : i32
      %eq3A_529 = arith.cmpi eq, %jit3A_527, %eq3A_528 : i32
      %jit3A_530 = arith.constant 1 : i32
      %select_n3A_531 = arith.select %eq3A_529, %jit3A_530, %jit3A_527 : i32
      %rem3A_532 = arith.remsi %add3A_526, %select_n3A_531 : i32
      %ne3A_533 = arith.constant 0 : i32
      %ne3A_534 = arith.cmpi ne, %rem3A_532, %ne3A_533 : i32
      %lt3A_535 = arith.constant 0 : i32
      %lt3A_536 = arith.cmpi slt, %rem3A_532, %lt3A_535 : i32
      %lt3A_537 = arith.constant 0 : i32
      %lt3A_538 = arith.cmpi slt, %select_n3A_531, %lt3A_537 : i32
      %ne3A_539 = arith.xori %lt3A_536, %lt3A_538 : i1
      %and3A_540 = arith.andi %ne3A_539, %ne3A_534 : i1
      %add3A_541 = arith.addi %rem3A_532, %select_n3A_531 : i32
      %select_n3A_542 = arith.select %and3A_540, %add3A_541, %rem3A_532 : i32
      %ge3A_543 = arith.constant 4 : i32
      %ge3A_544 = arith.cmpi sge, %add3A_526, %ge3A_543 : i32
      %convert_element_type3A_545 = arith.extui %ge3A_544 : i1 to i32
      %cond3A_546 = arith.constant 0 : i32
      %cond3A_547 = arith.cmpi ne, %convert_element_type3A_545, %cond3A_546 : i32
      scf.if %cond3A_547 {
        %dma_wait3A_795 = arith.constant 0 : i32
        %dma_wait3A_796 = tpu.memref_slice %arg7[%select_n3A_542, %dma_wait3A_795] : memref<4x128xf32, #tpu.memory_space<vmem>> -> memref<1x128xf32, #tpu.memory_space<vmem>>
        %dma_wait3A_797 = arith.constant 0 : i32
        %dma_wait3A_798 = tpu.memref_slice %arg4[%mul3A_2, %dma_wait3A_797] : memref<4096x128xf32, #tpu.memory_space<hbm>> -> memref<1x128xf32, #tpu.memory_space<hbm>>
        %dma_wait3A_799 = arith.constant 0 : i32
        %dma_wait3A_800 = tpu.memref_slice %arg4[%mul3A_2, %dma_wait3A_799] : memref<4096x128xf32, #tpu.memory_space<hbm>> -> memref<1x128xf32, #tpu.memory_space<hbm>>
        %dma_wait3A_801 = arith.constant 0 : i32
        %dma_wait3A_802 = tpu.memref_slice %arg7[%select_n3A_542, %dma_wait3A_801] : memref<4x128xf32, #tpu.memory_space<vmem>> -> memref<1x128xf32, #tpu.memory_space<vmem>>
        tpu.wait_dma2 semaphore(%arg12 : memref<!tpu.dma_semaphore, #tpu.memory_space<semaphore_mem>>) src(%dma_wait3A_802 : memref<1x128xf32, #tpu.memory_space<vmem>>) dst(%dma_wait3A_800 : memref<1x128xf32, #tpu.memory_space<hbm>>)
      } else {
      }
      %dma_wait3A_548 = arith.constant 2 : i32
      %dma_wait3A_549 = arith.constant 0 : i32
      %dma_wait3A_550 = arith.constant 0 : i32
      %dma_wait3A_551 = tpu.memref_slice %arg6[%dma_wait3A_548, %dma_wait3A_549, %dma_wait3A_550] : memref<4x200x128xf32, #tpu.memory_space<vmem>> -> memref<1x40x128xf32, #tpu.memory_space<vmem>>
      %dma_wait3A_552 = tpu.memref_squeeze %dma_wait3A_551 : memref<1x40x128xf32, #tpu.memory_space<vmem>> -> memref<40x128xf32, #tpu.memory_space<vmem>>
      %dma_wait3A_553 = arith.constant 0 : i32
      %dma_wait3A_554 = tpu.memref_slice %arg5[%dma_wait3A_553] : memref<25600xi32, #tpu.memory_space<vmem>> -> memref<40xi32, #tpu.memory_space<vmem>>
      %dma_wait3A_555 = arith.constant 0 : i32
      %dma_wait3A_556 = arith.constant 0 : i32
      %dma_wait3A_557 = tpu.memref_slice %arg3[%dma_wait3A_555, %dma_wait3A_556] : memref<100000x128xf32, #tpu.memory_space<hbm>> -> memref<100000x128xf32, #tpu.memory_space<hbm>>
      tpu.wait_indirect_dma semaphore(%arg10 : memref<!tpu.dma_semaphore, #tpu.memory_space<semaphore_mem>>) src(%dma_wait3A_557 : memref<100000x128xf32, #tpu.memory_space<hbm>>) dst(%dma_wait3A_552 : memref<40x128xf32, #tpu.memory_space<vmem>>)
      %dma_wait3A_558 = arith.constant 2 : i32
      %dma_wait3A_559 = arith.constant 40 : i32
      %dma_wait3A_560 = arith.constant 0 : i32
      %dma_wait3A_561 = tpu.memref_slice %arg6[%dma_wait3A_558, %dma_wait3A_559, %dma_wait3A_560] : memref<4x200x128xf32, #tpu.memory_space<vmem>> -> memref<1x40x128xf32, #tpu.memory_space<vmem>>
      %dma_wait3A_562 = tpu.memref_squeeze %dma_wait3A_561 : memref<1x40x128xf32, #tpu.memory_space<vmem>> -> memref<40x128xf32, #tpu.memory_space<vmem>>
      %dma_wait3A_563 = arith.constant 0 : i32
      %dma_wait3A_564 = tpu.memref_slice %arg5[%dma_wait3A_563] : memref<25600xi32, #tpu.memory_space<vmem>> -> memref<40xi32, #tpu.memory_space<vmem>>
      %dma_wait3A_565 = arith.constant 0 : i32
      %dma_wait3A_566 = arith.constant 0 : i32
      %dma_wait3A_567 = tpu.memref_slice %arg3[%dma_wait3A_565, %dma_wait3A_566] : memref<100000x128xf32, #tpu.memory_space<hbm>> -> memref<100000x128xf32, #tpu.memory_space<hbm>>
      tpu.wait_indirect_dma semaphore(%arg10 : memref<!tpu.dma_semaphore, #tpu.memory_space<semaphore_mem>>) src(%dma_wait3A_567 : memref<100000x128xf32, #tpu.memory_space<hbm>>) dst(%dma_wait3A_562 : memref<40x128xf32, #tpu.memory_space<vmem>>)
      %dma_wait3A_568 = arith.constant 2 : i32
      %dma_wait3A_569 = arith.constant 80 : i32
      %dma_wait3A_570 = arith.constant 0 : i32
      %dma_wait3A_571 = tpu.memref_slice %arg6[%dma_wait3A_568, %dma_wait3A_569, %dma_wait3A_570] : memref<4x200x128xf32, #tpu.memory_space<vmem>> -> memref<1x40x128xf32, #tpu.memory_space<vmem>>
      %dma_wait3A_572 = tpu.memref_squeeze %dma_wait3A_571 : memref<1x40x128xf32, #tpu.memory_space<vmem>> -> memref<40x128xf32, #tpu.memory_space<vmem>>
      %dma_wait3A_573 = arith.constant 0 : i32
      %dma_wait3A_574 = tpu.memref_slice %arg5[%dma_wait3A_573] : memref<25600xi32, #tpu.memory_space<vmem>> -> memref<40xi32, #tpu.memory_space<vmem>>
      %dma_wait3A_575 = arith.constant 0 : i32
      %dma_wait3A_576 = arith.constant 0 : i32
      %dma_wait3A_577 = tpu.memref_slice %arg3[%dma_wait3A_575, %dma_wait3A_576] : memref<100000x128xf32, #tpu.memory_space<hbm>> -> memref<100000x128xf32, #tpu.memory_space<hbm>>
      tpu.wait_indirect_dma semaphore(%arg10 : memref<!tpu.dma_semaphore, #tpu.memory_space<semaphore_mem>>) src(%dma_wait3A_577 : memref<100000x128xf32, #tpu.memory_space<hbm>>) dst(%dma_wait3A_572 : memref<40x128xf32, #tpu.memory_space<vmem>>)
      %dma_wait3A_578 = arith.constant 2 : i32
      %dma_wait3A_579 = arith.constant 120 : i32
      %dma_wait3A_580 = arith.constant 0 : i32
      %dma_wait3A_581 = tpu.memref_slice %arg6[%dma_wait3A_578, %dma_wait3A_579, %dma_wait3A_580] : memref<4x200x128xf32, #tpu.memory_space<vmem>> -> memref<1x40x128xf32, #tpu.memory_space<vmem>>
      %dma_wait3A_582 = tpu.memref_squeeze %dma_wait3A_581 : memref<1x40x128xf32, #tpu.memory_space<vmem>> -> memref<40x128xf32, #tpu.memory_space<vmem>>
      %dma_wait3A_583 = arith.constant 0 : i32
      %dma_wait3A_584 = tpu.memref_slice %arg5[%dma_wait3A_583] : memref<25600xi32, #tpu.memory_space<vmem>> -> memref<40xi32, #tpu.memory_space<vmem>>
      %dma_wait3A_585 = arith.constant 0 : i32
      %dma_wait3A_586 = arith.constant 0 : i32
      %dma_wait3A_587 = tpu.memref_slice %arg3[%dma_wait3A_585, %dma_wait3A_586] : memref<100000x128xf32, #tpu.memory_space<hbm>> -> memref<100000x128xf32, #tpu.memory_space<hbm>>
      tpu.wait_indirect_dma semaphore(%arg10 : memref<!tpu.dma_semaphore, #tpu.memory_space<semaphore_mem>>) src(%dma_wait3A_587 : memref<100000x128xf32, #tpu.memory_space<hbm>>) dst(%dma_wait3A_582 : memref<40x128xf32, #tpu.memory_space<vmem>>)
      %dma_wait3A_588 = arith.constant 2 : i32
      %dma_wait3A_589 = arith.constant 160 : i32
      %dma_wait3A_590 = arith.constant 0 : i32
      %dma_wait3A_591 = tpu.memref_slice %arg6[%dma_wait3A_588, %dma_wait3A_589, %dma_wait3A_590] : memref<4x200x128xf32, #tpu.memory_space<vmem>> -> memref<1x40x128xf32, #tpu.memory_space<vmem>>
      %dma_wait3A_592 = tpu.memref_squeeze %dma_wait3A_591 : memref<1x40x128xf32, #tpu.memory_space<vmem>> -> memref<40x128xf32, #tpu.memory_space<vmem>>
      %dma_wait3A_593 = arith.constant 0 : i32
      %dma_wait3A_594 = tpu.memref_slice %arg5[%dma_wait3A_593] : memref<25600xi32, #tpu.memory_space<vmem>> -> memref<40xi32, #tpu.memory_space<vmem>>
      %dma_wait3A_595 = arith.constant 0 : i32
      %dma_wait3A_596 = arith.constant 0 : i32
      %dma_wait3A_597 = tpu.memref_slice %arg3[%dma_wait3A_595, %dma_wait3A_596] : memref<100000x128xf32, #tpu.memory_space<hbm>> -> memref<100000x128xf32, #tpu.memory_space<hbm>>
      tpu.wait_indirect_dma semaphore(%arg10 : memref<!tpu.dma_semaphore, #tpu.memory_space<semaphore_mem>>) src(%dma_wait3A_597 : memref<100000x128xf32, #tpu.memory_space<hbm>>) dst(%dma_wait3A_592 : memref<40x128xf32, #tpu.memory_space<vmem>>)
      %scan3A_598 = arith.constant 0 : i32
      %scan3A_599 = arith.constant 25 : i32
      %scan3A_600 = arith.addi %scan3A_598, %scan3A_599 : i32
      %scan3A_601 = arith.constant 1 : i32
      %scan3A_602:8 = scf.for %scan3A_795 = %scan3A_598 to %scan3A_600 step %scan3A_601 iter_args(%scan3A_796 = %broadcast_in_dim3A_5, %scan3A_797 = %broadcast_in_dim3A_7, %scan3A_798 = %broadcast_in_dim3A_9, %scan3A_799 = %broadcast_in_dim3A_11, %scan3A_800 = %broadcast_in_dim3A_13, %scan3A_801 = %broadcast_in_dim3A_15, %scan3A_802 = %broadcast_in_dim3A_17, %scan3A_803 = %broadcast_in_dim3A_19) -> (vector<16xf32>, vector<16xf32>, vector<16xf32>, vector<16xf32>, vector<16xf32>, vector<16xf32>, vector<16xf32>, vector<16xf32>)  : i32 {
        %mul3A_804 = arith.constant 8 : i32
        %mul3A_805 = arith.muli %scan3A_795, %mul3A_804 : i32
        %add3A_806 = arith.constant 0 : i32
        %add3A_807 = arith.addi %mul3A_805, %add3A_806 : i32
        %get3A = arith.constant 2 : i32
        %get3A_808 = arith.index_cast %get3A : i32 to index
        %get3A_809 = arith.index_cast %add3A_807 : i32 to index
        %get3A_810 = arith.constant 0 : index
        %get3A_811 = tpu.vector_load %arg6[%get3A_808, %get3A_809, %get3A_810] {strides = array<i32>} : memref<4x200x128xf32, #tpu.memory_space<vmem>>, vector<1x1x16xf32>,
        %get3A_812 = vector.shape_cast %get3A_811 : vector<1x1x16xf32> to vector<16xf32>
        %add3A_813 = arith.addf %scan3A_796, %get3A_812 : vector<16xf32>
        %add3A_814 = arith.constant 0 : i32
        %add3A_815 = arith.addi %mul3A_805, %add3A_814 : i32
        %get3A_816 = arith.constant 2 : i32
        %get3A_817 = arith.index_cast %get3A_816 : i32 to index
        %get3A_818 = arith.index_cast %add3A_815 : i32 to index
        %get3A_819 = arith.constant 16 : index
        %get3A_820 = tpu.vector_load %arg6[%get3A_817, %get3A_818, %get3A_819] {strides = array<i32>} : memref<4x200x128xf32, #tpu.memory_space<vmem>>, vector<1x1x16xf32>,
        %get3A_821 = vector.shape_cast %get3A_820 : vector<1x1x16xf32> to vector<16xf32>
        %add3A_822 = arith.addf %scan3A_797, %get3A_821 : vector<16xf32>
        %add3A_823 = arith.constant 0 : i32
        %add3A_824 = arith.addi %mul3A_805, %add3A_823 : i32
        %get3A_825 = arith.constant 2 : i32
        %get3A_826 = arith.index_cast %get3A_825 : i32 to index
        %get3A_827 = arith.index_cast %add3A_824 : i32 to index
        %get3A_828 = arith.constant 32 : index
        %get3A_829 = tpu.vector_load %arg6[%get3A_826, %get3A_827, %get3A_828] {strides = array<i32>} : memref<4x200x128xf32, #tpu.memory_space<vmem>>, vector<1x1x16xf32>,
        %get3A_830 = vector.shape_cast %get3A_829 : vector<1x1x16xf32> to vector<16xf32>
        %add3A_831 = arith.addf %scan3A_798, %get3A_830 : vector<16xf32>
        %add3A_832 = arith.constant 0 : i32
        %add3A_833 = arith.addi %mul3A_805, %add3A_832 : i32
        %get3A_834 = arith.constant 2 : i32
        %get3A_835 = arith.index_cast %get3A_834 : i32 to index
        %get3A_836 = arith.index_cast %add3A_833 : i32 to index
        %get3A_837 = arith.constant 48 : index
        %get3A_838 = tpu.vector_load %arg6[%get3A_835, %get3A_836, %get3A_837] {strides = array<i32>} : memref<4x200x128xf32, #tpu.memory_space<vmem>>, vector<1x1x16xf32>,
        %get3A_839 = vector.shape_cast %get3A_838 : vector<1x1x16xf32> to vector<16xf32>
        %add3A_840 = arith.addf %scan3A_799, %get3A_839 : vector<16xf32>
        %add3A_841 = arith.constant 0 : i32
        %add3A_842 = arith.addi %mul3A_805, %add3A_841 : i32
        %get3A_843 = arith.constant 2 : i32
        %get3A_844 = arith.index_cast %get3A_843 : i32 to index
        %get3A_845 = arith.index_cast %add3A_842 : i32 to index
        %get3A_846 = arith.constant 64 : index
        %get3A_847 = tpu.vector_load %arg6[%get3A_844, %get3A_845, %get3A_846] {strides = array<i32>} : memref<4x200x128xf32, #tpu.memory_space<vmem>>, vector<1x1x16xf32>,
        %get3A_848 = vector.shape_cast %get3A_847 : vector<1x1x16xf32> to vector<16xf32>
        %add3A_849 = arith.addf %scan3A_800, %get3A_848 : vector<16xf32>
        %add3A_850 = arith.constant 0 : i32
        %add3A_851 = arith.addi %mul3A_805, %add3A_850 : i32
        %get3A_852 = arith.constant 2 : i32
        %get3A_853 = arith.index_cast %get3A_852 : i32 to index
        %get3A_854 = arith.index_cast %add3A_851 : i32 to index
        %get3A_855 = arith.constant 80 : index
        %get3A_856 = tpu.vector_load %arg6[%get3A_853, %get3A_854, %get3A_855] {strides = array<i32>} : memref<4x200x128xf32, #tpu.memory_space<vmem>>, vector<1x1x16xf32>,
        %get3A_857 = vector.shape_cast %get3A_856 : vector<1x1x16xf32> to vector<16xf32>
        %add3A_858 = arith.addf %scan3A_801, %get3A_857 : vector<16xf32>
        %add3A_859 = arith.constant 0 : i32
        %add3A_860 = arith.addi %mul3A_805, %add3A_859 : i32
        %get3A_861 = arith.constant 2 : i32
        %get3A_862 = arith.index_cast %get3A_861 : i32 to index
        %get3A_863 = arith.index_cast %add3A_860 : i32 to index
        %get3A_864 = arith.constant 96 : index
        %get3A_865 = tpu.vector_load %arg6[%get3A_862, %get3A_863, %get3A_864] {strides = array<i32>} : memref<4x200x128xf32, #tpu.memory_space<vmem>>, vector<1x1x16xf32>,
        %get3A_866 = vector.shape_cast %get3A_865 : vector<1x1x16xf32> to vector<16xf32>
        %add3A_867 = arith.addf %scan3A_802, %get3A_866 : vector<16xf32>
        %add3A_868 = arith.constant 0 : i32
        %add3A_869 = arith.addi %mul3A_805, %add3A_868 : i32
        %get3A_870 = arith.constant 2 : i32
        %get3A_871 = arith.index_cast %get3A_870 : i32 to index
        %get3A_872 = arith.index_cast %add3A_869 : i32 to index
        %get3A_873 = arith.constant 112 : index
        %get3A_874 = tpu.vector_load %arg6[%get3A_871, %get3A_872, %get3A_873] {strides = array<i32>} : memref<4x200x128xf32, #tpu.memory_space<vmem>>, vector<1x1x16xf32>,
        %get3A_875 = vector.shape_cast %get3A_874 : vector<1x1x16xf32> to vector<16xf32>
        %add3A_876 = arith.addf %scan3A_803, %get3A_875 : vector<16xf32>
        %add3A_877 = arith.constant 1 : i32
        %add3A_878 = arith.addi %mul3A_805, %add3A_877 : i32
        %get3A_879 = arith.constant 2 : i32
        %get3A_880 = arith.index_cast %get3A_879 : i32 to index
        %get3A_881 = arith.index_cast %add3A_878 : i32 to index
        %get3A_882 = arith.constant 0 : index
        %get3A_883 = tpu.vector_load %arg6[%get3A_880, %get3A_881, %get3A_882] {strides = array<i32>} : memref<4x200x128xf32, #tpu.memory_space<vmem>>, vector<1x1x16xf32>,
        %get3A_884 = vector.shape_cast %get3A_883 : vector<1x1x16xf32> to vector<16xf32>
        %add3A_885 = arith.addf %add3A_813, %get3A_884 : vector<16xf32>
        %add3A_886 = arith.constant 1 : i32
        %add3A_887 = arith.addi %mul3A_805, %add3A_886 : i32
        %get3A_888 = arith.constant 2 : i32
        %get3A_889 = arith.index_cast %get3A_888 : i32 to index
        %get3A_890 = arith.index_cast %add3A_887 : i32 to index
        %get3A_891 = arith.constant 16 : index
        %get3A_892 = tpu.vector_load %arg6[%get3A_889, %get3A_890, %get3A_891] {strides = array<i32>} : memref<4x200x128xf32, #tpu.memory_space<vmem>>, vector<1x1x16xf32>,
        %get3A_893 = vector.shape_cast %get3A_892 : vector<1x1x16xf32> to vector<16xf32>
        %add3A_894 = arith.addf %add3A_822, %get3A_893 : vector<16xf32>
        %add3A_895 = arith.constant 1 : i32
        %add3A_896 = arith.addi %mul3A_805, %add3A_895 : i32
        %get3A_897 = arith.constant 2 : i32
        %get3A_898 = arith.index_cast %get3A_897 : i32 to index
        %get3A_899 = arith.index_cast %add3A_896 : i32 to index
        %get3A_900 = arith.constant 32 : index
        %get3A_901 = tpu.vector_load %arg6[%get3A_898, %get3A_899, %get3A_900] {strides = array<i32>} : memref<4x200x128xf32, #tpu.memory_space<vmem>>, vector<1x1x16xf32>,
        %get3A_902 = vector.shape_cast %get3A_901 : vector<1x1x16xf32> to vector<16xf32>
        %add3A_903 = arith.addf %add3A_831, %get3A_902 : vector<16xf32>
        %add3A_904 = arith.constant 1 : i32
        %add3A_905 = arith.addi %mul3A_805, %add3A_904 : i32
        %get3A_906 = arith.constant 2 : i32
        %get3A_907 = arith.index_cast %get3A_906 : i32 to index
        %get3A_908 = arith.index_cast %add3A_905 : i32 to index
        %get3A_909 = arith.constant 48 : index
        %get3A_910 = tpu.vector_load %arg6[%get3A_907, %get3A_908, %get3A_909] {strides = array<i32>} : memref<4x200x128xf32, #tpu.memory_space<vmem>>, vector<1x1x16xf32>,
        %get3A_911 = vector.shape_cast %get3A_910 : vector<1x1x16xf32> to vector<16xf32>
        %add3A_912 = arith.addf %add3A_840, %get3A_911 : vector<16xf32>
        %add3A_913 = arith.constant 1 : i32
        %add3A_914 = arith.addi %mul3A_805, %add3A_913 : i32
        %get3A_915 = arith.constant 2 : i32
        %get3A_916 = arith.index_cast %get3A_915 : i32 to index
        %get3A_917 = arith.index_cast %add3A_914 : i32 to index
        %get3A_918 = arith.constant 64 : index
        %get3A_919 = tpu.vector_load %arg6[%get3A_916, %get3A_917, %get3A_918] {strides = array<i32>} : memref<4x200x128xf32, #tpu.memory_space<vmem>>, vector<1x1x16xf32>,
        %get3A_920 = vector.shape_cast %get3A_919 : vector<1x1x16xf32> to vector<16xf32>
        %add3A_921 = arith.addf %add3A_849, %get3A_920 : vector<16xf32>
        %add3A_922 = arith.constant 1 : i32
        %add3A_923 = arith.addi %mul3A_805, %add3A_922 : i32
        %get3A_924 = arith.constant 2 : i32
        %get3A_925 = arith.index_cast %get3A_924 : i32 to index
        %get3A_926 = arith.index_cast %add3A_923 : i32 to index
        %get3A_927 = arith.constant 80 : index
        %get3A_928 = tpu.vector_load %arg6[%get3A_925, %get3A_926, %get3A_927] {strides = array<i32>} : memref<4x200x128xf32, #tpu.memory_space<vmem>>, vector<1x1x16xf32>,
        %get3A_929 = vector.shape_cast %get3A_928 : vector<1x1x16xf32> to vector<16xf32>
        %add3A_930 = arith.addf %add3A_858, %get3A_929 : vector<16xf32>
        %add3A_931 = arith.constant 1 : i32
        %add3A_932 = arith.addi %mul3A_805, %add3A_931 : i32
        %get3A_933 = arith.constant 2 : i32
        %get3A_934 = arith.index_cast %get3A_933 : i32 to index
        %get3A_935 = arith.index_cast %add3A_932 : i32 to index
        %get3A_936 = arith.constant 96 : index
        %get3A_937 = tpu.vector_load %arg6[%get3A_934, %get3A_935, %get3A_936] {strides = array<i32>} : memref<4x200x128xf32, #tpu.memory_space<vmem>>, vector<1x1x16xf32>,
        %get3A_938 = vector.shape_cast %get3A_937 : vector<1x1x16xf32> to vector<16xf32>
        %add3A_939 = arith.addf %add3A_867, %get3A_938 : vector<16xf32>
        %add3A_940 = arith.constant 1 : i32
        %add3A_941 = arith.addi %mul3A_805, %add3A_940 : i32
        %get3A_942 = arith.constant 2 : i32
        %get3A_943 = arith.index_cast %get3A_942 : i32 to index
        %get3A_944 = arith.index_cast %add3A_941 : i32 to index
        %get3A_945 = arith.constant 112 : index
        %get3A_946 = tpu.vector_load %arg6[%get3A_943, %get3A_944, %get3A_945] {strides = array<i32>} : memref<4x200x128xf32, #tpu.memory_space<vmem>>, vector<1x1x16xf32>,
        %get3A_947 = vector.shape_cast %get3A_946 : vector<1x1x16xf32> to vector<16xf32>
        %add3A_948 = arith.addf %add3A_876, %get3A_947 : vector<16xf32>
        %add3A_949 = arith.constant 2 : i32
        %add3A_950 = arith.addi %mul3A_805, %add3A_949 : i32
        %get3A_951 = arith.constant 2 : i32
        %get3A_952 = arith.index_cast %get3A_951 : i32 to index
        %get3A_953 = arith.index_cast %add3A_950 : i32 to index
        %get3A_954 = arith.constant 0 : index
        %get3A_955 = tpu.vector_load %arg6[%get3A_952, %get3A_953, %get3A_954] {strides = array<i32>} : memref<4x200x128xf32, #tpu.memory_space<vmem>>, vector<1x1x16xf32>,
        %get3A_956 = vector.shape_cast %get3A_955 : vector<1x1x16xf32> to vector<16xf32>
        %add3A_957 = arith.addf %add3A_885, %get3A_956 : vector<16xf32>
        %add3A_958 = arith.constant 2 : i32
        %add3A_959 = arith.addi %mul3A_805, %add3A_958 : i32
        %get3A_960 = arith.constant 2 : i32
        %get3A_961 = arith.index_cast %get3A_960 : i32 to index
        %get3A_962 = arith.index_cast %add3A_959 : i32 to index
        %get3A_963 = arith.constant 16 : index
        %get3A_964 = tpu.vector_load %arg6[%get3A_961, %get3A_962, %get3A_963] {strides = array<i32>} : memref<4x200x128xf32, #tpu.memory_space<vmem>>, vector<1x1x16xf32>,
        %get3A_965 = vector.shape_cast %get3A_964 : vector<1x1x16xf32> to vector<16xf32>
        %add3A_966 = arith.addf %add3A_894, %get3A_965 : vector<16xf32>
        %add3A_967 = arith.constant 2 : i32
        %add3A_968 = arith.addi %mul3A_805, %add3A_967 : i32
        %get3A_969 = arith.constant 2 : i32
        %get3A_970 = arith.index_cast %get3A_969 : i32 to index
        %get3A_971 = arith.index_cast %add3A_968 : i32 to index
        %get3A_972 = arith.constant 32 : index
        %get3A_973 = tpu.vector_load %arg6[%get3A_970, %get3A_971, %get3A_972] {strides = array<i32>} : memref<4x200x128xf32, #tpu.memory_space<vmem>>, vector<1x1x16xf32>,
        %get3A_974 = vector.shape_cast %get3A_973 : vector<1x1x16xf32> to vector<16xf32>
        %add3A_975 = arith.addf %add3A_903, %get3A_974 : vector<16xf32>
        %add3A_976 = arith.constant 2 : i32
        %add3A_977 = arith.addi %mul3A_805, %add3A_976 : i32
        %get3A_978 = arith.constant 2 : i32
        %get3A_979 = arith.index_cast %get3A_978 : i32 to index
        %get3A_980 = arith.index_cast %add3A_977 : i32 to index
        %get3A_981 = arith.constant 48 : index
        %get3A_982 = tpu.vector_load %arg6[%get3A_979, %get3A_980, %get3A_981] {strides = array<i32>} : memref<4x200x128xf32, #tpu.memory_space<vmem>>, vector<1x1x16xf32>,
        %get3A_983 = vector.shape_cast %get3A_982 : vector<1x1x16xf32> to vector<16xf32>
        %add3A_984 = arith.addf %add3A_912, %get3A_983 : vector<16xf32>
        %add3A_985 = arith.constant 2 : i32
        %add3A_986 = arith.addi %mul3A_805, %add3A_985 : i32
        %get3A_987 = arith.constant 2 : i32
        %get3A_988 = arith.index_cast %get3A_987 : i32 to index
        %get3A_989 = arith.index_cast %add3A_986 : i32 to index
        %get3A_990 = arith.constant 64 : index
        %get3A_991 = tpu.vector_load %arg6[%get3A_988, %get3A_989, %get3A_990] {strides = array<i32>} : memref<4x200x128xf32, #tpu.memory_space<vmem>>, vector<1x1x16xf32>,
        %get3A_992 = vector.shape_cast %get3A_991 : vector<1x1x16xf32> to vector<16xf32>
        %add3A_993 = arith.addf %add3A_921, %get3A_992 : vector<16xf32>
        %add3A_994 = arith.constant 2 : i32
        %add3A_995 = arith.addi %mul3A_805, %add3A_994 : i32
        %get3A_996 = arith.constant 2 : i32
        %get3A_997 = arith.index_cast %get3A_996 : i32 to index
        %get3A_998 = arith.index_cast %add3A_995 : i32 to index
        %get3A_999 = arith.constant 80 : index
        %get3A_1000 = tpu.vector_load %arg6[%get3A_997, %get3A_998, %get3A_999] {strides = array<i32>} : memref<4x200x128xf32, #tpu.memory_space<vmem>>, vector<1x1x16xf32>,
        %get3A_1001 = vector.shape_cast %get3A_1000 : vector<1x1x16xf32> to vector<16xf32>
        %add3A_1002 = arith.addf %add3A_930, %get3A_1001 : vector<16xf32>
        %add3A_1003 = arith.constant 2 : i32
        %add3A_1004 = arith.addi %mul3A_805, %add3A_1003 : i32
        %get3A_1005 = arith.constant 2 : i32
        %get3A_1006 = arith.index_cast %get3A_1005 : i32 to index
        %get3A_1007 = arith.index_cast %add3A_1004 : i32 to index
        %get3A_1008 = arith.constant 96 : index
        %get3A_1009 = tpu.vector_load %arg6[%get3A_1006, %get3A_1007, %get3A_1008] {strides = array<i32>} : memref<4x200x128xf32, #tpu.memory_space<vmem>>, vector<1x1x16xf32>,
        %get3A_1010 = vector.shape_cast %get3A_1009 : vector<1x1x16xf32> to vector<16xf32>
        %add3A_1011 = arith.addf %add3A_939, %get3A_1010 : vector<16xf32>
        %add3A_1012 = arith.constant 2 : i32
        %add3A_1013 = arith.addi %mul3A_805, %add3A_1012 : i32
        %get3A_1014 = arith.constant 2 : i32
        %get3A_1015 = arith.index_cast %get3A_1014 : i32 to index
        %get3A_1016 = arith.index_cast %add3A_1013 : i32 to index
        %get3A_1017 = arith.constant 112 : index
        %get3A_1018 = tpu.vector_load %arg6[%get3A_1015, %get3A_1016, %get3A_1017] {strides = array<i32>} : memref<4x200x128xf32, #tpu.memory_space<vmem>>, vector<1x1x16xf32>,
        %get3A_1019 = vector.shape_cast %get3A_1018 : vector<1x1x16xf32> to vector<16xf32>
        %add3A_1020 = arith.addf %add3A_948, %get3A_1019 : vector<16xf32>
        %add3A_1021 = arith.constant 3 : i32
        %add3A_1022 = arith.addi %mul3A_805, %add3A_1021 : i32
        %get3A_1023 = arith.constant 2 : i32
        %get3A_1024 = arith.index_cast %get3A_1023 : i32 to index
        %get3A_1025 = arith.index_cast %add3A_1022 : i32 to index
        %get3A_1026 = arith.constant 0 : index
        %get3A_1027 = tpu.vector_load %arg6[%get3A_1024, %get3A_1025, %get3A_1026] {strides = array<i32>} : memref<4x200x128xf32, #tpu.memory_space<vmem>>, vector<1x1x16xf32>,
        %get3A_1028 = vector.shape_cast %get3A_1027 : vector<1x1x16xf32> to vector<16xf32>
        %add3A_1029 = arith.addf %add3A_957, %get3A_1028 : vector<16xf32>
        %add3A_1030 = arith.constant 3 : i32
        %add3A_1031 = arith.addi %mul3A_805, %add3A_1030 : i32
        %get3A_1032 = arith.constant 2 : i32
        %get3A_1033 = arith.index_cast %get3A_1032 : i32 to index
        %get3A_1034 = arith.index_cast %add3A_1031 : i32 to index
        %get3A_1035 = arith.constant 16 : index
        %get3A_1036 = tpu.vector_load %arg6[%get3A_1033, %get3A_1034, %get3A_1035] {strides = array<i32>} : memref<4x200x128xf32, #tpu.memory_space<vmem>>, vector<1x1x16xf32>,
        %get3A_1037 = vector.shape_cast %get3A_1036 : vector<1x1x16xf32> to vector<16xf32>
        %add3A_1038 = arith.addf %add3A_966, %get3A_1037 : vector<16xf32>
        %add3A_1039 = arith.constant 3 : i32
        %add3A_1040 = arith.addi %mul3A_805, %add3A_1039 : i32
        %get3A_1041 = arith.constant 2 : i32
        %get3A_1042 = arith.index_cast %get3A_1041 : i32 to index
        %get3A_1043 = arith.index_cast %add3A_1040 : i32 to index
        %get3A_1044 = arith.constant 32 : index
        %get3A_1045 = tpu.vector_load %arg6[%get3A_1042, %get3A_1043, %get3A_1044] {strides = array<i32>} : memref<4x200x128xf32, #tpu.memory_space<vmem>>, vector<1x1x16xf32>,
        %get3A_1046 = vector.shape_cast %get3A_1045 : vector<1x1x16xf32> to vector<16xf32>
        %add3A_1047 = arith.addf %add3A_975, %get3A_1046 : vector<16xf32>
        %add3A_1048 = arith.constant 3 : i32
        %add3A_1049 = arith.addi %mul3A_805, %add3A_1048 : i32
        %get3A_1050 = arith.constant 2 : i32
        %get3A_1051 = arith.index_cast %get3A_1050 : i32 to index
        %get3A_1052 = arith.index_cast %add3A_1049 : i32 to index
        %get3A_1053 = arith.constant 48 : index
        %get3A_1054 = tpu.vector_load %arg6[%get3A_1051, %get3A_1052, %get3A_1053] {strides = array<i32>} : memref<4x200x128xf32, #tpu.memory_space<vmem>>, vector<1x1x16xf32>,
        %get3A_1055 = vector.shape_cast %get3A_1054 : vector<1x1x16xf32> to vector<16xf32>
        %add3A_1056 = arith.addf %add3A_984, %get3A_1055 : vector<16xf32>
        %add3A_1057 = arith.constant 3 : i32
        %add3A_1058 = arith.addi %mul3A_805, %add3A_1057 : i32
        %get3A_1059 = arith.constant 2 : i32
        %get3A_1060 = arith.index_cast %get3A_1059 : i32 to index
        %get3A_1061 = arith.index_cast %add3A_1058 : i32 to index
        %get3A_1062 = arith.constant 64 : index
        %get3A_1063 = tpu.vector_load %arg6[%get3A_1060, %get3A_1061, %get3A_1062] {strides = array<i32>} : memref<4x200x128xf32, #tpu.memory_space<vmem>>, vector<1x1x16xf32>,
        %get3A_1064 = vector.shape_cast %get3A_1063 : vector<1x1x16xf32> to vector<16xf32>
        %add3A_1065 = arith.addf %add3A_993, %get3A_1064 : vector<16xf32>
        %add3A_1066 = arith.constant 3 : i32
        %add3A_1067 = arith.addi %mul3A_805, %add3A_1066 : i32
        %get3A_1068 = arith.constant 2 : i32
        %get3A_1069 = arith.index_cast %get3A_1068 : i32 to index
        %get3A_1070 = arith.index_cast %add3A_1067 : i32 to index
        %get3A_1071 = arith.constant 80 : index
        %get3A_1072 = tpu.vector_load %arg6[%get3A_1069, %get3A_1070, %get3A_1071] {strides = array<i32>} : memref<4x200x128xf32, #tpu.memory_space<vmem>>, vector<1x1x16xf32>,
        %get3A_1073 = vector.shape_cast %get3A_1072 : vector<1x1x16xf32> to vector<16xf32>
        %add3A_1074 = arith.addf %add3A_1002, %get3A_1073 : vector<16xf32>
        %add3A_1075 = arith.constant 3 : i32
        %add3A_1076 = arith.addi %mul3A_805, %add3A_1075 : i32
        %get3A_1077 = arith.constant 2 : i32
        %get3A_1078 = arith.index_cast %get3A_1077 : i32 to index
        %get3A_1079 = arith.index_cast %add3A_1076 : i32 to index
        %get3A_1080 = arith.constant 96 : index
        %get3A_1081 = tpu.vector_load %arg6[%get3A_1078, %get3A_1079, %get3A_1080] {strides = array<i32>} : memref<4x200x128xf32, #tpu.memory_space<vmem>>, vector<1x1x16xf32>,
        %get3A_1082 = vector.shape_cast %get3A_1081 : vector<1x1x16xf32> to vector<16xf32>
        %add3A_1083 = arith.addf %add3A_1011, %get3A_1082 : vector<16xf32>
        %add3A_1084 = arith.constant 3 : i32
        %add3A_1085 = arith.addi %mul3A_805, %add3A_1084 : i32
        %get3A_1086 = arith.constant 2 : i32
        %get3A_1087 = arith.index_cast %get3A_1086 : i32 to index
        %get3A_1088 = arith.index_cast %add3A_1085 : i32 to index
        %get3A_1089 = arith.constant 112 : index
        %get3A_1090 = tpu.vector_load %arg6[%get3A_1087, %get3A_1088, %get3A_1089] {strides = array<i32>} : memref<4x200x128xf32, #tpu.memory_space<vmem>>, vector<1x1x16xf32>,
        %get3A_1091 = vector.shape_cast %get3A_1090 : vector<1x1x16xf32> to vector<16xf32>
        %add3A_1092 = arith.addf %add3A_1020, %get3A_1091 : vector<16xf32>
        %add3A_1093 = arith.constant 4 : i32
        %add3A_1094 = arith.addi %mul3A_805, %add3A_1093 : i32
        %get3A_1095 = arith.constant 2 : i32
        %get3A_1096 = arith.index_cast %get3A_1095 : i32 to index
        %get3A_1097 = arith.index_cast %add3A_1094 : i32 to index
        %get3A_1098 = arith.constant 0 : index
        %get3A_1099 = tpu.vector_load %arg6[%get3A_1096, %get3A_1097, %get3A_1098] {strides = array<i32>} : memref<4x200x128xf32, #tpu.memory_space<vmem>>, vector<1x1x16xf32>,
        %get3A_1100 = vector.shape_cast %get3A_1099 : vector<1x1x16xf32> to vector<16xf32>
        %add3A_1101 = arith.addf %add3A_1029, %get3A_1100 : vector<16xf32>
        %add3A_1102 = arith.constant 4 : i32
        %add3A_1103 = arith.addi %mul3A_805, %add3A_1102 : i32
        %get3A_1104 = arith.constant 2 : i32
        %get3A_1105 = arith.index_cast %get3A_1104 : i32 to index
        %get3A_1106 = arith.index_cast %add3A_1103 : i32 to index
        %get3A_1107 = arith.constant 16 : index
        %get3A_1108 = tpu.vector_load %arg6[%get3A_1105, %get3A_1106, %get3A_1107] {strides = array<i32>} : memref<4x200x128xf32, #tpu.memory_space<vmem>>, vector<1x1x16xf32>,
        %get3A_1109 = vector.shape_cast %get3A_1108 : vector<1x1x16xf32> to vector<16xf32>
        %add3A_1110 = arith.addf %add3A_1038, %get3A_1109 : vector<16xf32>
        %add3A_1111 = arith.constant 4 : i32
        %add3A_1112 = arith.addi %mul3A_805, %add3A_1111 : i32
        %get3A_1113 = arith.constant 2 : i32
        %get3A_1114 = arith.index_cast %get3A_1113 : i32 to index
        %get3A_1115 = arith.index_cast %add3A_1112 : i32 to index
        %get3A_1116 = arith.constant 32 : index
        %get3A_1117 = tpu.vector_load %arg6[%get3A_1114, %get3A_1115, %get3A_1116] {strides = array<i32>} : memref<4x200x128xf32, #tpu.memory_space<vmem>>, vector<1x1x16xf32>,
        %get3A_1118 = vector.shape_cast %get3A_1117 : vector<1x1x16xf32> to vector<16xf32>
        %add3A_1119 = arith.addf %add3A_1047, %get3A_1118 : vector<16xf32>
        %add3A_1120 = arith.constant 4 : i32
        %add3A_1121 = arith.addi %mul3A_805, %add3A_1120 : i32
        %get3A_1122 = arith.constant 2 : i32
        %get3A_1123 = arith.index_cast %get3A_1122 : i32 to index
        %get3A_1124 = arith.index_cast %add3A_1121 : i32 to index
        %get3A_1125 = arith.constant 48 : index
        %get3A_1126 = tpu.vector_load %arg6[%get3A_1123, %get3A_1124, %get3A_1125] {strides = array<i32>} : memref<4x200x128xf32, #tpu.memory_space<vmem>>, vector<1x1x16xf32>,
        %get3A_1127 = vector.shape_cast %get3A_1126 : vector<1x1x16xf32> to vector<16xf32>
        %add3A_1128 = arith.addf %add3A_1056, %get3A_1127 : vector<16xf32>
        %add3A_1129 = arith.constant 4 : i32
        %add3A_1130 = arith.addi %mul3A_805, %add3A_1129 : i32
        %get3A_1131 = arith.constant 2 : i32
        %get3A_1132 = arith.index_cast %get3A_1131 : i32 to index
        %get3A_1133 = arith.index_cast %add3A_1130 : i32 to index
        %get3A_1134 = arith.constant 64 : index
        %get3A_1135 = tpu.vector_load %arg6[%get3A_1132, %get3A_1133, %get3A_1134] {strides = array<i32>} : memref<4x200x128xf32, #tpu.memory_space<vmem>>, vector<1x1x16xf32>,
        %get3A_1136 = vector.shape_cast %get3A_1135 : vector<1x1x16xf32> to vector<16xf32>
        %add3A_1137 = arith.addf %add3A_1065, %get3A_1136 : vector<16xf32>
        %add3A_1138 = arith.constant 4 : i32
        %add3A_1139 = arith.addi %mul3A_805, %add3A_1138 : i32
        %get3A_1140 = arith.constant 2 : i32
        %get3A_1141 = arith.index_cast %get3A_1140 : i32 to index
        %get3A_1142 = arith.index_cast %add3A_1139 : i32 to index
        %get3A_1143 = arith.constant 80 : index
        %get3A_1144 = tpu.vector_load %arg6[%get3A_1141, %get3A_1142, %get3A_1143] {strides = array<i32>} : memref<4x200x128xf32, #tpu.memory_space<vmem>>, vector<1x1x16xf32>,
        %get3A_1145 = vector.shape_cast %get3A_1144 : vector<1x1x16xf32> to vector<16xf32>
        %add3A_1146 = arith.addf %add3A_1074, %get3A_1145 : vector<16xf32>
        %add3A_1147 = arith.constant 4 : i32
        %add3A_1148 = arith.addi %mul3A_805, %add3A_1147 : i32
        %get3A_1149 = arith.constant 2 : i32
        %get3A_1150 = arith.index_cast %get3A_1149 : i32 to index
        %get3A_1151 = arith.index_cast %add3A_1148 : i32 to index
        %get3A_1152 = arith.constant 96 : index
        %get3A_1153 = tpu.vector_load %arg6[%get3A_1150, %get3A_1151, %get3A_1152] {strides = array<i32>} : memref<4x200x128xf32, #tpu.memory_space<vmem>>, vector<1x1x16xf32>,
        %get3A_1154 = vector.shape_cast %get3A_1153 : vector<1x1x16xf32> to vector<16xf32>
        %add3A_1155 = arith.addf %add3A_1083, %get3A_1154 : vector<16xf32>
        %add3A_1156 = arith.constant 4 : i32
        %add3A_1157 = arith.addi %mul3A_805, %add3A_1156 : i32
        %get3A_1158 = arith.constant 2 : i32
        %get3A_1159 = arith.index_cast %get3A_1158 : i32 to index
        %get3A_1160 = arith.index_cast %add3A_1157 : i32 to index
        %get3A_1161 = arith.constant 112 : index
        %get3A_1162 = tpu.vector_load %arg6[%get3A_1159, %get3A_1160, %get3A_1161] {strides = array<i32>} : memref<4x200x128xf32, #tpu.memory_space<vmem>>, vector<1x1x16xf32>,
        %get3A_1163 = vector.shape_cast %get3A_1162 : vector<1x1x16xf32> to vector<16xf32>
        %add3A_1164 = arith.addf %add3A_1092, %get3A_1163 : vector<16xf32>
        %add3A_1165 = arith.constant 5 : i32
        %add3A_1166 = arith.addi %mul3A_805, %add3A_1165 : i32
        %get3A_1167 = arith.constant 2 : i32
        %get3A_1168 = arith.index_cast %get3A_1167 : i32 to index
        %get3A_1169 = arith.index_cast %add3A_1166 : i32 to index
        %get3A_1170 = arith.constant 0 : index
        %get3A_1171 = tpu.vector_load %arg6[%get3A_1168, %get3A_1169, %get3A_1170] {strides = array<i32>} : memref<4x200x128xf32, #tpu.memory_space<vmem>>, vector<1x1x16xf32>,
        %get3A_1172 = vector.shape_cast %get3A_1171 : vector<1x1x16xf32> to vector<16xf32>
        %add3A_1173 = arith.addf %add3A_1101, %get3A_1172 : vector<16xf32>
        %add3A_1174 = arith.constant 5 : i32
        %add3A_1175 = arith.addi %mul3A_805, %add3A_1174 : i32
        %get3A_1176 = arith.constant 2 : i32
        %get3A_1177 = arith.index_cast %get3A_1176 : i32 to index
        %get3A_1178 = arith.index_cast %add3A_1175 : i32 to index
        %get3A_1179 = arith.constant 16 : index
        %get3A_1180 = tpu.vector_load %arg6[%get3A_1177, %get3A_1178, %get3A_1179] {strides = array<i32>} : memref<4x200x128xf32, #tpu.memory_space<vmem>>, vector<1x1x16xf32>,
        %get3A_1181 = vector.shape_cast %get3A_1180 : vector<1x1x16xf32> to vector<16xf32>
        %add3A_1182 = arith.addf %add3A_1110, %get3A_1181 : vector<16xf32>
        %add3A_1183 = arith.constant 5 : i32
        %add3A_1184 = arith.addi %mul3A_805, %add3A_1183 : i32
        %get3A_1185 = arith.constant 2 : i32
        %get3A_1186 = arith.index_cast %get3A_1185 : i32 to index
        %get3A_1187 = arith.index_cast %add3A_1184 : i32 to index
        %get3A_1188 = arith.constant 32 : index
        %get3A_1189 = tpu.vector_load %arg6[%get3A_1186, %get3A_1187, %get3A_1188] {strides = array<i32>} : memref<4x200x128xf32, #tpu.memory_space<vmem>>, vector<1x1x16xf32>,
        %get3A_1190 = vector.shape_cast %get3A_1189 : vector<1x1x16xf32> to vector<16xf32>
        %add3A_1191 = arith.addf %add3A_1119, %get3A_1190 : vector<16xf32>
        %add3A_1192 = arith.constant 5 : i32
        %add3A_1193 = arith.addi %mul3A_805, %add3A_1192 : i32
        %get3A_1194 = arith.constant 2 : i32
        %get3A_1195 = arith.index_cast %get3A_1194 : i32 to index
        %get3A_1196 = arith.index_cast %add3A_1193 : i32 to index
        %get3A_1197 = arith.constant 48 : index
        %get3A_1198 = tpu.vector_load %arg6[%get3A_1195, %get3A_1196, %get3A_1197] {strides = array<i32>} : memref<4x200x128xf32, #tpu.memory_space<vmem>>, vector<1x1x16xf32>,
        %get3A_1199 = vector.shape_cast %get3A_1198 : vector<1x1x16xf32> to vector<16xf32>
        %add3A_1200 = arith.addf %add3A_1128, %get3A_1199 : vector<16xf32>
        %add3A_1201 = arith.constant 5 : i32
        %add3A_1202 = arith.addi %mul3A_805, %add3A_1201 : i32
        %get3A_1203 = arith.constant 2 : i32
        %get3A_1204 = arith.index_cast %get3A_1203 : i32 to index
        %get3A_1205 = arith.index_cast %add3A_1202 : i32 to index
        %get3A_1206 = arith.constant 64 : index
        %get3A_1207 = tpu.vector_load %arg6[%get3A_1204, %get3A_1205, %get3A_1206] {strides = array<i32>} : memref<4x200x128xf32, #tpu.memory_space<vmem>>, vector<1x1x16xf32>,
        %get3A_1208 = vector.shape_cast %get3A_1207 : vector<1x1x16xf32> to vector<16xf32>
        %add3A_1209 = arith.addf %add3A_1137, %get3A_1208 : vector<16xf32>
        %add3A_1210 = arith.constant 5 : i32
        %add3A_1211 = arith.addi %mul3A_805, %add3A_1210 : i32
        %get3A_1212 = arith.constant 2 : i32
        %get3A_1213 = arith.index_cast %get3A_1212 : i32 to index
        %get3A_1214 = arith.index_cast %add3A_1211 : i32 to index
        %get3A_1215 = arith.constant 80 : index
        %get3A_1216 = tpu.vector_load %arg6[%get3A_1213, %get3A_1214, %get3A_1215] {strides = array<i32>} : memref<4x200x128xf32, #tpu.memory_space<vmem>>, vector<1x1x16xf32>,
        %get3A_1217 = vector.shape_cast %get3A_1216 : vector<1x1x16xf32> to vector<16xf32>
        %add3A_1218 = arith.addf %add3A_1146, %get3A_1217 : vector<16xf32>
        %add3A_1219 = arith.constant 5 : i32
        %add3A_1220 = arith.addi %mul3A_805, %add3A_1219 : i32
        %get3A_1221 = arith.constant 2 : i32
        %get3A_1222 = arith.index_cast %get3A_1221 : i32 to index
        %get3A_1223 = arith.index_cast %add3A_1220 : i32 to index
        %get3A_1224 = arith.constant 96 : index
        %get3A_1225 = tpu.vector_load %arg6[%get3A_1222, %get3A_1223, %get3A_1224] {strides = array<i32>} : memref<4x200x128xf32, #tpu.memory_space<vmem>>, vector<1x1x16xf32>,
        %get3A_1226 = vector.shape_cast %get3A_1225 : vector<1x1x16xf32> to vector<16xf32>
        %add3A_1227 = arith.addf %add3A_1155, %get3A_1226 : vector<16xf32>
        %add3A_1228 = arith.constant 5 : i32
        %add3A_1229 = arith.addi %mul3A_805, %add3A_1228 : i32
        %get3A_1230 = arith.constant 2 : i32
        %get3A_1231 = arith.index_cast %get3A_1230 : i32 to index
        %get3A_1232 = arith.index_cast %add3A_1229 : i32 to index
        %get3A_1233 = arith.constant 112 : index
        %get3A_1234 = tpu.vector_load %arg6[%get3A_1231, %get3A_1232, %get3A_1233] {strides = array<i32>} : memref<4x200x128xf32, #tpu.memory_space<vmem>>, vector<1x1x16xf32>,
        %get3A_1235 = vector.shape_cast %get3A_1234 : vector<1x1x16xf32> to vector<16xf32>
        %add3A_1236 = arith.addf %add3A_1164, %get3A_1235 : vector<16xf32>
        %add3A_1237 = arith.constant 6 : i32
        %add3A_1238 = arith.addi %mul3A_805, %add3A_1237 : i32
        %get3A_1239 = arith.constant 2 : i32
        %get3A_1240 = arith.index_cast %get3A_1239 : i32 to index
        %get3A_1241 = arith.index_cast %add3A_1238 : i32 to index
        %get3A_1242 = arith.constant 0 : index
        %get3A_1243 = tpu.vector_load %arg6[%get3A_1240, %get3A_1241, %get3A_1242] {strides = array<i32>} : memref<4x200x128xf32, #tpu.memory_space<vmem>>, vector<1x1x16xf32>,
        %get3A_1244 = vector.shape_cast %get3A_1243 : vector<1x1x16xf32> to vector<16xf32>
        %add3A_1245 = arith.addf %add3A_1173, %get3A_1244 : vector<16xf32>
        %add3A_1246 = arith.constant 6 : i32
        %add3A_1247 = arith.addi %mul3A_805, %add3A_1246 : i32
        %get3A_1248 = arith.constant 2 : i32
        %get3A_1249 = arith.index_cast %get3A_1248 : i32 to index
        %get3A_1250 = arith.index_cast %add3A_1247 : i32 to index
        %get3A_1251 = arith.constant 16 : index
        %get3A_1252 = tpu.vector_load %arg6[%get3A_1249, %get3A_1250, %get3A_1251] {strides = array<i32>} : memref<4x200x128xf32, #tpu.memory_space<vmem>>, vector<1x1x16xf32>,
        %get3A_1253 = vector.shape_cast %get3A_1252 : vector<1x1x16xf32> to vector<16xf32>
        %add3A_1254 = arith.addf %add3A_1182, %get3A_1253 : vector<16xf32>
        %add3A_1255 = arith.constant 6 : i32
        %add3A_1256 = arith.addi %mul3A_805, %add3A_1255 : i32
        %get3A_1257 = arith.constant 2 : i32
        %get3A_1258 = arith.index_cast %get3A_1257 : i32 to index
        %get3A_1259 = arith.index_cast %add3A_1256 : i32 to index
        %get3A_1260 = arith.constant 32 : index
        %get3A_1261 = tpu.vector_load %arg6[%get3A_1258, %get3A_1259, %get3A_1260] {strides = array<i32>} : memref<4x200x128xf32, #tpu.memory_space<vmem>>, vector<1x1x16xf32>,
        %get3A_1262 = vector.shape_cast %get3A_1261 : vector<1x1x16xf32> to vector<16xf32>
        %add3A_1263 = arith.addf %add3A_1191, %get3A_1262 : vector<16xf32>
        %add3A_1264 = arith.constant 6 : i32
        %add3A_1265 = arith.addi %mul3A_805, %add3A_1264 : i32
        %get3A_1266 = arith.constant 2 : i32
        %get3A_1267 = arith.index_cast %get3A_1266 : i32 to index
        %get3A_1268 = arith.index_cast %add3A_1265 : i32 to index
        %get3A_1269 = arith.constant 48 : index
        %get3A_1270 = tpu.vector_load %arg6[%get3A_1267, %get3A_1268, %get3A_1269] {strides = array<i32>} : memref<4x200x128xf32, #tpu.memory_space<vmem>>, vector<1x1x16xf32>,
        %get3A_1271 = vector.shape_cast %get3A_1270 : vector<1x1x16xf32> to vector<16xf32>
        %add3A_1272 = arith.addf %add3A_1200, %get3A_1271 : vector<16xf32>
        %add3A_1273 = arith.constant 6 : i32
        %add3A_1274 = arith.addi %mul3A_805, %add3A_1273 : i32
        %get3A_1275 = arith.constant 2 : i32
        %get3A_1276 = arith.index_cast %get3A_1275 : i32 to index
        %get3A_1277 = arith.index_cast %add3A_1274 : i32 to index
        %get3A_1278 = arith.constant 64 : index
        %get3A_1279 = tpu.vector_load %arg6[%get3A_1276, %get3A_1277, %get3A_1278] {strides = array<i32>} : memref<4x200x128xf32, #tpu.memory_space<vmem>>, vector<1x1x16xf32>,
        %get3A_1280 = vector.shape_cast %get3A_1279 : vector<1x1x16xf32> to vector<16xf32>
        %add3A_1281 = arith.addf %add3A_1209, %get3A_1280 : vector<16xf32>
        %add3A_1282 = arith.constant 6 : i32
        %add3A_1283 = arith.addi %mul3A_805, %add3A_1282 : i32
        %get3A_1284 = arith.constant 2 : i32
        %get3A_1285 = arith.index_cast %get3A_1284 : i32 to index
        %get3A_1286 = arith.index_cast %add3A_1283 : i32 to index
        %get3A_1287 = arith.constant 80 : index
        %get3A_1288 = tpu.vector_load %arg6[%get3A_1285, %get3A_1286, %get3A_1287] {strides = array<i32>} : memref<4x200x128xf32, #tpu.memory_space<vmem>>, vector<1x1x16xf32>,
        %get3A_1289 = vector.shape_cast %get3A_1288 : vector<1x1x16xf32> to vector<16xf32>
        %add3A_1290 = arith.addf %add3A_1218, %get3A_1289 : vector<16xf32>
        %add3A_1291 = arith.constant 6 : i32
        %add3A_1292 = arith.addi %mul3A_805, %add3A_1291 : i32
        %get3A_1293 = arith.constant 2 : i32
        %get3A_1294 = arith.index_cast %get3A_1293 : i32 to index
        %get3A_1295 = arith.index_cast %add3A_1292 : i32 to index
        %get3A_1296 = arith.constant 96 : index
        %get3A_1297 = tpu.vector_load %arg6[%get3A_1294, %get3A_1295, %get3A_1296] {strides = array<i32>} : memref<4x200x128xf32, #tpu.memory_space<vmem>>, vector<1x1x16xf32>,
        %get3A_1298 = vector.shape_cast %get3A_1297 : vector<1x1x16xf32> to vector<16xf32>
        %add3A_1299 = arith.addf %add3A_1227, %get3A_1298 : vector<16xf32>
        %add3A_1300 = arith.constant 6 : i32
        %add3A_1301 = arith.addi %mul3A_805, %add3A_1300 : i32
        %get3A_1302 = arith.constant 2 : i32
        %get3A_1303 = arith.index_cast %get3A_1302 : i32 to index
        %get3A_1304 = arith.index_cast %add3A_1301 : i32 to index
        %get3A_1305 = arith.constant 112 : index
        %get3A_1306 = tpu.vector_load %arg6[%get3A_1303, %get3A_1304, %get3A_1305] {strides = array<i32>} : memref<4x200x128xf32, #tpu.memory_space<vmem>>, vector<1x1x16xf32>,
        %get3A_1307 = vector.shape_cast %get3A_1306 : vector<1x1x16xf32> to vector<16xf32>
        %add3A_1308 = arith.addf %add3A_1236, %get3A_1307 : vector<16xf32>
        %add3A_1309 = arith.constant 7 : i32
        %add3A_1310 = arith.addi %mul3A_805, %add3A_1309 : i32
        %get3A_1311 = arith.constant 2 : i32
        %get3A_1312 = arith.index_cast %get3A_1311 : i32 to index
        %get3A_1313 = arith.index_cast %add3A_1310 : i32 to index
        %get3A_1314 = arith.constant 0 : index
        %get3A_1315 = tpu.vector_load %arg6[%get3A_1312, %get3A_1313, %get3A_1314] {strides = array<i32>} : memref<4x200x128xf32, #tpu.memory_space<vmem>>, vector<1x1x16xf32>,
        %get3A_1316 = vector.shape_cast %get3A_1315 : vector<1x1x16xf32> to vector<16xf32>
        %add3A_1317 = arith.addf %add3A_1245, %get3A_1316 : vector<16xf32>
        %add3A_1318 = arith.constant 7 : i32
        %add3A_1319 = arith.addi %mul3A_805, %add3A_1318 : i32
        %get3A_1320 = arith.constant 2 : i32
        %get3A_1321 = arith.index_cast %get3A_1320 : i32 to index
        %get3A_1322 = arith.index_cast %add3A_1319 : i32 to index
        %get3A_1323 = arith.constant 16 : index
        %get3A_1324 = tpu.vector_load %arg6[%get3A_1321, %get3A_1322, %get3A_1323] {strides = array<i32>} : memref<4x200x128xf32, #tpu.memory_space<vmem>>, vector<1x1x16xf32>,
        %get3A_1325 = vector.shape_cast %get3A_1324 : vector<1x1x16xf32> to vector<16xf32>
        %add3A_1326 = arith.addf %add3A_1254, %get3A_1325 : vector<16xf32>
        %add3A_1327 = arith.constant 7 : i32
        %add3A_1328 = arith.addi %mul3A_805, %add3A_1327 : i32
        %get3A_1329 = arith.constant 2 : i32
        %get3A_1330 = arith.index_cast %get3A_1329 : i32 to index
        %get3A_1331 = arith.index_cast %add3A_1328 : i32 to index
        %get3A_1332 = arith.constant 32 : index
        %get3A_1333 = tpu.vector_load %arg6[%get3A_1330, %get3A_1331, %get3A_1332] {strides = array<i32>} : memref<4x200x128xf32, #tpu.memory_space<vmem>>, vector<1x1x16xf32>,
        %get3A_1334 = vector.shape_cast %get3A_1333 : vector<1x1x16xf32> to vector<16xf32>
        %add3A_1335 = arith.addf %add3A_1263, %get3A_1334 : vector<16xf32>
        %add3A_1336 = arith.constant 7 : i32
        %add3A_1337 = arith.addi %mul3A_805, %add3A_1336 : i32
        %get3A_1338 = arith.constant 2 : i32
        %get3A_1339 = arith.index_cast %get3A_1338 : i32 to index
        %get3A_1340 = arith.index_cast %add3A_1337 : i32 to index
        %get3A_1341 = arith.constant 48 : index
        %get3A_1342 = tpu.vector_load %arg6[%get3A_1339, %get3A_1340, %get3A_1341] {strides = array<i32>} : memref<4x200x128xf32, #tpu.memory_space<vmem>>, vector<1x1x16xf32>,
        %get3A_1343 = vector.shape_cast %get3A_1342 : vector<1x1x16xf32> to vector<16xf32>
        %add3A_1344 = arith.addf %add3A_1272, %get3A_1343 : vector<16xf32>
        %add3A_1345 = arith.constant 7 : i32
        %add3A_1346 = arith.addi %mul3A_805, %add3A_1345 : i32
        %get3A_1347 = arith.constant 2 : i32
        %get3A_1348 = arith.index_cast %get3A_1347 : i32 to index
        %get3A_1349 = arith.index_cast %add3A_1346 : i32 to index
        %get3A_1350 = arith.constant 64 : index
        %get3A_1351 = tpu.vector_load %arg6[%get3A_1348, %get3A_1349, %get3A_1350] {strides = array<i32>} : memref<4x200x128xf32, #tpu.memory_space<vmem>>, vector<1x1x16xf32>,
        %get3A_1352 = vector.shape_cast %get3A_1351 : vector<1x1x16xf32> to vector<16xf32>
        %add3A_1353 = arith.addf %add3A_1281, %get3A_1352 : vector<16xf32>
        %add3A_1354 = arith.constant 7 : i32
        %add3A_1355 = arith.addi %mul3A_805, %add3A_1354 : i32
        %get3A_1356 = arith.constant 2 : i32
        %get3A_1357 = arith.index_cast %get3A_1356 : i32 to index
        %get3A_1358 = arith.index_cast %add3A_1355 : i32 to index
        %get3A_1359 = arith.constant 80 : index
        %get3A_1360 = tpu.vector_load %arg6[%get3A_1357, %get3A_1358, %get3A_1359] {strides = array<i32>} : memref<4x200x128xf32, #tpu.memory_space<vmem>>, vector<1x1x16xf32>,
        %get3A_1361 = vector.shape_cast %get3A_1360 : vector<1x1x16xf32> to vector<16xf32>
        %add3A_1362 = arith.addf %add3A_1290, %get3A_1361 : vector<16xf32>
        %add3A_1363 = arith.constant 7 : i32
        %add3A_1364 = arith.addi %mul3A_805, %add3A_1363 : i32
        %get3A_1365 = arith.constant 2 : i32
        %get3A_1366 = arith.index_cast %get3A_1365 : i32 to index
        %get3A_1367 = arith.index_cast %add3A_1364 : i32 to index
        %get3A_1368 = arith.constant 96 : index
        %get3A_1369 = tpu.vector_load %arg6[%get3A_1366, %get3A_1367, %get3A_1368] {strides = array<i32>} : memref<4x200x128xf32, #tpu.memory_space<vmem>>, vector<1x1x16xf32>,
        %get3A_1370 = vector.shape_cast %get3A_1369 : vector<1x1x16xf32> to vector<16xf32>
        %add3A_1371 = arith.addf %add3A_1299, %get3A_1370 : vector<16xf32>
        %add3A_1372 = arith.constant 7 : i32
        %add3A_1373 = arith.addi %mul3A_805, %add3A_1372 : i32
        %get3A_1374 = arith.constant 2 : i32
        %get3A_1375 = arith.index_cast %get3A_1374 : i32 to index
        %get3A_1376 = arith.index_cast %add3A_1373 : i32 to index
        %get3A_1377 = arith.constant 112 : index
        %get3A_1378 = tpu.vector_load %arg6[%get3A_1375, %get3A_1376, %get3A_1377] {strides = array<i32>} : memref<4x200x128xf32, #tpu.memory_space<vmem>>, vector<1x1x16xf32>,
        %get3A_1379 = vector.shape_cast %get3A_1378 : vector<1x1x16xf32> to vector<16xf32>
        %add3A_1380 = arith.addf %add3A_1308, %get3A_1379 : vector<16xf32>
        scf.yield %add3A_1317, %add3A_1326, %add3A_1335, %add3A_1344, %add3A_1353, %add3A_1362, %add3A_1371, %add3A_1380 : vector<16xf32>, vector<16xf32>, vector<16xf32>, vector<16xf32>, vector<16xf32>, vector<16xf32>, vector<16xf32>, vector<16xf32>
      }
      %scan3A_603 = arith.constant 25 : i32
      %swap3A_604 = arith.index_cast %select_n3A_542 : i32 to index
      %swap3A_605 = arith.constant 0 : index
      %swap3A_606 = tpu.vector_load %arg7[%swap3A_604, %swap3A_605] {strides = array<i32>} : memref<4x128xf32, #tpu.memory_space<vmem>>, vector<1x16xf32>,
      %swap3A_607 = vector.shape_cast %swap3A_606 : vector<1x16xf32> to vector<16xf32>
      %swap3A_608 = vector.shape_cast %scan3A_602#0 : vector<16xf32> to vector<1x16xf32>
      tpu.vector_store %arg7[%swap3A_604, %swap3A_605], %swap3A_608 {strides = array<i32>} : memref<4x128xf32, #tpu.memory_space<vmem>>, vector<1x16xf32>,
      %swap3A_609 = arith.index_cast %select_n3A_542 : i32 to index
      %swap3A_610 = arith.constant 16 : index
      %swap3A_611 = tpu.vector_load %arg7[%swap3A_609, %swap3A_610] {strides = array<i32>} : memref<4x128xf32, #tpu.memory_space<vmem>>, vector<1x16xf32>,
      %swap3A_612 = vector.shape_cast %swap3A_611 : vector<1x16xf32> to vector<16xf32>
      %swap3A_613 = vector.shape_cast %scan3A_602#1 : vector<16xf32> to vector<1x16xf32>
      tpu.vector_store %arg7[%swap3A_609, %swap3A_610], %swap3A_613 {strides = array<i32>} : memref<4x128xf32, #tpu.memory_space<vmem>>, vector<1x16xf32>,
      %swap3A_614 = arith.index_cast %select_n3A_542 : i32 to index
      %swap3A_615 = arith.constant 32 : index
      %swap3A_616 = tpu.vector_load %arg7[%swap3A_614, %swap3A_615] {strides = array<i32>} : memref<4x128xf32, #tpu.memory_space<vmem>>, vector<1x16xf32>,
      %swap3A_617 = vector.shape_cast %swap3A_616 : vector<1x16xf32> to vector<16xf32>
      %swap3A_618 = vector.shape_cast %scan3A_602#2 : vector<16xf32> to vector<1x16xf32>
      tpu.vector_store %arg7[%swap3A_614, %swap3A_615], %swap3A_618 {strides = array<i32>} : memref<4x128xf32, #tpu.memory_space<vmem>>, vector<1x16xf32>,
      %swap3A_619 = arith.index_cast %select_n3A_542 : i32 to index
      %swap3A_620 = arith.constant 48 : index
      %swap3A_621 = tpu.vector_load %arg7[%swap3A_619, %swap3A_620] {strides = array<i32>} : memref<4x128xf32, #tpu.memory_space<vmem>>, vector<1x16xf32>,
      %swap3A_622 = vector.shape_cast %swap3A_621 : vector<1x16xf32> to vector<16xf32>
      %swap3A_623 = vector.shape_cast %scan3A_602#3 : vector<16xf32> to vector<1x16xf32>
      tpu.vector_store %arg7[%swap3A_619, %swap3A_620], %swap3A_623 {strides = array<i32>} : memref<4x128xf32, #tpu.memory_space<vmem>>, vector<1x16xf32>,
      %swap3A_624 = arith.index_cast %select_n3A_542 : i32 to index
      %swap3A_625 = arith.constant 64 : index
      %swap3A_626 = tpu.vector_load %arg7[%swap3A_624, %swap3A_625] {strides = array<i32>} : memref<4x128xf32, #tpu.memory_space<vmem>>, vector<1x16xf32>,
      %swap3A_627 = vector.shape_cast %swap3A_626 : vector<1x16xf32> to vector<16xf32>
      %swap3A_628 = vector.shape_cast %scan3A_602#4 : vector<16xf32> to vector<1x16xf32>
      tpu.vector_store %arg7[%swap3A_624, %swap3A_625], %swap3A_628 {strides = array<i32>} : memref<4x128xf32, #tpu.memory_space<vmem>>, vector<1x16xf32>,
      %swap3A_629 = arith.index_cast %select_n3A_542 : i32 to index
      %swap3A_630 = arith.constant 80 : index
      %swap3A_631 = tpu.vector_load %arg7[%swap3A_629, %swap3A_630] {strides = array<i32>} : memref<4x128xf32, #tpu.memory_space<vmem>>, vector<1x16xf32>,
      %swap3A_632 = vector.shape_cast %swap3A_631 : vector<1x16xf32> to vector<16xf32>
      %swap3A_633 = vector.shape_cast %scan3A_602#5 : vector<16xf32> to vector<1x16xf32>
      tpu.vector_store %arg7[%swap3A_629, %swap3A_630], %swap3A_633 {strides = array<i32>} : memref<4x128xf32, #tpu.memory_space<vmem>>, vector<1x16xf32>,
      %swap3A_634 = arith.index_cast %select_n3A_542 : i32 to index
      %swap3A_635 = arith.constant 96 : index
      %swap3A_636 = tpu.vector_load %arg7[%swap3A_634, %swap3A_635] {strides = array<i32>} : memref<4x128xf32, #tpu.memory_space<vmem>>, vector<1x16xf32>,
      %swap3A_637 = vector.shape_cast %swap3A_636 : vector<1x16xf32> to vector<16xf32>
      %swap3A_638 = vector.shape_cast %scan3A_602#6 : vector<16xf32> to vector<1x16xf32>
      tpu.vector_store %arg7[%swap3A_634, %swap3A_635], %swap3A_638 {strides = array<i32>} : memref<4x128xf32, #tpu.memory_space<vmem>>, vector<1x16xf32>,
      %swap3A_639 = arith.index_cast %select_n3A_542 : i32 to index
      %swap3A_640 = arith.constant 112 : index
      %swap3A_641 = tpu.vector_load %arg7[%swap3A_639, %swap3A_640] {strides = array<i32>} : memref<4x128xf32, #tpu.memory_space<vmem>>, vector<1x16xf32>,
      %swap3A_642 = vector.shape_cast %swap3A_641 : vector<1x16xf32> to vector<16xf32>
      %swap3A_643 = vector.shape_cast %scan3A_602#7 : vector<16xf32> to vector<1x16xf32>
      tpu.vector_store %arg7[%swap3A_639, %swap3A_640], %swap3A_643 {strides = array<i32>} : memref<4x128xf32, #tpu.memory_space<vmem>>, vector<1x16xf32>,
      %add3A_644 = arith.addi %mul3A_2, %add3A_526 : i32
      %dma_start3A_645 = arith.constant 0 : i32
      %dma_start3A_646 = tpu.memref_slice %arg7[%select_n3A_542, %dma_start3A_645] : memref<4x128xf32, #tpu.memory_space<vmem>> -> memref<1x128xf32, #tpu.memory_space<vmem>>
      %dma_start3A_647 = arith.constant 0 : i32
      %dma_start3A_648 = tpu.memref_slice %arg4[%add3A_644, %dma_start3A_647] : memref<4096x128xf32, #tpu.memory_space<hbm>> -> memref<1x128xf32, #tpu.memory_space<hbm>>
      %dma_start3A_649 = arith.constant 0 : i32
      %dma_start3A_650 = tpu.memref_slice %arg4[%add3A_644, %dma_start3A_649] : memref<4096x128xf32, #tpu.memory_space<hbm>> -> memref<1x128xf32, #tpu.memory_space<hbm>>
      %dma_start3A_651 = arith.constant 0 : i32
      %dma_start3A_652 = tpu.memref_slice %arg7[%select_n3A_542, %dma_start3A_651] : memref<4x128xf32, #tpu.memory_space<vmem>> -> memref<1x128xf32, #tpu.memory_space<vmem>>
      tpu.enqueue_dma source(%dma_start3A_652 : memref<1x128xf32, #tpu.memory_space<vmem>>) target(%dma_start3A_650 : memref<1x128xf32, #tpu.memory_space<hbm>>) target_semaphore(%arg12 : memref<!tpu.dma_semaphore, #tpu.memory_space<semaphore_mem>>)
      %add3A_653 = arith.constant 4 : i32
      %add3A_654 = arith.addi %add3A_526, %add3A_653 : i32
      %lt3A_655 = arith.constant 128 : i32
      %lt3A_656 = arith.cmpi slt, %add3A_654, %lt3A_655 : i32
      %convert_element_type3A_657 = arith.extui %lt3A_656 : i1 to i32
      %cond3A_658 = arith.constant 0 : i32
      %cond3A_659 = arith.cmpi ne, %convert_element_type3A_657, %cond3A_658 : i32
      scf.if %cond3A_659 {
        %add3A_795 = arith.constant 4 : i32
        %add3A_796 = arith.addi %add3A_526, %add3A_795 : i32
        %mul3A_797 = arith.constant 200 : i32
        %mul3A_798 = arith.muli %add3A_796, %mul3A_797 : i32
        %add3A_799 = arith.constant 0 : i32
        %add3A_800 = arith.addi %mul3A_798, %add3A_799 : i32
        %dma_start3A_801 = arith.constant 2 : i32
        %dma_start3A_802 = arith.constant 0 : i32
        %dma_start3A_803 = arith.constant 0 : i32
        %dma_start3A_804 = tpu.memref_slice %arg6[%dma_start3A_801, %dma_start3A_802, %dma_start3A_803] : memref<4x200x128xf32, #tpu.memory_space<vmem>> -> memref<1x40x128xf32, #tpu.memory_space<vmem>>
        %dma_start3A_805 = tpu.memref_squeeze %dma_start3A_804 : memref<1x40x128xf32, #tpu.memory_space<vmem>> -> memref<40x128xf32, #tpu.memory_space<vmem>>
        %dma_start3A_806 = tpu.memref_slice %arg5[%add3A_800] : memref<25600xi32, #tpu.memory_space<vmem>> -> memref<40xi32, #tpu.memory_space<vmem>>
        %dma_start3A_807 = arith.constant 0 : i32
        %dma_start3A_808 = arith.constant 0 : i32
        %dma_start3A_809 = tpu.memref_slice %arg3[%dma_start3A_807, %dma_start3A_808] : memref<100000x128xf32, #tpu.memory_space<hbm>> -> memref<100000x128xf32, #tpu.memory_space<hbm>>
        tpu.enqueue_indirect_dma source(%dma_start3A_809 : memref<100000x128xf32, #tpu.memory_space<hbm>>) target(%dma_start3A_805 : memref<40x128xf32, #tpu.memory_space<vmem>>) offsets(%dma_start3A_806 : memref<40xi32, #tpu.memory_space<vmem>>) semaphore(%arg10 : memref<!tpu.dma_semaphore, #tpu.memory_space<semaphore_mem>>)
        %add3A_810 = arith.constant 40 : i32
        %add3A_811 = arith.addi %mul3A_798, %add3A_810 : i32
        %dma_start3A_812 = arith.constant 2 : i32
        %dma_start3A_813 = arith.constant 40 : i32
        %dma_start3A_814 = arith.constant 0 : i32
        %dma_start3A_815 = tpu.memref_slice %arg6[%dma_start3A_812, %dma_start3A_813, %dma_start3A_814] : memref<4x200x128xf32, #tpu.memory_space<vmem>> -> memref<1x40x128xf32, #tpu.memory_space<vmem>>
        %dma_start3A_816 = tpu.memref_squeeze %dma_start3A_815 : memref<1x40x128xf32, #tpu.memory_space<vmem>> -> memref<40x128xf32, #tpu.memory_space<vmem>>
        %dma_start3A_817 = tpu.memref_slice %arg5[%add3A_811] : memref<25600xi32, #tpu.memory_space<vmem>> -> memref<40xi32, #tpu.memory_space<vmem>>
        %dma_start3A_818 = arith.constant 0 : i32
        %dma_start3A_819 = arith.constant 0 : i32
        %dma_start3A_820 = tpu.memref_slice %arg3[%dma_start3A_818, %dma_start3A_819] : memref<100000x128xf32, #tpu.memory_space<hbm>> -> memref<100000x128xf32, #tpu.memory_space<hbm>>
        tpu.enqueue_indirect_dma source(%dma_start3A_820 : memref<100000x128xf32, #tpu.memory_space<hbm>>) target(%dma_start3A_816 : memref<40x128xf32, #tpu.memory_space<vmem>>) offsets(%dma_start3A_817 : memref<40xi32, #tpu.memory_space<vmem>>) semaphore(%arg10 : memref<!tpu.dma_semaphore, #tpu.memory_space<semaphore_mem>>)
        %add3A_821 = arith.constant 80 : i32
        %add3A_822 = arith.addi %mul3A_798, %add3A_821 : i32
        %dma_start3A_823 = arith.constant 2 : i32
        %dma_start3A_824 = arith.constant 80 : i32
        %dma_start3A_825 = arith.constant 0 : i32
        %dma_start3A_826 = tpu.memref_slice %arg6[%dma_start3A_823, %dma_start3A_824, %dma_start3A_825] : memref<4x200x128xf32, #tpu.memory_space<vmem>> -> memref<1x40x128xf32, #tpu.memory_space<vmem>>
        %dma_start3A_827 = tpu.memref_squeeze %dma_start3A_826 : memref<1x40x128xf32, #tpu.memory_space<vmem>> -> memref<40x128xf32, #tpu.memory_space<vmem>>
        %dma_start3A_828 = tpu.memref_slice %arg5[%add3A_822] : memref<25600xi32, #tpu.memory_space<vmem>> -> memref<40xi32, #tpu.memory_space<vmem>>
        %dma_start3A_829 = arith.constant 0 : i32
        %dma_start3A_830 = arith.constant 0 : i32
        %dma_start3A_831 = tpu.memref_slice %arg3[%dma_start3A_829, %dma_start3A_830] : memref<100000x128xf32, #tpu.memory_space<hbm>> -> memref<100000x128xf32, #tpu.memory_space<hbm>>
        tpu.enqueue_indirect_dma source(%dma_start3A_831 : memref<100000x128xf32, #tpu.memory_space<hbm>>) target(%dma_start3A_827 : memref<40x128xf32, #tpu.memory_space<vmem>>) offsets(%dma_start3A_828 : memref<40xi32, #tpu.memory_space<vmem>>) semaphore(%arg10 : memref<!tpu.dma_semaphore, #tpu.memory_space<semaphore_mem>>)
        %add3A_832 = arith.constant 120 : i32
        %add3A_833 = arith.addi %mul3A_798, %add3A_832 : i32
        %dma_start3A_834 = arith.constant 2 : i32
        %dma_start3A_835 = arith.constant 120 : i32
        %dma_start3A_836 = arith.constant 0 : i32
        %dma_start3A_837 = tpu.memref_slice %arg6[%dma_start3A_834, %dma_start3A_835, %dma_start3A_836] : memref<4x200x128xf32, #tpu.memory_space<vmem>> -> memref<1x40x128xf32, #tpu.memory_space<vmem>>
        %dma_start3A_838 = tpu.memref_squeeze %dma_start3A_837 : memref<1x40x128xf32, #tpu.memory_space<vmem>> -> memref<40x128xf32, #tpu.memory_space<vmem>>
        %dma_start3A_839 = tpu.memref_slice %arg5[%add3A_833] : memref<25600xi32, #tpu.memory_space<vmem>> -> memref<40xi32, #tpu.memory_space<vmem>>
        %dma_start3A_840 = arith.constant 0 : i32
        %dma_start3A_841 = arith.constant 0 : i32
        %dma_start3A_842 = tpu.memref_slice %arg3[%dma_start3A_840, %dma_start3A_841] : memref<100000x128xf32, #tpu.memory_space<hbm>> -> memref<100000x128xf32, #tpu.memory_space<hbm>>
        tpu.enqueue_indirect_dma source(%dma_start3A_842 : memref<100000x128xf32, #tpu.memory_space<hbm>>) target(%dma_start3A_838 : memref<40x128xf32, #tpu.memory_space<vmem>>) offsets(%dma_start3A_839 : memref<40xi32, #tpu.memory_space<vmem>>) semaphore(%arg10 : memref<!tpu.dma_semaphore, #tpu.memory_space<semaphore_mem>>)
        %add3A_843 = arith.constant 160 : i32
        %add3A_844 = arith.addi %mul3A_798, %add3A_843 : i32
        %dma_start3A_845 = arith.constant 2 : i32
        %dma_start3A_846 = arith.constant 160 : i32
        %dma_start3A_847 = arith.constant 0 : i32
        %dma_start3A_848 = tpu.memref_slice %arg6[%dma_start3A_845, %dma_start3A_846, %dma_start3A_847] : memref<4x200x128xf32, #tpu.memory_space<vmem>> -> memref<1x40x128xf32, #tpu.memory_space<vmem>>
        %dma_start3A_849 = tpu.memref_squeeze %dma_start3A_848 : memref<1x40x128xf32, #tpu.memory_space<vmem>> -> memref<40x128xf32, #tpu.memory_space<vmem>>
        %dma_start3A_850 = tpu.memref_slice %arg5[%add3A_844] : memref<25600xi32, #tpu.memory_space<vmem>> -> memref<40xi32, #tpu.memory_space<vmem>>
        %dma_start3A_851 = arith.constant 0 : i32
        %dma_start3A_852 = arith.constant 0 : i32
        %dma_start3A_853 = tpu.memref_slice %arg3[%dma_start3A_851, %dma_start3A_852] : memref<100000x128xf32, #tpu.memory_space<hbm>> -> memref<100000x128xf32, #tpu.memory_space<hbm>>
        tpu.enqueue_indirect_dma source(%dma_start3A_853 : memref<100000x128xf32, #tpu.memory_space<hbm>>) target(%dma_start3A_849 : memref<40x128xf32, #tpu.memory_space<vmem>>) offsets(%dma_start3A_850 : memref<40xi32, #tpu.memory_space<vmem>>) semaphore(%arg10 : memref<!tpu.dma_semaphore, #tpu.memory_space<semaphore_mem>>)
      } else {
      }
      %add3A_660 = arith.constant 3 : i32
      %add3A_661 = arith.addi %mul3A_265, %add3A_660 : i32
      %jit3A_662 = arith.constant 4 : i32
      %eq3A_663 = arith.constant 0 : i32
      %eq3A_664 = arith.cmpi eq, %jit3A_662, %eq3A_663 : i32
      %jit3A_665 = arith.constant 1 : i32
      %select_n3A_666 = arith.select %eq3A_664, %jit3A_665, %jit3A_662 : i32
      %rem3A_667 = arith.remsi %add3A_661, %select_n3A_666 : i32
      %ne3A_668 = arith.constant 0 : i32
      %ne3A_669 = arith.cmpi ne, %rem3A_667, %ne3A_668 : i32
      %lt3A_670 = arith.constant 0 : i32
      %lt3A_671 = arith.cmpi slt, %rem3A_667, %lt3A_670 : i32
      %lt3A_672 = arith.constant 0 : i32
      %lt3A_673 = arith.cmpi slt, %select_n3A_666, %lt3A_672 : i32
      %ne3A_674 = arith.xori %lt3A_671, %lt3A_673 : i1
      %and3A_675 = arith.andi %ne3A_674, %ne3A_669 : i1
      %add3A_676 = arith.addi %rem3A_667, %select_n3A_666 : i32
      %select_n3A_677 = arith.select %and3A_675, %add3A_676, %rem3A_667 : i32
      %ge3A_678 = arith.constant 4 : i32
      %ge3A_679 = arith.cmpi sge, %add3A_661, %ge3A_678 : i32
      %convert_element_type3A_680 = arith.extui %ge3A_679 : i1 to i32
      %cond3A_681 = arith.constant 0 : i32
      %cond3A_682 = arith.cmpi ne, %convert_element_type3A_680, %cond3A_681 : i32
      scf.if %cond3A_682 {
        %dma_wait3A_795 = arith.constant 0 : i32
        %dma_wait3A_796 = tpu.memref_slice %arg7[%select_n3A_677, %dma_wait3A_795] : memref<4x128xf32, #tpu.memory_space<vmem>> -> memref<1x128xf32, #tpu.memory_space<vmem>>
        %dma_wait3A_797 = arith.constant 0 : i32
        %dma_wait3A_798 = tpu.memref_slice %arg4[%mul3A_2, %dma_wait3A_797] : memref<4096x128xf32, #tpu.memory_space<hbm>> -> memref<1x128xf32, #tpu.memory_space<hbm>>
        %dma_wait3A_799 = arith.constant 0 : i32
        %dma_wait3A_800 = tpu.memref_slice %arg4[%mul3A_2, %dma_wait3A_799] : memref<4096x128xf32, #tpu.memory_space<hbm>> -> memref<1x128xf32, #tpu.memory_space<hbm>>
        %dma_wait3A_801 = arith.constant 0 : i32
        %dma_wait3A_802 = tpu.memref_slice %arg7[%select_n3A_677, %dma_wait3A_801] : memref<4x128xf32, #tpu.memory_space<vmem>> -> memref<1x128xf32, #tpu.memory_space<vmem>>
        tpu.wait_dma2 semaphore(%arg12 : memref<!tpu.dma_semaphore, #tpu.memory_space<semaphore_mem>>) src(%dma_wait3A_802 : memref<1x128xf32, #tpu.memory_space<vmem>>) dst(%dma_wait3A_800 : memref<1x128xf32, #tpu.memory_space<hbm>>)
      } else {
      }
      %dma_wait3A_683 = arith.constant 3 : i32
      %dma_wait3A_684 = arith.constant 0 : i32
      %dma_wait3A_685 = arith.constant 0 : i32
      %dma_wait3A_686 = tpu.memref_slice %arg6[%dma_wait3A_683, %dma_wait3A_684, %dma_wait3A_685] : memref<4x200x128xf32, #tpu.memory_space<vmem>> -> memref<1x40x128xf32, #tpu.memory_space<vmem>>
      %dma_wait3A_687 = tpu.memref_squeeze %dma_wait3A_686 : memref<1x40x128xf32, #tpu.memory_space<vmem>> -> memref<40x128xf32, #tpu.memory_space<vmem>>
      %dma_wait3A_688 = arith.constant 0 : i32
      %dma_wait3A_689 = tpu.memref_slice %arg5[%dma_wait3A_688] : memref<25600xi32, #tpu.memory_space<vmem>> -> memref<40xi32, #tpu.memory_space<vmem>>
      %dma_wait3A_690 = arith.constant 0 : i32
      %dma_wait3A_691 = arith.constant 0 : i32
      %dma_wait3A_692 = tpu.memref_slice %arg3[%dma_wait3A_690, %dma_wait3A_691] : memref<100000x128xf32, #tpu.memory_space<hbm>> -> memref<100000x128xf32, #tpu.memory_space<hbm>>
      tpu.wait_indirect_dma semaphore(%arg11 : memref<!tpu.dma_semaphore, #tpu.memory_space<semaphore_mem>>) src(%dma_wait3A_692 : memref<100000x128xf32, #tpu.memory_space<hbm>>) dst(%dma_wait3A_687 : memref<40x128xf32, #tpu.memory_space<vmem>>)
      %dma_wait3A_693 = arith.constant 3 : i32
      %dma_wait3A_694 = arith.constant 40 : i32
      %dma_wait3A_695 = arith.constant 0 : i32
      %dma_wait3A_696 = tpu.memref_slice %arg6[%dma_wait3A_693, %dma_wait3A_694, %dma_wait3A_695] : memref<4x200x128xf32, #tpu.memory_space<vmem>> -> memref<1x40x128xf32, #tpu.memory_space<vmem>>
      %dma_wait3A_697 = tpu.memref_squeeze %dma_wait3A_696 : memref<1x40x128xf32, #tpu.memory_space<vmem>> -> memref<40x128xf32, #tpu.memory_space<vmem>>
      %dma_wait3A_698 = arith.constant 0 : i32
      %dma_wait3A_699 = tpu.memref_slice %arg5[%dma_wait3A_698] : memref<25600xi32, #tpu.memory_space<vmem>> -> memref<40xi32, #tpu.memory_space<vmem>>
      %dma_wait3A_700 = arith.constant 0 : i32
      %dma_wait3A_701 = arith.constant 0 : i32
      %dma_wait3A_702 = tpu.memref_slice %arg3[%dma_wait3A_700, %dma_wait3A_701] : memref<100000x128xf32, #tpu.memory_space<hbm>> -> memref<100000x128xf32, #tpu.memory_space<hbm>>
      tpu.wait_indirect_dma semaphore(%arg11 : memref<!tpu.dma_semaphore, #tpu.memory_space<semaphore_mem>>) src(%dma_wait3A_702 : memref<100000x128xf32, #tpu.memory_space<hbm>>) dst(%dma_wait3A_697 : memref<40x128xf32, #tpu.memory_space<vmem>>)
      %dma_wait3A_703 = arith.constant 3 : i32
      %dma_wait3A_704 = arith.constant 80 : i32
      %dma_wait3A_705 = arith.constant 0 : i32
      %dma_wait3A_706 = tpu.memref_slice %arg6[%dma_wait3A_703, %dma_wait3A_704, %dma_wait3A_705] : memref<4x200x128xf32, #tpu.memory_space<vmem>> -> memref<1x40x128xf32, #tpu.memory_space<vmem>>
      %dma_wait3A_707 = tpu.memref_squeeze %dma_wait3A_706 : memref<1x40x128xf32, #tpu.memory_space<vmem>> -> memref<40x128xf32, #tpu.memory_space<vmem>>
      %dma_wait3A_708 = arith.constant 0 : i32
      %dma_wait3A_709 = tpu.memref_slice %arg5[%dma_wait3A_708] : memref<25600xi32, #tpu.memory_space<vmem>> -> memref<40xi32, #tpu.memory_space<vmem>>
      %dma_wait3A_710 = arith.constant 0 : i32
      %dma_wait3A_711 = arith.constant 0 : i32
      %dma_wait3A_712 = tpu.memref_slice %arg3[%dma_wait3A_710, %dma_wait3A_711] : memref<100000x128xf32, #tpu.memory_space<hbm>> -> memref<100000x128xf32, #tpu.memory_space<hbm>>
      tpu.wait_indirect_dma semaphore(%arg11 : memref<!tpu.dma_semaphore, #tpu.memory_space<semaphore_mem>>) src(%dma_wait3A_712 : memref<100000x128xf32, #tpu.memory_space<hbm>>) dst(%dma_wait3A_707 : memref<40x128xf32, #tpu.memory_space<vmem>>)
      %dma_wait3A_713 = arith.constant 3 : i32
      %dma_wait3A_714 = arith.constant 120 : i32
      %dma_wait3A_715 = arith.constant 0 : i32
      %dma_wait3A_716 = tpu.memref_slice %arg6[%dma_wait3A_713, %dma_wait3A_714, %dma_wait3A_715] : memref<4x200x128xf32, #tpu.memory_space<vmem>> -> memref<1x40x128xf32, #tpu.memory_space<vmem>>
      %dma_wait3A_717 = tpu.memref_squeeze %dma_wait3A_716 : memref<1x40x128xf32, #tpu.memory_space<vmem>> -> memref<40x128xf32, #tpu.memory_space<vmem>>
      %dma_wait3A_718 = arith.constant 0 : i32
      %dma_wait3A_719 = tpu.memref_slice %arg5[%dma_wait3A_718] : memref<25600xi32, #tpu.memory_space<vmem>> -> memref<40xi32, #tpu.memory_space<vmem>>
      %dma_wait3A_720 = arith.constant 0 : i32
      %dma_wait3A_721 = arith.constant 0 : i32
      %dma_wait3A_722 = tpu.memref_slice %arg3[%dma_wait3A_720, %dma_wait3A_721] : memref<100000x128xf32, #tpu.memory_space<hbm>> -> memref<100000x128xf32, #tpu.memory_space<hbm>>
      tpu.wait_indirect_dma semaphore(%arg11 : memref<!tpu.dma_semaphore, #tpu.memory_space<semaphore_mem>>) src(%dma_wait3A_722 : memref<100000x128xf32, #tpu.memory_space<hbm>>) dst(%dma_wait3A_717 : memref<40x128xf32, #tpu.memory_space<vmem>>)
      %dma_wait3A_723 = arith.constant 3 : i32
      %dma_wait3A_724 = arith.constant 160 : i32
      %dma_wait3A_725 = arith.constant 0 : i32
      %dma_wait3A_726 = tpu.memref_slice %arg6[%dma_wait3A_723, %dma_wait3A_724, %dma_wait3A_725] : memref<4x200x128xf32, #tpu.memory_space<vmem>> -> memref<1x40x128xf32, #tpu.memory_space<vmem>>
      %dma_wait3A_727 = tpu.memref_squeeze %dma_wait3A_726 : memref<1x40x128xf32, #tpu.memory_space<vmem>> -> memref<40x128xf32, #tpu.memory_space<vmem>>
      %dma_wait3A_728 = arith.constant 0 : i32
      %dma_wait3A_729 = tpu.memref_slice %arg5[%dma_wait3A_728] : memref<25600xi32, #tpu.memory_space<vmem>> -> memref<40xi32, #tpu.memory_space<vmem>>
      %dma_wait3A_730 = arith.constant 0 : i32
      %dma_wait3A_731 = arith.constant 0 : i32
      %dma_wait3A_732 = tpu.memref_slice %arg3[%dma_wait3A_730, %dma_wait3A_731] : memref<100000x128xf32, #tpu.memory_space<hbm>> -> memref<100000x128xf32, #tpu.memory_space<hbm>>
      tpu.wait_indirect_dma semaphore(%arg11 : memref<!tpu.dma_semaphore, #tpu.memory_space<semaphore_mem>>) src(%dma_wait3A_732 : memref<100000x128xf32, #tpu.memory_space<hbm>>) dst(%dma_wait3A_727 : memref<40x128xf32, #tpu.memory_space<vmem>>)
      %scan3A_733 = arith.constant 0 : i32
      %scan3A_734 = arith.constant 25 : i32
      %scan3A_735 = arith.addi %scan3A_733, %scan3A_734 : i32
      %scan3A_736 = arith.constant 1 : i32
      %scan3A_737:8 = scf.for %scan3A_795 = %scan3A_733 to %scan3A_735 step %scan3A_736 iter_args(%scan3A_796 = %broadcast_in_dim3A_5, %scan3A_797 = %broadcast_in_dim3A_7, %scan3A_798 = %broadcast_in_dim3A_9, %scan3A_799 = %broadcast_in_dim3A_11, %scan3A_800 = %broadcast_in_dim3A_13, %scan3A_801 = %broadcast_in_dim3A_15, %scan3A_802 = %broadcast_in_dim3A_17, %scan3A_803 = %broadcast_in_dim3A_19) -> (vector<16xf32>, vector<16xf32>, vector<16xf32>, vector<16xf32>, vector<16xf32>, vector<16xf32>, vector<16xf32>, vector<16xf32>)  : i32 {
        %mul3A_804 = arith.constant 8 : i32
        %mul3A_805 = arith.muli %scan3A_795, %mul3A_804 : i32
        %add3A_806 = arith.constant 0 : i32
        %add3A_807 = arith.addi %mul3A_805, %add3A_806 : i32
        %get3A = arith.constant 3 : i32
        %get3A_808 = arith.index_cast %get3A : i32 to index
        %get3A_809 = arith.index_cast %add3A_807 : i32 to index
        %get3A_810 = arith.constant 0 : index
        %get3A_811 = tpu.vector_load %arg6[%get3A_808, %get3A_809, %get3A_810] {strides = array<i32>} : memref<4x200x128xf32, #tpu.memory_space<vmem>>, vector<1x1x16xf32>,
        %get3A_812 = vector.shape_cast %get3A_811 : vector<1x1x16xf32> to vector<16xf32>
        %add3A_813 = arith.addf %scan3A_796, %get3A_812 : vector<16xf32>
        %add3A_814 = arith.constant 0 : i32
        %add3A_815 = arith.addi %mul3A_805, %add3A_814 : i32
        %get3A_816 = arith.constant 3 : i32
        %get3A_817 = arith.index_cast %get3A_816 : i32 to index
        %get3A_818 = arith.index_cast %add3A_815 : i32 to index
        %get3A_819 = arith.constant 16 : index
        %get3A_820 = tpu.vector_load %arg6[%get3A_817, %get3A_818, %get3A_819] {strides = array<i32>} : memref<4x200x128xf32, #tpu.memory_space<vmem>>, vector<1x1x16xf32>,
        %get3A_821 = vector.shape_cast %get3A_820 : vector<1x1x16xf32> to vector<16xf32>
        %add3A_822 = arith.addf %scan3A_797, %get3A_821 : vector<16xf32>
        %add3A_823 = arith.constant 0 : i32
        %add3A_824 = arith.addi %mul3A_805, %add3A_823 : i32
        %get3A_825 = arith.constant 3 : i32
        %get3A_826 = arith.index_cast %get3A_825 : i32 to index
        %get3A_827 = arith.index_cast %add3A_824 : i32 to index
        %get3A_828 = arith.constant 32 : index
        %get3A_829 = tpu.vector_load %arg6[%get3A_826, %get3A_827, %get3A_828] {strides = array<i32>} : memref<4x200x128xf32, #tpu.memory_space<vmem>>, vector<1x1x16xf32>,
        %get3A_830 = vector.shape_cast %get3A_829 : vector<1x1x16xf32> to vector<16xf32>
        %add3A_831 = arith.addf %scan3A_798, %get3A_830 : vector<16xf32>
        %add3A_832 = arith.constant 0 : i32
        %add3A_833 = arith.addi %mul3A_805, %add3A_832 : i32
        %get3A_834 = arith.constant 3 : i32
        %get3A_835 = arith.index_cast %get3A_834 : i32 to index
        %get3A_836 = arith.index_cast %add3A_833 : i32 to index
        %get3A_837 = arith.constant 48 : index
        %get3A_838 = tpu.vector_load %arg6[%get3A_835, %get3A_836, %get3A_837] {strides = array<i32>} : memref<4x200x128xf32, #tpu.memory_space<vmem>>, vector<1x1x16xf32>,
        %get3A_839 = vector.shape_cast %get3A_838 : vector<1x1x16xf32> to vector<16xf32>
        %add3A_840 = arith.addf %scan3A_799, %get3A_839 : vector<16xf32>
        %add3A_841 = arith.constant 0 : i32
        %add3A_842 = arith.addi %mul3A_805, %add3A_841 : i32
        %get3A_843 = arith.constant 3 : i32
        %get3A_844 = arith.index_cast %get3A_843 : i32 to index
        %get3A_845 = arith.index_cast %add3A_842 : i32 to index
        %get3A_846 = arith.constant 64 : index
        %get3A_847 = tpu.vector_load %arg6[%get3A_844, %get3A_845, %get3A_846] {strides = array<i32>} : memref<4x200x128xf32, #tpu.memory_space<vmem>>, vector<1x1x16xf32>,
        %get3A_848 = vector.shape_cast %get3A_847 : vector<1x1x16xf32> to vector<16xf32>
        %add3A_849 = arith.addf %scan3A_800, %get3A_848 : vector<16xf32>
        %add3A_850 = arith.constant 0 : i32
        %add3A_851 = arith.addi %mul3A_805, %add3A_850 : i32
        %get3A_852 = arith.constant 3 : i32
        %get3A_853 = arith.index_cast %get3A_852 : i32 to index
        %get3A_854 = arith.index_cast %add3A_851 : i32 to index
        %get3A_855 = arith.constant 80 : index
        %get3A_856 = tpu.vector_load %arg6[%get3A_853, %get3A_854, %get3A_855] {strides = array<i32>} : memref<4x200x128xf32, #tpu.memory_space<vmem>>, vector<1x1x16xf32>,
        %get3A_857 = vector.shape_cast %get3A_856 : vector<1x1x16xf32> to vector<16xf32>
        %add3A_858 = arith.addf %scan3A_801, %get3A_857 : vector<16xf32>
        %add3A_859 = arith.constant 0 : i32
        %add3A_860 = arith.addi %mul3A_805, %add3A_859 : i32
        %get3A_861 = arith.constant 3 : i32
        %get3A_862 = arith.index_cast %get3A_861 : i32 to index
        %get3A_863 = arith.index_cast %add3A_860 : i32 to index
        %get3A_864 = arith.constant 96 : index
        %get3A_865 = tpu.vector_load %arg6[%get3A_862, %get3A_863, %get3A_864] {strides = array<i32>} : memref<4x200x128xf32, #tpu.memory_space<vmem>>, vector<1x1x16xf32>,
        %get3A_866 = vector.shape_cast %get3A_865 : vector<1x1x16xf32> to vector<16xf32>
        %add3A_867 = arith.addf %scan3A_802, %get3A_866 : vector<16xf32>
        %add3A_868 = arith.constant 0 : i32
        %add3A_869 = arith.addi %mul3A_805, %add3A_868 : i32
        %get3A_870 = arith.constant 3 : i32
        %get3A_871 = arith.index_cast %get3A_870 : i32 to index
        %get3A_872 = arith.index_cast %add3A_869 : i32 to index
        %get3A_873 = arith.constant 112 : index
        %get3A_874 = tpu.vector_load %arg6[%get3A_871, %get3A_872, %get3A_873] {strides = array<i32>} : memref<4x200x128xf32, #tpu.memory_space<vmem>>, vector<1x1x16xf32>,
        %get3A_875 = vector.shape_cast %get3A_874 : vector<1x1x16xf32> to vector<16xf32>
        %add3A_876 = arith.addf %scan3A_803, %get3A_875 : vector<16xf32>
        %add3A_877 = arith.constant 1 : i32
        %add3A_878 = arith.addi %mul3A_805, %add3A_877 : i32
        %get3A_879 = arith.constant 3 : i32
        %get3A_880 = arith.index_cast %get3A_879 : i32 to index
        %get3A_881 = arith.index_cast %add3A_878 : i32 to index
        %get3A_882 = arith.constant 0 : index
        %get3A_883 = tpu.vector_load %arg6[%get3A_880, %get3A_881, %get3A_882] {strides = array<i32>} : memref<4x200x128xf32, #tpu.memory_space<vmem>>, vector<1x1x16xf32>,
        %get3A_884 = vector.shape_cast %get3A_883 : vector<1x1x16xf32> to vector<16xf32>
        %add3A_885 = arith.addf %add3A_813, %get3A_884 : vector<16xf32>
        %add3A_886 = arith.constant 1 : i32
        %add3A_887 = arith.addi %mul3A_805, %add3A_886 : i32
        %get3A_888 = arith.constant 3 : i32
        %get3A_889 = arith.index_cast %get3A_888 : i32 to index
        %get3A_890 = arith.index_cast %add3A_887 : i32 to index
        %get3A_891 = arith.constant 16 : index
        %get3A_892 = tpu.vector_load %arg6[%get3A_889, %get3A_890, %get3A_891] {strides = array<i32>} : memref<4x200x128xf32, #tpu.memory_space<vmem>>, vector<1x1x16xf32>,
        %get3A_893 = vector.shape_cast %get3A_892 : vector<1x1x16xf32> to vector<16xf32>
        %add3A_894 = arith.addf %add3A_822, %get3A_893 : vector<16xf32>
        %add3A_895 = arith.constant 1 : i32
        %add3A_896 = arith.addi %mul3A_805, %add3A_895 : i32
        %get3A_897 = arith.constant 3 : i32
        %get3A_898 = arith.index_cast %get3A_897 : i32 to index
        %get3A_899 = arith.index_cast %add3A_896 : i32 to index
        %get3A_900 = arith.constant 32 : index
        %get3A_901 = tpu.vector_load %arg6[%get3A_898, %get3A_899, %get3A_900] {strides = array<i32>} : memref<4x200x128xf32, #tpu.memory_space<vmem>>, vector<1x1x16xf32>,
        %get3A_902 = vector.shape_cast %get3A_901 : vector<1x1x16xf32> to vector<16xf32>
        %add3A_903 = arith.addf %add3A_831, %get3A_902 : vector<16xf32>
        %add3A_904 = arith.constant 1 : i32
        %add3A_905 = arith.addi %mul3A_805, %add3A_904 : i32
        %get3A_906 = arith.constant 3 : i32
        %get3A_907 = arith.index_cast %get3A_906 : i32 to index
        %get3A_908 = arith.index_cast %add3A_905 : i32 to index
        %get3A_909 = arith.constant 48 : index
        %get3A_910 = tpu.vector_load %arg6[%get3A_907, %get3A_908, %get3A_909] {strides = array<i32>} : memref<4x200x128xf32, #tpu.memory_space<vmem>>, vector<1x1x16xf32>,
        %get3A_911 = vector.shape_cast %get3A_910 : vector<1x1x16xf32> to vector<16xf32>
        %add3A_912 = arith.addf %add3A_840, %get3A_911 : vector<16xf32>
        %add3A_913 = arith.constant 1 : i32
        %add3A_914 = arith.addi %mul3A_805, %add3A_913 : i32
        %get3A_915 = arith.constant 3 : i32
        %get3A_916 = arith.index_cast %get3A_915 : i32 to index
        %get3A_917 = arith.index_cast %add3A_914 : i32 to index
        %get3A_918 = arith.constant 64 : index
        %get3A_919 = tpu.vector_load %arg6[%get3A_916, %get3A_917, %get3A_918] {strides = array<i32>} : memref<4x200x128xf32, #tpu.memory_space<vmem>>, vector<1x1x16xf32>,
        %get3A_920 = vector.shape_cast %get3A_919 : vector<1x1x16xf32> to vector<16xf32>
        %add3A_921 = arith.addf %add3A_849, %get3A_920 : vector<16xf32>
        %add3A_922 = arith.constant 1 : i32
        %add3A_923 = arith.addi %mul3A_805, %add3A_922 : i32
        %get3A_924 = arith.constant 3 : i32
        %get3A_925 = arith.index_cast %get3A_924 : i32 to index
        %get3A_926 = arith.index_cast %add3A_923 : i32 to index
        %get3A_927 = arith.constant 80 : index
        %get3A_928 = tpu.vector_load %arg6[%get3A_925, %get3A_926, %get3A_927] {strides = array<i32>} : memref<4x200x128xf32, #tpu.memory_space<vmem>>, vector<1x1x16xf32>,
        %get3A_929 = vector.shape_cast %get3A_928 : vector<1x1x16xf32> to vector<16xf32>
        %add3A_930 = arith.addf %add3A_858, %get3A_929 : vector<16xf32>
        %add3A_931 = arith.constant 1 : i32
        %add3A_932 = arith.addi %mul3A_805, %add3A_931 : i32
        %get3A_933 = arith.constant 3 : i32
        %get3A_934 = arith.index_cast %get3A_933 : i32 to index
        %get3A_935 = arith.index_cast %add3A_932 : i32 to index
        %get3A_936 = arith.constant 96 : index
        %get3A_937 = tpu.vector_load %arg6[%get3A_934, %get3A_935, %get3A_936] {strides = array<i32>} : memref<4x200x128xf32, #tpu.memory_space<vmem>>, vector<1x1x16xf32>,
        %get3A_938 = vector.shape_cast %get3A_937 : vector<1x1x16xf32> to vector<16xf32>
        %add3A_939 = arith.addf %add3A_867, %get3A_938 : vector<16xf32>
        %add3A_940 = arith.constant 1 : i32
        %add3A_941 = arith.addi %mul3A_805, %add3A_940 : i32
        %get3A_942 = arith.constant 3 : i32
        %get3A_943 = arith.index_cast %get3A_942 : i32 to index
        %get3A_944 = arith.index_cast %add3A_941 : i32 to index
        %get3A_945 = arith.constant 112 : index
        %get3A_946 = tpu.vector_load %arg6[%get3A_943, %get3A_944, %get3A_945] {strides = array<i32>} : memref<4x200x128xf32, #tpu.memory_space<vmem>>, vector<1x1x16xf32>,
        %get3A_947 = vector.shape_cast %get3A_946 : vector<1x1x16xf32> to vector<16xf32>
        %add3A_948 = arith.addf %add3A_876, %get3A_947 : vector<16xf32>
        %add3A_949 = arith.constant 2 : i32
        %add3A_950 = arith.addi %mul3A_805, %add3A_949 : i32
        %get3A_951 = arith.constant 3 : i32
        %get3A_952 = arith.index_cast %get3A_951 : i32 to index
        %get3A_953 = arith.index_cast %add3A_950 : i32 to index
        %get3A_954 = arith.constant 0 : index
        %get3A_955 = tpu.vector_load %arg6[%get3A_952, %get3A_953, %get3A_954] {strides = array<i32>} : memref<4x200x128xf32, #tpu.memory_space<vmem>>, vector<1x1x16xf32>,
        %get3A_956 = vector.shape_cast %get3A_955 : vector<1x1x16xf32> to vector<16xf32>
        %add3A_957 = arith.addf %add3A_885, %get3A_956 : vector<16xf32>
        %add3A_958 = arith.constant 2 : i32
        %add3A_959 = arith.addi %mul3A_805, %add3A_958 : i32
        %get3A_960 = arith.constant 3 : i32
        %get3A_961 = arith.index_cast %get3A_960 : i32 to index
        %get3A_962 = arith.index_cast %add3A_959 : i32 to index
        %get3A_963 = arith.constant 16 : index
        %get3A_964 = tpu.vector_load %arg6[%get3A_961, %get3A_962, %get3A_963] {strides = array<i32>} : memref<4x200x128xf32, #tpu.memory_space<vmem>>, vector<1x1x16xf32>,
        %get3A_965 = vector.shape_cast %get3A_964 : vector<1x1x16xf32> to vector<16xf32>
        %add3A_966 = arith.addf %add3A_894, %get3A_965 : vector<16xf32>
        %add3A_967 = arith.constant 2 : i32
        %add3A_968 = arith.addi %mul3A_805, %add3A_967 : i32
        %get3A_969 = arith.constant 3 : i32
        %get3A_970 = arith.index_cast %get3A_969 : i32 to index
        %get3A_971 = arith.index_cast %add3A_968 : i32 to index
        %get3A_972 = arith.constant 32 : index
        %get3A_973 = tpu.vector_load %arg6[%get3A_970, %get3A_971, %get3A_972] {strides = array<i32>} : memref<4x200x128xf32, #tpu.memory_space<vmem>>, vector<1x1x16xf32>,
        %get3A_974 = vector.shape_cast %get3A_973 : vector<1x1x16xf32> to vector<16xf32>
        %add3A_975 = arith.addf %add3A_903, %get3A_974 : vector<16xf32>
        %add3A_976 = arith.constant 2 : i32
        %add3A_977 = arith.addi %mul3A_805, %add3A_976 : i32
        %get3A_978 = arith.constant 3 : i32
        %get3A_979 = arith.index_cast %get3A_978 : i32 to index
        %get3A_980 = arith.index_cast %add3A_977 : i32 to index
        %get3A_981 = arith.constant 48 : index
        %get3A_982 = tpu.vector_load %arg6[%get3A_979, %get3A_980, %get3A_981] {strides = array<i32>} : memref<4x200x128xf32, #tpu.memory_space<vmem>>, vector<1x1x16xf32>,
        %get3A_983 = vector.shape_cast %get3A_982 : vector<1x1x16xf32> to vector<16xf32>
        %add3A_984 = arith.addf %add3A_912, %get3A_983 : vector<16xf32>
        %add3A_985 = arith.constant 2 : i32
        %add3A_986 = arith.addi %mul3A_805, %add3A_985 : i32
        %get3A_987 = arith.constant 3 : i32
        %get3A_988 = arith.index_cast %get3A_987 : i32 to index
        %get3A_989 = arith.index_cast %add3A_986 : i32 to index
        %get3A_990 = arith.constant 64 : index
        %get3A_991 = tpu.vector_load %arg6[%get3A_988, %get3A_989, %get3A_990] {strides = array<i32>} : memref<4x200x128xf32, #tpu.memory_space<vmem>>, vector<1x1x16xf32>,
        %get3A_992 = vector.shape_cast %get3A_991 : vector<1x1x16xf32> to vector<16xf32>
        %add3A_993 = arith.addf %add3A_921, %get3A_992 : vector<16xf32>
        %add3A_994 = arith.constant 2 : i32
        %add3A_995 = arith.addi %mul3A_805, %add3A_994 : i32
        %get3A_996 = arith.constant 3 : i32
        %get3A_997 = arith.index_cast %get3A_996 : i32 to index
        %get3A_998 = arith.index_cast %add3A_995 : i32 to index
        %get3A_999 = arith.constant 80 : index
        %get3A_1000 = tpu.vector_load %arg6[%get3A_997, %get3A_998, %get3A_999] {strides = array<i32>} : memref<4x200x128xf32, #tpu.memory_space<vmem>>, vector<1x1x16xf32>,
        %get3A_1001 = vector.shape_cast %get3A_1000 : vector<1x1x16xf32> to vector<16xf32>
        %add3A_1002 = arith.addf %add3A_930, %get3A_1001 : vector<16xf32>
        %add3A_1003 = arith.constant 2 : i32
        %add3A_1004 = arith.addi %mul3A_805, %add3A_1003 : i32
        %get3A_1005 = arith.constant 3 : i32
        %get3A_1006 = arith.index_cast %get3A_1005 : i32 to index
        %get3A_1007 = arith.index_cast %add3A_1004 : i32 to index
        %get3A_1008 = arith.constant 96 : index
        %get3A_1009 = tpu.vector_load %arg6[%get3A_1006, %get3A_1007, %get3A_1008] {strides = array<i32>} : memref<4x200x128xf32, #tpu.memory_space<vmem>>, vector<1x1x16xf32>,
        %get3A_1010 = vector.shape_cast %get3A_1009 : vector<1x1x16xf32> to vector<16xf32>
        %add3A_1011 = arith.addf %add3A_939, %get3A_1010 : vector<16xf32>
        %add3A_1012 = arith.constant 2 : i32
        %add3A_1013 = arith.addi %mul3A_805, %add3A_1012 : i32
        %get3A_1014 = arith.constant 3 : i32
        %get3A_1015 = arith.index_cast %get3A_1014 : i32 to index
        %get3A_1016 = arith.index_cast %add3A_1013 : i32 to index
        %get3A_1017 = arith.constant 112 : index
        %get3A_1018 = tpu.vector_load %arg6[%get3A_1015, %get3A_1016, %get3A_1017] {strides = array<i32>} : memref<4x200x128xf32, #tpu.memory_space<vmem>>, vector<1x1x16xf32>,
        %get3A_1019 = vector.shape_cast %get3A_1018 : vector<1x1x16xf32> to vector<16xf32>
        %add3A_1020 = arith.addf %add3A_948, %get3A_1019 : vector<16xf32>
        %add3A_1021 = arith.constant 3 : i32
        %add3A_1022 = arith.addi %mul3A_805, %add3A_1021 : i32
        %get3A_1023 = arith.constant 3 : i32
        %get3A_1024 = arith.index_cast %get3A_1023 : i32 to index
        %get3A_1025 = arith.index_cast %add3A_1022 : i32 to index
        %get3A_1026 = arith.constant 0 : index
        %get3A_1027 = tpu.vector_load %arg6[%get3A_1024, %get3A_1025, %get3A_1026] {strides = array<i32>} : memref<4x200x128xf32, #tpu.memory_space<vmem>>, vector<1x1x16xf32>,
        %get3A_1028 = vector.shape_cast %get3A_1027 : vector<1x1x16xf32> to vector<16xf32>
        %add3A_1029 = arith.addf %add3A_957, %get3A_1028 : vector<16xf32>
        %add3A_1030 = arith.constant 3 : i32
        %add3A_1031 = arith.addi %mul3A_805, %add3A_1030 : i32
        %get3A_1032 = arith.constant 3 : i32
        %get3A_1033 = arith.index_cast %get3A_1032 : i32 to index
        %get3A_1034 = arith.index_cast %add3A_1031 : i32 to index
        %get3A_1035 = arith.constant 16 : index
        %get3A_1036 = tpu.vector_load %arg6[%get3A_1033, %get3A_1034, %get3A_1035] {strides = array<i32>} : memref<4x200x128xf32, #tpu.memory_space<vmem>>, vector<1x1x16xf32>,
        %get3A_1037 = vector.shape_cast %get3A_1036 : vector<1x1x16xf32> to vector<16xf32>
        %add3A_1038 = arith.addf %add3A_966, %get3A_1037 : vector<16xf32>
        %add3A_1039 = arith.constant 3 : i32
        %add3A_1040 = arith.addi %mul3A_805, %add3A_1039 : i32
        %get3A_1041 = arith.constant 3 : i32
        %get3A_1042 = arith.index_cast %get3A_1041 : i32 to index
        %get3A_1043 = arith.index_cast %add3A_1040 : i32 to index
        %get3A_1044 = arith.constant 32 : index
        %get3A_1045 = tpu.vector_load %arg6[%get3A_1042, %get3A_1043, %get3A_1044] {strides = array<i32>} : memref<4x200x128xf32, #tpu.memory_space<vmem>>, vector<1x1x16xf32>,
        %get3A_1046 = vector.shape_cast %get3A_1045 : vector<1x1x16xf32> to vector<16xf32>
        %add3A_1047 = arith.addf %add3A_975, %get3A_1046 : vector<16xf32>
        %add3A_1048 = arith.constant 3 : i32
        %add3A_1049 = arith.addi %mul3A_805, %add3A_1048 : i32
        %get3A_1050 = arith.constant 3 : i32
        %get3A_1051 = arith.index_cast %get3A_1050 : i32 to index
        %get3A_1052 = arith.index_cast %add3A_1049 : i32 to index
        %get3A_1053 = arith.constant 48 : index
        %get3A_1054 = tpu.vector_load %arg6[%get3A_1051, %get3A_1052, %get3A_1053] {strides = array<i32>} : memref<4x200x128xf32, #tpu.memory_space<vmem>>, vector<1x1x16xf32>,
        %get3A_1055 = vector.shape_cast %get3A_1054 : vector<1x1x16xf32> to vector<16xf32>
        %add3A_1056 = arith.addf %add3A_984, %get3A_1055 : vector<16xf32>
        %add3A_1057 = arith.constant 3 : i32
        %add3A_1058 = arith.addi %mul3A_805, %add3A_1057 : i32
        %get3A_1059 = arith.constant 3 : i32
        %get3A_1060 = arith.index_cast %get3A_1059 : i32 to index
        %get3A_1061 = arith.index_cast %add3A_1058 : i32 to index
        %get3A_1062 = arith.constant 64 : index
        %get3A_1063 = tpu.vector_load %arg6[%get3A_1060, %get3A_1061, %get3A_1062] {strides = array<i32>} : memref<4x200x128xf32, #tpu.memory_space<vmem>>, vector<1x1x16xf32>,
        %get3A_1064 = vector.shape_cast %get3A_1063 : vector<1x1x16xf32> to vector<16xf32>
        %add3A_1065 = arith.addf %add3A_993, %get3A_1064 : vector<16xf32>
        %add3A_1066 = arith.constant 3 : i32
        %add3A_1067 = arith.addi %mul3A_805, %add3A_1066 : i32
        %get3A_1068 = arith.constant 3 : i32
        %get3A_1069 = arith.index_cast %get3A_1068 : i32 to index
        %get3A_1070 = arith.index_cast %add3A_1067 : i32 to index
        %get3A_1071 = arith.constant 80 : index
        %get3A_1072 = tpu.vector_load %arg6[%get3A_1069, %get3A_1070, %get3A_1071] {strides = array<i32>} : memref<4x200x128xf32, #tpu.memory_space<vmem>>, vector<1x1x16xf32>,
        %get3A_1073 = vector.shape_cast %get3A_1072 : vector<1x1x16xf32> to vector<16xf32>
        %add3A_1074 = arith.addf %add3A_1002, %get3A_1073 : vector<16xf32>
        %add3A_1075 = arith.constant 3 : i32
        %add3A_1076 = arith.addi %mul3A_805, %add3A_1075 : i32
        %get3A_1077 = arith.constant 3 : i32
        %get3A_1078 = arith.index_cast %get3A_1077 : i32 to index
        %get3A_1079 = arith.index_cast %add3A_1076 : i32 to index
        %get3A_1080 = arith.constant 96 : index
        %get3A_1081 = tpu.vector_load %arg6[%get3A_1078, %get3A_1079, %get3A_1080] {strides = array<i32>} : memref<4x200x128xf32, #tpu.memory_space<vmem>>, vector<1x1x16xf32>,
        %get3A_1082 = vector.shape_cast %get3A_1081 : vector<1x1x16xf32> to vector<16xf32>
        %add3A_1083 = arith.addf %add3A_1011, %get3A_1082 : vector<16xf32>
        %add3A_1084 = arith.constant 3 : i32
        %add3A_1085 = arith.addi %mul3A_805, %add3A_1084 : i32
        %get3A_1086 = arith.constant 3 : i32
        %get3A_1087 = arith.index_cast %get3A_1086 : i32 to index
        %get3A_1088 = arith.index_cast %add3A_1085 : i32 to index
        %get3A_1089 = arith.constant 112 : index
        %get3A_1090 = tpu.vector_load %arg6[%get3A_1087, %get3A_1088, %get3A_1089] {strides = array<i32>} : memref<4x200x128xf32, #tpu.memory_space<vmem>>, vector<1x1x16xf32>,
        %get3A_1091 = vector.shape_cast %get3A_1090 : vector<1x1x16xf32> to vector<16xf32>
        %add3A_1092 = arith.addf %add3A_1020, %get3A_1091 : vector<16xf32>
        %add3A_1093 = arith.constant 4 : i32
        %add3A_1094 = arith.addi %mul3A_805, %add3A_1093 : i32
        %get3A_1095 = arith.constant 3 : i32
        %get3A_1096 = arith.index_cast %get3A_1095 : i32 to index
        %get3A_1097 = arith.index_cast %add3A_1094 : i32 to index
        %get3A_1098 = arith.constant 0 : index
        %get3A_1099 = tpu.vector_load %arg6[%get3A_1096, %get3A_1097, %get3A_1098] {strides = array<i32>} : memref<4x200x128xf32, #tpu.memory_space<vmem>>, vector<1x1x16xf32>,
        %get3A_1100 = vector.shape_cast %get3A_1099 : vector<1x1x16xf32> to vector<16xf32>
        %add3A_1101 = arith.addf %add3A_1029, %get3A_1100 : vector<16xf32>
        %add3A_1102 = arith.constant 4 : i32
        %add3A_1103 = arith.addi %mul3A_805, %add3A_1102 : i32
        %get3A_1104 = arith.constant 3 : i32
        %get3A_1105 = arith.index_cast %get3A_1104 : i32 to index
        %get3A_1106 = arith.index_cast %add3A_1103 : i32 to index
        %get3A_1107 = arith.constant 16 : index
        %get3A_1108 = tpu.vector_load %arg6[%get3A_1105, %get3A_1106, %get3A_1107] {strides = array<i32>} : memref<4x200x128xf32, #tpu.memory_space<vmem>>, vector<1x1x16xf32>,
        %get3A_1109 = vector.shape_cast %get3A_1108 : vector<1x1x16xf32> to vector<16xf32>
        %add3A_1110 = arith.addf %add3A_1038, %get3A_1109 : vector<16xf32>
        %add3A_1111 = arith.constant 4 : i32
        %add3A_1112 = arith.addi %mul3A_805, %add3A_1111 : i32
        %get3A_1113 = arith.constant 3 : i32
        %get3A_1114 = arith.index_cast %get3A_1113 : i32 to index
        %get3A_1115 = arith.index_cast %add3A_1112 : i32 to index
        %get3A_1116 = arith.constant 32 : index
        %get3A_1117 = tpu.vector_load %arg6[%get3A_1114, %get3A_1115, %get3A_1116] {strides = array<i32>} : memref<4x200x128xf32, #tpu.memory_space<vmem>>, vector<1x1x16xf32>,
        %get3A_1118 = vector.shape_cast %get3A_1117 : vector<1x1x16xf32> to vector<16xf32>
        %add3A_1119 = arith.addf %add3A_1047, %get3A_1118 : vector<16xf32>
        %add3A_1120 = arith.constant 4 : i32
        %add3A_1121 = arith.addi %mul3A_805, %add3A_1120 : i32
        %get3A_1122 = arith.constant 3 : i32
        %get3A_1123 = arith.index_cast %get3A_1122 : i32 to index
        %get3A_1124 = arith.index_cast %add3A_1121 : i32 to index
        %get3A_1125 = arith.constant 48 : index
        %get3A_1126 = tpu.vector_load %arg6[%get3A_1123, %get3A_1124, %get3A_1125] {strides = array<i32>} : memref<4x200x128xf32, #tpu.memory_space<vmem>>, vector<1x1x16xf32>,
        %get3A_1127 = vector.shape_cast %get3A_1126 : vector<1x1x16xf32> to vector<16xf32>
        %add3A_1128 = arith.addf %add3A_1056, %get3A_1127 : vector<16xf32>
        %add3A_1129 = arith.constant 4 : i32
        %add3A_1130 = arith.addi %mul3A_805, %add3A_1129 : i32
        %get3A_1131 = arith.constant 3 : i32
        %get3A_1132 = arith.index_cast %get3A_1131 : i32 to index
        %get3A_1133 = arith.index_cast %add3A_1130 : i32 to index
        %get3A_1134 = arith.constant 64 : index
        %get3A_1135 = tpu.vector_load %arg6[%get3A_1132, %get3A_1133, %get3A_1134] {strides = array<i32>} : memref<4x200x128xf32, #tpu.memory_space<vmem>>, vector<1x1x16xf32>,
        %get3A_1136 = vector.shape_cast %get3A_1135 : vector<1x1x16xf32> to vector<16xf32>
        %add3A_1137 = arith.addf %add3A_1065, %get3A_1136 : vector<16xf32>
        %add3A_1138 = arith.constant 4 : i32
        %add3A_1139 = arith.addi %mul3A_805, %add3A_1138 : i32
        %get3A_1140 = arith.constant 3 : i32
        %get3A_1141 = arith.index_cast %get3A_1140 : i32 to index
        %get3A_1142 = arith.index_cast %add3A_1139 : i32 to index
        %get3A_1143 = arith.constant 80 : index
        %get3A_1144 = tpu.vector_load %arg6[%get3A_1141, %get3A_1142, %get3A_1143] {strides = array<i32>} : memref<4x200x128xf32, #tpu.memory_space<vmem>>, vector<1x1x16xf32>,
        %get3A_1145 = vector.shape_cast %get3A_1144 : vector<1x1x16xf32> to vector<16xf32>
        %add3A_1146 = arith.addf %add3A_1074, %get3A_1145 : vector<16xf32>
        %add3A_1147 = arith.constant 4 : i32
        %add3A_1148 = arith.addi %mul3A_805, %add3A_1147 : i32
        %get3A_1149 = arith.constant 3 : i32
        %get3A_1150 = arith.index_cast %get3A_1149 : i32 to index
        %get3A_1151 = arith.index_cast %add3A_1148 : i32 to index
        %get3A_1152 = arith.constant 96 : index
        %get3A_1153 = tpu.vector_load %arg6[%get3A_1150, %get3A_1151, %get3A_1152] {strides = array<i32>} : memref<4x200x128xf32, #tpu.memory_space<vmem>>, vector<1x1x16xf32>,
        %get3A_1154 = vector.shape_cast %get3A_1153 : vector<1x1x16xf32> to vector<16xf32>
        %add3A_1155 = arith.addf %add3A_1083, %get3A_1154 : vector<16xf32>
        %add3A_1156 = arith.constant 4 : i32
        %add3A_1157 = arith.addi %mul3A_805, %add3A_1156 : i32
        %get3A_1158 = arith.constant 3 : i32
        %get3A_1159 = arith.index_cast %get3A_1158 : i32 to index
        %get3A_1160 = arith.index_cast %add3A_1157 : i32 to index
        %get3A_1161 = arith.constant 112 : index
        %get3A_1162 = tpu.vector_load %arg6[%get3A_1159, %get3A_1160, %get3A_1161] {strides = array<i32>} : memref<4x200x128xf32, #tpu.memory_space<vmem>>, vector<1x1x16xf32>,
        %get3A_1163 = vector.shape_cast %get3A_1162 : vector<1x1x16xf32> to vector<16xf32>
        %add3A_1164 = arith.addf %add3A_1092, %get3A_1163 : vector<16xf32>
        %add3A_1165 = arith.constant 5 : i32
        %add3A_1166 = arith.addi %mul3A_805, %add3A_1165 : i32
        %get3A_1167 = arith.constant 3 : i32
        %get3A_1168 = arith.index_cast %get3A_1167 : i32 to index
        %get3A_1169 = arith.index_cast %add3A_1166 : i32 to index
        %get3A_1170 = arith.constant 0 : index
        %get3A_1171 = tpu.vector_load %arg6[%get3A_1168, %get3A_1169, %get3A_1170] {strides = array<i32>} : memref<4x200x128xf32, #tpu.memory_space<vmem>>, vector<1x1x16xf32>,
        %get3A_1172 = vector.shape_cast %get3A_1171 : vector<1x1x16xf32> to vector<16xf32>
        %add3A_1173 = arith.addf %add3A_1101, %get3A_1172 : vector<16xf32>
        %add3A_1174 = arith.constant 5 : i32
        %add3A_1175 = arith.addi %mul3A_805, %add3A_1174 : i32
        %get3A_1176 = arith.constant 3 : i32
        %get3A_1177 = arith.index_cast %get3A_1176 : i32 to index
        %get3A_1178 = arith.index_cast %add3A_1175 : i32 to index
        %get3A_1179 = arith.constant 16 : index
        %get3A_1180 = tpu.vector_load %arg6[%get3A_1177, %get3A_1178, %get3A_1179] {strides = array<i32>} : memref<4x200x128xf32, #tpu.memory_space<vmem>>, vector<1x1x16xf32>,
        %get3A_1181 = vector.shape_cast %get3A_1180 : vector<1x1x16xf32> to vector<16xf32>
        %add3A_1182 = arith.addf %add3A_1110, %get3A_1181 : vector<16xf32>
        %add3A_1183 = arith.constant 5 : i32
        %add3A_1184 = arith.addi %mul3A_805, %add3A_1183 : i32
        %get3A_1185 = arith.constant 3 : i32
        %get3A_1186 = arith.index_cast %get3A_1185 : i32 to index
        %get3A_1187 = arith.index_cast %add3A_1184 : i32 to index
        %get3A_1188 = arith.constant 32 : index
        %get3A_1189 = tpu.vector_load %arg6[%get3A_1186, %get3A_1187, %get3A_1188] {strides = array<i32>} : memref<4x200x128xf32, #tpu.memory_space<vmem>>, vector<1x1x16xf32>,
        %get3A_1190 = vector.shape_cast %get3A_1189 : vector<1x1x16xf32> to vector<16xf32>
        %add3A_1191 = arith.addf %add3A_1119, %get3A_1190 : vector<16xf32>
        %add3A_1192 = arith.constant 5 : i32
        %add3A_1193 = arith.addi %mul3A_805, %add3A_1192 : i32
        %get3A_1194 = arith.constant 3 : i32
        %get3A_1195 = arith.index_cast %get3A_1194 : i32 to index
        %get3A_1196 = arith.index_cast %add3A_1193 : i32 to index
        %get3A_1197 = arith.constant 48 : index
        %get3A_1198 = tpu.vector_load %arg6[%get3A_1195, %get3A_1196, %get3A_1197] {strides = array<i32>} : memref<4x200x128xf32, #tpu.memory_space<vmem>>, vector<1x1x16xf32>,
        %get3A_1199 = vector.shape_cast %get3A_1198 : vector<1x1x16xf32> to vector<16xf32>
        %add3A_1200 = arith.addf %add3A_1128, %get3A_1199 : vector<16xf32>
        %add3A_1201 = arith.constant 5 : i32
        %add3A_1202 = arith.addi %mul3A_805, %add3A_1201 : i32
        %get3A_1203 = arith.constant 3 : i32
        %get3A_1204 = arith.index_cast %get3A_1203 : i32 to index
        %get3A_1205 = arith.index_cast %add3A_1202 : i32 to index
        %get3A_1206 = arith.constant 64 : index
        %get3A_1207 = tpu.vector_load %arg6[%get3A_1204, %get3A_1205, %get3A_1206] {strides = array<i32>} : memref<4x200x128xf32, #tpu.memory_space<vmem>>, vector<1x1x16xf32>,
        %get3A_1208 = vector.shape_cast %get3A_1207 : vector<1x1x16xf32> to vector<16xf32>
        %add3A_1209 = arith.addf %add3A_1137, %get3A_1208 : vector<16xf32>
        %add3A_1210 = arith.constant 5 : i32
        %add3A_1211 = arith.addi %mul3A_805, %add3A_1210 : i32
        %get3A_1212 = arith.constant 3 : i32
        %get3A_1213 = arith.index_cast %get3A_1212 : i32 to index
        %get3A_1214 = arith.index_cast %add3A_1211 : i32 to index
        %get3A_1215 = arith.constant 80 : index
        %get3A_1216 = tpu.vector_load %arg6[%get3A_1213, %get3A_1214, %get3A_1215] {strides = array<i32>} : memref<4x200x128xf32, #tpu.memory_space<vmem>>, vector<1x1x16xf32>,
        %get3A_1217 = vector.shape_cast %get3A_1216 : vector<1x1x16xf32> to vector<16xf32>
        %add3A_1218 = arith.addf %add3A_1146, %get3A_1217 : vector<16xf32>
        %add3A_1219 = arith.constant 5 : i32
        %add3A_1220 = arith.addi %mul3A_805, %add3A_1219 : i32
        %get3A_1221 = arith.constant 3 : i32
        %get3A_1222 = arith.index_cast %get3A_1221 : i32 to index
        %get3A_1223 = arith.index_cast %add3A_1220 : i32 to index
        %get3A_1224 = arith.constant 96 : index
        %get3A_1225 = tpu.vector_load %arg6[%get3A_1222, %get3A_1223, %get3A_1224] {strides = array<i32>} : memref<4x200x128xf32, #tpu.memory_space<vmem>>, vector<1x1x16xf32>,
        %get3A_1226 = vector.shape_cast %get3A_1225 : vector<1x1x16xf32> to vector<16xf32>
        %add3A_1227 = arith.addf %add3A_1155, %get3A_1226 : vector<16xf32>
        %add3A_1228 = arith.constant 5 : i32
        %add3A_1229 = arith.addi %mul3A_805, %add3A_1228 : i32
        %get3A_1230 = arith.constant 3 : i32
        %get3A_1231 = arith.index_cast %get3A_1230 : i32 to index
        %get3A_1232 = arith.index_cast %add3A_1229 : i32 to index
        %get3A_1233 = arith.constant 112 : index
        %get3A_1234 = tpu.vector_load %arg6[%get3A_1231, %get3A_1232, %get3A_1233] {strides = array<i32>} : memref<4x200x128xf32, #tpu.memory_space<vmem>>, vector<1x1x16xf32>,
        %get3A_1235 = vector.shape_cast %get3A_1234 : vector<1x1x16xf32> to vector<16xf32>
        %add3A_1236 = arith.addf %add3A_1164, %get3A_1235 : vector<16xf32>
        %add3A_1237 = arith.constant 6 : i32
        %add3A_1238 = arith.addi %mul3A_805, %add3A_1237 : i32
        %get3A_1239 = arith.constant 3 : i32
        %get3A_1240 = arith.index_cast %get3A_1239 : i32 to index
        %get3A_1241 = arith.index_cast %add3A_1238 : i32 to index
        %get3A_1242 = arith.constant 0 : index
        %get3A_1243 = tpu.vector_load %arg6[%get3A_1240, %get3A_1241, %get3A_1242] {strides = array<i32>} : memref<4x200x128xf32, #tpu.memory_space<vmem>>, vector<1x1x16xf32>,
        %get3A_1244 = vector.shape_cast %get3A_1243 : vector<1x1x16xf32> to vector<16xf32>
        %add3A_1245 = arith.addf %add3A_1173, %get3A_1244 : vector<16xf32>
        %add3A_1246 = arith.constant 6 : i32
        %add3A_1247 = arith.addi %mul3A_805, %add3A_1246 : i32
        %get3A_1248 = arith.constant 3 : i32
        %get3A_1249 = arith.index_cast %get3A_1248 : i32 to index
        %get3A_1250 = arith.index_cast %add3A_1247 : i32 to index
        %get3A_1251 = arith.constant 16 : index
        %get3A_1252 = tpu.vector_load %arg6[%get3A_1249, %get3A_1250, %get3A_1251] {strides = array<i32>} : memref<4x200x128xf32, #tpu.memory_space<vmem>>, vector<1x1x16xf32>,
        %get3A_1253 = vector.shape_cast %get3A_1252 : vector<1x1x16xf32> to vector<16xf32>
        %add3A_1254 = arith.addf %add3A_1182, %get3A_1253 : vector<16xf32>
        %add3A_1255 = arith.constant 6 : i32
        %add3A_1256 = arith.addi %mul3A_805, %add3A_1255 : i32
        %get3A_1257 = arith.constant 3 : i32
        %get3A_1258 = arith.index_cast %get3A_1257 : i32 to index
        %get3A_1259 = arith.index_cast %add3A_1256 : i32 to index
        %get3A_1260 = arith.constant 32 : index
        %get3A_1261 = tpu.vector_load %arg6[%get3A_1258, %get3A_1259, %get3A_1260] {strides = array<i32>} : memref<4x200x128xf32, #tpu.memory_space<vmem>>, vector<1x1x16xf32>,
        %get3A_1262 = vector.shape_cast %get3A_1261 : vector<1x1x16xf32> to vector<16xf32>
        %add3A_1263 = arith.addf %add3A_1191, %get3A_1262 : vector<16xf32>
        %add3A_1264 = arith.constant 6 : i32
        %add3A_1265 = arith.addi %mul3A_805, %add3A_1264 : i32
        %get3A_1266 = arith.constant 3 : i32
        %get3A_1267 = arith.index_cast %get3A_1266 : i32 to index
        %get3A_1268 = arith.index_cast %add3A_1265 : i32 to index
        %get3A_1269 = arith.constant 48 : index
        %get3A_1270 = tpu.vector_load %arg6[%get3A_1267, %get3A_1268, %get3A_1269] {strides = array<i32>} : memref<4x200x128xf32, #tpu.memory_space<vmem>>, vector<1x1x16xf32>,
        %get3A_1271 = vector.shape_cast %get3A_1270 : vector<1x1x16xf32> to vector<16xf32>
        %add3A_1272 = arith.addf %add3A_1200, %get3A_1271 : vector<16xf32>
        %add3A_1273 = arith.constant 6 : i32
        %add3A_1274 = arith.addi %mul3A_805, %add3A_1273 : i32
        %get3A_1275 = arith.constant 3 : i32
        %get3A_1276 = arith.index_cast %get3A_1275 : i32 to index
        %get3A_1277 = arith.index_cast %add3A_1274 : i32 to index
        %get3A_1278 = arith.constant 64 : index
        %get3A_1279 = tpu.vector_load %arg6[%get3A_1276, %get3A_1277, %get3A_1278] {strides = array<i32>} : memref<4x200x128xf32, #tpu.memory_space<vmem>>, vector<1x1x16xf32>,
        %get3A_1280 = vector.shape_cast %get3A_1279 : vector<1x1x16xf32> to vector<16xf32>
        %add3A_1281 = arith.addf %add3A_1209, %get3A_1280 : vector<16xf32>
        %add3A_1282 = arith.constant 6 : i32
        %add3A_1283 = arith.addi %mul3A_805, %add3A_1282 : i32
        %get3A_1284 = arith.constant 3 : i32
        %get3A_1285 = arith.index_cast %get3A_1284 : i32 to index
        %get3A_1286 = arith.index_cast %add3A_1283 : i32 to index
        %get3A_1287 = arith.constant 80 : index
        %get3A_1288 = tpu.vector_load %arg6[%get3A_1285, %get3A_1286, %get3A_1287] {strides = array<i32>} : memref<4x200x128xf32, #tpu.memory_space<vmem>>, vector<1x1x16xf32>,
        %get3A_1289 = vector.shape_cast %get3A_1288 : vector<1x1x16xf32> to vector<16xf32>
        %add3A_1290 = arith.addf %add3A_1218, %get3A_1289 : vector<16xf32>
        %add3A_1291 = arith.constant 6 : i32
        %add3A_1292 = arith.addi %mul3A_805, %add3A_1291 : i32
        %get3A_1293 = arith.constant 3 : i32
        %get3A_1294 = arith.index_cast %get3A_1293 : i32 to index
        %get3A_1295 = arith.index_cast %add3A_1292 : i32 to index
        %get3A_1296 = arith.constant 96 : index
        %get3A_1297 = tpu.vector_load %arg6[%get3A_1294, %get3A_1295, %get3A_1296] {strides = array<i32>} : memref<4x200x128xf32, #tpu.memory_space<vmem>>, vector<1x1x16xf32>,
        %get3A_1298 = vector.shape_cast %get3A_1297 : vector<1x1x16xf32> to vector<16xf32>
        %add3A_1299 = arith.addf %add3A_1227, %get3A_1298 : vector<16xf32>
        %add3A_1300 = arith.constant 6 : i32
        %add3A_1301 = arith.addi %mul3A_805, %add3A_1300 : i32
        %get3A_1302 = arith.constant 3 : i32
        %get3A_1303 = arith.index_cast %get3A_1302 : i32 to index
        %get3A_1304 = arith.index_cast %add3A_1301 : i32 to index
        %get3A_1305 = arith.constant 112 : index
        %get3A_1306 = tpu.vector_load %arg6[%get3A_1303, %get3A_1304, %get3A_1305] {strides = array<i32>} : memref<4x200x128xf32, #tpu.memory_space<vmem>>, vector<1x1x16xf32>,
        %get3A_1307 = vector.shape_cast %get3A_1306 : vector<1x1x16xf32> to vector<16xf32>
        %add3A_1308 = arith.addf %add3A_1236, %get3A_1307 : vector<16xf32>
        %add3A_1309 = arith.constant 7 : i32
        %add3A_1310 = arith.addi %mul3A_805, %add3A_1309 : i32
        %get3A_1311 = arith.constant 3 : i32
        %get3A_1312 = arith.index_cast %get3A_1311 : i32 to index
        %get3A_1313 = arith.index_cast %add3A_1310 : i32 to index
        %get3A_1314 = arith.constant 0 : index
        %get3A_1315 = tpu.vector_load %arg6[%get3A_1312, %get3A_1313, %get3A_1314] {strides = array<i32>} : memref<4x200x128xf32, #tpu.memory_space<vmem>>, vector<1x1x16xf32>,
        %get3A_1316 = vector.shape_cast %get3A_1315 : vector<1x1x16xf32> to vector<16xf32>
        %add3A_1317 = arith.addf %add3A_1245, %get3A_1316 : vector<16xf32>
        %add3A_1318 = arith.constant 7 : i32
        %add3A_1319 = arith.addi %mul3A_805, %add3A_1318 : i32
        %get3A_1320 = arith.constant 3 : i32
        %get3A_1321 = arith.index_cast %get3A_1320 : i32 to index
        %get3A_1322 = arith.index_cast %add3A_1319 : i32 to index
        %get3A_1323 = arith.constant 16 : index
        %get3A_1324 = tpu.vector_load %arg6[%get3A_1321, %get3A_1322, %get3A_1323] {strides = array<i32>} : memref<4x200x128xf32, #tpu.memory_space<vmem>>, vector<1x1x16xf32>,
        %get3A_1325 = vector.shape_cast %get3A_1324 : vector<1x1x16xf32> to vector<16xf32>
        %add3A_1326 = arith.addf %add3A_1254, %get3A_1325 : vector<16xf32>
        %add3A_1327 = arith.constant 7 : i32
        %add3A_1328 = arith.addi %mul3A_805, %add3A_1327 : i32
        %get3A_1329 = arith.constant 3 : i32
        %get3A_1330 = arith.index_cast %get3A_1329 : i32 to index
        %get3A_1331 = arith.index_cast %add3A_1328 : i32 to index
        %get3A_1332 = arith.constant 32 : index
        %get3A_1333 = tpu.vector_load %arg6[%get3A_1330, %get3A_1331, %get3A_1332] {strides = array<i32>} : memref<4x200x128xf32, #tpu.memory_space<vmem>>, vector<1x1x16xf32>,
        %get3A_1334 = vector.shape_cast %get3A_1333 : vector<1x1x16xf32> to vector<16xf32>
        %add3A_1335 = arith.addf %add3A_1263, %get3A_1334 : vector<16xf32>
        %add3A_1336 = arith.constant 7 : i32
        %add3A_1337 = arith.addi %mul3A_805, %add3A_1336 : i32
        %get3A_1338 = arith.constant 3 : i32
        %get3A_1339 = arith.index_cast %get3A_1338 : i32 to index
        %get3A_1340 = arith.index_cast %add3A_1337 : i32 to index
        %get3A_1341 = arith.constant 48 : index
        %get3A_1342 = tpu.vector_load %arg6[%get3A_1339, %get3A_1340, %get3A_1341] {strides = array<i32>} : memref<4x200x128xf32, #tpu.memory_space<vmem>>, vector<1x1x16xf32>,
        %get3A_1343 = vector.shape_cast %get3A_1342 : vector<1x1x16xf32> to vector<16xf32>
        %add3A_1344 = arith.addf %add3A_1272, %get3A_1343 : vector<16xf32>
        %add3A_1345 = arith.constant 7 : i32
        %add3A_1346 = arith.addi %mul3A_805, %add3A_1345 : i32
        %get3A_1347 = arith.constant 3 : i32
        %get3A_1348 = arith.index_cast %get3A_1347 : i32 to index
        %get3A_1349 = arith.index_cast %add3A_1346 : i32 to index
        %get3A_1350 = arith.constant 64 : index
        %get3A_1351 = tpu.vector_load %arg6[%get3A_1348, %get3A_1349, %get3A_1350] {strides = array<i32>} : memref<4x200x128xf32, #tpu.memory_space<vmem>>, vector<1x1x16xf32>,
        %get3A_1352 = vector.shape_cast %get3A_1351 : vector<1x1x16xf32> to vector<16xf32>
        %add3A_1353 = arith.addf %add3A_1281, %get3A_1352 : vector<16xf32>
        %add3A_1354 = arith.constant 7 : i32
        %add3A_1355 = arith.addi %mul3A_805, %add3A_1354 : i32
        %get3A_1356 = arith.constant 3 : i32
        %get3A_1357 = arith.index_cast %get3A_1356 : i32 to index
        %get3A_1358 = arith.index_cast %add3A_1355 : i32 to index
        %get3A_1359 = arith.constant 80 : index
        %get3A_1360 = tpu.vector_load %arg6[%get3A_1357, %get3A_1358, %get3A_1359] {strides = array<i32>} : memref<4x200x128xf32, #tpu.memory_space<vmem>>, vector<1x1x16xf32>,
        %get3A_1361 = vector.shape_cast %get3A_1360 : vector<1x1x16xf32> to vector<16xf32>
        %add3A_1362 = arith.addf %add3A_1290, %get3A_1361 : vector<16xf32>
        %add3A_1363 = arith.constant 7 : i32
        %add3A_1364 = arith.addi %mul3A_805, %add3A_1363 : i32
        %get3A_1365 = arith.constant 3 : i32
        %get3A_1366 = arith.index_cast %get3A_1365 : i32 to index
        %get3A_1367 = arith.index_cast %add3A_1364 : i32 to index
        %get3A_1368 = arith.constant 96 : index
        %get3A_1369 = tpu.vector_load %arg6[%get3A_1366, %get3A_1367, %get3A_1368] {strides = array<i32>} : memref<4x200x128xf32, #tpu.memory_space<vmem>>, vector<1x1x16xf32>,
        %get3A_1370 = vector.shape_cast %get3A_1369 : vector<1x1x16xf32> to vector<16xf32>
        %add3A_1371 = arith.addf %add3A_1299, %get3A_1370 : vector<16xf32>
        %add3A_1372 = arith.constant 7 : i32
        %add3A_1373 = arith.addi %mul3A_805, %add3A_1372 : i32
        %get3A_1374 = arith.constant 3 : i32
        %get3A_1375 = arith.index_cast %get3A_1374 : i32 to index
        %get3A_1376 = arith.index_cast %add3A_1373 : i32 to index
        %get3A_1377 = arith.constant 112 : index
        %get3A_1378 = tpu.vector_load %arg6[%get3A_1375, %get3A_1376, %get3A_1377] {strides = array<i32>} : memref<4x200x128xf32, #tpu.memory_space<vmem>>, vector<1x1x16xf32>,
        %get3A_1379 = vector.shape_cast %get3A_1378 : vector<1x1x16xf32> to vector<16xf32>
        %add3A_1380 = arith.addf %add3A_1308, %get3A_1379 : vector<16xf32>
        scf.yield %add3A_1317, %add3A_1326, %add3A_1335, %add3A_1344, %add3A_1353, %add3A_1362, %add3A_1371, %add3A_1380 : vector<16xf32>, vector<16xf32>, vector<16xf32>, vector<16xf32>, vector<16xf32>, vector<16xf32>, vector<16xf32>, vector<16xf32>
      }
      %scan3A_738 = arith.constant 25 : i32
      %swap3A_739 = arith.index_cast %select_n3A_677 : i32 to index
      %swap3A_740 = arith.constant 0 : index
      %swap3A_741 = tpu.vector_load %arg7[%swap3A_739, %swap3A_740] {strides = array<i32>} : memref<4x128xf32, #tpu.memory_space<vmem>>, vector<1x16xf32>,
      %swap3A_742 = vector.shape_cast %swap3A_741 : vector<1x16xf32> to vector<16xf32>
      %swap3A_743 = vector.shape_cast %scan3A_737#0 : vector<16xf32> to vector<1x16xf32>
      tpu.vector_store %arg7[%swap3A_739, %swap3A_740], %swap3A_743 {strides = array<i32>} : memref<4x128xf32, #tpu.memory_space<vmem>>, vector<1x16xf32>,
      %swap3A_744 = arith.index_cast %select_n3A_677 : i32 to index
      %swap3A_745 = arith.constant 16 : index
      %swap3A_746 = tpu.vector_load %arg7[%swap3A_744, %swap3A_745] {strides = array<i32>} : memref<4x128xf32, #tpu.memory_space<vmem>>, vector<1x16xf32>,
      %swap3A_747 = vector.shape_cast %swap3A_746 : vector<1x16xf32> to vector<16xf32>
      %swap3A_748 = vector.shape_cast %scan3A_737#1 : vector<16xf32> to vector<1x16xf32>
      tpu.vector_store %arg7[%swap3A_744, %swap3A_745], %swap3A_748 {strides = array<i32>} : memref<4x128xf32, #tpu.memory_space<vmem>>, vector<1x16xf32>,
      %swap3A_749 = arith.index_cast %select_n3A_677 : i32 to index
      %swap3A_750 = arith.constant 32 : index
      %swap3A_751 = tpu.vector_load %arg7[%swap3A_749, %swap3A_750] {strides = array<i32>} : memref<4x128xf32, #tpu.memory_space<vmem>>, vector<1x16xf32>,
      %swap3A_752 = vector.shape_cast %swap3A_751 : vector<1x16xf32> to vector<16xf32>
      %swap3A_753 = vector.shape_cast %scan3A_737#2 : vector<16xf32> to vector<1x16xf32>
      tpu.vector_store %arg7[%swap3A_749, %swap3A_750], %swap3A_753 {strides = array<i32>} : memref<4x128xf32, #tpu.memory_space<vmem>>, vector<1x16xf32>,
      %swap3A_754 = arith.index_cast %select_n3A_677 : i32 to index
      %swap3A_755 = arith.constant 48 : index
      %swap3A_756 = tpu.vector_load %arg7[%swap3A_754, %swap3A_755] {strides = array<i32>} : memref<4x128xf32, #tpu.memory_space<vmem>>, vector<1x16xf32>,
      %swap3A_757 = vector.shape_cast %swap3A_756 : vector<1x16xf32> to vector<16xf32>
      %swap3A_758 = vector.shape_cast %scan3A_737#3 : vector<16xf32> to vector<1x16xf32>
      tpu.vector_store %arg7[%swap3A_754, %swap3A_755], %swap3A_758 {strides = array<i32>} : memref<4x128xf32, #tpu.memory_space<vmem>>, vector<1x16xf32>,
      %swap3A_759 = arith.index_cast %select_n3A_677 : i32 to index
      %swap3A_760 = arith.constant 64 : index
      %swap3A_761 = tpu.vector_load %arg7[%swap3A_759, %swap3A_760] {strides = array<i32>} : memref<4x128xf32, #tpu.memory_space<vmem>>, vector<1x16xf32>,
      %swap3A_762 = vector.shape_cast %swap3A_761 : vector<1x16xf32> to vector<16xf32>
      %swap3A_763 = vector.shape_cast %scan3A_737#4 : vector<16xf32> to vector<1x16xf32>
      tpu.vector_store %arg7[%swap3A_759, %swap3A_760], %swap3A_763 {strides = array<i32>} : memref<4x128xf32, #tpu.memory_space<vmem>>, vector<1x16xf32>,
      %swap3A_764 = arith.index_cast %select_n3A_677 : i32 to index
      %swap3A_765 = arith.constant 80 : index
      %swap3A_766 = tpu.vector_load %arg7[%swap3A_764, %swap3A_765] {strides = array<i32>} : memref<4x128xf32, #tpu.memory_space<vmem>>, vector<1x16xf32>,
      %swap3A_767 = vector.shape_cast %swap3A_766 : vector<1x16xf32> to vector<16xf32>
      %swap3A_768 = vector.shape_cast %scan3A_737#5 : vector<16xf32> to vector<1x16xf32>
      tpu.vector_store %arg7[%swap3A_764, %swap3A_765], %swap3A_768 {strides = array<i32>} : memref<4x128xf32, #tpu.memory_space<vmem>>, vector<1x16xf32>,
      %swap3A_769 = arith.index_cast %select_n3A_677 : i32 to index
      %swap3A_770 = arith.constant 96 : index
      %swap3A_771 = tpu.vector_load %arg7[%swap3A_769, %swap3A_770] {strides = array<i32>} : memref<4x128xf32, #tpu.memory_space<vmem>>, vector<1x16xf32>,
      %swap3A_772 = vector.shape_cast %swap3A_771 : vector<1x16xf32> to vector<16xf32>
      %swap3A_773 = vector.shape_cast %scan3A_737#6 : vector<16xf32> to vector<1x16xf32>
      tpu.vector_store %arg7[%swap3A_769, %swap3A_770], %swap3A_773 {strides = array<i32>} : memref<4x128xf32, #tpu.memory_space<vmem>>, vector<1x16xf32>,
      %swap3A_774 = arith.index_cast %select_n3A_677 : i32 to index
      %swap3A_775 = arith.constant 112 : index
      %swap3A_776 = tpu.vector_load %arg7[%swap3A_774, %swap3A_775] {strides = array<i32>} : memref<4x128xf32, #tpu.memory_space<vmem>>, vector<1x16xf32>,
      %swap3A_777 = vector.shape_cast %swap3A_776 : vector<1x16xf32> to vector<16xf32>
      %swap3A_778 = vector.shape_cast %scan3A_737#7 : vector<16xf32> to vector<1x16xf32>
      tpu.vector_store %arg7[%swap3A_774, %swap3A_775], %swap3A_778 {strides = array<i32>} : memref<4x128xf32, #tpu.memory_space<vmem>>, vector<1x16xf32>,
      %add3A_779 = arith.addi %mul3A_2, %add3A_661 : i32
      %dma_start3A_780 = arith.constant 0 : i32
      %dma_start3A_781 = tpu.memref_slice %arg7[%select_n3A_677, %dma_start3A_780] : memref<4x128xf32, #tpu.memory_space<vmem>> -> memref<1x128xf32, #tpu.memory_space<vmem>>
      %dma_start3A_782 = arith.constant 0 : i32
      %dma_start3A_783 = tpu.memref_slice %arg4[%add3A_779, %dma_start3A_782] : memref<4096x128xf32, #tpu.memory_space<hbm>> -> memref<1x128xf32, #tpu.memory_space<hbm>>
      %dma_start3A_784 = arith.constant 0 : i32
      %dma_start3A_785 = tpu.memref_slice %arg4[%add3A_779, %dma_start3A_784] : memref<4096x128xf32, #tpu.memory_space<hbm>> -> memref<1x128xf32, #tpu.memory_space<hbm>>
      %dma_start3A_786 = arith.constant 0 : i32
      %dma_start3A_787 = tpu.memref_slice %arg7[%select_n3A_677, %dma_start3A_786] : memref<4x128xf32, #tpu.memory_space<vmem>> -> memref<1x128xf32, #tpu.memory_space<vmem>>
      tpu.enqueue_dma source(%dma_start3A_787 : memref<1x128xf32, #tpu.memory_space<vmem>>) target(%dma_start3A_785 : memref<1x128xf32, #tpu.memory_space<hbm>>) target_semaphore(%arg12 : memref<!tpu.dma_semaphore, #tpu.memory_space<semaphore_mem>>)
      %add3A_788 = arith.constant 4 : i32
      %add3A_789 = arith.addi %add3A_661, %add3A_788 : i32
      %lt3A_790 = arith.constant 128 : i32
      %lt3A_791 = arith.cmpi slt, %add3A_789, %lt3A_790 : i32
      %convert_element_type3A_792 = arith.extui %lt3A_791 : i1 to i32
      %cond3A_793 = arith.constant 0 : i32
      %cond3A_794 = arith.cmpi ne, %convert_element_type3A_792, %cond3A_793 : i32
      scf.if %cond3A_794 {
        %add3A_795 = arith.constant 4 : i32
        %add3A_796 = arith.addi %add3A_661, %add3A_795 : i32
        %mul3A_797 = arith.constant 200 : i32
        %mul3A_798 = arith.muli %add3A_796, %mul3A_797 : i32
        %add3A_799 = arith.constant 0 : i32
        %add3A_800 = arith.addi %mul3A_798, %add3A_799 : i32
        %dma_start3A_801 = arith.constant 3 : i32
        %dma_start3A_802 = arith.constant 0 : i32
        %dma_start3A_803 = arith.constant 0 : i32
        %dma_start3A_804 = tpu.memref_slice %arg6[%dma_start3A_801, %dma_start3A_802, %dma_start3A_803] : memref<4x200x128xf32, #tpu.memory_space<vmem>> -> memref<1x40x128xf32, #tpu.memory_space<vmem>>
        %dma_start3A_805 = tpu.memref_squeeze %dma_start3A_804 : memref<1x40x128xf32, #tpu.memory_space<vmem>> -> memref<40x128xf32, #tpu.memory_space<vmem>>
        %dma_start3A_806 = tpu.memref_slice %arg5[%add3A_800] : memref<25600xi32, #tpu.memory_space<vmem>> -> memref<40xi32, #tpu.memory_space<vmem>>
        %dma_start3A_807 = arith.constant 0 : i32
        %dma_start3A_808 = arith.constant 0 : i32
        %dma_start3A_809 = tpu.memref_slice %arg3[%dma_start3A_807, %dma_start3A_808] : memref<100000x128xf32, #tpu.memory_space<hbm>> -> memref<100000x128xf32, #tpu.memory_space<hbm>>
        tpu.enqueue_indirect_dma source(%dma_start3A_809 : memref<100000x128xf32, #tpu.memory_space<hbm>>) target(%dma_start3A_805 : memref<40x128xf32, #tpu.memory_space<vmem>>) offsets(%dma_start3A_806 : memref<40xi32, #tpu.memory_space<vmem>>) semaphore(%arg11 : memref<!tpu.dma_semaphore, #tpu.memory_space<semaphore_mem>>)
        %add3A_810 = arith.constant 40 : i32
        %add3A_811 = arith.addi %mul3A_798, %add3A_810 : i32
        %dma_start3A_812 = arith.constant 3 : i32
        %dma_start3A_813 = arith.constant 40 : i32
        %dma_start3A_814 = arith.constant 0 : i32
        %dma_start3A_815 = tpu.memref_slice %arg6[%dma_start3A_812, %dma_start3A_813, %dma_start3A_814] : memref<4x200x128xf32, #tpu.memory_space<vmem>> -> memref<1x40x128xf32, #tpu.memory_space<vmem>>
        %dma_start3A_816 = tpu.memref_squeeze %dma_start3A_815 : memref<1x40x128xf32, #tpu.memory_space<vmem>> -> memref<40x128xf32, #tpu.memory_space<vmem>>
        %dma_start3A_817 = tpu.memref_slice %arg5[%add3A_811] : memref<25600xi32, #tpu.memory_space<vmem>> -> memref<40xi32, #tpu.memory_space<vmem>>
        %dma_start3A_818 = arith.constant 0 : i32
        %dma_start3A_819 = arith.constant 0 : i32
        %dma_start3A_820 = tpu.memref_slice %arg3[%dma_start3A_818, %dma_start3A_819] : memref<100000x128xf32, #tpu.memory_space<hbm>> -> memref<100000x128xf32, #tpu.memory_space<hbm>>
        tpu.enqueue_indirect_dma source(%dma_start3A_820 : memref<100000x128xf32, #tpu.memory_space<hbm>>) target(%dma_start3A_816 : memref<40x128xf32, #tpu.memory_space<vmem>>) offsets(%dma_start3A_817 : memref<40xi32, #tpu.memory_space<vmem>>) semaphore(%arg11 : memref<!tpu.dma_semaphore, #tpu.memory_space<semaphore_mem>>)
        %add3A_821 = arith.constant 80 : i32
        %add3A_822 = arith.addi %mul3A_798, %add3A_821 : i32
        %dma_start3A_823 = arith.constant 3 : i32
        %dma_start3A_824 = arith.constant 80 : i32
        %dma_start3A_825 = arith.constant 0 : i32
        %dma_start3A_826 = tpu.memref_slice %arg6[%dma_start3A_823, %dma_start3A_824, %dma_start3A_825] : memref<4x200x128xf32, #tpu.memory_space<vmem>> -> memref<1x40x128xf32, #tpu.memory_space<vmem>>
        %dma_start3A_827 = tpu.memref_squeeze %dma_start3A_826 : memref<1x40x128xf32, #tpu.memory_space<vmem>> -> memref<40x128xf32, #tpu.memory_space<vmem>>
        %dma_start3A_828 = tpu.memref_slice %arg5[%add3A_822] : memref<25600xi32, #tpu.memory_space<vmem>> -> memref<40xi32, #tpu.memory_space<vmem>>
        %dma_start3A_829 = arith.constant 0 : i32
        %dma_start3A_830 = arith.constant 0 : i32
        %dma_start3A_831 = tpu.memref_slice %arg3[%dma_start3A_829, %dma_start3A_830] : memref<100000x128xf32, #tpu.memory_space<hbm>> -> memref<100000x128xf32, #tpu.memory_space<hbm>>
        tpu.enqueue_indirect_dma source(%dma_start3A_831 : memref<100000x128xf32, #tpu.memory_space<hbm>>) target(%dma_start3A_827 : memref<40x128xf32, #tpu.memory_space<vmem>>) offsets(%dma_start3A_828 : memref<40xi32, #tpu.memory_space<vmem>>) semaphore(%arg11 : memref<!tpu.dma_semaphore, #tpu.memory_space<semaphore_mem>>)
        %add3A_832 = arith.constant 120 : i32
        %add3A_833 = arith.addi %mul3A_798, %add3A_832 : i32
        %dma_start3A_834 = arith.constant 3 : i32
        %dma_start3A_835 = arith.constant 120 : i32
        %dma_start3A_836 = arith.constant 0 : i32
        %dma_start3A_837 = tpu.memref_slice %arg6[%dma_start3A_834, %dma_start3A_835, %dma_start3A_836] : memref<4x200x128xf32, #tpu.memory_space<vmem>> -> memref<1x40x128xf32, #tpu.memory_space<vmem>>
        %dma_start3A_838 = tpu.memref_squeeze %dma_start3A_837 : memref<1x40x128xf32, #tpu.memory_space<vmem>> -> memref<40x128xf32, #tpu.memory_space<vmem>>
        %dma_start3A_839 = tpu.memref_slice %arg5[%add3A_833] : memref<25600xi32, #tpu.memory_space<vmem>> -> memref<40xi32, #tpu.memory_space<vmem>>
        %dma_start3A_840 = arith.constant 0 : i32
        %dma_start3A_841 = arith.constant 0 : i32
        %dma_start3A_842 = tpu.memref_slice %arg3[%dma_start3A_840, %dma_start3A_841] : memref<100000x128xf32, #tpu.memory_space<hbm>> -> memref<100000x128xf32, #tpu.memory_space<hbm>>
        tpu.enqueue_indirect_dma source(%dma_start3A_842 : memref<100000x128xf32, #tpu.memory_space<hbm>>) target(%dma_start3A_838 : memref<40x128xf32, #tpu.memory_space<vmem>>) offsets(%dma_start3A_839 : memref<40xi32, #tpu.memory_space<vmem>>) semaphore(%arg11 : memref<!tpu.dma_semaphore, #tpu.memory_space<semaphore_mem>>)
        %add3A_843 = arith.constant 160 : i32
        %add3A_844 = arith.addi %mul3A_798, %add3A_843 : i32
        %dma_start3A_845 = arith.constant 3 : i32
        %dma_start3A_846 = arith.constant 160 : i32
        %dma_start3A_847 = arith.constant 0 : i32
        %dma_start3A_848 = tpu.memref_slice %arg6[%dma_start3A_845, %dma_start3A_846, %dma_start3A_847] : memref<4x200x128xf32, #tpu.memory_space<vmem>> -> memref<1x40x128xf32, #tpu.memory_space<vmem>>
        %dma_start3A_849 = tpu.memref_squeeze %dma_start3A_848 : memref<1x40x128xf32, #tpu.memory_space<vmem>> -> memref<40x128xf32, #tpu.memory_space<vmem>>
        %dma_start3A_850 = tpu.memref_slice %arg5[%add3A_844] : memref<25600xi32, #tpu.memory_space<vmem>> -> memref<40xi32, #tpu.memory_space<vmem>>
        %dma_start3A_851 = arith.constant 0 : i32
        %dma_start3A_852 = arith.constant 0 : i32
        %dma_start3A_853 = tpu.memref_slice %arg3[%dma_start3A_851, %dma_start3A_852] : memref<100000x128xf32, #tpu.memory_space<hbm>> -> memref<100000x128xf32, #tpu.memory_space<hbm>>
        tpu.enqueue_indirect_dma source(%dma_start3A_853 : memref<100000x128xf32, #tpu.memory_space<hbm>>) target(%dma_start3A_849 : memref<40x128xf32, #tpu.memory_space<vmem>>) offsets(%dma_start3A_850 : memref<40xi32, #tpu.memory_space<vmem>>) semaphore(%arg11 : memref<!tpu.dma_semaphore, #tpu.memory_space<semaphore_mem>>)
      } else {
      }
    }
    %scan3A_223 = arith.constant 32 : i32
    %dma_wait3A = arith.constant 0 : i32
    %dma_wait3A_224 = arith.constant 0 : i32
    %dma_wait3A_225 = tpu.memref_slice %arg7[%dma_wait3A, %dma_wait3A_224] : memref<4x128xf32, #tpu.memory_space<vmem>> -> memref<1x128xf32, #tpu.memory_space<vmem>>
    %dma_wait3A_226 = arith.constant 0 : i32
    %dma_wait3A_227 = tpu.memref_slice %arg4[%mul3A_2, %dma_wait3A_226] : memref<4096x128xf32, #tpu.memory_space<hbm>> -> memref<1x128xf32, #tpu.memory_space<hbm>>
    %dma_wait3A_228 = arith.constant 0 : i32
    %dma_wait3A_229 = tpu.memref_slice %arg4[%mul3A_2, %dma_wait3A_228] : memref<4096x128xf32, #tpu.memory_space<hbm>> -> memref<1x128xf32, #tpu.memory_space<hbm>>
    %dma_wait3A_230 = arith.constant 0 : i32
    %dma_wait3A_231 = arith.constant 0 : i32
    %dma_wait3A_232 = tpu.memref_slice %arg7[%dma_wait3A_230, %dma_wait3A_231] : memref<4x128xf32, #tpu.memory_space<vmem>> -> memref<1x128xf32, #tpu.memory_space<vmem>>
    tpu.wait_dma2 semaphore(%arg12 : memref<!tpu.dma_semaphore, #tpu.memory_space<semaphore_mem>>) src(%dma_wait3A_232 : memref<1x128xf32, #tpu.memory_space<vmem>>) dst(%dma_wait3A_229 : memref<1x128xf32, #tpu.memory_space<hbm>>)
    %dma_wait3A_233 = arith.constant 0 : i32
    %dma_wait3A_234 = arith.constant 0 : i32
    %dma_wait3A_235 = tpu.memref_slice %arg7[%dma_wait3A_233, %dma_wait3A_234] : memref<4x128xf32, #tpu.memory_space<vmem>> -> memref<1x128xf32, #tpu.memory_space<vmem>>
    %dma_wait3A_236 = arith.constant 0 : i32
    %dma_wait3A_237 = tpu.memref_slice %arg4[%mul3A_2, %dma_wait3A_236] : memref<4096x128xf32, #tpu.memory_space<hbm>> -> memref<1x128xf32, #tpu.memory_space<hbm>>
    %dma_wait3A_238 = arith.constant 0 : i32
    %dma_wait3A_239 = tpu.memref_slice %arg4[%mul3A_2, %dma_wait3A_238] : memref<4096x128xf32, #tpu.memory_space<hbm>> -> memref<1x128xf32, #tpu.memory_space<hbm>>
    %dma_wait3A_240 = arith.constant 0 : i32
    %dma_wait3A_241 = arith.constant 0 : i32
    %dma_wait3A_242 = tpu.memref_slice %arg7[%dma_wait3A_240, %dma_wait3A_241] : memref<4x128xf32, #tpu.memory_space<vmem>> -> memref<1x128xf32, #tpu.memory_space<vmem>>
    tpu.wait_dma2 semaphore(%arg12 : memref<!tpu.dma_semaphore, #tpu.memory_space<semaphore_mem>>) src(%dma_wait3A_242 : memref<1x128xf32, #tpu.memory_space<vmem>>) dst(%dma_wait3A_239 : memref<1x128xf32, #tpu.memory_space<hbm>>)
    %dma_wait3A_243 = arith.constant 0 : i32
    %dma_wait3A_244 = arith.constant 0 : i32
    %dma_wait3A_245 = tpu.memref_slice %arg7[%dma_wait3A_243, %dma_wait3A_244] : memref<4x128xf32, #tpu.memory_space<vmem>> -> memref<1x128xf32, #tpu.memory_space<vmem>>
    %dma_wait3A_246 = arith.constant 0 : i32
    %dma_wait3A_247 = tpu.memref_slice %arg4[%mul3A_2, %dma_wait3A_246] : memref<4096x128xf32, #tpu.memory_space<hbm>> -> memref<1x128xf32, #tpu.memory_space<hbm>>
    %dma_wait3A_248 = arith.constant 0 : i32
    %dma_wait3A_249 = tpu.memref_slice %arg4[%mul3A_2, %dma_wait3A_248] : memref<4096x128xf32, #tpu.memory_space<hbm>> -> memref<1x128xf32, #tpu.memory_space<hbm>>
    %dma_wait3A_250 = arith.constant 0 : i32
    %dma_wait3A_251 = arith.constant 0 : i32
    %dma_wait3A_252 = tpu.memref_slice %arg7[%dma_wait3A_250, %dma_wait3A_251] : memref<4x128xf32, #tpu.memory_space<vmem>> -> memref<1x128xf32, #tpu.memory_space<vmem>>
    tpu.wait_dma2 semaphore(%arg12 : memref<!tpu.dma_semaphore, #tpu.memory_space<semaphore_mem>>) src(%dma_wait3A_252 : memref<1x128xf32, #tpu.memory_space<vmem>>) dst(%dma_wait3A_249 : memref<1x128xf32, #tpu.memory_space<hbm>>)
    %dma_wait3A_253 = arith.constant 0 : i32
    %dma_wait3A_254 = arith.constant 0 : i32
    %dma_wait3A_255 = tpu.memref_slice %arg7[%dma_wait3A_253, %dma_wait3A_254] : memref<4x128xf32, #tpu.memory_space<vmem>> -> memref<1x128xf32, #tpu.memory_space<vmem>>
    %dma_wait3A_256 = arith.constant 0 : i32
    %dma_wait3A_257 = tpu.memref_slice %arg4[%mul3A_2, %dma_wait3A_256] : memref<4096x128xf32, #tpu.memory_space<hbm>> -> memref<1x128xf32, #tpu.memory_space<hbm>>
    %dma_wait3A_258 = arith.constant 0 : i32
    %dma_wait3A_259 = tpu.memref_slice %arg4[%mul3A_2, %dma_wait3A_258] : memref<4096x128xf32, #tpu.memory_space<hbm>> -> memref<1x128xf32, #tpu.memory_space<hbm>>
    %dma_wait3A_260 = arith.constant 0 : i32
    %dma_wait3A_261 = arith.constant 0 : i32
    %dma_wait3A_262 = tpu.memref_slice %arg7[%dma_wait3A_260, %dma_wait3A_261] : memref<4x128xf32, #tpu.memory_space<vmem>> -> memref<1x128xf32, #tpu.memory_space<vmem>>
    tpu.wait_dma2 semaphore(%arg12 : memref<!tpu.dma_semaphore, #tpu.memory_space<semaphore_mem>>) src(%dma_wait3A_262 : memref<1x128xf32, #tpu.memory_space<vmem>>) dst(%dma_wait3A_259 : memref<1x128xf32, #tpu.memory_space<hbm>>)
    return
  }
}

module attributes {stable_mosaic.version = 14 : i64} {
  func.func @_tc_fc_body(%arg0: i32, %arg1: memref<2048x128xf32, #tpu.memory_space<vmem>>, %arg2: memref<2048x1xf32, #tpu.memory_space<vmem>>, %arg3: memref<128x1000xf32, #tpu.memory_space<vmem>>, %arg4: memref<1x1000xf32, #tpu.memory_space<vmem>>, %arg5: memref<2048x1000xf32, #tpu.memory_space<vmem>>) attributes {dimension_semantics = [#tpu.dimension_semantics<arbitrary>], iteration_bounds = array<i64: 2>, scalar_prefetch = 0 : i64, scratch_operands = 0 : i64, tpu.core_type = #tpu.core_type<tc>, window_params = [{transform_indices = @transform_0, window_bounds = array<i64: 2048, 128>}, {transform_indices = @transform_1, window_bounds = array<i64: 2048, 1>}, {pipeline_mode = #tpu.pipeline_mode<synchronous>, transform_indices = @transform_2, window_bounds = array<i64: 128, 1000>}, {pipeline_mode = #tpu.pipeline_mode<synchronous>, transform_indices = @transform_3, window_bounds = array<i64: 1, 1000>}, {transform_indices = @transform_4, window_bounds = array<i64: 2048, 1000>}]} {
    %get3A = arith.constant 0 : index
    %get3A_0 = arith.constant 0 : index
    %get3A_1 = vector.load %arg2[%get3A, %get3A_0] : memref<2048x1xf32, #tpu.memory_space<vmem>>, vector<2048x1xf32>
    %max3A = arith.constant 1.000000e+00 : f32
    %max3A_2 = vector.broadcast %max3A : f32 to vector<2048x1xf32>
    %max3A_3 = arith.maximumf %get3A_1, %max3A_2 : vector<2048x1xf32>
    %div3A = arith.constant 1.000000e+00 : f32
    %div3A_4 = vector.broadcast %div3A : f32 to vector<2048x1xf32>
    %div3A_5 = arith.divf %div3A_4, %max3A_3 : vector<2048x1xf32>
    %get3A_6 = arith.constant 0 : index
    %get3A_7 = arith.constant 0 : index
    %get3A_8 = vector.load %arg1[%get3A_6, %get3A_7] : memref<2048x128xf32, #tpu.memory_space<vmem>>, vector<2048x128xf32>
    %mul3A = vector.broadcast %div3A_5 : vector<2048x1xf32> to vector<2048x128xf32>
    %mul3A_9 = arith.mulf %get3A_8, %mul3A : vector<2048x128xf32>
    %get3A_10 = arith.constant 0 : index
    %get3A_11 = arith.constant 0 : index
    %get3A_12 = vector.load %arg3[%get3A_10, %get3A_11] : memref<128x1000xf32, #tpu.memory_space<vmem>>, vector<128x1000xf32>
    %dot_general3A = arith.constant dense<0.000000e+00> : vector<2048x1000xf32>
    %dot_general3A_13 = tpu.matmul %mul3A_9, %get3A_12, %dot_general3A {dimension_numbers = #tpu.dot_dimension_numbers<[1], [0], [0], [1], [0, 0, 1, 1], [], []>, transpose_lhs_hint = false} : vector<2048x128xf32>, vector<128x1000xf32>, vector<2048x1000xf32> -> vector<2048x1000xf32>
    %get3A_14 = arith.constant 0 : index
    %get3A_15 = arith.constant 0 : index
    %get3A_16 = vector.load %arg4[%get3A_14, %get3A_15] : memref<1x1000xf32, #tpu.memory_space<vmem>>, vector<1x1000xf32>
    %add3A = vector.broadcast %get3A_16 : vector<1x1000xf32> to vector<2048x1000xf32>
    %add3A_17 = arith.addf %dot_general3A_13, %add3A : vector<2048x1000xf32>
    %swap3A = arith.constant 0 : index
    %swap3A_18 = arith.constant 0 : index
    %swap3A_19 = vector.load %arg5[%swap3A, %swap3A_18] : memref<2048x1000xf32, #tpu.memory_space<vmem>>, vector<2048x1000xf32>
    tpu.vector_store %arg5[%swap3A, %swap3A_18], %add3A_17 {strides = array<i32>} : memref<2048x1000xf32, #tpu.memory_space<vmem>>, vector<2048x1000xf32>,
    return
  }
  func.func @transform_0(%arg0: i32) -> (i32, i32) {
    %c0_i32 = arith.constant 0 : i32
    %c0_i32_0 = arith.constant 0 : i32
    return %arg0, %c0_i32 : i32, i32
  }
  func.func @transform_1(%arg0: i32) -> (i32, i32) {
    %c0_i32 = arith.constant 0 : i32
    %c0_i32_0 = arith.constant 0 : i32
    return %arg0, %c0_i32 : i32, i32
  }
  func.func @transform_2(%arg0: i32) -> (i32, i32) {
    %c0_i32 = arith.constant 0 : i32
    %c0_i32_0 = arith.constant 0 : i32
    %c0_i32_1 = arith.constant 0 : i32
    return %c0_i32, %c0_i32_0 : i32, i32
  }
  func.func @transform_3(%arg0: i32) -> (i32, i32) {
    %c0_i32 = arith.constant 0 : i32
    %c0_i32_0 = arith.constant 0 : i32
    %c0_i32_1 = arith.constant 0 : i32
    return %c0_i32, %c0_i32_0 : i32, i32
  }
  func.func @transform_4(%arg0: i32) -> (i32, i32) {
    %c0_i32 = arith.constant 0 : i32
    %c0_i32_0 = arith.constant 0 : i32
    return %arg0, %c0_i32 : i32, i32
  }
}

</mosaic_0001>

<sc_bundles>
// kernel: kernel.4.cloned.1.call-start
scs
__scs_entry_jumppad:
0x0: {  	(pc) =	sbr.rel $0x88, $3  }
0x1: {  	(tag) =	ssettag $0x0;
	lr =	simm.s32 $0x1  }
0x2: {  	[smem:$0x3F9C] =	sst lr;
	_ =	strace $0xD0000000  }
0x3: {  	_ = 	snop  }
0x4: {  	_ = 	snop  }
0x5: {  	_ = 	snop  }
0x6: {  	_ = 	snop  }
0x7: {  	_ = 	snop  }
__scs_overlays_trampoline_lowered:
0x8: {  	[smem:$0x3FAB] =	sst s0  }
0x9: {  	[smem:$0x3FAC] =	sst s1  }
0xa: {  	[smem:$0x3FAD] =	sst s2  }
0xb: {  	[smem:$0x3FAE] =	sst s3  }
0xc: {  	[smem:$0x3FAF] =	sst s4  }
0xd: {  	[smem:$0x3FB0] =	sst s5  }
0xe: {  	[smem:$0x3FB1] =	sst s6  }
0xf: {  	[smem:$0x3FB2] =	sst s7  }
0x10: {  	[smem:$0x3FB3] =	sst s8  }
0x11: {  	[smem:$0x3FB4] =	sst s9;
	s0 =	simm.s32 @!p0 $0x0  }
0x12: {  	s1 =	sld [smem:$0x3F9A];
	s0 =	simm.s32 @p0 $0x1  }
0x13: {  	[smem:$0x3FB5] =	sst s0;
	s0 =	simm.s32 @!p1 $0x0  }
0x14: {  	s2 =	sld [smem:$0x3F99];
	s0 =	simm.s32 @p1 $0x1  }
0x15: {  	[smem:$0x3FB6] =	sst s0;
	s0 =	simm.s32 @!p2 $0x0  }
0x16: {  	s3 =	sld [smem:$0x3FDB];
	s0 =	simm.s32 @p2 $0x1  }
0x17: {  	s4 =	simm.s32 $0x1BF5;
	[smem:$0x3FB8] =	sst s0  }
0x18: {  	s0 =	sld [smem:$0x3F9B];
	_ =	swait.ge [sflag:s4], $0x0  }
0x19: {  	s7 =	sld [smem:$0x3F9C]  }
0x1a: {  	s8 =	sadd.s32 $0xFFFFE003, lr  }
0x1b: {  	s9 =	sadd.s32 $0xFFFFFEF7, lr;
	s5 =	simm.s32 $0xFFFFFFFF;
	p2 =	slt.u32 s8, $0xFFFFF086  }
0x1c: {  	p1 =	slt.u32 s9, $0xF7A;
	s5 =	simm.s32 @!p2 $0x0  }
0x1d: {  	s5 =	simm.s32 @p1 $0x1;
	p0 =	seq.s32 s7, s2  }
0x1e: {  	s7 =	smul.u32 @!p0 $0xF7A, s2;
	p2 =	seq.s32 @!p0 s5, $0x0  }
0x1f: {  	s9 =	smul.u32 $0xF7A, s1;
	s8 =	simm.s32 @!p0 $0x1BF5;
	p2 =	por !p2, p0  }
0x20: {  	[sflag:s8] =	ssyncset.s32 @!p0 $0xFFFFF086;
	s6 =	sadd.s32 @!p0 s3, s7;
	s7 =	simm.s32 @!p0 $0x108  }
0x21: {  	s3 =	sadd.s32 s3, s9;
	s6 =	sadd.s32 @!p0 $0x88, s6;
	s7 =	simm.s32 @p2 $0x1082  }
0x22: {  	[simem:s7], [sflag:s8] =	dma.local @!p0 [hbm:s6], $0xF7A  }
0x23: {  	s9 =	sor.u32 $0xD0000000, s2;
	s6 =	simm.s32 $0x108;
	_ =	swait.ge @!p0 [sflag:s8], $0x0  }
0x24: {  	s3 =	sadd.s32 $0x88, s3;
	s6 =	simm.s32 @!p1 $0x1082;
	[sflag:s4] =	ssyncset.s32 $0xFFFFF086  }
0x25: {  	[simem:s6], [sflag:s4] =	dma.local [hbm:s3], $0xF7A  }
0x26: {  	[smem:$0x3F9C] =	sst s1;
	(tag) =	ssettag s2;
	_ =	strace s9  }
0x27: {  	s1 =	sld [smem:$0x3FAC]  }
0x28: {  	s2 =	sld [smem:$0x3FAD]  }
0x29: {  	s4 =	sld [smem:$0x3FAF]  }
0x2a: {  	p0 =	seq.s32 s5, $0x0;
	s5 =	sld [smem:$0x3FB0]  }
0x2b: {  	s6 =	sld [smem:$0x3FB1]  }
0x2c: {  	s7 =	sld [smem:$0x3FB2]  }
0x2d: {  	s3 =	simm.s32 $0x108;
	s8 =	sld [smem:$0x3FB3]  }
0x2e: {  	s3 =	simm.s32 @!p0 $0x1082;
	s9 =	sld [smem:$0x3FB4]  }
0x2f: {  	lr =	sadd.s32 s0, s3;
	s0 =	sld [smem:$0x3FAB]  }
0x30: {  	s3 =	sld [smem:$0x3FAE]  }
0x31: {  	[smem:$0x3FB7] =	sst s10  }
0x32: {  	s10 =	sld [smem:$0x3FB5];
	_ =	sdelay $0x3  }
0x33: {  	p0 =	seq.s32 s10, $0x1;
	s10 =	sld [smem:$0x3FB7];
	_ =	sdelay $0x3  }
0x34: {  	[smem:$0x3FB7] =	sst s10  }
0x35: {  	s10 =	sld [smem:$0x3FB6];
	_ =	sdelay $0x3  }
0x36: {  	p1 =	seq.s32 s10, $0x1;
	s10 =	sld [smem:$0x3FB7];
	_ =	sdelay $0x3  }
0x37: {  	[smem:$0x3FB7] =	sst s10  }
0x38: {  	s10 =	sld [smem:$0x3FB8]  }
0x39: {  	_ = 	snop;
	(pc) =	sbr.ind lr, $3  }
0x3a: {  	_ = 	snop  }
0x3b: {  	_ = 	snop  }
0x3c: {  	p2 =	seq.s32 s10, $0x1;
	s10 =	sld [smem:$0x3FB7]  }
0x3d: {  	_ =	shalt  }
0x3e: {  	_ =	shalt  }
0x3f: {  	_ =	shalt  }
0x40: {  	_ =	shalt  }
0x41: {  	_ =	shalt  }
0x42: {  	_ =	shalt  }
0x43: {  	_ =	shalt  }
0x44: {  	_ =	shalt  }
0x45: {  	_ =	shalt  }
0x46: {  	_ =	shalt  }
0x47: {  	_ =	shalt  }
0x48: {  	_ =	shalt  }
0x49: {  	_ =	shalt  }
0x4a: {  	_ =	shalt  }
0x4b: {  	_ =	shalt  }
0x4c: {  	_ =	shalt  }
0x4d: {  	_ =	shalt  }
0x4e: {  	_ =	shalt  }
0x4f: {  	_ =	shalt  }
0x50: {  	_ =	shalt  }
0x51: {  	_ =	shalt  }
0x52: {  	_ =	shalt  }
0x53: {  	_ =	shalt  }
0x54: {  	_ =	shalt  }
0x55: {  	_ =	shalt  }
0x56: {  	_ =	shalt  }
0x57: {  	_ =	shalt  }
0x58: {  	_ =	shalt  }
0x59: {  	_ =	shalt  }
0x5a: {  	_ =	shalt  }
0x5b: {  	_ =	shalt  }
0x5c: {  	_ =	shalt  }
0x5d: {  	_ =	shalt  }
0x5e: {  	_ =	shalt  }
0x5f: {  	_ =	shalt  }
0x60: {  	_ =	shalt  }
0x61: {  	_ =	shalt  }
0x62: {  	_ =	shalt  }
0x63: {  	_ =	shalt  }
0x64: {  	_ =	shalt  }
0x65: {  	_ =	shalt  }
0x66: {  	_ =	shalt  }
0x67: {  	_ =	shalt  }
0x68: {  	_ =	shalt  }
0x69: {  	_ =	shalt  }
0x6a: {  	_ =	shalt  }
0x6b: {  	_ =	shalt  }
0x6c: {  	_ =	shalt  }
0x6d: {  	_ =	shalt  }
0x6e: {  	_ =	shalt  }
0x6f: {  	_ =	shalt  }
0x70: {  	_ =	shalt  }
0x71: {  	_ =	shalt  }
0x72: {  	_ =	shalt  }
0x73: {  	_ =	shalt  }
0x74: {  	_ =	shalt  }
0x75: {  	_ =	shalt  }
0x76: {  	_ =	shalt  }
0x77: {  	_ =	shalt  }
0x78: {  	_ =	shalt  }
0x79: {  	_ =	shalt  }
0x7a: {  	_ =	shalt  }
0x7b: {  	_ =	shalt  }
0x7c: {  	_ =	shalt  }
0x7d: {  	_ =	shalt  }
0x7e: {  	_ =	shalt  }
0x7f: {  	_ =	shalt  }
0x80: {  	_ =	shalt  }
0x81: {  	_ =	shalt  }
0x82: {  	_ =	shalt  }
0x83: {  	_ =	shalt  }
0x84: {  	_ =	shalt  }
0x85: {  	_ =	shalt  }
0x86: {  	_ =	shalt  }
0x87: {  	_ =	shalt  }
.Lfunc_end0:
.L_simem_size_0:
called_computation_lowered:
.L_overlay_start_0:
0x88: {  	s2 =	sld [smem:$0x3FD9]  }
0x89: {  	s3 =	sld [smem:$0x3FFE];
	_ =	sdelay $0x1  }
0x8a: {  	s1 =	srdreg.scid  }
0x8b: {  	s0 =	sand.u32 $0x1, s1  }
0x8c: {  	s17 =	sshll.u32 s0, $0xA;
	s2 =	sadd.s32 s3, s2  }
0x8d: {  	s2 =	sadd.s32 s2, s17  }
0x8e: {  	[smem:$0x3FC3] =	sst s2  }
0x8f: {  	_ = 	snop  }
0x90: {  	s2 =	sld [smem:$0x3FC7]  }
0x91: {  	s18 =	sld [smem:$0x3FD0];
	(tm) =	ssettm $0x1  }
0x92: {  	s4 =	sld [smem:$0x3FFB];
	_ =	sdelay $0x3  }
0x93: {  	_ =	strace s4  }
0x94: {  	s4 =	sld [smem:$0x3FFC];
	_ =	sdelay $0x3  }
0x95: {  	_ =	strace s4  }
0x96: {  	s4 =	sld [smem:$0x3FFD];
	_ =	sdelay $0x3  }
0x97: {  	_ =	strace s4  }
0x98: {  	_ =	strace $0x8FFFFFFF  }
0x99: {  	s19 =	sld [smem:$0x3FDB];
	_ =	sdelay $0x1  }
0x9a: {  	s5 =	simm.s32 $_scs_section_size  }
0x9b: {  	s6 =	simm.s32 $_size__tile_overlayer_lowered;
	s7 =	simm.s32 $_tile_overlayer_lowered  }
0x9c: {  	s22 =	simm.s32 $0x1BFF;
	s21 =	sshll.u32 s7, $0x1;
	s4 =	sadd.s32 s5, s19  }
0x9d: {  	s8 =	simm.s32 $0x0;
	s20 =	sshll.u32 s6, $0x1;
	s6 =	sadd.s32 s21, s4  }
0x9e: {  	[timem:s8], [sflag:s22] =	dma.local [hbm:s6], s20  }
0x9f: {  	_ =	swait.ge [sflag:s22], s20  }
0xa0: {  	s5 =	ssub.s32 $0x0, s20;
	[sflag:s22] =	ssyncset.done $0x0  }
0xa1: {  	[sflag:s22] =	ssyncadd.s32 s5;
	_ =	sdelay $0x1  }
0xa2: {  	s23 =	simm.s32 $0x1B8B  }
0xa3: {  	_ =	swait.ge [sflag:s23], $0x1  }
0xa4: {  	[sflag:s23] =	ssyncset.done $0x0  }
0xa5: {  	s25 =	simm.s32 $0x1B8E;
	s24 =	sld [smem:$0x3FFE];
	[sflag:s23] =	ssyncadd.s32 $0xFFFFFFFF  }
0xa6: {  	s26 =	simm.s32 $execute0_lowered;
	[smem:$0x3FD2] =	sst s25  }
0xa7: {  	s6 =	sshll.u32 s26, $0x1;
	_ =	strace $0x80000046;
	[dreg:$0x1] =	wrdreg $0xFFFFFFFF  }
0xa8: {  	s28 =	simm.s32 $_size_execute0_lowered;
	s4 =	sadd.s32 s4, s6;
	[dreg:$0x0] =	wrdreg $0x0  }
0xa9: {  	s6 =	sshll.u32 s28, $0x1;
	[dreg:$0x2] =	wrdreg s4  }
0xaa: {  	[dreg:$0x3] =	wrdreg s6  }
0xab: {  	[dreg:$0x4] =	wrdreg $0xC0  }
0xac: {  	_ =	task [dreg:s8], $0x5FFFF  }
0xad: {  	[dreg:$0x1] =	wrdreg $0xFFFFFFFF  }
0xae: {  	[dreg:$0x0] =	wrdreg $0x60  }
0xaf: {  	[dreg:$0x2] =	wrdreg s18  }
0xb0: {  	[dreg:$0x3] =	wrdreg s2  }
0xb1: {  	[dreg:$0x4] =	wrdreg s24  }
0xb2: {  	[dreg:$0x5] =	wrdreg $0x9  }
0xb3: {  	_ =	task.clear_ibuf [dreg:s8], $0x6FFFF;
	_ =	strace $0x90000046  }
0xb4: {  	s29 =	simm.s32 $0x9;
	_ =	strace $0x80000048  }
0xb5: {  	_ =	swait.ge [sflag:s29], $0x1  }
0xb6: {  	[sflag:s29] =	ssyncadd.s32 $0xFFFFFFFF  }
0xb7: {  	_ =	strace $0x90000048  }
0xb8: {  	_ =	sfence  }
0xb9: {  	s30 =	sld [smem:$0x0];
	_ =	sdelay $0x2  }
0xba: {  	s31 =	sshll.u32 s1, $0xD;
	s1 =	sshrl.u32 s1, $0x2  }
0xbb: {  	s3 =	sand.u32 $0x4000, s31;
	s1 =	sadd.s32 s1, s30  }
0xbc: {  	s0 =	sor.u32 s3, s0;
	s1 =	sshll.u32 s1, $0x11  }
0xbd: {  	s0 =	sor.u32 s1, s0  }
0xbe: {  	s0 =	sadd.s32 $0x8F2B, s0  }
0xbf: {  	[sflag:s0] =	ssyncadd.remote.s32 $0x1  }
0xc0: {  	_ =	sfence.sel $0xFFFF  }
0xc1: {  	[dreg:$0x0] =	wrdreg $0xFFFFFFFF;
	(pc) =	sbr.abs _section_cstart, $3  }
0xc2: {  	[dreg:$0x1] =	wrdreg $0xFFFFFFFF  }
0xc3: {  	_ =	task.clear_ibuf [dreg:s8], $0x2FFFF;
	_ =	strace $0x9FFFFFFF  }
0xc4: {  	(tm) =	ssettm $0x7FFFFFFF  }
0xc5: {  	_ =	shalt  }
tec
execute0_lowered:
.L_overlay_start_1:
0x0: {  	(tag) =	ssettag $0x1  }
0x1: {  	s0 =	rddreg [dreg:$0x0]  }
0x2: {  	s2 =	rddreg [dreg:$0x1];
	s1 =	srdreg.scid  }
0x3: {  	s3 =	stileid.u32;
	s4 =	rddreg [dreg:$0x2]  }
0x4: {  	s8 =	simm.s32 $0x6;
	s9 =	simm.s32 $0x28;
	s16 =	simm.s32 $0x19000  }
0x5: {  	s18 =	simm.s32 $0x1A400;
	s20 =	simm.s32 $0x1B800;
	s22 =	simm.s32 $0x1CC00  }
0x6: {  	s23 =	simm.s32 $0x2F8;
	s24 =	simm.s32 $0x1E000;
	s25 =	simm.s32 $0x1  }
0x7: {  	s26 =	simm.s32 $0x1F400;
	s28 =	simm.s32 $0x2;
	s29 =	simm.s32 $0x1F480  }
0x8: {  	s30 =	simm.s32 $0x3;
	s31 =	simm.s32 $0x1F500;
	s10 =	simm.s32 $0x5  }
0x9: {  	s11 =	simm.s32 $0x0;
	s1 =	sand.u32 $0x1, s1;
	s5 =	sshll.u32 s3, $0x1  }
.Ltmp0:
0xa: {  	s3 =	simm.s32 $0x0;
	s5 =	sor.u32 s1, s5;
	(pc) =	sbr.rel .LBB2_1-.Ltmp0, $4  }
0xb: {  	[smem:$0x7FF] =	sst s3;
	s1 =	ssub.s32 $0x2, s1;
	s6 =	smul.u32 $0xC80, s5  }
0xc: {  	s4 =	sadd.s32 $0xC00, s4;
	_ =	strace $0x80000047;
	s7 =	sshrl.u32 s1, $0x1  }
0xd: {  	s5 =	sshll.u32 s5, $0xB;
	s1 =	ssub.s32 s1, s7;
	s6 =	sadd.s32 s0, s6  }
0xe: {  	s7 =	smax.u32 s1, $0x1;
	s1 =	simm.s32 $0x4;
	s0 =	simm.s32 $0x1F580  }
.LBB2_12:
0xf: {  	_ =	swait.ge [sflag:s10], $0x80  }
0x10: {  	[sflag:s10] =	ssyncset.done $0x0  }
0x11: {  	[sflag:s10] =	ssyncadd.s32 $0xFFFFFF80  }
0x12: {  	_ =	swait.ge [sflag:s10], $0x80  }
0x13: {  	[sflag:s10] =	ssyncset.done $0x0  }
0x14: {  	s11 =	sadd.s32 $0x1, s11;
	[sflag:s10] =	ssyncadd.s32 $0xFFFFFF80  }
0x15: {  	p0 =	sne.s32 s11, s7;
	_ =	swait.ge [sflag:s10], $0x80  }
.Ltmp1:
0x16: {  	[sflag:s10] =	ssyncset.done $0x0;
	(pc) =	sbr.rel @!p0 .LBB2_13-.Ltmp1, $4  }
0x17: {  	[sflag:s10] =	ssyncadd.s32 $0xFFFFFF80  }
0x18: {  	_ =	swait.ge [sflag:s10], $0x80  }
0x19: {  	[sflag:s10] =	ssyncset.done $0x0  }
0x1a: {  	[sflag:s10] =	ssyncadd.s32 $0xFFFFFF80  }
.LBB2_1:
0x1b: {  	[tilespmem:s3], [sflag:$0x6] =	stream.linear.gather [hbm4b:s6+s3], $0x6400, $0x38;
	[tilespmem:$0x1F600] =	vst v63  }
0x1c: {  	_ =	swait.ge [sflag:s8], $0x6400  }
0x1d: {  	[sflag:s8] =	ssyncset.done $0x0  }
0x1e: {  	s12 =	simm.s32 $0x6400;
	[sflag:s8] =	ssyncadd.s32 $0xFFFF9C00  }
0x1f: {  	[tilespmem:s12], [sflag:$0x1] =	stream.indirect.gather [hbm4b:s2+s9], $0x80, s3, s9, $0xb8;
	[tilespmem:$0x1F600] =	vst v63  }
0x20: {  	s13 =	simm.s32 $0x7800  }
0x21: {  	[tilespmem:s13], [sflag:$0x1] =	stream.indirect.gather [hbm4b:s2+s9], $0x80, s9, s9, $0xb8;
	[tilespmem:$0x1F600] =	vst v63  }
0x22: {  	s14 =	simm.s32 $0x50;
	s13 =	simm.s32 $0x8C00  }
0x23: {  	[tilespmem:s13], [sflag:$0x1] =	stream.indirect.gather [hbm4b:s2+s9], $0x80, s14, s9, $0xb8;
	[tilespmem:$0x1F600] =	vst v63  }
0x24: {  	s15 =	simm.s32 $0x78;
	s17 =	simm.s32 $0xA000  }
0x25: {  	[tilespmem:s17], [sflag:$0x1] =	stream.indirect.gather [hbm4b:s2+s9], $0x80, s15, s9, $0xb8;
	[tilespmem:$0x1F600] =	vst v63  }
0x26: {  	s19 =	simm.s32 $0xA0;
	s21 =	simm.s32 $0xB400  }
0x27: {  	[tilespmem:s21], [sflag:$0x1] =	stream.indirect.gather [hbm4b:s2+s9], $0x80, s19, s9, $0xb8;
	[tilespmem:$0x1F600] =	vst v63  }
0x28: {  	s13 =	simm.s32 $0xC8;
	s14 =	simm.s32 $0xC800  }
0x29: {  	[tilespmem:s14], [sflag:$0x2] =	stream.indirect.gather [hbm4b:s2+s9], $0x80, s13, s9, $0xb8;
	[tilespmem:$0x1F600] =	vst v63  }
0x2a: {  	s15 =	simm.s32 $0xF0;
	s17 =	simm.s32 $0xDC00  }
0x2b: {  	[tilespmem:s17], [sflag:$0x2] =	stream.indirect.gather [hbm4b:s2+s9], $0x80, s15, s9, $0xb8;
	[tilespmem:$0x1F600] =	vst v63  }
0x2c: {  	s19 =	simm.s32 $0x118;
	s21 =	simm.s32 $0xF000  }
0x2d: {  	[tilespmem:s21], [sflag:$0x2] =	stream.indirect.gather [hbm4b:s2+s9], $0x80, s19, s9, $0xb8;
	[tilespmem:$0x1F600] =	vst v63  }
0x2e: {  	s13 =	simm.s32 $0x140;
	s14 =	simm.s32 $0x10400  }
0x2f: {  	[tilespmem:s14], [sflag:$0x2] =	stream.indirect.gather [hbm4b:s2+s9], $0x80, s13, s9, $0xb8;
	[tilespmem:$0x1F600] =	vst v63  }
0x30: {  	s15 =	simm.s32 $0x168;
	s17 =	simm.s32 $0x11800  }
0x31: {  	[tilespmem:s17], [sflag:$0x2] =	stream.indirect.gather [hbm4b:s2+s9], $0x80, s15, s9, $0xb8;
	[tilespmem:$0x1F600] =	vst v63  }
0x32: {  	s19 =	simm.s32 $0x190;
	s21 =	simm.s32 $0x12C00  }
0x33: {  	[tilespmem:s21], [sflag:$0x3] =	stream.indirect.gather [hbm4b:s2+s9], $0x80, s19, s9, $0xb8;
	[tilespmem:$0x1F600] =	vst v63  }
0x34: {  	s13 =	simm.s32 $0x1B8;
	s14 =	simm.s32 $0x14000  }
0x35: {  	[tilespmem:s14], [sflag:$0x3] =	stream.indirect.gather [hbm4b:s2+s9], $0x80, s13, s9, $0xb8;
	[tilespmem:$0x1F600] =	vst v63  }
0x36: {  	s15 =	simm.s32 $0x1E0;
	s17 =	simm.s32 $0x15400  }
0x37: {  	[tilespmem:s17], [sflag:$0x3] =	stream.indirect.gather [hbm4b:s2+s9], $0x80, s15, s9, $0xb8;
	[tilespmem:$0x1F600] =	vst v63  }
0x38: {  	s19 =	simm.s32 $0x208;
	s21 =	simm.s32 $0x16800  }
0x39: {  	[tilespmem:s21], [sflag:$0x3] =	stream.indirect.gather [hbm4b:s2+s9], $0x80, s19, s9, $0xb8;
	[tilespmem:$0x1F600] =	vst v63  }
0x3a: {  	s13 =	simm.s32 $0x230;
	s14 =	simm.s32 $0x17C00  }
0x3b: {  	[tilespmem:s14], [sflag:$0x3] =	stream.indirect.gather [hbm4b:s2+s9], $0x80, s13, s9, $0xb8;
	[tilespmem:$0x1F600] =	vst v63  }
0x3c: {  	s15 =	simm.s32 $0x258  }
0x3d: {  	[tilespmem:s16], [sflag:$0x4] =	stream.indirect.gather [hbm4b:s2+s9], $0x80, s15, s9, $0xb8;
	[tilespmem:$0x1F600] =	vst v63  }
0x3e: {  	s17 =	simm.s32 $0x280  }
0x3f: {  	[tilespmem:s18], [sflag:$0x4] =	stream.indirect.gather [hbm4b:s2+s9], $0x80, s17, s9, $0xb8;
	[tilespmem:$0x1F600] =	vst v63  }
0x40: {  	s19 =	simm.s32 $0x2A8  }
0x41: {  	[tilespmem:s20], [sflag:$0x4] =	stream.indirect.gather [hbm4b:s2+s9], $0x80, s19, s9, $0xb8;
	[tilespmem:$0x1F600] =	vst v63  }
0x42: {  	s21 =	simm.s32 $0x2D0  }
0x43: {  	[tilespmem:s22], [sflag:$0x4] =	stream.indirect.gather [hbm4b:s2+s9], $0x80, s21, s9, $0xb8;
	[tilespmem:$0x1F600] =	vst v63  }
0x44: {  	s12 =	simm.s32 $0x0  }
0x45: {  	[tilespmem:s24], [sflag:$0x4] =	stream.indirect.gather [hbm4b:s2+s9], $0x80, s23, s9, $0xb8;
	[tilespmem:$0x1F600] =	vst v63  }
.LBB2_2:
0x46: {  	p0 =	seq.s32 s12, $0x0  }
0x47: {  	s13 =	simm.s32 @!p0 $0x5  }
0x48: {  	_ =	swait.ge @!p0 [sflag:s13], $0x80  }
0x49: {  	[sflag:s13] =	ssyncset.done @!p0 $0x0  }
0x4a: {  	[sflag:s13] =	ssyncadd.s32 @!p0 $0xFFFFFF80  }
0x4b: {  	_ =	swait.ge [sflag:s25], $0x1400  }
0x4c: {  	[sflag:s25] =	ssyncset.done $0x0  }
0x4d: {  	[sflag:s25] =	ssyncadd.s32 $0xFFFFEC00  }
0x4e: {  	_ =	swait.ge [sflag:s25], $0x1400  }
0x4f: {  	[sflag:s25] =	ssyncset.done $0x0  }
0x50: {  	[sflag:s25] =	ssyncadd.s32 $0xFFFFEC00  }
0x51: {  	_ =	swait.ge [sflag:s25], $0x1400  }
0x52: {  	[sflag:s25] =	ssyncset.done $0x0  }
0x53: {  	[sflag:s25] =	ssyncadd.s32 $0xFFFFEC00  }
0x54: {  	_ =	swait.ge [sflag:s25], $0x1400  }
0x55: {  	[sflag:s25] =	ssyncset.done $0x0  }
0x56: {  	[sflag:s25] =	ssyncadd.s32 $0xFFFFEC00  }
0x57: {  	_ =	swait.ge [sflag:s25], $0x1400  }
0x58: {  	[sflag:s25] =	ssyncset.done $0x0  }
0x59: {  	s13 =	simm.s32 $0x0;
	[sflag:s25] =	ssyncadd.s32 $0xFFFFEC00  }
0x5a: {  	v6 =	vld [tilespmem:s13+$0x6780]  }
0x5b: {  	v7 =	vld [tilespmem:s13+$0x6790]  }
0x5c: {  	v8 =	vld [tilespmem:s13+$0x67A0]  }
0x5d: {  	v9 =	vld [tilespmem:s13+$0x67B0]  }
0x5e: {  	v0 =	vld [tilespmem:s13+$0x67C0]  }
0x5f: {  	v1 =	vld [tilespmem:s13+$0x67D0]  }
0x60: {  	v14 =	vld [tilespmem:s13+$0x6700]  }
0x61: {  	v16 =	vld [tilespmem:s13+$0x6710]  }
0x62: {  	v13 =	vld [tilespmem:s13+$0x6720]  }
0x63: {  	v15 =	vld [tilespmem:s13+$0x6730]  }
0x64: {  	v3 =	vld [tilespmem:s13+$0x6740]  }
0x65: {  	v2 =	vld [tilespmem:s13+$0x6750]  }
0x66: {  	v17 =	vld [tilespmem:s13+$0x6680]  }
0x67: {  	v18 =	vld [tilespmem:s13+$0x6690]  }
0x68: {  	v19 =	vld [tilespmem:s13+$0x66A0]  }
0x69: {  	v24 =	vld [tilespmem:s13+$0x66B0]  }
0x6a: {  	v4 =	vld [tilespmem:s13+$0x66C0]  }
0x6b: {  	v5 =	vld [tilespmem:s13+$0x66D0]  }
0x6c: {  	v21 =	vld [tilespmem:s13+$0x6600]  }
0x6d: {  	v22 =	vld [tilespmem:s13+$0x6610]  }
0x6e: {  	v23 =	vld [tilespmem:s13+$0x6620]  }
0x6f: {  	v30 =	vld [tilespmem:s13+$0x6630]  }
0x70: {  	v10 =	vld [tilespmem:s13+$0x6640]  }
0x71: {  	v27 =	vld [tilespmem:s13+$0x6580]  }
0x72: {  	v28 =	vld [tilespmem:s13+$0x6590]  }
0x73: {  	v25 =	vld [tilespmem:s13+$0x6500]  }
0x74: {  	v26 =	vld [tilespmem:s13+$0x6510]  }
0x75: {  	v11 =	vld [tilespmem:s13+$0x6480]  }
0x76: {  	v20 =	vld [tilespmem:s13+$0x6490]  }
0x77: {  	v29 =	vld [tilespmem:s13+$0x6400]  }
0x78: {  	v31 =	vld [tilespmem:s13+$0x6410]  }
0x79: {  	v32 =	vld [tilespmem:s13+$0x6420]  }
0x7a: {  	v33 =	vld [tilespmem:s13+$0x6430]  }
0x7b: {  	v34 =	vld [tilespmem:s13+$0x64A0]  }
0x7c: {  	v35 =	vld [tilespmem:s13+$0x64B0]  }
0x7d: {  	v12 =	vimm.f32 $0.0e+00;
	v36 =	vld [tilespmem:s13+$0x6520]  }
0x7e: {  	v37 =	vld [tilespmem:s13+$0x6530];
	v29 =	vadd.f32 v29, v12;
	v31 =	vadd.f32 v31, v12  }
0x7f: {  	v38 =	vld [tilespmem:s13+$0x65A0];
	v32 =	vadd.f32 v32, v12;
	v33 =	vadd.f32 v33, v12  }
0x80: {  	v39 =	vld [tilespmem:s13+$0x65B0];
	v29 =	vadd.f32 v11, v29;
	v31 =	vadd.f32 v20, v31  }
0x81: {  	v11 =	vld [tilespmem:s13+$0x6650];
	v32 =	vadd.f32 v34, v32;
	v33 =	vadd.f32 v35, v33  }
0x82: {  	v20 =	vld [tilespmem:s13+$0x65C0];
	v29 =	vadd.f32 v25, v29;
	v31 =	vadd.f32 v26, v31  }
0x83: {  	v25 =	vld [tilespmem:s13+$0x65D0];
	v32 =	vadd.f32 v36, v32;
	v33 =	vadd.f32 v37, v33  }
0x84: {  	v26 =	vld [tilespmem:s13+$0x6540];
	v29 =	vadd.f32 v27, v29;
	v31 =	vadd.f32 v28, v31  }
0x85: {  	v27 =	vld [tilespmem:s13+$0x6550];
	v32 =	vadd.f32 v38, v32;
	v33 =	vadd.f32 v39, v33  }
0x86: {  	v28 =	vld [tilespmem:s13+$0x64C0];
	v21 =	vadd.f32 v21, v29;
	v22 =	vadd.f32 v22, v31  }
0x87: {  	v29 =	vld [tilespmem:s13+$0x64D0];
	v23 =	vadd.f32 v23, v32;
	v63 =	vadd.f32 v30, v33  }
0x88: {  	v30 =	vld [tilespmem:s13+$0x6440];
	v21 =	vadd.f32 v17, v21;
	v22 =	vadd.f32 v18, v22  }
0x89: {  	v31 =	vld [tilespmem:s13+$0x6450];
	v23 =	vadd.f32 v19, v23;
	v24 =	vadd.f32 v24, v63  }
0x8a: {  	s14 =	sshll.u32 s12, $0x6;
	s15 =	simm.s32 $0x1000;
	v32 =	vld [tilespmem:s13+$0x6460];
	v19 =	vimm.f32 $0.0e+00;
	v18 =	vimm.f32 $0.0e+00;
	v17 =	vimm.f32 $0.0e+00  }
.LBB2_3:
0x8b: {  	p0 =	sne.s32 s15, $0x18000;
	v33 =	vld [tilespmem:s13+$0x6470];
	v14 =	vadd.f32 v14, v21;
	v16 =	vadd.f32 v16, v22  }
0x8c: {  	v34 =	vld [tilespmem:s13+$0x64E0];
	v13 =	vadd.f32 v13, v23;
	v15 =	vadd.f32 v15, v24  }
0x8d: {  	v35 =	vld [tilespmem:s13+$0x64F0];
	v21 =	vadd.f32 v6, v14;
	v22 =	vadd.f32 v7, v16  }
0x8e: {  	v6 =	vld [tilespmem:s13+$0x6560];
	v23 =	vadd.f32 v8, v13;
	v24 =	vadd.f32 v9, v15  }
0x8f: {  	v7 =	vadd.f32 v30, v12;
	v8 =	vadd.f32 v31, v19;
	v9 =	vld [tilespmem:s13+$0x6570]  }
0x90: {  	v12 =	vadd.f32 v32, v18;
	v13 =	vadd.f32 v33, v17;
	v14 =	vld [tilespmem:s13+$0x65E0]  }
0x91: {  	v7 =	vadd.f32 v28, v7;
	v8 =	vadd.f32 v29, v8;
	v15 =	vld [tilespmem:s13+$0x65F0]  }
0x92: {  	v12 =	vadd.f32 v34, v12;
	v13 =	vadd.f32 v35, v13;
	v16 =	vld [tilespmem:s13+$0x6660]  }
0x93: {  	v7 =	vadd.f32 v26, v7;
	v8 =	vadd.f32 v27, v8;
	v17 =	vld [tilespmem:s13+$0x6670]  }
0x94: {  	v6 =	vadd.f32 v6, v12;
	v9 =	vadd.f32 v9, v13;
	v12 =	vld [tilespmem:s13+$0x66E0]  }
0x95: {  	v7 =	vadd.f32 v20, v7;
	v8 =	vadd.f32 v25, v8;
	v13 =	vld [tilespmem:s13+$0x66F0]  }
0x96: {  	v6 =	vadd.f32 v14, v6;
	v9 =	vadd.f32 v15, v9;
	v14 =	vld [tilespmem:s13+$0x6760]  }
0x97: {  	v7 =	vadd.f32 v10, v7;
	v8 =	vadd.f32 v11, v8;
	v10 =	vld [tilespmem:s13+$0x6770]  }
0x98: {  	v11 =	vadd.f32 v16, v6;
	v9 =	vadd.f32 v17, v9;
	v15 =	vld [tilespmem:s13+$0x67E0]  }
0x99: {  	v4 =	vadd.f32 v4, v7;
	v5 =	vadd.f32 v5, v8;
	v16 =	vld [tilespmem:s13+$0x67F0];
	s13 =	sshra.s32 s15, $0x2  }
0x9a: {  	v11 =	vadd.f32 v12, v11;
	v6 =	vld [tilespmem:s13+$0x6780];
	v9 =	vadd.f32 v13, v9  }
0x9b: {  	v3 =	vadd.f32 v3, v4;
	v2 =	vadd.f32 v2, v5;
	v7 =	vld [tilespmem:s13+$0x6790]  }
0x9c: {  	v4 =	vadd.f32 v14, v11;
	v8 =	vld [tilespmem:s13+$0x67A0];
	v5 =	vadd.f32 v10, v9  }
0x9d: {  	v12 =	vadd.f32 v0, v3;
	v19 =	vadd.f32 v1, v2;
	v9 =	vld [tilespmem:s13+$0x67B0]  }
0x9e: {  	v18 =	vadd.f32 v15, v4;
	v0 =	vld [tilespmem:s13+$0x67C0];
	v17 =	vadd.f32 v16, v5  }
0x9f: {  	v1 =	vld [tilespmem:s13+$0x67D0]  }
0xa0: {  	v14 =	vld [tilespmem:s13+$0x6700]  }
0xa1: {  	v16 =	vld [tilespmem:s13+$0x6710]  }
0xa2: {  	v13 =	vld [tilespmem:s13+$0x6720]  }
0xa3: {  	v15 =	vld [tilespmem:s13+$0x6730]  }
0xa4: {  	v3 =	vld [tilespmem:s13+$0x6740]  }
0xa5: {  	v2 =	vld [tilespmem:s13+$0x6750]  }
0xa6: {  	v32 =	vld [tilespmem:s13+$0x6680]  }
0xa7: {  	v33 =	vld [tilespmem:s13+$0x6690]  }
0xa8: {  	v34 =	vld [tilespmem:s13+$0x66A0]  }
0xa9: {  	v35 =	vld [tilespmem:s13+$0x66B0]  }
0xaa: {  	v4 =	vld [tilespmem:s13+$0x66C0]  }
0xab: {  	v5 =	vld [tilespmem:s13+$0x66D0]  }
0xac: {  	v30 =	vld [tilespmem:s13+$0x6600]  }
0xad: {  	v31 =	vld [tilespmem:s13+$0x6610]  }
0xae: {  	v36 =	vld [tilespmem:s13+$0x6620]  }
0xaf: {  	v37 =	vld [tilespmem:s13+$0x6630]  }
0xb0: {  	v10 =	vld [tilespmem:s13+$0x6640]  }
0xb1: {  	v11 =	vld [tilespmem:s13+$0x6650]  }
0xb2: {  	v28 =	vld [tilespmem:s13+$0x6580]  }
0xb3: {  	v29 =	vld [tilespmem:s13+$0x6590]  }
0xb4: {  	v25 =	vld [tilespmem:s13+$0x6500]  }
0xb5: {  	v26 =	vld [tilespmem:s13+$0x6510]  }
0xb6: {  	v20 =	vld [tilespmem:s13+$0x6480]  }
0xb7: {  	v27 =	vld [tilespmem:s13+$0x6490]  }
0xb8: {  	v38 =	vld [tilespmem:s13+$0x6400]  }
0xb9: {  	v39 =	vld [tilespmem:s13+$0x6410]  }
0xba: {  	v40 =	vld [tilespmem:s13+$0x6420]  }
0xbb: {  	v41 =	vld [tilespmem:s13+$0x6430]  }
0xbc: {  	v42 =	vld [tilespmem:s13+$0x64A0]  }
0xbd: {  	v43 =	vld [tilespmem:s13+$0x64B0]  }
0xbe: {  	v44 =	vld [tilespmem:s13+$0x6520]  }
0xbf: {  	v21 =	vadd.f32 v38, v21;
	v22 =	vadd.f32 v39, v22;
	v38 =	vld [tilespmem:s13+$0x6530]  }
0xc0: {  	v23 =	vadd.f32 v40, v23;
	v24 =	vadd.f32 v41, v24;
	v39 =	vld [tilespmem:s13+$0x65A0]  }
0xc1: {  	v21 =	vadd.f32 v20, v21;
	v22 =	vadd.f32 v27, v22;
	v40 =	vld [tilespmem:s13+$0x65B0]  }
0xc2: {  	v23 =	vadd.f32 v42, v23;
	v24 =	vadd.f32 v43, v24;
	v20 =	vld [tilespmem:s13+$0x65C0]  }
0xc3: {  	v21 =	vadd.f32 v25, v21;
	v22 =	vadd.f32 v26, v22;
	v25 =	vld [tilespmem:s13+$0x65D0]  }
0xc4: {  	v23 =	vadd.f32 v44, v23;
	v24 =	vadd.f32 v38, v24;
	v26 =	vld [tilespmem:s13+$0x6540]  }
0xc5: {  	v21 =	vadd.f32 v28, v21;
	v22 =	vadd.f32 v29, v22;
	v27 =	vld [tilespmem:s13+$0x6550]  }
.Ltmp2:
0xc6: {  	v23 =	vadd.f32 v39, v23;
	v28 =	vld [tilespmem:s13+$0x64C0];
	v24 =	vadd.f32 v40, v24;
	(pc) =	sbr.rel @p0 .LBB2_3-.Ltmp2, $4  }
0xc7: {  	v21 =	vadd.f32 v30, v21;
	v22 =	vadd.f32 v31, v22;
	v29 =	vld [tilespmem:s13+$0x64D0]  }
0xc8: {  	v23 =	vadd.f32 v36, v23;
	v30 =	vld [tilespmem:s13+$0x6440];
	v24 =	vadd.f32 v37, v24  }
0xc9: {  	v21 =	vadd.f32 v32, v21;
	v22 =	vadd.f32 v33, v22;
	v31 =	vld [tilespmem:s13+$0x6450]  }
0xca: {  	s15 =	sadd.s32 $0x1000, s15;
	v23 =	vadd.f32 v34, v23;
	v32 =	vld [tilespmem:s13+$0x6460];
	v24 =	vadd.f32 v35, v24  }
0xcb: {  	v14 =	vadd.f32 v14, v21;
	v16 =	vadd.f32 v16, v22  }
0xcc: {  	v33 =	vld [tilespmem:s13+$0x6470];
	v13 =	vadd.f32 v13, v23;
	v15 =	vadd.f32 v15, v24  }
0xcd: {  	v21 =	vld [tilespmem:s13+$0x64E0];
	v6 =	vadd.f32 v6, v14;
	v7 =	vadd.f32 v7, v16  }
0xce: {  	v22 =	vld [tilespmem:s13+$0x64F0];
	v12 =	vadd.f32 v30, v12;
	v8 =	vadd.f32 v8, v13  }
0xcf: {  	v14 =	vld [tilespmem:s13+$0x6560];
	v9 =	vadd.f32 v9, v15;
	v13 =	vadd.f32 v31, v19  }
0xd0: {  	v15 =	vld [tilespmem:s13+$0x6570];
	v16 =	vadd.f32 v32, v18;
	v12 =	vadd.f32 v28, v12  }
0xd1: {  	v18 =	vld [tilespmem:s13+$0x65E0];
	v17 =	vadd.f32 v33, v17;
	v13 =	vadd.f32 v29, v13  }
0xd2: {  	v19 =	vld [tilespmem:s13+$0x65F0];
	v16 =	vadd.f32 v21, v16;
	v12 =	vadd.f32 v26, v12  }
0xd3: {  	v21 =	vld [tilespmem:s13+$0x6660];
	v17 =	vadd.f32 v22, v17;
	v13 =	vadd.f32 v27, v13  }
0xd4: {  	v22 =	vld [tilespmem:s13+$0x6670];
	v14 =	vadd.f32 v14, v16;
	v12 =	vadd.f32 v20, v12  }
0xd5: {  	v16 =	vld [tilespmem:s13+$0x66E0];
	v15 =	vadd.f32 v15, v17;
	v13 =	vadd.f32 v25, v13  }
0xd6: {  	v17 =	vld [tilespmem:s13+$0x66F0];
	v14 =	vadd.f32 v18, v14;
	v10 =	vadd.f32 v10, v12  }
0xd7: {  	v18 =	vld [tilespmem:s13+$0x6760];
	v12 =	vadd.f32 v19, v15;
	v11 =	vadd.f32 v11, v13  }
0xd8: {  	v13 =	vld [tilespmem:s13+$0x6770];
	v14 =	vadd.f32 v21, v14;
	v4 =	vadd.f32 v4, v10  }
0xd9: {  	v15 =	vld [tilespmem:s13+$0x67E0];
	v10 =	vadd.f32 v22, v12;
	v5 =	vadd.f32 v5, v11  }
0xda: {  	v11 =	vld [tilespmem:s13+$0x67F0];
	[tilespmem:$0x1F400] =	vst v6;
	v12 =	vadd.f32 v16, v14;
	v3 =	vadd.f32 v3, v4  }
0xdb: {  	[tilespmem:$0x1F410] =	vst v7;
	v4 =	vadd.f32 v17, v10;
	v2 =	vadd.f32 v2, v5  }
0xdc: {  	[tilespmem:$0x1F420] =	vst v8;
	v5 =	vadd.f32 v18, v12;
	v0 =	vadd.f32 v0, v3  }
0xdd: {  	[tilespmem:$0x1F430] =	vst v9;
	v3 =	vadd.f32 v13, v4;
	v1 =	vadd.f32 v1, v2  }
0xde: {  	v2 =	vadd.f32 v15, v5;
	[tilespmem:$0x1F440] =	vst v0  }
0xdf: {  	s19 =	sand.u32 $0x780, s14;
	s15 =	sand.u32 $0x40, s14;
	v0 =	vadd.f32 v11, v3;
	[tilespmem:$0x1F450] =	vst v1  }
0xe0: {  	p0 =	seq.s32 s12, $0x1F;
	s14 =	sor.u32 s5, s19;
	s21 =	sadd.s32 s4, s15;
	[tilespmem:$0x1F460] =	vst v2  }
0xe1: {  	s17 =	smul.u32 @!p0 $0xC80, s12;
	s13 =	sadd.s32 s14, s21;
	[tilespmem:$0x1F470] =	vst v0  }
0xe2: {  	[hbm4b:s13+s3] =	stream.linear.scatter [tilespmem:s26], [sflag:$0x5], $0x80, $0x38;
	[tilespmem:$0x1F600] =	vst v63  }
0xe3: {  	s13 =	sshra.s32 @!p0 s17, $0x2  }
0xe4: {  	s19 =	simm.s32 @!p0 $0x28;
	s21 =	simm.s32 @!p0 $0x6400;
	s17 =	sadd.s32 @!p0 $0x320, s13  }
0xe5: {  	[tilespmem:s21], [sflag:$0x1] =	stream.indirect.gather @!p0 [hbm4b:s2+s19], $0x80, s17, s19, $0xb8;
	[tilespmem:$0x1F600] =	vst v63  }
0xe6: {  	s17 =	sadd.s32 @!p0 $0x348, s13;
	s21 =	simm.s32 @!p0 $0x7800  }
0xe7: {  	[tilespmem:s21], [sflag:$0x1] =	stream.indirect.gather @!p0 [hbm4b:s2+s19], $0x80, s17, s19, $0xb8;
	[tilespmem:$0x1F600] =	vst v63  }
0xe8: {  	s17 =	sadd.s32 @!p0 $0x370, s13;
	s21 =	simm.s32 @!p0 $0x8C00  }
0xe9: {  	[tilespmem:s21], [sflag:$0x1] =	stream.indirect.gather @!p0 [hbm4b:s2+s19], $0x80, s17, s19, $0xb8;
	[tilespmem:$0x1F600] =	vst v63  }
0xea: {  	p1 =	seq.s32 @!p0 s12, $0x0;
	s17 =	sadd.s32 @!p0 $0x398, s13;
	s21 =	simm.s32 @!p0 $0xA000  }
0xeb: {  	[tilespmem:s21], [sflag:$0x1] =	stream.indirect.gather @!p0 [hbm4b:s2+s19], $0x80, s17, s19, $0xb8;
	[tilespmem:$0x1F600] =	vst v63  }
0xec: {  	p1 =	por p0, !p1;
	s17 =	sadd.s32 @!p0 $0x3C0, s13;
	s21 =	simm.s32 @!p0 $0xB400  }
0xed: {  	[tilespmem:s21], [sflag:$0x1] =	stream.indirect.gather @!p0 [hbm4b:s2+s19], $0x80, s17, s19, $0xb8;
	[tilespmem:$0x1F600] =	vst v63  }
0xee: {  	_ =	swait.ge @p1 [sflag:s10], $0x80  }
0xef: {  	[sflag:s10] =	ssyncset.done @p1 $0x0  }
0xf0: {  	[sflag:s10] =	ssyncadd.s32 @p1 $0xFFFFFF80  }
0xf1: {  	_ =	swait.ge [sflag:s28], $0x1400  }
0xf2: {  	[sflag:s28] =	ssyncset.done $0x0  }
0xf3: {  	[sflag:s28] =	ssyncadd.s32 $0xFFFFEC00  }
0xf4: {  	_ =	swait.ge [sflag:s28], $0x1400  }
0xf5: {  	[sflag:s28] =	ssyncset.done $0x0  }
0xf6: {  	[sflag:s28] =	ssyncadd.s32 $0xFFFFEC00  }
0xf7: {  	_ =	swait.ge [sflag:s28], $0x1400  }
0xf8: {  	[sflag:s28] =	ssyncset.done $0x0  }
0xf9: {  	[sflag:s28] =	ssyncadd.s32 $0xFFFFEC00  }
0xfa: {  	_ =	swait.ge [sflag:s28], $0x1400  }
0xfb: {  	[sflag:s28] =	ssyncset.done $0x0  }
0xfc: {  	[sflag:s28] =	ssyncadd.s32 $0xFFFFEC00  }
0xfd: {  	_ =	swait.ge [sflag:s28], $0x1400  }
0xfe: {  	[sflag:s28] =	ssyncset.done $0x0  }
0xff: {  	s17 =	simm.s32 $0x0;
	[sflag:s28] =	ssyncadd.s32 $0xFFFFEC00  }
0x100: {  	v6 =	vld [tilespmem:s17+$0xCB80]  }
0x101: {  	v7 =	vld [tilespmem:s17+$0xCB90]  }
0x102: {  	v8 =	vld [tilespmem:s17+$0xCBA0]  }
0x103: {  	v9 =	vld [tilespmem:s17+$0xCBB0]  }
0x104: {  	v0 =	vld [tilespmem:s17+$0xCBC0]  }
0x105: {  	v1 =	vld [tilespmem:s17+$0xCBD0]  }
0x106: {  	v14 =	vld [tilespmem:s17+$0xCB00]  }
0x107: {  	v16 =	vld [tilespmem:s17+$0xCB10]  }
0x108: {  	v13 =	vld [tilespmem:s17+$0xCB20]  }
0x109: {  	v15 =	vld [tilespmem:s17+$0xCB30]  }
0x10a: {  	v3 =	vld [tilespmem:s17+$0xCB40]  }
0x10b: {  	v2 =	vld [tilespmem:s17+$0xCB50]  }
0x10c: {  	v17 =	vld [tilespmem:s17+$0xCA80]  }
0x10d: {  	v18 =	vld [tilespmem:s17+$0xCA90]  }
0x10e: {  	v19 =	vld [tilespmem:s17+$0xCAA0]  }
0x10f: {  	v24 =	vld [tilespmem:s17+$0xCAB0]  }
0x110: {  	v4 =	vld [tilespmem:s17+$0xCAC0]  }
0x111: {  	v5 =	vld [tilespmem:s17+$0xCAD0]  }
0x112: {  	v21 =	vld [tilespmem:s17+$0xCA00]  }
0x113: {  	v22 =	vld [tilespmem:s17+$0xCA10]  }
0x114: {  	v23 =	vld [tilespmem:s17+$0xCA20]  }
0x115: {  	v30 =	vld [tilespmem:s17+$0xCA30]  }
0x116: {  	v10 =	vld [tilespmem:s17+$0xCA40]  }
0x117: {  	v27 =	vld [tilespmem:s17+$0xC980]  }
0x118: {  	v28 =	vld [tilespmem:s17+$0xC990]  }
0x119: {  	v25 =	vld [tilespmem:s17+$0xC900]  }
0x11a: {  	v26 =	vld [tilespmem:s17+$0xC910]  }
0x11b: {  	v11 =	vld [tilespmem:s17+$0xC880]  }
0x11c: {  	v20 =	vld [tilespmem:s17+$0xC890]  }
0x11d: {  	v29 =	vld [tilespmem:s17+$0xC800]  }
0x11e: {  	v31 =	vld [tilespmem:s17+$0xC810]  }
0x11f: {  	v61 =	vld [tilespmem:s17+$0xC820]  }
0x120: {  	v62 =	vld [tilespmem:s17+$0xC830]  }
0x121: {  	v34 =	vld [tilespmem:s17+$0xC8A0]  }
0x122: {  	v35 =	vld [tilespmem:s17+$0xC8B0]  }
0x123: {  	v12 =	vimm.f32 $0.0e+00;
	v36 =	vld [tilespmem:s17+$0xC920]  }
0x124: {  	v37 =	vld [tilespmem:s17+$0xC930];
	v29 =	vadd.f32 v29, v12;
	v31 =	vadd.f32 v31, v12  }
0x125: {  	v38 =	vld [tilespmem:s17+$0xC9A0];
	v32 =	vadd.f32 v61, v12;
	v33 =	vadd.f32 v62, v12  }
0x126: {  	v39 =	vld [tilespmem:s17+$0xC9B0];
	v29 =	vadd.f32 v11, v29;
	v31 =	vadd.f32 v20, v31  }
0x127: {  	v11 =	vld [tilespmem:s17+$0xCA50];
	v32 =	vadd.f32 v34, v32;
	v33 =	vadd.f32 v35, v33  }
0x128: {  	v20 =	vld [tilespmem:s17+$0xC9C0];
	v29 =	vadd.f32 v25, v29;
	v31 =	vadd.f32 v26, v31  }
0x129: {  	v25 =	vld [tilespmem:s17+$0xC9D0];
	v32 =	vadd.f32 v36, v32;
	v33 =	vadd.f32 v37, v33  }
0x12a: {  	v26 =	vld [tilespmem:s17+$0xC940];
	v29 =	vadd.f32 v27, v29;
	v31 =	vadd.f32 v28, v31  }
0x12b: {  	v27 =	vld [tilespmem:s17+$0xC950];
	v32 =	vadd.f32 v38, v32;
	v33 =	vadd.f32 v39, v33  }
0x12c: {  	v28 =	vld [tilespmem:s17+$0xC8C0];
	v21 =	vadd.f32 v21, v29;
	v22 =	vadd.f32 v22, v31  }
0x12d: {  	v29 =	vld [tilespmem:s17+$0xC8D0];
	v23 =	vadd.f32 v23, v32;
	v63 =	vadd.f32 v30, v33  }
0x12e: {  	v30 =	vld [tilespmem:s17+$0xC840];
	v21 =	vadd.f32 v17, v21;
	v22 =	vadd.f32 v18, v22  }
0x12f: {  	v31 =	vld [tilespmem:s17+$0xC850];
	v23 =	vadd.f32 v19, v23;
	v24 =	vadd.f32 v24, v63  }
0x130: {  	s19 =	simm.s32 $0x1000;
	v32 =	vld [tilespmem:s17+$0xC860];
	v19 =	vimm.f32 $0.0e+00;
	v18 =	vimm.f32 $0.0e+00;
	v17 =	vimm.f32 $0.0e+00  }
.LBB2_5:
0x131: {  	p2 =	sne.s32 s19, $0x18000;
	v33 =	vld [tilespmem:s17+$0xC870];
	v14 =	vadd.f32 v14, v21;
	v16 =	vadd.f32 v16, v22  }
0x132: {  	v34 =	vld [tilespmem:s17+$0xC8E0];
	v13 =	vadd.f32 v13, v23;
	v15 =	vadd.f32 v15, v24  }
0x133: {  	v35 =	vld [tilespmem:s17+$0xC8F0];
	v21 =	vadd.f32 v6, v14;
	v22 =	vadd.f32 v7, v16  }
0x134: {  	v6 =	vld [tilespmem:s17+$0xC960];
	v23 =	vadd.f32 v8, v13;
	v24 =	vadd.f32 v9, v15  }
0x135: {  	v7 =	vadd.f32 v30, v12;
	v8 =	vadd.f32 v31, v19;
	v9 =	vld [tilespmem:s17+$0xC970]  }
0x136: {  	v12 =	vadd.f32 v32, v18;
	v13 =	vadd.f32 v33, v17;
	v14 =	vld [tilespmem:s17+$0xC9E0]  }
0x137: {  	v7 =	vadd.f32 v28, v7;
	v8 =	vadd.f32 v29, v8;
	v15 =	vld [tilespmem:s17+$0xC9F0]  }
0x138: {  	v12 =	vadd.f32 v34, v12;
	v13 =	vadd.f32 v35, v13;
	v16 =	vld [tilespmem:s17+$0xCA60]  }
0x139: {  	v7 =	vadd.f32 v26, v7;
	v8 =	vadd.f32 v27, v8;
	v17 =	vld [tilespmem:s17+$0xCA70]  }
0x13a: {  	v6 =	vadd.f32 v6, v12;
	v9 =	vadd.f32 v9, v13;
	v12 =	vld [tilespmem:s17+$0xCAE0]  }
0x13b: {  	v7 =	vadd.f32 v20, v7;
	v8 =	vadd.f32 v25, v8;
	v13 =	vld [tilespmem:s17+$0xCAF0]  }
0x13c: {  	v6 =	vadd.f32 v14, v6;
	v9 =	vadd.f32 v15, v9;
	v14 =	vld [tilespmem:s17+$0xCB60]  }
0x13d: {  	v7 =	vadd.f32 v10, v7;
	v8 =	vadd.f32 v11, v8;
	v10 =	vld [tilespmem:s17+$0xCB70]  }
0x13e: {  	v11 =	vadd.f32 v16, v6;
	v9 =	vadd.f32 v17, v9;
	v15 =	vld [tilespmem:s17+$0xCBE0]  }
0x13f: {  	v4 =	vadd.f32 v4, v7;
	v5 =	vadd.f32 v5, v8;
	v16 =	vld [tilespmem:s17+$0xCBF0];
	s17 =	sshra.s32 s19, $0x2  }
0x140: {  	v11 =	vadd.f32 v12, v11;
	v6 =	vld [tilespmem:s17+$0xCB80];
	v9 =	vadd.f32 v13, v9  }
0x141: {  	v3 =	vadd.f32 v3, v4;
	v2 =	vadd.f32 v2, v5;
	v7 =	vld [tilespmem:s17+$0xCB90]  }
0x142: {  	v4 =	vadd.f32 v14, v11;
	v8 =	vld [tilespmem:s17+$0xCBA0];
	v5 =	vadd.f32 v10, v9  }
0x143: {  	v12 =	vadd.f32 v0, v3;
	v19 =	vadd.f32 v1, v2;
	v9 =	vld [tilespmem:s17+$0xCBB0]  }
0x144: {  	v18 =	vadd.f32 v15, v4;
	v0 =	vld [tilespmem:s17+$0xCBC0];
	v17 =	vadd.f32 v16, v5  }
0x145: {  	v1 =	vld [tilespmem:s17+$0xCBD0]  }
0x146: {  	v14 =	vld [tilespmem:s17+$0xCB00]  }
0x147: {  	v16 =	vld [tilespmem:s17+$0xCB10]  }
0x148: {  	v13 =	vld [tilespmem:s17+$0xCB20]  }
0x149: {  	v15 =	vld [tilespmem:s17+$0xCB30]  }
0x14a: {  	v3 =	vld [tilespmem:s17+$0xCB40]  }
0x14b: {  	v2 =	vld [tilespmem:s17+$0xCB50]  }
0x14c: {  	v32 =	vld [tilespmem:s17+$0xCA80]  }
0x14d: {  	v33 =	vld [tilespmem:s17+$0xCA90]  }
0x14e: {  	v34 =	vld [tilespmem:s17+$0xCAA0]  }
0x14f: {  	v35 =	vld [tilespmem:s17+$0xCAB0]  }
0x150: {  	v4 =	vld [tilespmem:s17+$0xCAC0]  }
0x151: {  	v5 =	vld [tilespmem:s17+$0xCAD0]  }
0x152: {  	v30 =	vld [tilespmem:s17+$0xCA00]  }
0x153: {  	v31 =	vld [tilespmem:s17+$0xCA10]  }
0x154: {  	v36 =	vld [tilespmem:s17+$0xCA20]  }
0x155: {  	v37 =	vld [tilespmem:s17+$0xCA30]  }
0x156: {  	v10 =	vld [tilespmem:s17+$0xCA40]  }
0x157: {  	v11 =	vld [tilespmem:s17+$0xCA50]  }
0x158: {  	v28 =	vld [tilespmem:s17+$0xC980]  }
0x159: {  	v29 =	vld [tilespmem:s17+$0xC990]  }
0x15a: {  	v25 =	vld [tilespmem:s17+$0xC900]  }
0x15b: {  	v26 =	vld [tilespmem:s17+$0xC910]  }
0x15c: {  	v20 =	vld [tilespmem:s17+$0xC880]  }
0x15d: {  	v27 =	vld [tilespmem:s17+$0xC890]  }
0x15e: {  	v38 =	vld [tilespmem:s17+$0xC800]  }
0x15f: {  	v39 =	vld [tilespmem:s17+$0xC810]  }
0x160: {  	v40 =	vld [tilespmem:s17+$0xC820]  }
0x161: {  	v41 =	vld [tilespmem:s17+$0xC830]  }
0x162: {  	v42 =	vld [tilespmem:s17+$0xC8A0]  }
0x163: {  	v43 =	vld [tilespmem:s17+$0xC8B0]  }
0x164: {  	v44 =	vld [tilespmem:s17+$0xC920]  }
0x165: {  	v21 =	vadd.f32 v38, v21;
	v22 =	vadd.f32 v39, v22;
	v38 =	vld [tilespmem:s17+$0xC930]  }
0x166: {  	v23 =	vadd.f32 v40, v23;
	v24 =	vadd.f32 v41, v24;
	v39 =	vld [tilespmem:s17+$0xC9A0]  }
0x167: {  	v21 =	vadd.f32 v20, v21;
	v22 =	vadd.f32 v27, v22;
	v40 =	vld [tilespmem:s17+$0xC9B0]  }
0x168: {  	v23 =	vadd.f32 v42, v23;
	v24 =	vadd.f32 v43, v24;
	v20 =	vld [tilespmem:s17+$0xC9C0]  }
0x169: {  	v21 =	vadd.f32 v25, v21;
	v22 =	vadd.f32 v26, v22;
	v25 =	vld [tilespmem:s17+$0xC9D0]  }
0x16a: {  	v23 =	vadd.f32 v44, v23;
	v24 =	vadd.f32 v38, v24;
	v26 =	vld [tilespmem:s17+$0xC940]  }
0x16b: {  	v21 =	vadd.f32 v28, v21;
	v22 =	vadd.f32 v29, v22;
	v27 =	vld [tilespmem:s17+$0xC950]  }
.Ltmp3:
0x16c: {  	v23 =	vadd.f32 v39, v23;
	v28 =	vld [tilespmem:s17+$0xC8C0];
	v24 =	vadd.f32 v40, v24;
	(pc) =	sbr.rel @p2 .LBB2_5-.Ltmp3, $4  }
0x16d: {  	v21 =	vadd.f32 v30, v21;
	v22 =	vadd.f32 v31, v22;
	v29 =	vld [tilespmem:s17+$0xC8D0]  }
0x16e: {  	v23 =	vadd.f32 v36, v23;
	v30 =	vld [tilespmem:s17+$0xC840];
	v24 =	vadd.f32 v37, v24  }
0x16f: {  	v21 =	vadd.f32 v32, v21;
	v22 =	vadd.f32 v33, v22;
	v31 =	vld [tilespmem:s17+$0xC850]  }
0x170: {  	s19 =	sadd.s32 $0x1000, s19;
	v23 =	vadd.f32 v34, v23;
	v32 =	vld [tilespmem:s17+$0xC860];
	v24 =	vadd.f32 v35, v24  }
0x171: {  	v14 =	vadd.f32 v14, v21;
	v16 =	vadd.f32 v16, v22  }
0x172: {  	v33 =	vld [tilespmem:s17+$0xC870];
	v13 =	vadd.f32 v13, v23;
	v15 =	vadd.f32 v15, v24  }
0x173: {  	v21 =	vld [tilespmem:s17+$0xC8E0];
	v6 =	vadd.f32 v6, v14;
	v7 =	vadd.f32 v7, v16  }
0x174: {  	v22 =	vld [tilespmem:s17+$0xC8F0];
	v12 =	vadd.f32 v30, v12;
	v8 =	vadd.f32 v8, v13  }
0x175: {  	v14 =	vld [tilespmem:s17+$0xC960];
	v9 =	vadd.f32 v9, v15;
	v13 =	vadd.f32 v31, v19  }
0x176: {  	v15 =	vld [tilespmem:s17+$0xC970];
	v16 =	vadd.f32 v32, v18;
	v12 =	vadd.f32 v28, v12  }
0x177: {  	v18 =	vld [tilespmem:s17+$0xC9E0];
	v17 =	vadd.f32 v33, v17;
	v13 =	vadd.f32 v29, v13  }
0x178: {  	v19 =	vld [tilespmem:s17+$0xC9F0];
	v16 =	vadd.f32 v21, v16;
	v12 =	vadd.f32 v26, v12  }
0x179: {  	v21 =	vld [tilespmem:s17+$0xCA60];
	v17 =	vadd.f32 v22, v17;
	v13 =	vadd.f32 v27, v13  }
0x17a: {  	v22 =	vld [tilespmem:s17+$0xCA70];
	v14 =	vadd.f32 v14, v16;
	v12 =	vadd.f32 v20, v12  }
0x17b: {  	v16 =	vld [tilespmem:s17+$0xCAE0];
	v15 =	vadd.f32 v15, v17;
	v13 =	vadd.f32 v25, v13  }
0x17c: {  	v17 =	vld [tilespmem:s17+$0xCAF0];
	v14 =	vadd.f32 v18, v14;
	v10 =	vadd.f32 v10, v12  }
0x17d: {  	v18 =	vld [tilespmem:s17+$0xCB60];
	v12 =	vadd.f32 v19, v15;
	v11 =	vadd.f32 v11, v13  }
0x17e: {  	v13 =	vld [tilespmem:s17+$0xCB70];
	v14 =	vadd.f32 v21, v14;
	v4 =	vadd.f32 v4, v10  }
0x17f: {  	v15 =	vld [tilespmem:s17+$0xCBE0];
	v10 =	vadd.f32 v22, v12;
	v5 =	vadd.f32 v5, v11  }
0x180: {  	v11 =	vld [tilespmem:s17+$0xCBF0];
	[tilespmem:$0x1F480] =	vst v6;
	v12 =	vadd.f32 v16, v14;
	v3 =	vadd.f32 v3, v4  }
0x181: {  	[tilespmem:$0x1F490] =	vst v7;
	v4 =	vadd.f32 v17, v10;
	v2 =	vadd.f32 v2, v5  }
0x182: {  	[tilespmem:$0x1F4A0] =	vst v8;
	v5 =	vadd.f32 v18, v12;
	v0 =	vadd.f32 v0, v3  }
0x183: {  	[tilespmem:$0x1F4B0] =	vst v9;
	v3 =	vadd.f32 v13, v4;
	v1 =	vadd.f32 v1, v2  }
0x184: {  	v2 =	vadd.f32 v15, v5;
	[tilespmem:$0x1F4C0] =	vst v0  }
0x185: {  	s15 =	sadd.s32 s15, s4;
	v0 =	vadd.f32 v11, v3;
	[tilespmem:$0x1F4D0] =	vst v1  }
0x186: {  	s14 =	sadd.s32 s14, s15;
	[tilespmem:$0x1F4E0] =	vst v2  }
0x187: {  	s15 =	sadd.s32 $0x10, s14;
	[tilespmem:$0x1F4F0] =	vst v0  }
0x188: {  	[hbm4b:s15+s3] =	stream.linear.scatter [tilespmem:s29], [sflag:$0x5], $0x80, $0x38;
	[tilespmem:$0x1F600] =	vst v63  }
0x189: {  	s19 =	simm.s32 @!p0 $0xC800;
	s17 =	simm.s32 @!p0 $0x28;
	s15 =	sadd.s32 @!p0 $0x3E8, s13  }
0x18a: {  	[tilespmem:s19], [sflag:$0x2] =	stream.indirect.gather @!p0 [hbm4b:s2+s17], $0x80, s15, s17, $0xb8;
	[tilespmem:$0x1F600] =	vst v63  }
0x18b: {  	s15 =	sadd.s32 @!p0 $0x410, s13;
	s19 =	simm.s32 @!p0 $0xDC00  }
0x18c: {  	[tilespmem:s19], [sflag:$0x2] =	stream.indirect.gather @!p0 [hbm4b:s2+s17], $0x80, s15, s17, $0xb8;
	[tilespmem:$0x1F600] =	vst v63  }
0x18d: {  	s15 =	sadd.s32 @!p0 $0x438, s13;
	s19 =	simm.s32 @!p0 $0xF000  }
0x18e: {  	[tilespmem:s19], [sflag:$0x2] =	stream.indirect.gather @!p0 [hbm4b:s2+s17], $0x80, s15, s17, $0xb8;
	[tilespmem:$0x1F600] =	vst v63  }
0x18f: {  	s15 =	sadd.s32 @!p0 $0x460, s13;
	s19 =	simm.s32 @!p0 $0x10400  }
0x190: {  	[tilespmem:s19], [sflag:$0x2] =	stream.indirect.gather @!p0 [hbm4b:s2+s17], $0x80, s15, s17, $0xb8;
	[tilespmem:$0x1F600] =	vst v63  }
0x191: {  	s15 =	sadd.s32 @!p0 $0x488, s13;
	s19 =	simm.s32 @!p0 $0x11800  }
0x192: {  	[tilespmem:s19], [sflag:$0x2] =	stream.indirect.gather @!p0 [hbm4b:s2+s17], $0x80, s15, s17, $0xb8;
	[tilespmem:$0x1F600] =	vst v63  }
0x193: {  	_ =	swait.ge @p1 [sflag:s10], $0x80  }
0x194: {  	[sflag:s10] =	ssyncset.done @p1 $0x0  }
0x195: {  	[sflag:s10] =	ssyncadd.s32 @p1 $0xFFFFFF80  }
0x196: {  	_ =	swait.ge [sflag:s30], $0x1400  }
0x197: {  	[sflag:s30] =	ssyncset.done $0x0  }
0x198: {  	[sflag:s30] =	ssyncadd.s32 $0xFFFFEC00  }
0x199: {  	_ =	swait.ge [sflag:s30], $0x1400  }
0x19a: {  	[sflag:s30] =	ssyncset.done $0x0  }
0x19b: {  	[sflag:s30] =	ssyncadd.s32 $0xFFFFEC00  }
0x19c: {  	_ =	swait.ge [sflag:s30], $0x1400  }
0x19d: {  	[sflag:s30] =	ssyncset.done $0x0  }
0x19e: {  	[sflag:s30] =	ssyncadd.s32 $0xFFFFEC00  }
0x19f: {  	_ =	swait.ge [sflag:s30], $0x1400  }
0x1a0: {  	[sflag:s30] =	ssyncset.done $0x0  }
0x1a1: {  	[sflag:s30] =	ssyncadd.s32 $0xFFFFEC00  }
0x1a2: {  	_ =	swait.ge [sflag:s30], $0x1400  }
0x1a3: {  	[sflag:s30] =	ssyncset.done $0x0  }
0x1a4: {  	s15 =	simm.s32 $0x0;
	[sflag:s30] =	ssyncadd.s32 $0xFFFFEC00  }
0x1a5: {  	v6 =	vld [tilespmem:s15+$0x12F80]  }
0x1a6: {  	v7 =	vld [tilespmem:s15+$0x12F90]  }
0x1a7: {  	v8 =	vld [tilespmem:s15+$0x12FA0]  }
0x1a8: {  	v9 =	vld [tilespmem:s15+$0x12FB0]  }
0x1a9: {  	v0 =	vld [tilespmem:s15+$0x12FC0]  }
0x1aa: {  	v1 =	vld [tilespmem:s15+$0x12FD0]  }
0x1ab: {  	v14 =	vld [tilespmem:s15+$0x12F00]  }
0x1ac: {  	v16 =	vld [tilespmem:s15+$0x12F10]  }
0x1ad: {  	v13 =	vld [tilespmem:s15+$0x12F20]  }
0x1ae: {  	v15 =	vld [tilespmem:s15+$0x12F30]  }
0x1af: {  	v3 =	vld [tilespmem:s15+$0x12F40]  }
0x1b0: {  	v2 =	vld [tilespmem:s15+$0x12F50]  }
0x1b1: {  	v17 =	vld [tilespmem:s15+$0x12E80]  }
0x1b2: {  	v18 =	vld [tilespmem:s15+$0x12E90]  }
0x1b3: {  	v19 =	vld [tilespmem:s15+$0x12EA0]  }
0x1b4: {  	v24 =	vld [tilespmem:s15+$0x12EB0]  }
0x1b5: {  	v4 =	vld [tilespmem:s15+$0x12EC0]  }
0x1b6: {  	v5 =	vld [tilespmem:s15+$0x12ED0]  }
0x1b7: {  	v21 =	vld [tilespmem:s15+$0x12E00]  }
0x1b8: {  	v22 =	vld [tilespmem:s15+$0x12E10]  }
0x1b9: {  	v23 =	vld [tilespmem:s15+$0x12E20]  }
0x1ba: {  	v30 =	vld [tilespmem:s15+$0x12E30]  }
0x1bb: {  	v10 =	vld [tilespmem:s15+$0x12E40]  }
0x1bc: {  	v27 =	vld [tilespmem:s15+$0x12D80]  }
0x1bd: {  	v28 =	vld [tilespmem:s15+$0x12D90]  }
0x1be: {  	v25 =	vld [tilespmem:s15+$0x12D00]  }
0x1bf: {  	v26 =	vld [tilespmem:s15+$0x12D10]  }
0x1c0: {  	v11 =	vld [tilespmem:s15+$0x12C80]  }
0x1c1: {  	v20 =	vld [tilespmem:s15+$0x12C90]  }
0x1c2: {  	v29 =	vld [tilespmem:s15+$0x12C00]  }
0x1c3: {  	v31 =	vld [tilespmem:s15+$0x12C10]  }
0x1c4: {  	v61 =	vld [tilespmem:s15+$0x12C20]  }
0x1c5: {  	v62 =	vld [tilespmem:s15+$0x12C30]  }
0x1c6: {  	v34 =	vld [tilespmem:s15+$0x12CA0]  }
0x1c7: {  	v35 =	vld [tilespmem:s15+$0x12CB0]  }
0x1c8: {  	v12 =	vimm.f32 $0.0e+00;
	v36 =	vld [tilespmem:s15+$0x12D20]  }
0x1c9: {  	v37 =	vld [tilespmem:s15+$0x12D30];
	v29 =	vadd.f32 v29, v12;
	v31 =	vadd.f32 v31, v12  }
0x1ca: {  	v38 =	vld [tilespmem:s15+$0x12DA0];
	v32 =	vadd.f32 v61, v12;
	v33 =	vadd.f32 v62, v12  }
0x1cb: {  	v39 =	vld [tilespmem:s15+$0x12DB0];
	v29 =	vadd.f32 v11, v29;
	v31 =	vadd.f32 v20, v31  }
0x1cc: {  	v11 =	vld [tilespmem:s15+$0x12E50];
	v32 =	vadd.f32 v34, v32;
	v33 =	vadd.f32 v35, v33  }
0x1cd: {  	v20 =	vld [tilespmem:s15+$0x12DC0];
	v29 =	vadd.f32 v25, v29;
	v31 =	vadd.f32 v26, v31  }
0x1ce: {  	v25 =	vld [tilespmem:s15+$0x12DD0];
	v32 =	vadd.f32 v36, v32;
	v33 =	vadd.f32 v37, v33  }
0x1cf: {  	v26 =	vld [tilespmem:s15+$0x12D40];
	v29 =	vadd.f32 v27, v29;
	v31 =	vadd.f32 v28, v31  }
0x1d0: {  	v27 =	vld [tilespmem:s15+$0x12D50];
	v32 =	vadd.f32 v38, v32;
	v33 =	vadd.f32 v39, v33  }
0x1d1: {  	v28 =	vld [tilespmem:s15+$0x12CC0];
	v21 =	vadd.f32 v21, v29;
	v22 =	vadd.f32 v22, v31  }
0x1d2: {  	v29 =	vld [tilespmem:s15+$0x12CD0];
	v23 =	vadd.f32 v23, v32;
	v63 =	vadd.f32 v30, v33  }
0x1d3: {  	v30 =	vld [tilespmem:s15+$0x12C40];
	v21 =	vadd.f32 v17, v21;
	v22 =	vadd.f32 v18, v22  }
0x1d4: {  	v31 =	vld [tilespmem:s15+$0x12C50];
	v23 =	vadd.f32 v19, v23;
	v24 =	vadd.f32 v24, v63  }
0x1d5: {  	s17 =	simm.s32 $0x1000;
	v32 =	vld [tilespmem:s15+$0x12C60];
	v19 =	vimm.f32 $0.0e+00;
	v18 =	vimm.f32 $0.0e+00;
	v17 =	vimm.f32 $0.0e+00  }
.LBB2_7:
0x1d6: {  	p2 =	sne.s32 s17, $0x18000;
	v33 =	vld [tilespmem:s15+$0x12C70];
	v14 =	vadd.f32 v14, v21;
	v16 =	vadd.f32 v16, v22  }
0x1d7: {  	v34 =	vld [tilespmem:s15+$0x12CE0];
	v13 =	vadd.f32 v13, v23;
	v15 =	vadd.f32 v15, v24  }
0x1d8: {  	v35 =	vld [tilespmem:s15+$0x12CF0];
	v21 =	vadd.f32 v6, v14;
	v22 =	vadd.f32 v7, v16  }
0x1d9: {  	v6 =	vld [tilespmem:s15+$0x12D60];
	v23 =	vadd.f32 v8, v13;
	v24 =	vadd.f32 v9, v15  }
0x1da: {  	v7 =	vadd.f32 v30, v12;
	v8 =	vadd.f32 v31, v19;
	v9 =	vld [tilespmem:s15+$0x12D70]  }
0x1db: {  	v12 =	vadd.f32 v32, v18;
	v13 =	vadd.f32 v33, v17;
	v14 =	vld [tilespmem:s15+$0x12DE0]  }
0x1dc: {  	v7 =	vadd.f32 v28, v7;
	v8 =	vadd.f32 v29, v8;
	v15 =	vld [tilespmem:s15+$0x12DF0]  }
0x1dd: {  	v12 =	vadd.f32 v34, v12;
	v13 =	vadd.f32 v35, v13;
	v16 =	vld [tilespmem:s15+$0x12E60]  }
0x1de: {  	v7 =	vadd.f32 v26, v7;
	v8 =	vadd.f32 v27, v8;
	v17 =	vld [tilespmem:s15+$0x12E70]  }
0x1df: {  	v6 =	vadd.f32 v6, v12;
	v9 =	vadd.f32 v9, v13;
	v12 =	vld [tilespmem:s15+$0x12EE0]  }
0x1e0: {  	v7 =	vadd.f32 v20, v7;
	v8 =	vadd.f32 v25, v8;
	v13 =	vld [tilespmem:s15+$0x12EF0]  }
0x1e1: {  	v6 =	vadd.f32 v14, v6;
	v9 =	vadd.f32 v15, v9;
	v14 =	vld [tilespmem:s15+$0x12F60]  }
0x1e2: {  	v7 =	vadd.f32 v10, v7;
	v8 =	vadd.f32 v11, v8;
	v10 =	vld [tilespmem:s15+$0x12F70]  }
0x1e3: {  	v11 =	vadd.f32 v16, v6;
	v9 =	vadd.f32 v17, v9;
	v15 =	vld [tilespmem:s15+$0x12FE0]  }
0x1e4: {  	v4 =	vadd.f32 v4, v7;
	v5 =	vadd.f32 v5, v8;
	v16 =	vld [tilespmem:s15+$0x12FF0];
	s15 =	sshra.s32 s17, $0x2  }
0x1e5: {  	v11 =	vadd.f32 v12, v11;
	v6 =	vld [tilespmem:s15+$0x12F80];
	v9 =	vadd.f32 v13, v9  }
0x1e6: {  	v3 =	vadd.f32 v3, v4;
	v2 =	vadd.f32 v2, v5;
	v7 =	vld [tilespmem:s15+$0x12F90]  }
0x1e7: {  	v4 =	vadd.f32 v14, v11;
	v8 =	vld [tilespmem:s15+$0x12FA0];
	v5 =	vadd.f32 v10, v9  }
0x1e8: {  	v12 =	vadd.f32 v0, v3;
	v19 =	vadd.f32 v1, v2;
	v9 =	vld [tilespmem:s15+$0x12FB0]  }
0x1e9: {  	v18 =	vadd.f32 v15, v4;
	v0 =	vld [tilespmem:s15+$0x12FC0];
	v17 =	vadd.f32 v16, v5  }
0x1ea: {  	v1 =	vld [tilespmem:s15+$0x12FD0]  }
0x1eb: {  	v14 =	vld [tilespmem:s15+$0x12F00]  }
0x1ec: {  	v16 =	vld [tilespmem:s15+$0x12F10]  }
0x1ed: {  	v13 =	vld [tilespmem:s15+$0x12F20]  }
0x1ee: {  	v15 =	vld [tilespmem:s15+$0x12F30]  }
0x1ef: {  	v3 =	vld [tilespmem:s15+$0x12F40]  }
0x1f0: {  	v2 =	vld [tilespmem:s15+$0x12F50]  }
0x1f1: {  	v32 =	vld [tilespmem:s15+$0x12E80]  }
0x1f2: {  	v33 =	vld [tilespmem:s15+$0x12E90]  }
0x1f3: {  	v34 =	vld [tilespmem:s15+$0x12EA0]  }
0x1f4: {  	v35 =	vld [tilespmem:s15+$0x12EB0]  }
0x1f5: {  	v4 =	vld [tilespmem:s15+$0x12EC0]  }
0x1f6: {  	v5 =	vld [tilespmem:s15+$0x12ED0]  }
0x1f7: {  	v30 =	vld [tilespmem:s15+$0x12E00]  }
0x1f8: {  	v31 =	vld [tilespmem:s15+$0x12E10]  }
0x1f9: {  	v36 =	vld [tilespmem:s15+$0x12E20]  }
0x1fa: {  	v37 =	vld [tilespmem:s15+$0x12E30]  }
0x1fb: {  	v10 =	vld [tilespmem:s15+$0x12E40]  }
0x1fc: {  	v11 =	vld [tilespmem:s15+$0x12E50]  }
0x1fd: {  	v28 =	vld [tilespmem:s15+$0x12D80]  }
0x1fe: {  	v29 =	vld [tilespmem:s15+$0x12D90]  }
0x1ff: {  	v25 =	vld [tilespmem:s15+$0x12D00]  }
0x200: {  	v26 =	vld [tilespmem:s15+$0x12D10]  }
0x201: {  	v20 =	vld [tilespmem:s15+$0x12C80]  }
0x202: {  	v27 =	vld [tilespmem:s15+$0x12C90]  }
0x203: {  	v38 =	vld [tilespmem:s15+$0x12C00]  }
0x204: {  	v39 =	vld [tilespmem:s15+$0x12C10]  }
0x205: {  	v40 =	vld [tilespmem:s15+$0x12C20]  }
0x206: {  	v41 =	vld [tilespmem:s15+$0x12C30]  }
0x207: {  	v42 =	vld [tilespmem:s15+$0x12CA0]  }
0x208: {  	v43 =	vld [tilespmem:s15+$0x12CB0]  }
0x209: {  	v44 =	vld [tilespmem:s15+$0x12D20]  }
0x20a: {  	v21 =	vadd.f32 v38, v21;
	v22 =	vadd.f32 v39, v22;
	v38 =	vld [tilespmem:s15+$0x12D30]  }
0x20b: {  	v23 =	vadd.f32 v40, v23;
	v24 =	vadd.f32 v41, v24;
	v39 =	vld [tilespmem:s15+$0x12DA0]  }
0x20c: {  	v21 =	vadd.f32 v20, v21;
	v22 =	vadd.f32 v27, v22;
	v40 =	vld [tilespmem:s15+$0x12DB0]  }
0x20d: {  	v23 =	vadd.f32 v42, v23;
	v24 =	vadd.f32 v43, v24;
	v20 =	vld [tilespmem:s15+$0x12DC0]  }
0x20e: {  	v21 =	vadd.f32 v25, v21;
	v22 =	vadd.f32 v26, v22;
	v25 =	vld [tilespmem:s15+$0x12DD0]  }
0x20f: {  	v23 =	vadd.f32 v44, v23;
	v24 =	vadd.f32 v38, v24;
	v26 =	vld [tilespmem:s15+$0x12D40]  }
0x210: {  	v21 =	vadd.f32 v28, v21;
	v22 =	vadd.f32 v29, v22;
	v27 =	vld [tilespmem:s15+$0x12D50]  }
.Ltmp4:
0x211: {  	v23 =	vadd.f32 v39, v23;
	v28 =	vld [tilespmem:s15+$0x12CC0];
	v24 =	vadd.f32 v40, v24;
	(pc) =	sbr.rel @p2 .LBB2_7-.Ltmp4, $4  }
0x212: {  	v21 =	vadd.f32 v30, v21;
	v22 =	vadd.f32 v31, v22;
	v29 =	vld [tilespmem:s15+$0x12CD0]  }
0x213: {  	v23 =	vadd.f32 v36, v23;
	v30 =	vld [tilespmem:s15+$0x12C40];
	v24 =	vadd.f32 v37, v24  }
0x214: {  	v21 =	vadd.f32 v32, v21;
	v22 =	vadd.f32 v33, v22;
	v31 =	vld [tilespmem:s15+$0x12C50]  }
0x215: {  	s17 =	sadd.s32 $0x1000, s17;
	v23 =	vadd.f32 v34, v23;
	v32 =	vld [tilespmem:s15+$0x12C60];
	v24 =	vadd.f32 v35, v24  }
0x216: {  	v14 =	vadd.f32 v14, v21;
	v16 =	vadd.f32 v16, v22  }
0x217: {  	v33 =	vld [tilespmem:s15+$0x12C70];
	v13 =	vadd.f32 v13, v23;
	v15 =	vadd.f32 v15, v24  }
0x218: {  	v21 =	vld [tilespmem:s15+$0x12CE0];
	v6 =	vadd.f32 v6, v14;
	v7 =	vadd.f32 v7, v16  }
0x219: {  	v22 =	vld [tilespmem:s15+$0x12CF0];
	v12 =	vadd.f32 v30, v12;
	v8 =	vadd.f32 v8, v13  }
0x21a: {  	v14 =	vld [tilespmem:s15+$0x12D60];
	v9 =	vadd.f32 v9, v15;
	v13 =	vadd.f32 v31, v19  }
0x21b: {  	v15 =	vld [tilespmem:s15+$0x12D70];
	v16 =	vadd.f32 v32, v18;
	v12 =	vadd.f32 v28, v12  }
0x21c: {  	v18 =	vld [tilespmem:s15+$0x12DE0];
	v17 =	vadd.f32 v33, v17;
	v13 =	vadd.f32 v29, v13  }
0x21d: {  	v19 =	vld [tilespmem:s15+$0x12DF0];
	v16 =	vadd.f32 v21, v16;
	v12 =	vadd.f32 v26, v12  }
0x21e: {  	v21 =	vld [tilespmem:s15+$0x12E60];
	v17 =	vadd.f32 v22, v17;
	v13 =	vadd.f32 v27, v13  }
0x21f: {  	v22 =	vld [tilespmem:s15+$0x12E70];
	v14 =	vadd.f32 v14, v16;
	v12 =	vadd.f32 v20, v12  }
0x220: {  	v16 =	vld [tilespmem:s15+$0x12EE0];
	v15 =	vadd.f32 v15, v17;
	v13 =	vadd.f32 v25, v13  }
0x221: {  	v17 =	vld [tilespmem:s15+$0x12EF0];
	v14 =	vadd.f32 v18, v14;
	v10 =	vadd.f32 v10, v12  }
0x222: {  	v18 =	vld [tilespmem:s15+$0x12F60];
	v12 =	vadd.f32 v19, v15;
	v11 =	vadd.f32 v11, v13  }
0x223: {  	v13 =	vld [tilespmem:s15+$0x12F70];
	v14 =	vadd.f32 v21, v14;
	v4 =	vadd.f32 v4, v10  }
0x224: {  	v15 =	vld [tilespmem:s15+$0x12FE0];
	v10 =	vadd.f32 v22, v12;
	v5 =	vadd.f32 v5, v11  }
0x225: {  	v11 =	vld [tilespmem:s15+$0x12FF0];
	[tilespmem:$0x1F500] =	vst v6;
	v12 =	vadd.f32 v16, v14;
	v3 =	vadd.f32 v3, v4  }
0x226: {  	[tilespmem:$0x1F510] =	vst v7;
	v4 =	vadd.f32 v17, v10;
	v2 =	vadd.f32 v2, v5  }
0x227: {  	[tilespmem:$0x1F520] =	vst v8;
	v5 =	vadd.f32 v18, v12;
	v0 =	vadd.f32 v0, v3  }
0x228: {  	[tilespmem:$0x1F530] =	vst v9;
	v3 =	vadd.f32 v13, v4;
	v1 =	vadd.f32 v1, v2  }
0x229: {  	v2 =	vadd.f32 v15, v5;
	[tilespmem:$0x1F540] =	vst v0  }
0x22a: {  	v0 =	vadd.f32 v11, v3;
	[tilespmem:$0x1F550] =	vst v1  }
0x22b: {  	[tilespmem:$0x1F560] =	vst v2  }
0x22c: {  	s21 =	sadd.s32 $0x20, s14;
	[tilespmem:$0x1F570] =	vst v0  }
0x22d: {  	[hbm4b:s21+s3] =	stream.linear.scatter [tilespmem:s31], [sflag:$0x5], $0x80, $0x38;
	[tilespmem:$0x1F600] =	vst v63  }
0x22e: {  	s17 =	simm.s32 @!p0 $0x28;
	s19 =	simm.s32 @!p0 $0x12C00;
	s15 =	sadd.s32 @!p0 $0x4B0, s13  }
0x22f: {  	[tilespmem:s19], [sflag:$0x3] =	stream.indirect.gather @!p0 [hbm4b:s2+s17], $0x80, s15, s17, $0xb8;
	[tilespmem:$0x1F600] =	vst v63  }
0x230: {  	s15 =	sadd.s32 @!p0 $0x4D8, s13;
	s19 =	simm.s32 @!p0 $0x14000  }
0x231: {  	[tilespmem:s19], [sflag:$0x3] =	stream.indirect.gather @!p0 [hbm4b:s2+s17], $0x80, s15, s17, $0xb8;
	[tilespmem:$0x1F600] =	vst v63  }
0x232: {  	s15 =	sadd.s32 @!p0 $0x500, s13;
	s19 =	simm.s32 @!p0 $0x15400  }
0x233: {  	[tilespmem:s19], [sflag:$0x3] =	stream.indirect.gather @!p0 [hbm4b:s2+s17], $0x80, s15, s17, $0xb8;
	[tilespmem:$0x1F600] =	vst v63  }
0x234: {  	s15 =	sadd.s32 @!p0 $0x528, s13;
	s19 =	simm.s32 @!p0 $0x16800  }
0x235: {  	[tilespmem:s19], [sflag:$0x3] =	stream.indirect.gather @!p0 [hbm4b:s2+s17], $0x80, s15, s17, $0xb8;
	[tilespmem:$0x1F600] =	vst v63  }
0x236: {  	s13 =	sadd.s32 @!p0 $0x550, s13;
	s15 =	simm.s32 @!p0 $0x17C00  }
0x237: {  	[tilespmem:s15], [sflag:$0x3] =	stream.indirect.gather @!p0 [hbm4b:s2+s17], $0x80, s13, s17, $0xb8;
	[tilespmem:$0x1F600] =	vst v63  }
0x238: {  	_ =	swait.ge @p1 [sflag:s10], $0x80  }
0x239: {  	[sflag:s10] =	ssyncset.done @p1 $0x0  }
0x23a: {  	[sflag:s10] =	ssyncadd.s32 @p1 $0xFFFFFF80  }
0x23b: {  	_ =	swait.ge [sflag:s1], $0x1400  }
0x23c: {  	[sflag:s1] =	ssyncset.done $0x0  }
0x23d: {  	[sflag:s1] =	ssyncadd.s32 $0xFFFFEC00  }
0x23e: {  	_ =	swait.ge [sflag:s1], $0x1400  }
0x23f: {  	[sflag:s1] =	ssyncset.done $0x0  }
0x240: {  	[sflag:s1] =	ssyncadd.s32 $0xFFFFEC00  }
0x241: {  	_ =	swait.ge [sflag:s1], $0x1400  }
0x242: {  	[sflag:s1] =	ssyncset.done $0x0  }
0x243: {  	[sflag:s1] =	ssyncadd.s32 $0xFFFFEC00  }
0x244: {  	_ =	swait.ge [sflag:s1], $0x1400  }
0x245: {  	[sflag:s1] =	ssyncset.done $0x0  }
0x246: {  	[sflag:s1] =	ssyncadd.s32 $0xFFFFEC00  }
0x247: {  	_ =	swait.ge [sflag:s1], $0x1400  }
0x248: {  	[sflag:s1] =	ssyncset.done $0x0  }
0x249: {  	s13 =	simm.s32 $0x0;
	[sflag:s1] =	ssyncadd.s32 $0xFFFFEC00  }
0x24a: {  	v6 =	vld [tilespmem:s13+$0x19380]  }
0x24b: {  	v7 =	vld [tilespmem:s13+$0x19390]  }
0x24c: {  	v8 =	vld [tilespmem:s13+$0x193A0]  }
0x24d: {  	v9 =	vld [tilespmem:s13+$0x193B0]  }
0x24e: {  	v0 =	vld [tilespmem:s13+$0x193C0]  }
0x24f: {  	v1 =	vld [tilespmem:s13+$0x193D0]  }
0x250: {  	v14 =	vld [tilespmem:s13+$0x19300]  }
0x251: {  	v16 =	vld [tilespmem:s13+$0x19310]  }
0x252: {  	v13 =	vld [tilespmem:s13+$0x19320]  }
0x253: {  	v15 =	vld [tilespmem:s13+$0x19330]  }
0x254: {  	v3 =	vld [tilespmem:s13+$0x19340]  }
0x255: {  	v2 =	vld [tilespmem:s13+$0x19350]  }
0x256: {  	v17 =	vld [tilespmem:s13+$0x19280]  }
0x257: {  	v18 =	vld [tilespmem:s13+$0x19290]  }
0x258: {  	v19 =	vld [tilespmem:s13+$0x192A0]  }
0x259: {  	v24 =	vld [tilespmem:s13+$0x192B0]  }
0x25a: {  	v4 =	vld [tilespmem:s13+$0x192C0]  }
0x25b: {  	v5 =	vld [tilespmem:s13+$0x192D0]  }
0x25c: {  	v21 =	vld [tilespmem:s13+$0x19200]  }
0x25d: {  	v22 =	vld [tilespmem:s13+$0x19210]  }
0x25e: {  	v23 =	vld [tilespmem:s13+$0x19220]  }
0x25f: {  	v30 =	vld [tilespmem:s13+$0x19230]  }
0x260: {  	v10 =	vld [tilespmem:s13+$0x19240]  }
0x261: {  	v27 =	vld [tilespmem:s13+$0x19180]  }
0x262: {  	v28 =	vld [tilespmem:s13+$0x19190]  }
0x263: {  	v25 =	vld [tilespmem:s13+$0x19100]  }
0x264: {  	v26 =	vld [tilespmem:s13+$0x19110]  }
0x265: {  	v11 =	vld [tilespmem:s13+$0x19080]  }
0x266: {  	v20 =	vld [tilespmem:s13+$0x19090]  }
0x267: {  	v29 =	vld [tilespmem:s13+$0x19000]  }
0x268: {  	v31 =	vld [tilespmem:s13+$0x19010]  }
0x269: {  	v61 =	vld [tilespmem:s13+$0x19020]  }
0x26a: {  	v62 =	vld [tilespmem:s13+$0x19030]  }
0x26b: {  	v34 =	vld [tilespmem:s13+$0x190A0]  }
0x26c: {  	v35 =	vld [tilespmem:s13+$0x190B0]  }
0x26d: {  	v12 =	vimm.f32 $0.0e+00;
	v36 =	vld [tilespmem:s13+$0x19120]  }
0x26e: {  	v37 =	vld [tilespmem:s13+$0x19130];
	v29 =	vadd.f32 v29, v12;
	v31 =	vadd.f32 v31, v12  }
0x26f: {  	v38 =	vld [tilespmem:s13+$0x191A0];
	v32 =	vadd.f32 v61, v12;
	v33 =	vadd.f32 v62, v12  }
0x270: {  	v39 =	vld [tilespmem:s13+$0x191B0];
	v29 =	vadd.f32 v11, v29;
	v31 =	vadd.f32 v20, v31  }
0x271: {  	v11 =	vld [tilespmem:s13+$0x19250];
	v32 =	vadd.f32 v34, v32;
	v33 =	vadd.f32 v35, v33  }
0x272: {  	v20 =	vld [tilespmem:s13+$0x191C0];
	v29 =	vadd.f32 v25, v29;
	v31 =	vadd.f32 v26, v31  }
0x273: {  	v25 =	vld [tilespmem:s13+$0x191D0];
	v32 =	vadd.f32 v36, v32;
	v33 =	vadd.f32 v37, v33  }
0x274: {  	v26 =	vld [tilespmem:s13+$0x19140];
	v29 =	vadd.f32 v27, v29;
	v31 =	vadd.f32 v28, v31  }
0x275: {  	v27 =	vld [tilespmem:s13+$0x19150];
	v32 =	vadd.f32 v38, v32;
	v33 =	vadd.f32 v39, v33  }
0x276: {  	v28 =	vld [tilespmem:s13+$0x190C0];
	v21 =	vadd.f32 v21, v29;
	v22 =	vadd.f32 v22, v31  }
0x277: {  	v29 =	vld [tilespmem:s13+$0x190D0];
	v23 =	vadd.f32 v23, v32;
	v63 =	vadd.f32 v30, v33  }
0x278: {  	v30 =	vld [tilespmem:s13+$0x19040];
	v21 =	vadd.f32 v17, v21;
	v22 =	vadd.f32 v18, v22  }
0x279: {  	v31 =	vld [tilespmem:s13+$0x19050];
	v23 =	vadd.f32 v19, v23;
	v24 =	vadd.f32 v24, v63  }
0x27a: {  	s15 =	simm.s32 $0x1000;
	v32 =	vld [tilespmem:s13+$0x19060];
	v19 =	vimm.f32 $0.0e+00;
	v18 =	vimm.f32 $0.0e+00;
	v17 =	vimm.f32 $0.0e+00  }
.LBB2_9:
0x27b: {  	p1 =	sne.s32 s15, $0x18000;
	v33 =	vld [tilespmem:s13+$0x19070];
	v14 =	vadd.f32 v14, v21;
	v16 =	vadd.f32 v16, v22  }
0x27c: {  	v34 =	vld [tilespmem:s13+$0x190E0];
	v13 =	vadd.f32 v13, v23;
	v15 =	vadd.f32 v15, v24  }
0x27d: {  	v35 =	vld [tilespmem:s13+$0x190F0];
	v21 =	vadd.f32 v6, v14;
	v22 =	vadd.f32 v7, v16  }
0x27e: {  	v6 =	vld [tilespmem:s13+$0x19160];
	v23 =	vadd.f32 v8, v13;
	v24 =	vadd.f32 v9, v15  }
0x27f: {  	v7 =	vadd.f32 v30, v12;
	v8 =	vadd.f32 v31, v19;
	v9 =	vld [tilespmem:s13+$0x19170]  }
0x280: {  	v12 =	vadd.f32 v32, v18;
	v13 =	vadd.f32 v33, v17;
	v14 =	vld [tilespmem:s13+$0x191E0]  }
0x281: {  	v7 =	vadd.f32 v28, v7;
	v8 =	vadd.f32 v29, v8;
	v15 =	vld [tilespmem:s13+$0x191F0]  }
0x282: {  	v12 =	vadd.f32 v34, v12;
	v13 =	vadd.f32 v35, v13;
	v16 =	vld [tilespmem:s13+$0x19260]  }
0x283: {  	v7 =	vadd.f32 v26, v7;
	v8 =	vadd.f32 v27, v8;
	v17 =	vld [tilespmem:s13+$0x19270]  }
0x284: {  	v6 =	vadd.f32 v6, v12;
	v9 =	vadd.f32 v9, v13;
	v12 =	vld [tilespmem:s13+$0x192E0]  }
0x285: {  	v7 =	vadd.f32 v20, v7;
	v8 =	vadd.f32 v25, v8;
	v13 =	vld [tilespmem:s13+$0x192F0]  }
0x286: {  	v6 =	vadd.f32 v14, v6;
	v9 =	vadd.f32 v15, v9;
	v14 =	vld [tilespmem:s13+$0x19360]  }
0x287: {  	v7 =	vadd.f32 v10, v7;
	v8 =	vadd.f32 v11, v8;
	v10 =	vld [tilespmem:s13+$0x19370]  }
0x288: {  	v11 =	vadd.f32 v16, v6;
	v9 =	vadd.f32 v17, v9;
	v15 =	vld [tilespmem:s13+$0x193E0]  }
0x289: {  	v4 =	vadd.f32 v4, v7;
	v5 =	vadd.f32 v5, v8;
	v16 =	vld [tilespmem:s13+$0x193F0];
	s13 =	sshra.s32 s15, $0x2  }
0x28a: {  	v11 =	vadd.f32 v12, v11;
	v6 =	vld [tilespmem:s13+$0x19380];
	v9 =	vadd.f32 v13, v9  }
0x28b: {  	v3 =	vadd.f32 v3, v4;
	v2 =	vadd.f32 v2, v5;
	v7 =	vld [tilespmem:s13+$0x19390]  }
0x28c: {  	v4 =	vadd.f32 v14, v11;
	v8 =	vld [tilespmem:s13+$0x193A0];
	v5 =	vadd.f32 v10, v9  }
0x28d: {  	v12 =	vadd.f32 v0, v3;
	v19 =	vadd.f32 v1, v2;
	v9 =	vld [tilespmem:s13+$0x193B0]  }
0x28e: {  	v18 =	vadd.f32 v15, v4;
	v0 =	vld [tilespmem:s13+$0x193C0];
	v17 =	vadd.f32 v16, v5  }
0x28f: {  	v1 =	vld [tilespmem:s13+$0x193D0]  }
0x290: {  	v14 =	vld [tilespmem:s13+$0x19300]  }
0x291: {  	v16 =	vld [tilespmem:s13+$0x19310]  }
0x292: {  	v13 =	vld [tilespmem:s13+$0x19320]  }
0x293: {  	v15 =	vld [tilespmem:s13+$0x19330]  }
0x294: {  	v3 =	vld [tilespmem:s13+$0x19340]  }
0x295: {  	v2 =	vld [tilespmem:s13+$0x19350]  }
0x296: {  	v32 =	vld [tilespmem:s13+$0x19280]  }
0x297: {  	v33 =	vld [tilespmem:s13+$0x19290]  }
0x298: {  	v34 =	vld [tilespmem:s13+$0x192A0]  }
0x299: {  	v35 =	vld [tilespmem:s13+$0x192B0]  }
0x29a: {  	v4 =	vld [tilespmem:s13+$0x192C0]  }
0x29b: {  	v5 =	vld [tilespmem:s13+$0x192D0]  }
0x29c: {  	v30 =	vld [tilespmem:s13+$0x19200]  }
0x29d: {  	v31 =	vld [tilespmem:s13+$0x19210]  }
0x29e: {  	v36 =	vld [tilespmem:s13+$0x19220]  }
0x29f: {  	v37 =	vld [tilespmem:s13+$0x19230]  }
0x2a0: {  	v10 =	vld [tilespmem:s13+$0x19240]  }
0x2a1: {  	v11 =	vld [tilespmem:s13+$0x19250]  }
0x2a2: {  	v28 =	vld [tilespmem:s13+$0x19180]  }
0x2a3: {  	v29 =	vld [tilespmem:s13+$0x19190]  }
0x2a4: {  	v25 =	vld [tilespmem:s13+$0x19100]  }
0x2a5: {  	v26 =	vld [tilespmem:s13+$0x19110]  }
0x2a6: {  	v20 =	vld [tilespmem:s13+$0x19080]  }
0x2a7: {  	v27 =	vld [tilespmem:s13+$0x19090]  }
0x2a8: {  	v38 =	vld [tilespmem:s13+$0x19000]  }
0x2a9: {  	v39 =	vld [tilespmem:s13+$0x19010]  }
0x2aa: {  	v40 =	vld [tilespmem:s13+$0x19020]  }
0x2ab: {  	v41 =	vld [tilespmem:s13+$0x19030]  }
0x2ac: {  	v42 =	vld [tilespmem:s13+$0x190A0]  }
0x2ad: {  	v43 =	vld [tilespmem:s13+$0x190B0]  }
0x2ae: {  	v44 =	vld [tilespmem:s13+$0x19120]  }
0x2af: {  	v21 =	vadd.f32 v38, v21;
	v22 =	vadd.f32 v39, v22;
	v38 =	vld [tilespmem:s13+$0x19130]  }
0x2b0: {  	v23 =	vadd.f32 v40, v23;
	v24 =	vadd.f32 v41, v24;
	v39 =	vld [tilespmem:s13+$0x191A0]  }
0x2b1: {  	v21 =	vadd.f32 v20, v21;
	v22 =	vadd.f32 v27, v22;
	v40 =	vld [tilespmem:s13+$0x191B0]  }
0x2b2: {  	v23 =	vadd.f32 v42, v23;
	v24 =	vadd.f32 v43, v24;
	v20 =	vld [tilespmem:s13+$0x191C0]  }
0x2b3: {  	v21 =	vadd.f32 v25, v21;
	v22 =	vadd.f32 v26, v22;
	v25 =	vld [tilespmem:s13+$0x191D0]  }
0x2b4: {  	v23 =	vadd.f32 v44, v23;
	v24 =	vadd.f32 v38, v24;
	v26 =	vld [tilespmem:s13+$0x19140]  }
0x2b5: {  	v21 =	vadd.f32 v28, v21;
	v22 =	vadd.f32 v29, v22;
	v27 =	vld [tilespmem:s13+$0x19150]  }
.Ltmp5:
0x2b6: {  	v23 =	vadd.f32 v39, v23;
	v28 =	vld [tilespmem:s13+$0x190C0];
	v24 =	vadd.f32 v40, v24;
	(pc) =	sbr.rel @p1 .LBB2_9-.Ltmp5, $4  }
0x2b7: {  	v21 =	vadd.f32 v30, v21;
	v22 =	vadd.f32 v31, v22;
	v29 =	vld [tilespmem:s13+$0x190D0]  }
0x2b8: {  	v23 =	vadd.f32 v36, v23;
	v30 =	vld [tilespmem:s13+$0x19040];
	v24 =	vadd.f32 v37, v24  }
0x2b9: {  	v21 =	vadd.f32 v32, v21;
	v22 =	vadd.f32 v33, v22;
	v31 =	vld [tilespmem:s13+$0x19050]  }
0x2ba: {  	s15 =	sadd.s32 $0x1000, s15;
	v23 =	vadd.f32 v34, v23;
	v32 =	vld [tilespmem:s13+$0x19060];
	v24 =	vadd.f32 v35, v24  }
0x2bb: {  	v14 =	vadd.f32 v14, v21;
	v16 =	vadd.f32 v16, v22  }
0x2bc: {  	v33 =	vld [tilespmem:s13+$0x19070];
	v13 =	vadd.f32 v13, v23;
	v15 =	vadd.f32 v15, v24  }
0x2bd: {  	v40 =	vld [tilespmem:s13+$0x190E0];
	v6 =	vadd.f32 v6, v14;
	v7 =	vadd.f32 v7, v16  }
0x2be: {  	v41 =	vld [tilespmem:s13+$0x190F0];
	v12 =	vadd.f32 v30, v12;
	v8 =	vadd.f32 v8, v13  }
0x2bf: {  	v42 =	vld [tilespmem:s13+$0x19160];
	v9 =	vadd.f32 v9, v15;
	v43 =	vadd.f32 v31, v19  }
0x2c0: {  	v44 =	vld [tilespmem:s13+$0x19170];
	v45 =	vadd.f32 v32, v18;
	v12 =	vadd.f32 v28, v12  }
0x2c1: {  	v46 =	vld [tilespmem:s13+$0x191E0];
	v17 =	vadd.f32 v33, v17;
	v13 =	vadd.f32 v29, v43  }
0x2c2: {  	v47 =	vld [tilespmem:s13+$0x191F0];
	v16 =	vadd.f32 v40, v45;
	v12 =	vadd.f32 v26, v12  }
0x2c3: {  	v48 =	vld [tilespmem:s13+$0x19260];
	v17 =	vadd.f32 v41, v17;
	v13 =	vadd.f32 v27, v13  }
0x2c4: {  	v49 =	vld [tilespmem:s13+$0x19270];
	v14 =	vadd.f32 v42, v16;
	v12 =	vadd.f32 v20, v12  }
0x2c5: {  	v50 =	vld [tilespmem:s13+$0x192E0];
	v15 =	vadd.f32 v44, v17;
	v13 =	vadd.f32 v25, v13  }
0x2c6: {  	v51 =	vld [tilespmem:s13+$0x192F0];
	v14 =	vadd.f32 v46, v14;
	v10 =	vadd.f32 v10, v12  }
0x2c7: {  	v52 =	vld [tilespmem:s13+$0x19360];
	v53 =	vadd.f32 v47, v15;
	v11 =	vadd.f32 v11, v13  }
0x2c8: {  	v54 =	vld [tilespmem:s13+$0x19370];
	v14 =	vadd.f32 v48, v14;
	v4 =	vadd.f32 v4, v10  }
0x2c9: {  	v55 =	vld [tilespmem:s13+$0x193E0];
	v56 =	vadd.f32 v49, v53;
	v5 =	vadd.f32 v5, v11  }
0x2ca: {  	v57 =	vld [tilespmem:s13+$0x193F0];
	[tilespmem:$0x1F580] =	vst v6;
	v58 =	vadd.f32 v50, v14;
	v3 =	vadd.f32 v3, v4  }
0x2cb: {  	[tilespmem:$0x1F590] =	vst v7;
	v59 =	vadd.f32 v51, v56;
	v2 =	vadd.f32 v2, v5  }
0x2cc: {  	[tilespmem:$0x1F5A0] =	vst v8;
	v60 =	vadd.f32 v52, v58;
	v0 =	vadd.f32 v0, v3  }
0x2cd: {  	[tilespmem:$0x1F5B0] =	vst v9;
	v61 =	vadd.f32 v54, v59;
	v1 =	vadd.f32 v1, v2  }
.Ltmp6:
0x2ce: {  	v62 =	vadd.f32 v55, v60;
	[tilespmem:$0x1F5C0] =	vst v0;
	(pc) =	sbr.rel @p0 .LBB2_12-.Ltmp6, $4  }
0x2cf: {  	v63 =	vadd.f32 v57, v61;
	[tilespmem:$0x1F5D0] =	vst v1  }
0x2d0: {  	[tilespmem:$0x1F5E0] =	vst v62  }
0x2d1: {  	s21 =	sadd.s32 $0x30, s14;
	[tilespmem:$0x1F5F0] =	vst v63  }
0x2d2: {  	[hbm4b:s21+s3] =	stream.linear.scatter [tilespmem:s0], [sflag:$0x5], $0x80, $0x38;
	[tilespmem:$0x1F600] =	vst v63  }
0x2d3: {  	s13 =	smul.u32 $0xC80, s12;
	_ =	sdelay $0x1  }
0x2d4: {  	s13 =	sshra.s32 s13, $0x2  }
0x2d5: {  	s14 =	sadd.s32 $0x578, s13  }
0x2d6: {  	[tilespmem:s16], [sflag:$0x4] =	stream.indirect.gather [hbm4b:s2+s9], $0x80, s14, s9, $0xb8;
	[tilespmem:$0x1F600] =	vst v63  }
0x2d7: {  	s17 =	sadd.s32 $0x5A0, s13  }
0x2d8: {  	[tilespmem:s18], [sflag:$0x4] =	stream.indirect.gather [hbm4b:s2+s9], $0x80, s17, s9, $0xb8;
	[tilespmem:$0x1F600] =	vst v63  }
0x2d9: {  	s19 =	sadd.s32 $0x5C8, s13  }
0x2da: {  	[tilespmem:s20], [sflag:$0x4] =	stream.indirect.gather [hbm4b:s2+s9], $0x80, s19, s9, $0xb8;
	[tilespmem:$0x1F600] =	vst v63  }
.Ltmp7:
0x2db: {  	_ = 	snop;
	(pc) =	sbr.rel .LBB2_2-.Ltmp7, $4  }
0x2dc: {  	s21 =	sadd.s32 $0x5F0, s13  }
0x2dd: {  	[tilespmem:s22], [sflag:$0x4] =	stream.indirect.gather [hbm4b:s2+s9], $0x80, s21, s9, $0xb8;
	[tilespmem:$0x1F600] =	vst v63  }
0x2de: {  	s12 =	sadd.s32 $0x1, s12;
	s13 =	sadd.s32 $0x618, s13  }
0x2df: {  	[tilespmem:s24], [sflag:$0x4] =	stream.indirect.gather [hbm4b:s2+s9], $0x80, s13, s9, $0xb8;
	[tilespmem:$0x1F600] =	vst v63  }
.LBB2_13:
0x2e0: {  	_ =	sfence.sel $0x180000  }
0x2e1: {  	[bflag:$0x0] =	sbarrier.arrive $0xFFFF  }
0x2e2: {  	_ =	strace $0x90000047  }
0x2e3: {  	s0 =	stileid.u32;
	[bflag:$0x2] =	sbarrier.arrive $0xFFFF  }
0x2e4: {  	p0 =	sne.s32 s0, $0x0;
	s0 =	rddreg [dreg:$0x3]  }
0x2e5: {  	s0 =	sadd.s32 @!p0 $0x100000, s0  }
0x2e6: {  	[sflag:s0] =	ssyncadd.tile.s32 @!p0 $0x1;
	_ =	shalt  }
.Lfunc_end2:
_tile_overlayer_lowered:
.L_overlay_start_2:
0x2e7: {  	(tag) =	ssettag $0x2  }
0x2e8: {  	s0 =	rddreg [dreg:$0x0];
	s2 =	stileid.u32  }
0x2e9: {  	s1 =	rddreg [dreg:$0x1];
	p0 =	sne.s32 s2, $0x0  }
0x2ea: {  	s3 =	rddreg [dreg:$0x2];
	[bflag:$0x3] =	sbarrier.arrive $0xFFFF;
	s2 =	simm.s32 @!p0 $0x1C06  }
0x2eb: {  	[timem:s3], [sflag:s2] =	dma.local @!p0 [hbm:s0], s1  }
0x2ec: {  	s0 =	simm.s32 @!p0 $0x6  }
0x2ed: {  	_ =	swait.ge @!p0 [sflag:s0], s1  }
0x2ee: {  	s1 =	ssub.s32 @!p0 $0x0, s1;
	[sflag:s0] =	ssyncset.done @!p0 $0x0  }
0x2ef: {  	[sflag:s0] =	ssyncadd.s32 @!p0 s1  }
0x2f0: {  	[bflag:$0x3] =	sbarrier.arrive $0xFFFF  }
0x2f1: {  	_ =	shalt  }

</sc_bundles>
